<compile_context>
chip_gen: v7x
topology: tpu7x:2x2x1
jax: 0.10.2.dev20260603
libtpu: 0.0.44.dev20260713+nightly
codegen_flags: <defaults>
</compile_context>

<pallas_src>
import jax
import jax.numpy as jnp
from jax import lax
from jax.experimental import pallas as pl
from jax.experimental.pallas import tpu as pltpu
from jax.experimental.pallas import tpu_sc as plsc

_ROW = 3456
_NW = 32
_B = 128
_NSLOT = 8
_UNROLL = 24
_VEC = 16
_TOTAL = _B * _NW * _ROW


def _add_table(buf, tabv):
    steps = _ROW // (_VEC * _UNROLL)

    def jbody(j, _):
        base = j * (_VEC * _UNROLL)
        for u in range(_UNROLL):
            i = base + u * _VEC
            buf[pl.ds(i, _VEC)] = buf[pl.ds(i, _VEC)] + tabv[pl.ds(i, _VEC)]
        return 0

    lax.fori_loop(0, steps, jbody, 0)


def _sc_body(p_hbm, t_hbm, o_hbm, tabv, *scr):
    bufs = scr[0:_NSLOT]
    gsems = scr[_NSLOT:2 * _NSLOT]
    ssems = scr[2 * _NSLOT:3 * _NSLOT]

    wid = lax.axis_index("s") * 2 + lax.axis_index("c")

    pltpu.sync_copy(t_hbm.at[pl.ds(wid * _ROW, _ROW)], tabv)
    for k in range(_NSLOT - 1):
        pltpu.async_copy(
            p_hbm.at[pl.ds((k * _NW + wid) * _ROW, _ROW)], bufs[k], gsems[k]
        )

    def group(g, _):
        for k in range(_NSLOT):
            t = g * _NSLOT + k
            pslot = (k + _NSLOT - 1) % _NSLOT
            tf = t + _NSLOT - 1

            @pl.when(jnp.logical_and(t >= 1, tf < _B))
            def _wait_prev_scatter():
                pltpu.make_async_copy(
                    bufs[pslot], o_hbm.at[pl.ds(0, _ROW)], ssems[pslot]
                ).wait()

            @pl.when(tf < _B)
            def _prefetch():
                pltpu.async_copy(
                    p_hbm.at[pl.ds((tf * _NW + wid) * _ROW, _ROW)],
                    bufs[pslot], gsems[pslot],
                )

            pltpu.make_async_copy(
                p_hbm.at[pl.ds(0, _ROW)], bufs[k], gsems[k]
            ).wait()

            _add_table(bufs[k], tabv)

            pltpu.async_copy(
                bufs[k], o_hbm.at[pl.ds((t * _NW + wid) * _ROW, _ROW)], ssems[k]
            )

        return 0

    lax.fori_loop(0, _B // _NSLOT, group, 0)
    for k in range(_NSLOT):
        pltpu.make_async_copy(
            bufs[k], o_hbm.at[pl.ds(0, _ROW)], ssems[k]
        ).wait()


def kernel(patch, pos_table):
    B, P, D = patch.shape
    patch1 = patch.reshape(_TOTAL)
    table1 = pos_table.reshape(_NW * _ROW)
    mesh = plsc.VectorSubcoreMesh(core_axis_name="c", subcore_axis_name="s")
    scratch = (
        [pltpu.VMEM((_ROW,), jnp.float32)]
        + [pltpu.VMEM((_ROW,), jnp.float32) for _ in range(_NSLOT)]
        + [pltpu.SemaphoreType.DMA for _ in range(2 * _NSLOT)]
    )
    f = pl.kernel(
        _sc_body,
        out_type=jax.ShapeDtypeStruct((_TOTAL,), jnp.float32),
        mesh=mesh,
        scratch_types=scratch,
    )
    out = f(patch1, table1)
    return out.reshape(B, P, D)

# --- scband reference (transcript-rebuilt; emitter-appended) ---
"""Pipeline reference for scband-position-embedding-89172111000040 (READ-ONLY COPY).

The authoritative reference and input builder live on the scoring server;
editing this copy changes nothing except your own understanding.
"""

import jax, jax.numpy as jnp
import numpy as np

NUM_PATCH = 576
EMBED_DIM = 192
BATCH = 128

def setup_inputs(seed: int = 0) -> dict:
    key = jax.random.key(seed)
    k1, k2 = jax.random.split(key)
    patch = jax.random.normal(k1, (BATCH, NUM_PATCH, EMBED_DIM), dtype=jnp.float32)
    # Embedding table, keras default uniform init ~ U(-0.05, 0.05)
    pos_table = jax.random.uniform(k2, (NUM_PATCH, EMBED_DIM), dtype=jnp.float32, minval=-0.05, maxval=0.05)
    return {"patch": patch, "pos_table": pos_table}

def reference(patch, pos_table):
    pos = jnp.arange(0, NUM_PATCH, 1)
    pos_embedded = jnp.take(pos_table, pos, axis=0)  # [NUM_PATCH, EMBED_DIM]
    return patch + pos_embedded[None, :, :]

if __name__ == "__main__":
    import jax
    _d = setup_inputs()
    print(jax.jit(kernel)(*tuple(_d.values())))

</pallas_src>

<mosaic_0001>
#map = affine_map<(d0, d1) -> (0)>
module attributes {stable_mosaic.version = 14 : i64} {
  func.func @_sc_body(%arg0: i32, %arg1: i32, %arg2: memref<14155776xf32, #tpu.memory_space<hbm>>, %arg3: memref<110592xf32, #tpu.memory_space<hbm>>, %arg4: memref<14155776xf32, #tpu.memory_space<hbm>>, %arg5: memref<3456xf32, #tpu.memory_space<vmem>>, %arg6: memref<3456xf32, #tpu.memory_space<vmem>>, %arg7: memref<3456xf32, #tpu.memory_space<vmem>>, %arg8: memref<3456xf32, #tpu.memory_space<vmem>>, %arg9: memref<3456xf32, #tpu.memory_space<vmem>>, %arg10: memref<3456xf32, #tpu.memory_space<vmem>>, %arg11: memref<3456xf32, #tpu.memory_space<vmem>>, %arg12: memref<3456xf32, #tpu.memory_space<vmem>>, %arg13: memref<3456xf32, #tpu.memory_space<vmem>>, %arg14: memref<!tpu.dma_semaphore, #tpu.memory_space<semaphore_mem>>, %arg15: memref<!tpu.dma_semaphore, #tpu.memory_space<semaphore_mem>>, %arg16: memref<!tpu.dma_semaphore, #tpu.memory_space<semaphore_mem>>, %arg17: memref<!tpu.dma_semaphore, #tpu.memory_space<semaphore_mem>>, %arg18: memref<!tpu.dma_semaphore, #tpu.memory_space<semaphore_mem>>, %arg19: memref<!tpu.dma_semaphore, #tpu.memory_space<semaphore_mem>>, %arg20: memref<!tpu.dma_semaphore, #tpu.memory_space<semaphore_mem>>, %arg21: memref<!tpu.dma_semaphore, #tpu.memory_space<semaphore_mem>>, %arg22: memref<!tpu.dma_semaphore, #tpu.memory_space<semaphore_mem>>, %arg23: memref<!tpu.dma_semaphore, #tpu.memory_space<semaphore_mem>>, %arg24: memref<!tpu.dma_semaphore, #tpu.memory_space<semaphore_mem>>, %arg25: memref<!tpu.dma_semaphore, #tpu.memory_space<semaphore_mem>>, %arg26: memref<!tpu.dma_semaphore, #tpu.memory_space<semaphore_mem>>, %arg27: memref<!tpu.dma_semaphore, #tpu.memory_space<semaphore_mem>>, %arg28: memref<!tpu.dma_semaphore, #tpu.memory_space<semaphore_mem>>, %arg29: memref<!tpu.dma_semaphore, #tpu.memory_space<semaphore_mem>>) attributes {dimension_semantics = [#tpu.dimension_semantics<core_parallel>, #tpu.dimension_semantics<subcore_parallel>], iteration_bounds = array<i64: 2, 16>, scalar_prefetch = 0 : i64, scratch_operands = 25 : i64, tpu.core_type = #tpu.core_type<sc_vector_subcore>, window_params = [{transform_indices = #map}, {transform_indices = #map}, {transform_indices = #map}]} {
    %mul3A = arith.constant 2 : i32
    %mul3A_0 = arith.muli %arg1, %mul3A : i32
    %add3A = arith.addi %mul3A_0, %arg0 : i32
    %mul3A_1 = arith.constant 3456 : i32
    %mul3A_2 = arith.muli %add3A, %mul3A_1 : i32
    "tpu.region"() ({
      %run_scoped3A = tpu.sem_alloc : memref<!tpu.dma_semaphore, #tpu.memory_space<semaphore_mem>>
      %dma_start3A_81 = tpu.memref_slice %arg3[%mul3A_2] : memref<110592xf32, #tpu.memory_space<hbm>> -> memref<3456xf32, #tpu.memory_space<hbm>>
      %dma_start3A_82 = tpu.memref_slice %arg3[%mul3A_2] : memref<110592xf32, #tpu.memory_space<hbm>> -> memref<3456xf32, #tpu.memory_space<hbm>>
      tpu.enqueue_dma source(%dma_start3A_82 : memref<3456xf32, #tpu.memory_space<hbm>>) target(%arg5 : memref<3456xf32, #tpu.memory_space<vmem>>) target_semaphore(%run_scoped3A : memref<!tpu.dma_semaphore, #tpu.memory_space<semaphore_mem>>)
      %dma_wait3A_83 = tpu.memref_slice %arg3[%mul3A_2] : memref<110592xf32, #tpu.memory_space<hbm>> -> memref<3456xf32, #tpu.memory_space<hbm>>
      %dma_wait3A_84 = tpu.memref_slice %arg3[%mul3A_2] : memref<110592xf32, #tpu.memory_space<hbm>> -> memref<3456xf32, #tpu.memory_space<hbm>>
      tpu.wait_dma2 semaphore(%run_scoped3A : memref<!tpu.dma_semaphore, #tpu.memory_space<semaphore_mem>>) src(%dma_wait3A_84 : memref<3456xf32, #tpu.memory_space<hbm>>) dst(%arg5 : memref<3456xf32, #tpu.memory_space<vmem>>)
      tpu.yield
    }) : () -> ()
    %add3A_3 = arith.constant 0 : i32
    %add3A_4 = arith.addi %add3A_3, %add3A : i32
    %mul3A_5 = arith.constant 3456 : i32
    %mul3A_6 = arith.muli %add3A_4, %mul3A_5 : i32
    %dma_start3A = tpu.memref_slice %arg2[%mul3A_6] : memref<14155776xf32, #tpu.memory_space<hbm>> -> memref<3456xf32, #tpu.memory_space<hbm>>
    %dma_start3A_7 = tpu.memref_slice %arg2[%mul3A_6] : memref<14155776xf32, #tpu.memory_space<hbm>> -> memref<3456xf32, #tpu.memory_space<hbm>>
    tpu.enqueue_dma source(%dma_start3A_7 : memref<3456xf32, #tpu.memory_space<hbm>>) target(%arg6 : memref<3456xf32, #tpu.memory_space<vmem>>) target_semaphore(%arg14 : memref<!tpu.dma_semaphore, #tpu.memory_space<semaphore_mem>>)
    %add3A_8 = arith.constant 32 : i32
    %add3A_9 = arith.addi %add3A_8, %add3A : i32
    %mul3A_10 = arith.constant 3456 : i32
    %mul3A_11 = arith.muli %add3A_9, %mul3A_10 : i32
    %dma_start3A_12 = tpu.memref_slice %arg2[%mul3A_11] : memref<14155776xf32, #tpu.memory_space<hbm>> -> memref<3456xf32, #tpu.memory_space<hbm>>
    %dma_start3A_13 = tpu.memref_slice %arg2[%mul3A_11] : memref<14155776xf32, #tpu.memory_space<hbm>> -> memref<3456xf32, #tpu.memory_space<hbm>>
    tpu.enqueue_dma source(%dma_start3A_13 : memref<3456xf32, #tpu.memory_space<hbm>>) target(%arg7 : memref<3456xf32, #tpu.memory_space<vmem>>) target_semaphore(%arg15 : memref<!tpu.dma_semaphore, #tpu.memory_space<semaphore_mem>>)
    %add3A_14 = arith.constant 64 : i32
    %add3A_15 = arith.addi %add3A_14, %add3A : i32
    %mul3A_16 = arith.constant 3456 : i32
    %mul3A_17 = arith.muli %add3A_15, %mul3A_16 : i32
    %dma_start3A_18 = tpu.memref_slice %arg2[%mul3A_17] : memref<14155776xf32, #tpu.memory_space<hbm>> -> memref<3456xf32, #tpu.memory_space<hbm>>
    %dma_start3A_19 = tpu.memref_slice %arg2[%mul3A_17] : memref<14155776xf32, #tpu.memory_space<hbm>> -> memref<3456xf32, #tpu.memory_space<hbm>>
    tpu.enqueue_dma source(%dma_start3A_19 : memref<3456xf32, #tpu.memory_space<hbm>>) target(%arg8 : memref<3456xf32, #tpu.memory_space<vmem>>) target_semaphore(%arg16 : memref<!tpu.dma_semaphore, #tpu.memory_space<semaphore_mem>>)
    %add3A_20 = arith.constant 96 : i32
    %add3A_21 = arith.addi %add3A_20, %add3A : i32
    %mul3A_22 = arith.constant 3456 : i32
    %mul3A_23 = arith.muli %add3A_21, %mul3A_22 : i32
    %dma_start3A_24 = tpu.memref_slice %arg2[%mul3A_23] : memref<14155776xf32, #tpu.memory_space<hbm>> -> memref<3456xf32, #tpu.memory_space<hbm>>
    %dma_start3A_25 = tpu.memref_slice %arg2[%mul3A_23] : memref<14155776xf32, #tpu.memory_space<hbm>> -> memref<3456xf32, #tpu.memory_space<hbm>>
    tpu.enqueue_dma source(%dma_start3A_25 : memref<3456xf32, #tpu.memory_space<hbm>>) target(%arg9 : memref<3456xf32, #tpu.memory_space<vmem>>) target_semaphore(%arg17 : memref<!tpu.dma_semaphore, #tpu.memory_space<semaphore_mem>>)
    %add3A_26 = arith.constant 128 : i32
    %add3A_27 = arith.addi %add3A_26, %add3A : i32
    %mul3A_28 = arith.constant 3456 : i32
    %mul3A_29 = arith.muli %add3A_27, %mul3A_28 : i32
    %dma_start3A_30 = tpu.memref_slice %arg2[%mul3A_29] : memref<14155776xf32, #tpu.memory_space<hbm>> -> memref<3456xf32, #tpu.memory_space<hbm>>
    %dma_start3A_31 = tpu.memref_slice %arg2[%mul3A_29] : memref<14155776xf32, #tpu.memory_space<hbm>> -> memref<3456xf32, #tpu.memory_space<hbm>>
    tpu.enqueue_dma source(%dma_start3A_31 : memref<3456xf32, #tpu.memory_space<hbm>>) target(%arg10 : memref<3456xf32, #tpu.memory_space<vmem>>) target_semaphore(%arg18 : memref<!tpu.dma_semaphore, #tpu.memory_space<semaphore_mem>>)
    %add3A_32 = arith.constant 160 : i32
    %add3A_33 = arith.addi %add3A_32, %add3A : i32
    %mul3A_34 = arith.constant 3456 : i32
    %mul3A_35 = arith.muli %add3A_33, %mul3A_34 : i32
    %dma_start3A_36 = tpu.memref_slice %arg2[%mul3A_35] : memref<14155776xf32, #tpu.memory_space<hbm>> -> memref<3456xf32, #tpu.memory_space<hbm>>
    %dma_start3A_37 = tpu.memref_slice %arg2[%mul3A_35] : memref<14155776xf32, #tpu.memory_space<hbm>> -> memref<3456xf32, #tpu.memory_space<hbm>>
    tpu.enqueue_dma source(%dma_start3A_37 : memref<3456xf32, #tpu.memory_space<hbm>>) target(%arg11 : memref<3456xf32, #tpu.memory_space<vmem>>) target_semaphore(%arg19 : memref<!tpu.dma_semaphore, #tpu.memory_space<semaphore_mem>>)
    %add3A_38 = arith.constant 192 : i32
    %add3A_39 = arith.addi %add3A_38, %add3A : i32
    %mul3A_40 = arith.constant 3456 : i32
    %mul3A_41 = arith.muli %add3A_39, %mul3A_40 : i32
    %dma_start3A_42 = tpu.memref_slice %arg2[%mul3A_41] : memref<14155776xf32, #tpu.memory_space<hbm>> -> memref<3456xf32, #tpu.memory_space<hbm>>
    %dma_start3A_43 = tpu.memref_slice %arg2[%mul3A_41] : memref<14155776xf32, #tpu.memory_space<hbm>> -> memref<3456xf32, #tpu.memory_space<hbm>>
    tpu.enqueue_dma source(%dma_start3A_43 : memref<3456xf32, #tpu.memory_space<hbm>>) target(%arg12 : memref<3456xf32, #tpu.memory_space<vmem>>) target_semaphore(%arg20 : memref<!tpu.dma_semaphore, #tpu.memory_space<semaphore_mem>>)
    %scan3A = arith.constant 0 : i32
    %scan3A_44 = arith.constant 0 : i32
    %scan3A_45 = arith.constant 16 : i32
    %scan3A_46 = arith.addi %scan3A_44, %scan3A_45 : i32
    %scan3A_47 = arith.constant 1 : i32
    %scan3A_48 = scf.for %scan3A_81 = %scan3A_44 to %scan3A_46 step %scan3A_47 iter_args(%scan3A_82 = %scan3A) -> (i32)  : i32 {
      %mul3A_83 = arith.constant 8 : i32
      %mul3A_84 = arith.muli %scan3A_81, %mul3A_83 : i32
      %add3A_85 = arith.constant 0 : i32
      %add3A_86 = arith.addi %mul3A_84, %add3A_85 : i32
      %add3A_87 = arith.constant 8 : i32
      %add3A_88 = arith.addi %add3A_86, %add3A_87 : i32
      %sub3A = arith.constant 1 : i32
      %sub3A_89 = arith.subi %add3A_88, %sub3A : i32
      %ge3A = arith.constant 1 : i32
      %ge3A_90 = arith.cmpi sge, %add3A_86, %ge3A : i32
      %lt3A = arith.constant 128 : i32
      %lt3A_91 = arith.cmpi slt, %sub3A_89, %lt3A : i32
      %and3A = arith.andi %ge3A_90, %lt3A_91 : i1
      %convert_element_type3A = arith.extui %and3A : i1 to i32
      %cond3A = arith.constant 0 : i32
      %cond3A_92 = arith.cmpi ne, %convert_element_type3A, %cond3A : i32
      scf.if %cond3A_92 {
        %dma_wait3A_390 = arith.constant 0 : i32
        %dma_wait3A_391 = tpu.memref_slice %arg4[%dma_wait3A_390] : memref<14155776xf32, #tpu.memory_space<hbm>> -> memref<3456xf32, #tpu.memory_space<hbm>>
        %dma_wait3A_392 = arith.constant 0 : i32
        %dma_wait3A_393 = tpu.memref_slice %arg4[%dma_wait3A_392] : memref<14155776xf32, #tpu.memory_space<hbm>> -> memref<3456xf32, #tpu.memory_space<hbm>>
        tpu.wait_dma2 semaphore(%arg29 : memref<!tpu.dma_semaphore, #tpu.memory_space<semaphore_mem>>) src(%arg13 : memref<3456xf32, #tpu.memory_space<vmem>>) dst(%dma_wait3A_393 : memref<3456xf32, #tpu.memory_space<hbm>>)
      } else {
      }
      %lt3A_93 = arith.constant 128 : i32
      %lt3A_94 = arith.cmpi slt, %sub3A_89, %lt3A_93 : i32
      %convert_element_type3A_95 = arith.extui %lt3A_94 : i1 to i32
      %cond3A_96 = arith.constant 0 : i32
      %cond3A_97 = arith.cmpi ne, %convert_element_type3A_95, %cond3A_96 : i32
      scf.if %cond3A_97 {
        %mul3A_390 = arith.constant 32 : i32
        %mul3A_391 = arith.muli %sub3A_89, %mul3A_390 : i32
        %add3A_392 = arith.addi %mul3A_391, %add3A : i32
        %mul3A_393 = arith.constant 3456 : i32
        %mul3A_394 = arith.muli %add3A_392, %mul3A_393 : i32
        %dma_start3A_395 = tpu.memref_slice %arg2[%mul3A_394] : memref<14155776xf32, #tpu.memory_space<hbm>> -> memref<3456xf32, #tpu.memory_space<hbm>>
        %dma_start3A_396 = tpu.memref_slice %arg2[%mul3A_394] : memref<14155776xf32, #tpu.memory_space<hbm>> -> memref<3456xf32, #tpu.memory_space<hbm>>
        tpu.enqueue_dma source(%dma_start3A_396 : memref<3456xf32, #tpu.memory_space<hbm>>) target(%arg13 : memref<3456xf32, #tpu.memory_space<vmem>>) target_semaphore(%arg21 : memref<!tpu.dma_semaphore, #tpu.memory_space<semaphore_mem>>)
      } else {
      }
      %dma_wait3A_98 = arith.constant 0 : i32
      %dma_wait3A_99 = tpu.memref_slice %arg2[%dma_wait3A_98] : memref<14155776xf32, #tpu.memory_space<hbm>> -> memref<3456xf32, #tpu.memory_space<hbm>>
      %dma_wait3A_100 = arith.constant 0 : i32
      %dma_wait3A_101 = tpu.memref_slice %arg2[%dma_wait3A_100] : memref<14155776xf32, #tpu.memory_space<hbm>> -> memref<3456xf32, #tpu.memory_space<hbm>>
      tpu.wait_dma2 semaphore(%arg14 : memref<!tpu.dma_semaphore, #tpu.memory_space<semaphore_mem>>) src(%dma_wait3A_101 : memref<3456xf32, #tpu.memory_space<hbm>>) dst(%arg6 : memref<3456xf32, #tpu.memory_space<vmem>>)
      %scan3A_102 = arith.constant 0 : i32
      %scan3A_103 = arith.constant 0 : i32
      %scan3A_104 = arith.constant 9 : i32
      %scan3A_105 = arith.addi %scan3A_103, %scan3A_104 : i32
      %scan3A_106 = arith.constant 1 : i32
      %scan3A_107 = scf.for %scan3A_390 = %scan3A_103 to %scan3A_105 step %scan3A_106 iter_args(%scan3A_391 = %scan3A_102) -> (i32)  : i32 {
        %mul3A_392 = arith.constant 384 : i32
        %mul3A_393 = arith.muli %scan3A_390, %mul3A_392 : i32
        %add3A_394 = arith.constant 0 : i32
        %add3A_395 = arith.addi %mul3A_393, %add3A_394 : i32
        %get3A = arith.index_cast %add3A_395 : i32 to index
        %get3A_396 = tpu.vector_load %arg6[%get3A] {strides = array<i32>} : memref<3456xf32, #tpu.memory_space<vmem>>, vector<16xf32>,
        %get3A_397 = vector.shape_cast %get3A_396 : vector<16xf32> to vector<16xf32>
        %get3A_398 = arith.index_cast %add3A_395 : i32 to index
        %get3A_399 = tpu.vector_load %arg5[%get3A_398] {strides = array<i32>} : memref<3456xf32, #tpu.memory_space<vmem>>, vector<16xf32>,
        %get3A_400 = vector.shape_cast %get3A_399 : vector<16xf32> to vector<16xf32>
        %add3A_401 = arith.addf %get3A_397, %get3A_400 : vector<16xf32>
        %swap3A = arith.index_cast %add3A_395 : i32 to index
        %swap3A_402 = tpu.vector_load %arg6[%swap3A] {strides = array<i32>} : memref<3456xf32, #tpu.memory_space<vmem>>, vector<16xf32>,
        %swap3A_403 = vector.shape_cast %swap3A_402 : vector<16xf32> to vector<16xf32>
        %swap3A_404 = vector.shape_cast %add3A_401 : vector<16xf32> to vector<16xf32>
        tpu.vector_store %arg6[%swap3A], %swap3A_404 {strides = array<i32>} : memref<3456xf32, #tpu.memory_space<vmem>>, vector<16xf32>,
        %add3A_405 = arith.constant 16 : i32
        %add3A_406 = arith.addi %mul3A_393, %add3A_405 : i32
        %get3A_407 = arith.index_cast %add3A_406 : i32 to index
        %get3A_408 = tpu.vector_load %arg6[%get3A_407] {strides = array<i32>} : memref<3456xf32, #tpu.memory_space<vmem>>, vector<16xf32>,
        %get3A_409 = vector.shape_cast %get3A_408 : vector<16xf32> to vector<16xf32>
        %get3A_410 = arith.index_cast %add3A_406 : i32 to index
        %get3A_411 = tpu.vector_load %arg5[%get3A_410] {strides = array<i32>} : memref<3456xf32, #tpu.memory_space<vmem>>, vector<16xf32>,
        %get3A_412 = vector.shape_cast %get3A_411 : vector<16xf32> to vector<16xf32>
        %add3A_413 = arith.addf %get3A_409, %get3A_412 : vector<16xf32>
        %swap3A_414 = arith.index_cast %add3A_406 : i32 to index
        %swap3A_415 = tpu.vector_load %arg6[%swap3A_414] {strides = array<i32>} : memref<3456xf32, #tpu.memory_space<vmem>>, vector<16xf32>,
        %swap3A_416 = vector.shape_cast %swap3A_415 : vector<16xf32> to vector<16xf32>
        %swap3A_417 = vector.shape_cast %add3A_413 : vector<16xf32> to vector<16xf32>
        tpu.vector_store %arg6[%swap3A_414], %swap3A_417 {strides = array<i32>} : memref<3456xf32, #tpu.memory_space<vmem>>, vector<16xf32>,
        %add3A_418 = arith.constant 32 : i32
        %add3A_419 = arith.addi %mul3A_393, %add3A_418 : i32
        %get3A_420 = arith.index_cast %add3A_419 : i32 to index
        %get3A_421 = tpu.vector_load %arg6[%get3A_420] {strides = array<i32>} : memref<3456xf32, #tpu.memory_space<vmem>>, vector<16xf32>,
        %get3A_422 = vector.shape_cast %get3A_421 : vector<16xf32> to vector<16xf32>
        %get3A_423 = arith.index_cast %add3A_419 : i32 to index
        %get3A_424 = tpu.vector_load %arg5[%get3A_423] {strides = array<i32>} : memref<3456xf32, #tpu.memory_space<vmem>>, vector<16xf32>,
        %get3A_425 = vector.shape_cast %get3A_424 : vector<16xf32> to vector<16xf32>
        %add3A_426 = arith.addf %get3A_422, %get3A_425 : vector<16xf32>
        %swap3A_427 = arith.index_cast %add3A_419 : i32 to index
        %swap3A_428 = tpu.vector_load %arg6[%swap3A_427] {strides = array<i32>} : memref<3456xf32, #tpu.memory_space<vmem>>, vector<16xf32>,
        %swap3A_429 = vector.shape_cast %swap3A_428 : vector<16xf32> to vector<16xf32>
        %swap3A_430 = vector.shape_cast %add3A_426 : vector<16xf32> to vector<16xf32>
        tpu.vector_store %arg6[%swap3A_427], %swap3A_430 {strides = array<i32>} : memref<3456xf32, #tpu.memory_space<vmem>>, vector<16xf32>,
        %add3A_431 = arith.constant 48 : i32
        %add3A_432 = arith.addi %mul3A_393, %add3A_431 : i32
        %get3A_433 = arith.index_cast %add3A_432 : i32 to index
        %get3A_434 = tpu.vector_load %arg6[%get3A_433] {strides = array<i32>} : memref<3456xf32, #tpu.memory_space<vmem>>, vector<16xf32>,
        %get3A_435 = vector.shape_cast %get3A_434 : vector<16xf32> to vector<16xf32>
        %get3A_436 = arith.index_cast %add3A_432 : i32 to index
        %get3A_437 = tpu.vector_load %arg5[%get3A_436] {strides = array<i32>} : memref<3456xf32, #tpu.memory_space<vmem>>, vector<16xf32>,
        %get3A_438 = vector.shape_cast %get3A_437 : vector<16xf32> to vector<16xf32>
        %add3A_439 = arith.addf %get3A_435, %get3A_438 : vector<16xf32>
        %swap3A_440 = arith.index_cast %add3A_432 : i32 to index
        %swap3A_441 = tpu.vector_load %arg6[%swap3A_440] {strides = array<i32>} : memref<3456xf32, #tpu.memory_space<vmem>>, vector<16xf32>,
        %swap3A_442 = vector.shape_cast %swap3A_441 : vector<16xf32> to vector<16xf32>
        %swap3A_443 = vector.shape_cast %add3A_439 : vector<16xf32> to vector<16xf32>
        tpu.vector_store %arg6[%swap3A_440], %swap3A_443 {strides = array<i32>} : memref<3456xf32, #tpu.memory_space<vmem>>, vector<16xf32>,
        %add3A_444 = arith.constant 64 : i32
        %add3A_445 = arith.addi %mul3A_393, %add3A_444 : i32
        %get3A_446 = arith.index_cast %add3A_445 : i32 to index
        %get3A_447 = tpu.vector_load %arg6[%get3A_446] {strides = array<i32>} : memref<3456xf32, #tpu.memory_space<vmem>>, vector<16xf32>,
        %get3A_448 = vector.shape_cast %get3A_447 : vector<16xf32> to vector<16xf32>
        %get3A_449 = arith.index_cast %add3A_445 : i32 to index
        %get3A_450 = tpu.vector_load %arg5[%get3A_449] {strides = array<i32>} : memref<3456xf32, #tpu.memory_space<vmem>>, vector<16xf32>,
        %get3A_451 = vector.shape_cast %get3A_450 : vector<16xf32> to vector<16xf32>
        %add3A_452 = arith.addf %get3A_448, %get3A_451 : vector<16xf32>
        %swap3A_453 = arith.index_cast %add3A_445 : i32 to index
        %swap3A_454 = tpu.vector_load %arg6[%swap3A_453] {strides = array<i32>} : memref<3456xf32, #tpu.memory_space<vmem>>, vector<16xf32>,
        %swap3A_455 = vector.shape_cast %swap3A_454 : vector<16xf32> to vector<16xf32>
        %swap3A_456 = vector.shape_cast %add3A_452 : vector<16xf32> to vector<16xf32>
        tpu.vector_store %arg6[%swap3A_453], %swap3A_456 {strides = array<i32>} : memref<3456xf32, #tpu.memory_space<vmem>>, vector<16xf32>,
        %add3A_457 = arith.constant 80 : i32
        %add3A_458 = arith.addi %mul3A_393, %add3A_457 : i32
        %get3A_459 = arith.index_cast %add3A_458 : i32 to index
        %get3A_460 = tpu.vector_load %arg6[%get3A_459] {strides = array<i32>} : memref<3456xf32, #tpu.memory_space<vmem>>, vector<16xf32>,
        %get3A_461 = vector.shape_cast %get3A_460 : vector<16xf32> to vector<16xf32>
        %get3A_462 = arith.index_cast %add3A_458 : i32 to index
        %get3A_463 = tpu.vector_load %arg5[%get3A_462] {strides = array<i32>} : memref<3456xf32, #tpu.memory_space<vmem>>, vector<16xf32>,
        %get3A_464 = vector.shape_cast %get3A_463 : vector<16xf32> to vector<16xf32>
        %add3A_465 = arith.addf %get3A_461, %get3A_464 : vector<16xf32>
        %swap3A_466 = arith.index_cast %add3A_458 : i32 to index
        %swap3A_467 = tpu.vector_load %arg6[%swap3A_466] {strides = array<i32>} : memref<3456xf32, #tpu.memory_space<vmem>>, vector<16xf32>,
        %swap3A_468 = vector.shape_cast %swap3A_467 : vector<16xf32> to vector<16xf32>
        %swap3A_469 = vector.shape_cast %add3A_465 : vector<16xf32> to vector<16xf32>
        tpu.vector_store %arg6[%swap3A_466], %swap3A_469 {strides = array<i32>} : memref<3456xf32, #tpu.memory_space<vmem>>, vector<16xf32>,
        %add3A_470 = arith.constant 96 : i32
        %add3A_471 = arith.addi %mul3A_393, %add3A_470 : i32
        %get3A_472 = arith.index_cast %add3A_471 : i32 to index
        %get3A_473 = tpu.vector_load %arg6[%get3A_472] {strides = array<i32>} : memref<3456xf32, #tpu.memory_space<vmem>>, vector<16xf32>,
        %get3A_474 = vector.shape_cast %get3A_473 : vector<16xf32> to vector<16xf32>
        %get3A_475 = arith.index_cast %add3A_471 : i32 to index
        %get3A_476 = tpu.vector_load %arg5[%get3A_475] {strides = array<i32>} : memref<3456xf32, #tpu.memory_space<vmem>>, vector<16xf32>,
        %get3A_477 = vector.shape_cast %get3A_476 : vector<16xf32> to vector<16xf32>
        %add3A_478 = arith.addf %get3A_474, %get3A_477 : vector<16xf32>
        %swap3A_479 = arith.index_cast %add3A_471 : i32 to index
        %swap3A_480 = tpu.vector_load %arg6[%swap3A_479] {strides = array<i32>} : memref<3456xf32, #tpu.memory_space<vmem>>, vector<16xf32>,
        %swap3A_481 = vector.shape_cast %swap3A_480 : vector<16xf32> to vector<16xf32>
        %swap3A_482 = vector.shape_cast %add3A_478 : vector<16xf32> to vector<16xf32>
        tpu.vector_store %arg6[%swap3A_479], %swap3A_482 {strides = array<i32>} : memref<3456xf32, #tpu.memory_space<vmem>>, vector<16xf32>,
        %add3A_483 = arith.constant 112 : i32
        %add3A_484 = arith.addi %mul3A_393, %add3A_483 : i32
        %get3A_485 = arith.index_cast %add3A_484 : i32 to index
        %get3A_486 = tpu.vector_load %arg6[%get3A_485] {strides = array<i32>} : memref<3456xf32, #tpu.memory_space<vmem>>, vector<16xf32>,
        %get3A_487 = vector.shape_cast %get3A_486 : vector<16xf32> to vector<16xf32>
        %get3A_488 = arith.index_cast %add3A_484 : i32 to index
        %get3A_489 = tpu.vector_load %arg5[%get3A_488] {strides = array<i32>} : memref<3456xf32, #tpu.memory_space<vmem>>, vector<16xf32>,
        %get3A_490 = vector.shape_cast %get3A_489 : vector<16xf32> to vector<16xf32>
        %add3A_491 = arith.addf %get3A_487, %get3A_490 : vector<16xf32>
        %swap3A_492 = arith.index_cast %add3A_484 : i32 to index
        %swap3A_493 = tpu.vector_load %arg6[%swap3A_492] {strides = array<i32>} : memref<3456xf32, #tpu.memory_space<vmem>>, vector<16xf32>,
        %swap3A_494 = vector.shape_cast %swap3A_493 : vector<16xf32> to vector<16xf32>
        %swap3A_495 = vector.shape_cast %add3A_491 : vector<16xf32> to vector<16xf32>
        tpu.vector_store %arg6[%swap3A_492], %swap3A_495 {strides = array<i32>} : memref<3456xf32, #tpu.memory_space<vmem>>, vector<16xf32>,
        %add3A_496 = arith.constant 128 : i32
        %add3A_497 = arith.addi %mul3A_393, %add3A_496 : i32
        %get3A_498 = arith.index_cast %add3A_497 : i32 to index
        %get3A_499 = tpu.vector_load %arg6[%get3A_498] {strides = array<i32>} : memref<3456xf32, #tpu.memory_space<vmem>>, vector<16xf32>,
        %get3A_500 = vector.shape_cast %get3A_499 : vector<16xf32> to vector<16xf32>
        %get3A_501 = arith.index_cast %add3A_497 : i32 to index
        %get3A_502 = tpu.vector_load %arg5[%get3A_501] {strides = array<i32>} : memref<3456xf32, #tpu.memory_space<vmem>>, vector<16xf32>,
        %get3A_503 = vector.shape_cast %get3A_502 : vector<16xf32> to vector<16xf32>
        %add3A_504 = arith.addf %get3A_500, %get3A_503 : vector<16xf32>
        %swap3A_505 = arith.index_cast %add3A_497 : i32 to index
        %swap3A_506 = tpu.vector_load %arg6[%swap3A_505] {strides = array<i32>} : memref<3456xf32, #tpu.memory_space<vmem>>, vector<16xf32>,
        %swap3A_507 = vector.shape_cast %swap3A_506 : vector<16xf32> to vector<16xf32>
        %swap3A_508 = vector.shape_cast %add3A_504 : vector<16xf32> to vector<16xf32>
        tpu.vector_store %arg6[%swap3A_505], %swap3A_508 {strides = array<i32>} : memref<3456xf32, #tpu.memory_space<vmem>>, vector<16xf32>,
        %add3A_509 = arith.constant 144 : i32
        %add3A_510 = arith.addi %mul3A_393, %add3A_509 : i32
        %get3A_511 = arith.index_cast %add3A_510 : i32 to index
        %get3A_512 = tpu.vector_load %arg6[%get3A_511] {strides = array<i32>} : memref<3456xf32, #tpu.memory_space<vmem>>, vector<16xf32>,
        %get3A_513 = vector.shape_cast %get3A_512 : vector<16xf32> to vector<16xf32>
        %get3A_514 = arith.index_cast %add3A_510 : i32 to index
        %get3A_515 = tpu.vector_load %arg5[%get3A_514] {strides = array<i32>} : memref<3456xf32, #tpu.memory_space<vmem>>, vector<16xf32>,
        %get3A_516 = vector.shape_cast %get3A_515 : vector<16xf32> to vector<16xf32>
        %add3A_517 = arith.addf %get3A_513, %get3A_516 : vector<16xf32>
        %swap3A_518 = arith.index_cast %add3A_510 : i32 to index
        %swap3A_519 = tpu.vector_load %arg6[%swap3A_518] {strides = array<i32>} : memref<3456xf32, #tpu.memory_space<vmem>>, vector<16xf32>,
        %swap3A_520 = vector.shape_cast %swap3A_519 : vector<16xf32> to vector<16xf32>
        %swap3A_521 = vector.shape_cast %add3A_517 : vector<16xf32> to vector<16xf32>
        tpu.vector_store %arg6[%swap3A_518], %swap3A_521 {strides = array<i32>} : memref<3456xf32, #tpu.memory_space<vmem>>, vector<16xf32>,
        %add3A_522 = arith.constant 160 : i32
        %add3A_523 = arith.addi %mul3A_393, %add3A_522 : i32
        %get3A_524 = arith.index_cast %add3A_523 : i32 to index
        %get3A_525 = tpu.vector_load %arg6[%get3A_524] {strides = array<i32>} : memref<3456xf32, #tpu.memory_space<vmem>>, vector<16xf32>,
        %get3A_526 = vector.shape_cast %get3A_525 : vector<16xf32> to vector<16xf32>
        %get3A_527 = arith.index_cast %add3A_523 : i32 to index
        %get3A_528 = tpu.vector_load %arg5[%get3A_527] {strides = array<i32>} : memref<3456xf32, #tpu.memory_space<vmem>>, vector<16xf32>,
        %get3A_529 = vector.shape_cast %get3A_528 : vector<16xf32> to vector<16xf32>
        %add3A_530 = arith.addf %get3A_526, %get3A_529 : vector<16xf32>
        %swap3A_531 = arith.index_cast %add3A_523 : i32 to index
        %swap3A_532 = tpu.vector_load %arg6[%swap3A_531] {strides = array<i32>} : memref<3456xf32, #tpu.memory_space<vmem>>, vector<16xf32>,
        %swap3A_533 = vector.shape_cast %swap3A_532 : vector<16xf32> to vector<16xf32>
        %swap3A_534 = vector.shape_cast %add3A_530 : vector<16xf32> to vector<16xf32>
        tpu.vector_store %arg6[%swap3A_531], %swap3A_534 {strides = array<i32>} : memref<3456xf32, #tpu.memory_space<vmem>>, vector<16xf32>,
        %add3A_535 = arith.constant 176 : i32
        %add3A_536 = arith.addi %mul3A_393, %add3A_535 : i32
        %get3A_537 = arith.index_cast %add3A_536 : i32 to index
        %get3A_538 = tpu.vector_load %arg6[%get3A_537] {strides = array<i32>} : memref<3456xf32, #tpu.memory_space<vmem>>, vector<16xf32>,
        %get3A_539 = vector.shape_cast %get3A_538 : vector<16xf32> to vector<16xf32>
        %get3A_540 = arith.index_cast %add3A_536 : i32 to index
        %get3A_541 = tpu.vector_load %arg5[%get3A_540] {strides = array<i32>} : memref<3456xf32, #tpu.memory_space<vmem>>, vector<16xf32>,
        %get3A_542 = vector.shape_cast %get3A_541 : vector<16xf32> to vector<16xf32>
        %add3A_543 = arith.addf %get3A_539, %get3A_542 : vector<16xf32>
        %swap3A_544 = arith.index_cast %add3A_536 : i32 to index
        %swap3A_545 = tpu.vector_load %arg6[%swap3A_544] {strides = array<i32>} : memref<3456xf32, #tpu.memory_space<vmem>>, vector<16xf32>,
        %swap3A_546 = vector.shape_cast %swap3A_545 : vector<16xf32> to vector<16xf32>
        %swap3A_547 = vector.shape_cast %add3A_543 : vector<16xf32> to vector<16xf32>
        tpu.vector_store %arg6[%swap3A_544], %swap3A_547 {strides = array<i32>} : memref<3456xf32, #tpu.memory_space<vmem>>, vector<16xf32>,
        %add3A_548 = arith.constant 192 : i32
        %add3A_549 = arith.addi %mul3A_393, %add3A_548 : i32
        %get3A_550 = arith.index_cast %add3A_549 : i32 to index
        %get3A_551 = tpu.vector_load %arg6[%get3A_550] {strides = array<i32>} : memref<3456xf32, #tpu.memory_space<vmem>>, vector<16xf32>,
        %get3A_552 = vector.shape_cast %get3A_551 : vector<16xf32> to vector<16xf32>
        %get3A_553 = arith.index_cast %add3A_549 : i32 to index
        %get3A_554 = tpu.vector_load %arg5[%get3A_553] {strides = array<i32>} : memref<3456xf32, #tpu.memory_space<vmem>>, vector<16xf32>,
        %get3A_555 = vector.shape_cast %get3A_554 : vector<16xf32> to vector<16xf32>
        %add3A_556 = arith.addf %get3A_552, %get3A_555 : vector<16xf32>
        %swap3A_557 = arith.index_cast %add3A_549 : i32 to index
        %swap3A_558 = tpu.vector_load %arg6[%swap3A_557] {strides = array<i32>} : memref<3456xf32, #tpu.memory_space<vmem>>, vector<16xf32>,
        %swap3A_559 = vector.shape_cast %swap3A_558 : vector<16xf32> to vector<16xf32>
        %swap3A_560 = vector.shape_cast %add3A_556 : vector<16xf32> to vector<16xf32>
        tpu.vector_store %arg6[%swap3A_557], %swap3A_560 {strides = array<i32>} : memref<3456xf32, #tpu.memory_space<vmem>>, vector<16xf32>,
        %add3A_561 = arith.constant 208 : i32
        %add3A_562 = arith.addi %mul3A_393, %add3A_561 : i32
        %get3A_563 = arith.index_cast %add3A_562 : i32 to index
        %get3A_564 = tpu.vector_load %arg6[%get3A_563] {strides = array<i32>} : memref<3456xf32, #tpu.memory_space<vmem>>, vector<16xf32>,
        %get3A_565 = vector.shape_cast %get3A_564 : vector<16xf32> to vector<16xf32>
        %get3A_566 = arith.index_cast %add3A_562 : i32 to index
        %get3A_567 = tpu.vector_load %arg5[%get3A_566] {strides = array<i32>} : memref<3456xf32, #tpu.memory_space<vmem>>, vector<16xf32>,
        %get3A_568 = vector.shape_cast %get3A_567 : vector<16xf32> to vector<16xf32>
        %add3A_569 = arith.addf %get3A_565, %get3A_568 : vector<16xf32>
        %swap3A_570 = arith.index_cast %add3A_562 : i32 to index
        %swap3A_571 = tpu.vector_load %arg6[%swap3A_570] {strides = array<i32>} : memref<3456xf32, #tpu.memory_space<vmem>>, vector<16xf32>,
        %swap3A_572 = vector.shape_cast %swap3A_571 : vector<16xf32> to vector<16xf32>
        %swap3A_573 = vector.shape_cast %add3A_569 : vector<16xf32> to vector<16xf32>
        tpu.vector_store %arg6[%swap3A_570], %swap3A_573 {strides = array<i32>} : memref<3456xf32, #tpu.memory_space<vmem>>, vector<16xf32>,
        %add3A_574 = arith.constant 224 : i32
        %add3A_575 = arith.addi %mul3A_393, %add3A_574 : i32
        %get3A_576 = arith.index_cast %add3A_575 : i32 to index
        %get3A_577 = tpu.vector_load %arg6[%get3A_576] {strides = array<i32>} : memref<3456xf32, #tpu.memory_space<vmem>>, vector<16xf32>,
        %get3A_578 = vector.shape_cast %get3A_577 : vector<16xf32> to vector<16xf32>
        %get3A_579 = arith.index_cast %add3A_575 : i32 to index
        %get3A_580 = tpu.vector_load %arg5[%get3A_579] {strides = array<i32>} : memref<3456xf32, #tpu.memory_space<vmem>>, vector<16xf32>,
        %get3A_581 = vector.shape_cast %get3A_580 : vector<16xf32> to vector<16xf32>
        %add3A_582 = arith.addf %get3A_578, %get3A_581 : vector<16xf32>
        %swap3A_583 = arith.index_cast %add3A_575 : i32 to index
        %swap3A_584 = tpu.vector_load %arg6[%swap3A_583] {strides = array<i32>} : memref<3456xf32, #tpu.memory_space<vmem>>, vector<16xf32>,
        %swap3A_585 = vector.shape_cast %swap3A_584 : vector<16xf32> to vector<16xf32>
        %swap3A_586 = vector.shape_cast %add3A_582 : vector<16xf32> to vector<16xf32>
        tpu.vector_store %arg6[%swap3A_583], %swap3A_586 {strides = array<i32>} : memref<3456xf32, #tpu.memory_space<vmem>>, vector<16xf32>,
        %add3A_587 = arith.constant 240 : i32
        %add3A_588 = arith.addi %mul3A_393, %add3A_587 : i32
        %get3A_589 = arith.index_cast %add3A_588 : i32 to index
        %get3A_590 = tpu.vector_load %arg6[%get3A_589] {strides = array<i32>} : memref<3456xf32, #tpu.memory_space<vmem>>, vector<16xf32>,
        %get3A_591 = vector.shape_cast %get3A_590 : vector<16xf32> to vector<16xf32>
        %get3A_592 = arith.index_cast %add3A_588 : i32 to index
        %get3A_593 = tpu.vector_load %arg5[%get3A_592] {strides = array<i32>} : memref<3456xf32, #tpu.memory_space<vmem>>, vector<16xf32>,
        %get3A_594 = vector.shape_cast %get3A_593 : vector<16xf32> to vector<16xf32>
        %add3A_595 = arith.addf %get3A_591, %get3A_594 : vector<16xf32>
        %swap3A_596 = arith.index_cast %add3A_588 : i32 to index
        %swap3A_597 = tpu.vector_load %arg6[%swap3A_596] {strides = array<i32>} : memref<3456xf32, #tpu.memory_space<vmem>>, vector<16xf32>,
        %swap3A_598 = vector.shape_cast %swap3A_597 : vector<16xf32> to vector<16xf32>
        %swap3A_599 = vector.shape_cast %add3A_595 : vector<16xf32> to vector<16xf32>
        tpu.vector_store %arg6[%swap3A_596], %swap3A_599 {strides = array<i32>} : memref<3456xf32, #tpu.memory_space<vmem>>, vector<16xf32>,
        %add3A_600 = arith.constant 256 : i32
        %add3A_601 = arith.addi %mul3A_393, %add3A_600 : i32
        %get3A_602 = arith.index_cast %add3A_601 : i32 to index
        %get3A_603 = tpu.vector_load %arg6[%get3A_602] {strides = array<i32>} : memref<3456xf32, #tpu.memory_space<vmem>>, vector<16xf32>,
        %get3A_604 = vector.shape_cast %get3A_603 : vector<16xf32> to vector<16xf32>
        %get3A_605 = arith.index_cast %add3A_601 : i32 to index
        %get3A_606 = tpu.vector_load %arg5[%get3A_605] {strides = array<i32>} : memref<3456xf32, #tpu.memory_space<vmem>>, vector<16xf32>,
        %get3A_607 = vector.shape_cast %get3A_606 : vector<16xf32> to vector<16xf32>
        %add3A_608 = arith.addf %get3A_604, %get3A_607 : vector<16xf32>
        %swap3A_609 = arith.index_cast %add3A_601 : i32 to index
        %swap3A_610 = tpu.vector_load %arg6[%swap3A_609] {strides = array<i32>} : memref<3456xf32, #tpu.memory_space<vmem>>, vector<16xf32>,
        %swap3A_611 = vector.shape_cast %swap3A_610 : vector<16xf32> to vector<16xf32>
        %swap3A_612 = vector.shape_cast %add3A_608 : vector<16xf32> to vector<16xf32>
        tpu.vector_store %arg6[%swap3A_609], %swap3A_612 {strides = array<i32>} : memref<3456xf32, #tpu.memory_space<vmem>>, vector<16xf32>,
        %add3A_613 = arith.constant 272 : i32
        %add3A_614 = arith.addi %mul3A_393, %add3A_613 : i32
        %get3A_615 = arith.index_cast %add3A_614 : i32 to index
        %get3A_616 = tpu.vector_load %arg6[%get3A_615] {strides = array<i32>} : memref<3456xf32, #tpu.memory_space<vmem>>, vector<16xf32>,
        %get3A_617 = vector.shape_cast %get3A_616 : vector<16xf32> to vector<16xf32>
        %get3A_618 = arith.index_cast %add3A_614 : i32 to index
        %get3A_619 = tpu.vector_load %arg5[%get3A_618] {strides = array<i32>} : memref<3456xf32, #tpu.memory_space<vmem>>, vector<16xf32>,
        %get3A_620 = vector.shape_cast %get3A_619 : vector<16xf32> to vector<16xf32>
        %add3A_621 = arith.addf %get3A_617, %get3A_620 : vector<16xf32>
        %swap3A_622 = arith.index_cast %add3A_614 : i32 to index
        %swap3A_623 = tpu.vector_load %arg6[%swap3A_622] {strides = array<i32>} : memref<3456xf32, #tpu.memory_space<vmem>>, vector<16xf32>,
        %swap3A_624 = vector.shape_cast %swap3A_623 : vector<16xf32> to vector<16xf32>
        %swap3A_625 = vector.shape_cast %add3A_621 : vector<16xf32> to vector<16xf32>
        tpu.vector_store %arg6[%swap3A_622], %swap3A_625 {strides = array<i32>} : memref<3456xf32, #tpu.memory_space<vmem>>, vector<16xf32>,
        %add3A_626 = arith.constant 288 : i32
        %add3A_627 = arith.addi %mul3A_393, %add3A_626 : i32
        %get3A_628 = arith.index_cast %add3A_627 : i32 to index
        %get3A_629 = tpu.vector_load %arg6[%get3A_628] {strides = array<i32>} : memref<3456xf32, #tpu.memory_space<vmem>>, vector<16xf32>,
        %get3A_630 = vector.shape_cast %get3A_629 : vector<16xf32> to vector<16xf32>
        %get3A_631 = arith.index_cast %add3A_627 : i32 to index
        %get3A_632 = tpu.vector_load %arg5[%get3A_631] {strides = array<i32>} : memref<3456xf32, #tpu.memory_space<vmem>>, vector<16xf32>,
        %get3A_633 = vector.shape_cast %get3A_632 : vector<16xf32> to vector<16xf32>
        %add3A_634 = arith.addf %get3A_630, %get3A_633 : vector<16xf32>
        %swap3A_635 = arith.index_cast %add3A_627 : i32 to index
        %swap3A_636 = tpu.vector_load %arg6[%swap3A_635] {strides = array<i32>} : memref<3456xf32, #tpu.memory_space<vmem>>, vector<16xf32>,
        %swap3A_637 = vector.shape_cast %swap3A_636 : vector<16xf32> to vector<16xf32>
        %swap3A_638 = vector.shape_cast %add3A_634 : vector<16xf32> to vector<16xf32>
        tpu.vector_store %arg6[%swap3A_635], %swap3A_638 {strides = array<i32>} : memref<3456xf32, #tpu.memory_space<vmem>>, vector<16xf32>,
        %add3A_639 = arith.constant 304 : i32
        %add3A_640 = arith.addi %mul3A_393, %add3A_639 : i32
        %get3A_641 = arith.index_cast %add3A_640 : i32 to index
        %get3A_642 = tpu.vector_load %arg6[%get3A_641] {strides = array<i32>} : memref<3456xf32, #tpu.memory_space<vmem>>, vector<16xf32>,
        %get3A_643 = vector.shape_cast %get3A_642 : vector<16xf32> to vector<16xf32>
        %get3A_644 = arith.index_cast %add3A_640 : i32 to index
        %get3A_645 = tpu.vector_load %arg5[%get3A_644] {strides = array<i32>} : memref<3456xf32, #tpu.memory_space<vmem>>, vector<16xf32>,
        %get3A_646 = vector.shape_cast %get3A_645 : vector<16xf32> to vector<16xf32>
        %add3A_647 = arith.addf %get3A_643, %get3A_646 : vector<16xf32>
        %swap3A_648 = arith.index_cast %add3A_640 : i32 to index
        %swap3A_649 = tpu.vector_load %arg6[%swap3A_648] {strides = array<i32>} : memref<3456xf32, #tpu.memory_space<vmem>>, vector<16xf32>,
        %swap3A_650 = vector.shape_cast %swap3A_649 : vector<16xf32> to vector<16xf32>
        %swap3A_651 = vector.shape_cast %add3A_647 : vector<16xf32> to vector<16xf32>
        tpu.vector_store %arg6[%swap3A_648], %swap3A_651 {strides = array<i32>} : memref<3456xf32, #tpu.memory_space<vmem>>, vector<16xf32>,
        %add3A_652 = arith.constant 320 : i32
        %add3A_653 = arith.addi %mul3A_393, %add3A_652 : i32
        %get3A_654 = arith.index_cast %add3A_653 : i32 to index
        %get3A_655 = tpu.vector_load %arg6[%get3A_654] {strides = array<i32>} : memref<3456xf32, #tpu.memory_space<vmem>>, vector<16xf32>,
        %get3A_656 = vector.shape_cast %get3A_655 : vector<16xf32> to vector<16xf32>
        %get3A_657 = arith.index_cast %add3A_653 : i32 to index
        %get3A_658 = tpu.vector_load %arg5[%get3A_657] {strides = array<i32>} : memref<3456xf32, #tpu.memory_space<vmem>>, vector<16xf32>,
        %get3A_659 = vector.shape_cast %get3A_658 : vector<16xf32> to vector<16xf32>
        %add3A_660 = arith.addf %get3A_656, %get3A_659 : vector<16xf32>
        %swap3A_661 = arith.index_cast %add3A_653 : i32 to index
        %swap3A_662 = tpu.vector_load %arg6[%swap3A_661] {strides = array<i32>} : memref<3456xf32, #tpu.memory_space<vmem>>, vector<16xf32>,
        %swap3A_663 = vector.shape_cast %swap3A_662 : vector<16xf32> to vector<16xf32>
        %swap3A_664 = vector.shape_cast %add3A_660 : vector<16xf32> to vector<16xf32>
        tpu.vector_store %arg6[%swap3A_661], %swap3A_664 {strides = array<i32>} : memref<3456xf32, #tpu.memory_space<vmem>>, vector<16xf32>,
        %add3A_665 = arith.constant 336 : i32
        %add3A_666 = arith.addi %mul3A_393, %add3A_665 : i32
        %get3A_667 = arith.index_cast %add3A_666 : i32 to index
        %get3A_668 = tpu.vector_load %arg6[%get3A_667] {strides = array<i32>} : memref<3456xf32, #tpu.memory_space<vmem>>, vector<16xf32>,
        %get3A_669 = vector.shape_cast %get3A_668 : vector<16xf32> to vector<16xf32>
        %get3A_670 = arith.index_cast %add3A_666 : i32 to index
        %get3A_671 = tpu.vector_load %arg5[%get3A_670] {strides = array<i32>} : memref<3456xf32, #tpu.memory_space<vmem>>, vector<16xf32>,
        %get3A_672 = vector.shape_cast %get3A_671 : vector<16xf32> to vector<16xf32>
        %add3A_673 = arith.addf %get3A_669, %get3A_672 : vector<16xf32>
        %swap3A_674 = arith.index_cast %add3A_666 : i32 to index
        %swap3A_675 = tpu.vector_load %arg6[%swap3A_674] {strides = array<i32>} : memref<3456xf32, #tpu.memory_space<vmem>>, vector<16xf32>,
        %swap3A_676 = vector.shape_cast %swap3A_675 : vector<16xf32> to vector<16xf32>
        %swap3A_677 = vector.shape_cast %add3A_673 : vector<16xf32> to vector<16xf32>
        tpu.vector_store %arg6[%swap3A_674], %swap3A_677 {strides = array<i32>} : memref<3456xf32, #tpu.memory_space<vmem>>, vector<16xf32>,
        %add3A_678 = arith.constant 352 : i32
        %add3A_679 = arith.addi %mul3A_393, %add3A_678 : i32
        %get3A_680 = arith.index_cast %add3A_679 : i32 to index
        %get3A_681 = tpu.vector_load %arg6[%get3A_680] {strides = array<i32>} : memref<3456xf32, #tpu.memory_space<vmem>>, vector<16xf32>,
        %get3A_682 = vector.shape_cast %get3A_681 : vector<16xf32> to vector<16xf32>
        %get3A_683 = arith.index_cast %add3A_679 : i32 to index
        %get3A_684 = tpu.vector_load %arg5[%get3A_683] {strides = array<i32>} : memref<3456xf32, #tpu.memory_space<vmem>>, vector<16xf32>,
        %get3A_685 = vector.shape_cast %get3A_684 : vector<16xf32> to vector<16xf32>
        %add3A_686 = arith.addf %get3A_682, %get3A_685 : vector<16xf32>
        %swap3A_687 = arith.index_cast %add3A_679 : i32 to index
        %swap3A_688 = tpu.vector_load %arg6[%swap3A_687] {strides = array<i32>} : memref<3456xf32, #tpu.memory_space<vmem>>, vector<16xf32>,
        %swap3A_689 = vector.shape_cast %swap3A_688 : vector<16xf32> to vector<16xf32>
        %swap3A_690 = vector.shape_cast %add3A_686 : vector<16xf32> to vector<16xf32>
        tpu.vector_store %arg6[%swap3A_687], %swap3A_690 {strides = array<i32>} : memref<3456xf32, #tpu.memory_space<vmem>>, vector<16xf32>,
        %add3A_691 = arith.constant 368 : i32
        %add3A_692 = arith.addi %mul3A_393, %add3A_691 : i32
        %get3A_693 = arith.index_cast %add3A_692 : i32 to index
        %get3A_694 = tpu.vector_load %arg6[%get3A_693] {strides = array<i32>} : memref<3456xf32, #tpu.memory_space<vmem>>, vector<16xf32>,
        %get3A_695 = vector.shape_cast %get3A_694 : vector<16xf32> to vector<16xf32>
        %get3A_696 = arith.index_cast %add3A_692 : i32 to index
        %get3A_697 = tpu.vector_load %arg5[%get3A_696] {strides = array<i32>} : memref<3456xf32, #tpu.memory_space<vmem>>, vector<16xf32>,
        %get3A_698 = vector.shape_cast %get3A_697 : vector<16xf32> to vector<16xf32>
        %add3A_699 = arith.addf %get3A_695, %get3A_698 : vector<16xf32>
        %swap3A_700 = arith.index_cast %add3A_692 : i32 to index
        %swap3A_701 = tpu.vector_load %arg6[%swap3A_700] {strides = array<i32>} : memref<3456xf32, #tpu.memory_space<vmem>>, vector<16xf32>,
        %swap3A_702 = vector.shape_cast %swap3A_701 : vector<16xf32> to vector<16xf32>
        %swap3A_703 = vector.shape_cast %add3A_699 : vector<16xf32> to vector<16xf32>
        tpu.vector_store %arg6[%swap3A_700], %swap3A_703 {strides = array<i32>} : memref<3456xf32, #tpu.memory_space<vmem>>, vector<16xf32>,
        %scan3A_704 = arith.constant 0 : i32
        scf.yield %scan3A_704 : i32
      }
      %scan3A_108 = arith.constant 9 : i32
      %mul3A_109 = arith.constant 32 : i32
      %mul3A_110 = arith.muli %add3A_86, %mul3A_109 : i32
      %add3A_111 = arith.addi %mul3A_110, %add3A : i32
      %mul3A_112 = arith.constant 3456 : i32
      %mul3A_113 = arith.muli %add3A_111, %mul3A_112 : i32
      %dma_start3A_114 = tpu.memref_slice %arg4[%mul3A_113] : memref<14155776xf32, #tpu.memory_space<hbm>> -> memref<3456xf32, #tpu.memory_space<hbm>>
      %dma_start3A_115 = tpu.memref_slice %arg4[%mul3A_113] : memref<14155776xf32, #tpu.memory_space<hbm>> -> memref<3456xf32, #tpu.memory_space<hbm>>
      tpu.enqueue_dma source(%arg6 : memref<3456xf32, #tpu.memory_space<vmem>>) target(%dma_start3A_115 : memref<3456xf32, #tpu.memory_space<hbm>>) target_semaphore(%arg22 : memref<!tpu.dma_semaphore, #tpu.memory_space<semaphore_mem>>)
      %mul3A_116 = arith.constant 8 : i32
      %mul3A_117 = arith.muli %scan3A_81, %mul3A_116 : i32
      %add3A_118 = arith.constant 1 : i32
      %add3A_119 = arith.addi %mul3A_117, %add3A_118 : i32
      %add3A_120 = arith.constant 8 : i32
      %add3A_121 = arith.addi %add3A_119, %add3A_120 : i32
      %sub3A_122 = arith.constant 1 : i32
      %sub3A_123 = arith.subi %add3A_121, %sub3A_122 : i32
      %ge3A_124 = arith.constant 1 : i32
      %ge3A_125 = arith.cmpi sge, %add3A_119, %ge3A_124 : i32
      %lt3A_126 = arith.constant 128 : i32
      %lt3A_127 = arith.cmpi slt, %sub3A_123, %lt3A_126 : i32
      %and3A_128 = arith.andi %ge3A_125, %lt3A_127 : i1
      %convert_element_type3A_129 = arith.extui %and3A_128 : i1 to i32
      %cond3A_130 = arith.constant 0 : i32
      %cond3A_131 = arith.cmpi ne, %convert_element_type3A_129, %cond3A_130 : i32
      scf.if %cond3A_131 {
        %dma_wait3A_390 = arith.constant 0 : i32
        %dma_wait3A_391 = tpu.memref_slice %arg4[%dma_wait3A_390] : memref<14155776xf32, #tpu.memory_space<hbm>> -> memref<3456xf32, #tpu.memory_space<hbm>>
        %dma_wait3A_392 = arith.constant 0 : i32
        %dma_wait3A_393 = tpu.memref_slice %arg4[%dma_wait3A_392] : memref<14155776xf32, #tpu.memory_space<hbm>> -> memref<3456xf32, #tpu.memory_space<hbm>>
        tpu.wait_dma2 semaphore(%arg22 : memref<!tpu.dma_semaphore, #tpu.memory_space<semaphore_mem>>) src(%arg6 : memref<3456xf32, #tpu.memory_space<vmem>>) dst(%dma_wait3A_393 : memref<3456xf32, #tpu.memory_space<hbm>>)
      } else {
      }
      %lt3A_132 = arith.constant 128 : i32
      %lt3A_133 = arith.cmpi slt, %sub3A_123, %lt3A_132 : i32
      %convert_element_type3A_134 = arith.extui %lt3A_133 : i1 to i32
      %cond3A_135 = arith.constant 0 : i32
      %cond3A_136 = arith.cmpi ne, %convert_element_type3A_134, %cond3A_135 : i32
      scf.if %cond3A_136 {
        %mul3A_390 = arith.constant 32 : i32
        %mul3A_391 = arith.muli %sub3A_123, %mul3A_390 : i32
        %add3A_392 = arith.addi %mul3A_391, %add3A : i32
        %mul3A_393 = arith.constant 3456 : i32
        %mul3A_394 = arith.muli %add3A_392, %mul3A_393 : i32
        %dma_start3A_395 = tpu.memref_slice %arg2[%mul3A_394] : memref<14155776xf32, #tpu.memory_space<hbm>> -> memref<3456xf32, #tpu.memory_space<hbm>>
        %dma_start3A_396 = tpu.memref_slice %arg2[%mul3A_394] : memref<14155776xf32, #tpu.memory_space<hbm>> -> memref<3456xf32, #tpu.memory_space<hbm>>
        tpu.enqueue_dma source(%dma_start3A_396 : memref<3456xf32, #tpu.memory_space<hbm>>) target(%arg6 : memref<3456xf32, #tpu.memory_space<vmem>>) target_semaphore(%arg14 : memref<!tpu.dma_semaphore, #tpu.memory_space<semaphore_mem>>)
      } else {
      }
      %dma_wait3A_137 = arith.constant 0 : i32
      %dma_wait3A_138 = tpu.memref_slice %arg2[%dma_wait3A_137] : memref<14155776xf32, #tpu.memory_space<hbm>> -> memref<3456xf32, #tpu.memory_space<hbm>>
      %dma_wait3A_139 = arith.constant 0 : i32
      %dma_wait3A_140 = tpu.memref_slice %arg2[%dma_wait3A_139] : memref<14155776xf32, #tpu.memory_space<hbm>> -> memref<3456xf32, #tpu.memory_space<hbm>>
      tpu.wait_dma2 semaphore(%arg15 : memref<!tpu.dma_semaphore, #tpu.memory_space<semaphore_mem>>) src(%dma_wait3A_140 : memref<3456xf32, #tpu.memory_space<hbm>>) dst(%arg7 : memref<3456xf32, #tpu.memory_space<vmem>>)
      %scan3A_141 = arith.constant 0 : i32
      %scan3A_142 = arith.constant 0 : i32
      %scan3A_143 = arith.constant 9 : i32
      %scan3A_144 = arith.addi %scan3A_142, %scan3A_143 : i32
      %scan3A_145 = arith.constant 1 : i32
      %scan3A_146 = scf.for %scan3A_390 = %scan3A_142 to %scan3A_144 step %scan3A_145 iter_args(%scan3A_391 = %scan3A_141) -> (i32)  : i32 {
        %mul3A_392 = arith.constant 384 : i32
        %mul3A_393 = arith.muli %scan3A_390, %mul3A_392 : i32
        %add3A_394 = arith.constant 0 : i32
        %add3A_395 = arith.addi %mul3A_393, %add3A_394 : i32
        %get3A = arith.index_cast %add3A_395 : i32 to index
        %get3A_396 = tpu.vector_load %arg7[%get3A] {strides = array<i32>} : memref<3456xf32, #tpu.memory_space<vmem>>, vector<16xf32>,
        %get3A_397 = vector.shape_cast %get3A_396 : vector<16xf32> to vector<16xf32>
        %get3A_398 = arith.index_cast %add3A_395 : i32 to index
        %get3A_399 = tpu.vector_load %arg5[%get3A_398] {strides = array<i32>} : memref<3456xf32, #tpu.memory_space<vmem>>, vector<16xf32>,
        %get3A_400 = vector.shape_cast %get3A_399 : vector<16xf32> to vector<16xf32>
        %add3A_401 = arith.addf %get3A_397, %get3A_400 : vector<16xf32>
        %swap3A = arith.index_cast %add3A_395 : i32 to index
        %swap3A_402 = tpu.vector_load %arg7[%swap3A] {strides = array<i32>} : memref<3456xf32, #tpu.memory_space<vmem>>, vector<16xf32>,
        %swap3A_403 = vector.shape_cast %swap3A_402 : vector<16xf32> to vector<16xf32>
        %swap3A_404 = vector.shape_cast %add3A_401 : vector<16xf32> to vector<16xf32>
        tpu.vector_store %arg7[%swap3A], %swap3A_404 {strides = array<i32>} : memref<3456xf32, #tpu.memory_space<vmem>>, vector<16xf32>,
        %add3A_405 = arith.constant 16 : i32
        %add3A_406 = arith.addi %mul3A_393, %add3A_405 : i32
        %get3A_407 = arith.index_cast %add3A_406 : i32 to index
        %get3A_408 = tpu.vector_load %arg7[%get3A_407] {strides = array<i32>} : memref<3456xf32, #tpu.memory_space<vmem>>, vector<16xf32>,
        %get3A_409 = vector.shape_cast %get3A_408 : vector<16xf32> to vector<16xf32>
        %get3A_410 = arith.index_cast %add3A_406 : i32 to index
        %get3A_411 = tpu.vector_load %arg5[%get3A_410] {strides = array<i32>} : memref<3456xf32, #tpu.memory_space<vmem>>, vector<16xf32>,
        %get3A_412 = vector.shape_cast %get3A_411 : vector<16xf32> to vector<16xf32>
        %add3A_413 = arith.addf %get3A_409, %get3A_412 : vector<16xf32>
        %swap3A_414 = arith.index_cast %add3A_406 : i32 to index
        %swap3A_415 = tpu.vector_load %arg7[%swap3A_414] {strides = array<i32>} : memref<3456xf32, #tpu.memory_space<vmem>>, vector<16xf32>,
        %swap3A_416 = vector.shape_cast %swap3A_415 : vector<16xf32> to vector<16xf32>
        %swap3A_417 = vector.shape_cast %add3A_413 : vector<16xf32> to vector<16xf32>
        tpu.vector_store %arg7[%swap3A_414], %swap3A_417 {strides = array<i32>} : memref<3456xf32, #tpu.memory_space<vmem>>, vector<16xf32>,
        %add3A_418 = arith.constant 32 : i32
        %add3A_419 = arith.addi %mul3A_393, %add3A_418 : i32
        %get3A_420 = arith.index_cast %add3A_419 : i32 to index
        %get3A_421 = tpu.vector_load %arg7[%get3A_420] {strides = array<i32>} : memref<3456xf32, #tpu.memory_space<vmem>>, vector<16xf32>,
        %get3A_422 = vector.shape_cast %get3A_421 : vector<16xf32> to vector<16xf32>
        %get3A_423 = arith.index_cast %add3A_419 : i32 to index
        %get3A_424 = tpu.vector_load %arg5[%get3A_423] {strides = array<i32>} : memref<3456xf32, #tpu.memory_space<vmem>>, vector<16xf32>,
        %get3A_425 = vector.shape_cast %get3A_424 : vector<16xf32> to vector<16xf32>
        %add3A_426 = arith.addf %get3A_422, %get3A_425 : vector<16xf32>
        %swap3A_427 = arith.index_cast %add3A_419 : i32 to index
        %swap3A_428 = tpu.vector_load %arg7[%swap3A_427] {strides = array<i32>} : memref<3456xf32, #tpu.memory_space<vmem>>, vector<16xf32>,
        %swap3A_429 = vector.shape_cast %swap3A_428 : vector<16xf32> to vector<16xf32>
        %swap3A_430 = vector.shape_cast %add3A_426 : vector<16xf32> to vector<16xf32>
        tpu.vector_store %arg7[%swap3A_427], %swap3A_430 {strides = array<i32>} : memref<3456xf32, #tpu.memory_space<vmem>>, vector<16xf32>,
        %add3A_431 = arith.constant 48 : i32
        %add3A_432 = arith.addi %mul3A_393, %add3A_431 : i32
        %get3A_433 = arith.index_cast %add3A_432 : i32 to index
        %get3A_434 = tpu.vector_load %arg7[%get3A_433] {strides = array<i32>} : memref<3456xf32, #tpu.memory_space<vmem>>, vector<16xf32>,
        %get3A_435 = vector.shape_cast %get3A_434 : vector<16xf32> to vector<16xf32>
        %get3A_436 = arith.index_cast %add3A_432 : i32 to index
        %get3A_437 = tpu.vector_load %arg5[%get3A_436] {strides = array<i32>} : memref<3456xf32, #tpu.memory_space<vmem>>, vector<16xf32>,
        %get3A_438 = vector.shape_cast %get3A_437 : vector<16xf32> to vector<16xf32>
        %add3A_439 = arith.addf %get3A_435, %get3A_438 : vector<16xf32>
        %swap3A_440 = arith.index_cast %add3A_432 : i32 to index
        %swap3A_441 = tpu.vector_load %arg7[%swap3A_440] {strides = array<i32>} : memref<3456xf32, #tpu.memory_space<vmem>>, vector<16xf32>,
        %swap3A_442 = vector.shape_cast %swap3A_441 : vector<16xf32> to vector<16xf32>
        %swap3A_443 = vector.shape_cast %add3A_439 : vector<16xf32> to vector<16xf32>
        tpu.vector_store %arg7[%swap3A_440], %swap3A_443 {strides = array<i32>} : memref<3456xf32, #tpu.memory_space<vmem>>, vector<16xf32>,
        %add3A_444 = arith.constant 64 : i32
        %add3A_445 = arith.addi %mul3A_393, %add3A_444 : i32
        %get3A_446 = arith.index_cast %add3A_445 : i32 to index
        %get3A_447 = tpu.vector_load %arg7[%get3A_446] {strides = array<i32>} : memref<3456xf32, #tpu.memory_space<vmem>>, vector<16xf32>,
        %get3A_448 = vector.shape_cast %get3A_447 : vector<16xf32> to vector<16xf32>
        %get3A_449 = arith.index_cast %add3A_445 : i32 to index
        %get3A_450 = tpu.vector_load %arg5[%get3A_449] {strides = array<i32>} : memref<3456xf32, #tpu.memory_space<vmem>>, vector<16xf32>,
        %get3A_451 = vector.shape_cast %get3A_450 : vector<16xf32> to vector<16xf32>
        %add3A_452 = arith.addf %get3A_448, %get3A_451 : vector<16xf32>
        %swap3A_453 = arith.index_cast %add3A_445 : i32 to index
        %swap3A_454 = tpu.vector_load %arg7[%swap3A_453] {strides = array<i32>} : memref<3456xf32, #tpu.memory_space<vmem>>, vector<16xf32>,
        %swap3A_455 = vector.shape_cast %swap3A_454 : vector<16xf32> to vector<16xf32>
        %swap3A_456 = vector.shape_cast %add3A_452 : vector<16xf32> to vector<16xf32>
        tpu.vector_store %arg7[%swap3A_453], %swap3A_456 {strides = array<i32>} : memref<3456xf32, #tpu.memory_space<vmem>>, vector<16xf32>,
        %add3A_457 = arith.constant 80 : i32
        %add3A_458 = arith.addi %mul3A_393, %add3A_457 : i32
        %get3A_459 = arith.index_cast %add3A_458 : i32 to index
        %get3A_460 = tpu.vector_load %arg7[%get3A_459] {strides = array<i32>} : memref<3456xf32, #tpu.memory_space<vmem>>, vector<16xf32>,
        %get3A_461 = vector.shape_cast %get3A_460 : vector<16xf32> to vector<16xf32>
        %get3A_462 = arith.index_cast %add3A_458 : i32 to index
        %get3A_463 = tpu.vector_load %arg5[%get3A_462] {strides = array<i32>} : memref<3456xf32, #tpu.memory_space<vmem>>, vector<16xf32>,
        %get3A_464 = vector.shape_cast %get3A_463 : vector<16xf32> to vector<16xf32>
        %add3A_465 = arith.addf %get3A_461, %get3A_464 : vector<16xf32>
        %swap3A_466 = arith.index_cast %add3A_458 : i32 to index
        %swap3A_467 = tpu.vector_load %arg7[%swap3A_466] {strides = array<i32>} : memref<3456xf32, #tpu.memory_space<vmem>>, vector<16xf32>,
        %swap3A_468 = vector.shape_cast %swap3A_467 : vector<16xf32> to vector<16xf32>
        %swap3A_469 = vector.shape_cast %add3A_465 : vector<16xf32> to vector<16xf32>
        tpu.vector_store %arg7[%swap3A_466], %swap3A_469 {strides = array<i32>} : memref<3456xf32, #tpu.memory_space<vmem>>, vector<16xf32>,
        %add3A_470 = arith.constant 96 : i32
        %add3A_471 = arith.addi %mul3A_393, %add3A_470 : i32
        %get3A_472 = arith.index_cast %add3A_471 : i32 to index
        %get3A_473 = tpu.vector_load %arg7[%get3A_472] {strides = array<i32>} : memref<3456xf32, #tpu.memory_space<vmem>>, vector<16xf32>,
        %get3A_474 = vector.shape_cast %get3A_473 : vector<16xf32> to vector<16xf32>
        %get3A_475 = arith.index_cast %add3A_471 : i32 to index
        %get3A_476 = tpu.vector_load %arg5[%get3A_475] {strides = array<i32>} : memref<3456xf32, #tpu.memory_space<vmem>>, vector<16xf32>,
        %get3A_477 = vector.shape_cast %get3A_476 : vector<16xf32> to vector<16xf32>
        %add3A_478 = arith.addf %get3A_474, %get3A_477 : vector<16xf32>
        %swap3A_479 = arith.index_cast %add3A_471 : i32 to index
        %swap3A_480 = tpu.vector_load %arg7[%swap3A_479] {strides = array<i32>} : memref<3456xf32, #tpu.memory_space<vmem>>, vector<16xf32>,
        %swap3A_481 = vector.shape_cast %swap3A_480 : vector<16xf32> to vector<16xf32>
        %swap3A_482 = vector.shape_cast %add3A_478 : vector<16xf32> to vector<16xf32>
        tpu.vector_store %arg7[%swap3A_479], %swap3A_482 {strides = array<i32>} : memref<3456xf32, #tpu.memory_space<vmem>>, vector<16xf32>,
        %add3A_483 = arith.constant 112 : i32
        %add3A_484 = arith.addi %mul3A_393, %add3A_483 : i32
        %get3A_485 = arith.index_cast %add3A_484 : i32 to index
        %get3A_486 = tpu.vector_load %arg7[%get3A_485] {strides = array<i32>} : memref<3456xf32, #tpu.memory_space<vmem>>, vector<16xf32>,
        %get3A_487 = vector.shape_cast %get3A_486 : vector<16xf32> to vector<16xf32>
        %get3A_488 = arith.index_cast %add3A_484 : i32 to index
        %get3A_489 = tpu.vector_load %arg5[%get3A_488] {strides = array<i32>} : memref<3456xf32, #tpu.memory_space<vmem>>, vector<16xf32>,
        %get3A_490 = vector.shape_cast %get3A_489 : vector<16xf32> to vector<16xf32>
        %add3A_491 = arith.addf %get3A_487, %get3A_490 : vector<16xf32>
        %swap3A_492 = arith.index_cast %add3A_484 : i32 to index
        %swap3A_493 = tpu.vector_load %arg7[%swap3A_492] {strides = array<i32>} : memref<3456xf32, #tpu.memory_space<vmem>>, vector<16xf32>,
        %swap3A_494 = vector.shape_cast %swap3A_493 : vector<16xf32> to vector<16xf32>
        %swap3A_495 = vector.shape_cast %add3A_491 : vector<16xf32> to vector<16xf32>
        tpu.vector_store %arg7[%swap3A_492], %swap3A_495 {strides = array<i32>} : memref<3456xf32, #tpu.memory_space<vmem>>, vector<16xf32>,
        %add3A_496 = arith.constant 128 : i32
        %add3A_497 = arith.addi %mul3A_393, %add3A_496 : i32
        %get3A_498 = arith.index_cast %add3A_497 : i32 to index
        %get3A_499 = tpu.vector_load %arg7[%get3A_498] {strides = array<i32>} : memref<3456xf32, #tpu.memory_space<vmem>>, vector<16xf32>,
        %get3A_500 = vector.shape_cast %get3A_499 : vector<16xf32> to vector<16xf32>
        %get3A_501 = arith.index_cast %add3A_497 : i32 to index
        %get3A_502 = tpu.vector_load %arg5[%get3A_501] {strides = array<i32>} : memref<3456xf32, #tpu.memory_space<vmem>>, vector<16xf32>,
        %get3A_503 = vector.shape_cast %get3A_502 : vector<16xf32> to vector<16xf32>
        %add3A_504 = arith.addf %get3A_500, %get3A_503 : vector<16xf32>
        %swap3A_505 = arith.index_cast %add3A_497 : i32 to index
        %swap3A_506 = tpu.vector_load %arg7[%swap3A_505] {strides = array<i32>} : memref<3456xf32, #tpu.memory_space<vmem>>, vector<16xf32>,
        %swap3A_507 = vector.shape_cast %swap3A_506 : vector<16xf32> to vector<16xf32>
        %swap3A_508 = vector.shape_cast %add3A_504 : vector<16xf32> to vector<16xf32>
        tpu.vector_store %arg7[%swap3A_505], %swap3A_508 {strides = array<i32>} : memref<3456xf32, #tpu.memory_space<vmem>>, vector<16xf32>,
        %add3A_509 = arith.constant 144 : i32
        %add3A_510 = arith.addi %mul3A_393, %add3A_509 : i32
        %get3A_511 = arith.index_cast %add3A_510 : i32 to index
        %get3A_512 = tpu.vector_load %arg7[%get3A_511] {strides = array<i32>} : memref<3456xf32, #tpu.memory_space<vmem>>, vector<16xf32>,
        %get3A_513 = vector.shape_cast %get3A_512 : vector<16xf32> to vector<16xf32>
        %get3A_514 = arith.index_cast %add3A_510 : i32 to index
        %get3A_515 = tpu.vector_load %arg5[%get3A_514] {strides = array<i32>} : memref<3456xf32, #tpu.memory_space<vmem>>, vector<16xf32>,
        %get3A_516 = vector.shape_cast %get3A_515 : vector<16xf32> to vector<16xf32>
        %add3A_517 = arith.addf %get3A_513, %get3A_516 : vector<16xf32>
        %swap3A_518 = arith.index_cast %add3A_510 : i32 to index
        %swap3A_519 = tpu.vector_load %arg7[%swap3A_518] {strides = array<i32>} : memref<3456xf32, #tpu.memory_space<vmem>>, vector<16xf32>,
        %swap3A_520 = vector.shape_cast %swap3A_519 : vector<16xf32> to vector<16xf32>
        %swap3A_521 = vector.shape_cast %add3A_517 : vector<16xf32> to vector<16xf32>
        tpu.vector_store %arg7[%swap3A_518], %swap3A_521 {strides = array<i32>} : memref<3456xf32, #tpu.memory_space<vmem>>, vector<16xf32>,
        %add3A_522 = arith.constant 160 : i32
        %add3A_523 = arith.addi %mul3A_393, %add3A_522 : i32
        %get3A_524 = arith.index_cast %add3A_523 : i32 to index
        %get3A_525 = tpu.vector_load %arg7[%get3A_524] {strides = array<i32>} : memref<3456xf32, #tpu.memory_space<vmem>>, vector<16xf32>,
        %get3A_526 = vector.shape_cast %get3A_525 : vector<16xf32> to vector<16xf32>
        %get3A_527 = arith.index_cast %add3A_523 : i32 to index
        %get3A_528 = tpu.vector_load %arg5[%get3A_527] {strides = array<i32>} : memref<3456xf32, #tpu.memory_space<vmem>>, vector<16xf32>,
        %get3A_529 = vector.shape_cast %get3A_528 : vector<16xf32> to vector<16xf32>
        %add3A_530 = arith.addf %get3A_526, %get3A_529 : vector<16xf32>
        %swap3A_531 = arith.index_cast %add3A_523 : i32 to index
        %swap3A_532 = tpu.vector_load %arg7[%swap3A_531] {strides = array<i32>} : memref<3456xf32, #tpu.memory_space<vmem>>, vector<16xf32>,
        %swap3A_533 = vector.shape_cast %swap3A_532 : vector<16xf32> to vector<16xf32>
        %swap3A_534 = vector.shape_cast %add3A_530 : vector<16xf32> to vector<16xf32>
        tpu.vector_store %arg7[%swap3A_531], %swap3A_534 {strides = array<i32>} : memref<3456xf32, #tpu.memory_space<vmem>>, vector<16xf32>,
        %add3A_535 = arith.constant 176 : i32
        %add3A_536 = arith.addi %mul3A_393, %add3A_535 : i32
        %get3A_537 = arith.index_cast %add3A_536 : i32 to index
        %get3A_538 = tpu.vector_load %arg7[%get3A_537] {strides = array<i32>} : memref<3456xf32, #tpu.memory_space<vmem>>, vector<16xf32>,
        %get3A_539 = vector.shape_cast %get3A_538 : vector<16xf32> to vector<16xf32>
        %get3A_540 = arith.index_cast %add3A_536 : i32 to index
        %get3A_541 = tpu.vector_load %arg5[%get3A_540] {strides = array<i32>} : memref<3456xf32, #tpu.memory_space<vmem>>, vector<16xf32>,
        %get3A_542 = vector.shape_cast %get3A_541 : vector<16xf32> to vector<16xf32>
        %add3A_543 = arith.addf %get3A_539, %get3A_542 : vector<16xf32>
        %swap3A_544 = arith.index_cast %add3A_536 : i32 to index
        %swap3A_545 = tpu.vector_load %arg7[%swap3A_544] {strides = array<i32>} : memref<3456xf32, #tpu.memory_space<vmem>>, vector<16xf32>,
        %swap3A_546 = vector.shape_cast %swap3A_545 : vector<16xf32> to vector<16xf32>
        %swap3A_547 = vector.shape_cast %add3A_543 : vector<16xf32> to vector<16xf32>
        tpu.vector_store %arg7[%swap3A_544], %swap3A_547 {strides = array<i32>} : memref<3456xf32, #tpu.memory_space<vmem>>, vector<16xf32>,
        %add3A_548 = arith.constant 192 : i32
        %add3A_549 = arith.addi %mul3A_393, %add3A_548 : i32
        %get3A_550 = arith.index_cast %add3A_549 : i32 to index
        %get3A_551 = tpu.vector_load %arg7[%get3A_550] {strides = array<i32>} : memref<3456xf32, #tpu.memory_space<vmem>>, vector<16xf32>,
        %get3A_552 = vector.shape_cast %get3A_551 : vector<16xf32> to vector<16xf32>
        %get3A_553 = arith.index_cast %add3A_549 : i32 to index
        %get3A_554 = tpu.vector_load %arg5[%get3A_553] {strides = array<i32>} : memref<3456xf32, #tpu.memory_space<vmem>>, vector<16xf32>,
        %get3A_555 = vector.shape_cast %get3A_554 : vector<16xf32> to vector<16xf32>
        %add3A_556 = arith.addf %get3A_552, %get3A_555 : vector<16xf32>
        %swap3A_557 = arith.index_cast %add3A_549 : i32 to index
        %swap3A_558 = tpu.vector_load %arg7[%swap3A_557] {strides = array<i32>} : memref<3456xf32, #tpu.memory_space<vmem>>, vector<16xf32>,
        %swap3A_559 = vector.shape_cast %swap3A_558 : vector<16xf32> to vector<16xf32>
        %swap3A_560 = vector.shape_cast %add3A_556 : vector<16xf32> to vector<16xf32>
        tpu.vector_store %arg7[%swap3A_557], %swap3A_560 {strides = array<i32>} : memref<3456xf32, #tpu.memory_space<vmem>>, vector<16xf32>,
        %add3A_561 = arith.constant 208 : i32
        %add3A_562 = arith.addi %mul3A_393, %add3A_561 : i32
        %get3A_563 = arith.index_cast %add3A_562 : i32 to index
        %get3A_564 = tpu.vector_load %arg7[%get3A_563] {strides = array<i32>} : memref<3456xf32, #tpu.memory_space<vmem>>, vector<16xf32>,
        %get3A_565 = vector.shape_cast %get3A_564 : vector<16xf32> to vector<16xf32>
        %get3A_566 = arith.index_cast %add3A_562 : i32 to index
        %get3A_567 = tpu.vector_load %arg5[%get3A_566] {strides = array<i32>} : memref<3456xf32, #tpu.memory_space<vmem>>, vector<16xf32>,
        %get3A_568 = vector.shape_cast %get3A_567 : vector<16xf32> to vector<16xf32>
        %add3A_569 = arith.addf %get3A_565, %get3A_568 : vector<16xf32>
        %swap3A_570 = arith.index_cast %add3A_562 : i32 to index
        %swap3A_571 = tpu.vector_load %arg7[%swap3A_570] {strides = array<i32>} : memref<3456xf32, #tpu.memory_space<vmem>>, vector<16xf32>,
        %swap3A_572 = vector.shape_cast %swap3A_571 : vector<16xf32> to vector<16xf32>
        %swap3A_573 = vector.shape_cast %add3A_569 : vector<16xf32> to vector<16xf32>
        tpu.vector_store %arg7[%swap3A_570], %swap3A_573 {strides = array<i32>} : memref<3456xf32, #tpu.memory_space<vmem>>, vector<16xf32>,
        %add3A_574 = arith.constant 224 : i32
        %add3A_575 = arith.addi %mul3A_393, %add3A_574 : i32
        %get3A_576 = arith.index_cast %add3A_575 : i32 to index
        %get3A_577 = tpu.vector_load %arg7[%get3A_576] {strides = array<i32>} : memref<3456xf32, #tpu.memory_space<vmem>>, vector<16xf32>,
        %get3A_578 = vector.shape_cast %get3A_577 : vector<16xf32> to vector<16xf32>
        %get3A_579 = arith.index_cast %add3A_575 : i32 to index
        %get3A_580 = tpu.vector_load %arg5[%get3A_579] {strides = array<i32>} : memref<3456xf32, #tpu.memory_space<vmem>>, vector<16xf32>,
        %get3A_581 = vector.shape_cast %get3A_580 : vector<16xf32> to vector<16xf32>
        %add3A_582 = arith.addf %get3A_578, %get3A_581 : vector<16xf32>
        %swap3A_583 = arith.index_cast %add3A_575 : i32 to index
        %swap3A_584 = tpu.vector_load %arg7[%swap3A_583] {strides = array<i32>} : memref<3456xf32, #tpu.memory_space<vmem>>, vector<16xf32>,
        %swap3A_585 = vector.shape_cast %swap3A_584 : vector<16xf32> to vector<16xf32>
        %swap3A_586 = vector.shape_cast %add3A_582 : vector<16xf32> to vector<16xf32>
        tpu.vector_store %arg7[%swap3A_583], %swap3A_586 {strides = array<i32>} : memref<3456xf32, #tpu.memory_space<vmem>>, vector<16xf32>,
        %add3A_587 = arith.constant 240 : i32
        %add3A_588 = arith.addi %mul3A_393, %add3A_587 : i32
        %get3A_589 = arith.index_cast %add3A_588 : i32 to index
        %get3A_590 = tpu.vector_load %arg7[%get3A_589] {strides = array<i32>} : memref<3456xf32, #tpu.memory_space<vmem>>, vector<16xf32>,
        %get3A_591 = vector.shape_cast %get3A_590 : vector<16xf32> to vector<16xf32>
        %get3A_592 = arith.index_cast %add3A_588 : i32 to index
        %get3A_593 = tpu.vector_load %arg5[%get3A_592] {strides = array<i32>} : memref<3456xf32, #tpu.memory_space<vmem>>, vector<16xf32>,
        %get3A_594 = vector.shape_cast %get3A_593 : vector<16xf32> to vector<16xf32>
        %add3A_595 = arith.addf %get3A_591, %get3A_594 : vector<16xf32>
        %swap3A_596 = arith.index_cast %add3A_588 : i32 to index
        %swap3A_597 = tpu.vector_load %arg7[%swap3A_596] {strides = array<i32>} : memref<3456xf32, #tpu.memory_space<vmem>>, vector<16xf32>,
        %swap3A_598 = vector.shape_cast %swap3A_597 : vector<16xf32> to vector<16xf32>
        %swap3A_599 = vector.shape_cast %add3A_595 : vector<16xf32> to vector<16xf32>
        tpu.vector_store %arg7[%swap3A_596], %swap3A_599 {strides = array<i32>} : memref<3456xf32, #tpu.memory_space<vmem>>, vector<16xf32>,
        %add3A_600 = arith.constant 256 : i32
        %add3A_601 = arith.addi %mul3A_393, %add3A_600 : i32
        %get3A_602 = arith.index_cast %add3A_601 : i32 to index
        %get3A_603 = tpu.vector_load %arg7[%get3A_602] {strides = array<i32>} : memref<3456xf32, #tpu.memory_space<vmem>>, vector<16xf32>,
        %get3A_604 = vector.shape_cast %get3A_603 : vector<16xf32> to vector<16xf32>
        %get3A_605 = arith.index_cast %add3A_601 : i32 to index
        %get3A_606 = tpu.vector_load %arg5[%get3A_605] {strides = array<i32>} : memref<3456xf32, #tpu.memory_space<vmem>>, vector<16xf32>,
        %get3A_607 = vector.shape_cast %get3A_606 : vector<16xf32> to vector<16xf32>
        %add3A_608 = arith.addf %get3A_604, %get3A_607 : vector<16xf32>
        %swap3A_609 = arith.index_cast %add3A_601 : i32 to index
        %swap3A_610 = tpu.vector_load %arg7[%swap3A_609] {strides = array<i32>} : memref<3456xf32, #tpu.memory_space<vmem>>, vector<16xf32>,
        %swap3A_611 = vector.shape_cast %swap3A_610 : vector<16xf32> to vector<16xf32>
        %swap3A_612 = vector.shape_cast %add3A_608 : vector<16xf32> to vector<16xf32>
        tpu.vector_store %arg7[%swap3A_609], %swap3A_612 {strides = array<i32>} : memref<3456xf32, #tpu.memory_space<vmem>>, vector<16xf32>,
        %add3A_613 = arith.constant 272 : i32
        %add3A_614 = arith.addi %mul3A_393, %add3A_613 : i32
        %get3A_615 = arith.index_cast %add3A_614 : i32 to index
        %get3A_616 = tpu.vector_load %arg7[%get3A_615] {strides = array<i32>} : memref<3456xf32, #tpu.memory_space<vmem>>, vector<16xf32>,
        %get3A_617 = vector.shape_cast %get3A_616 : vector<16xf32> to vector<16xf32>
        %get3A_618 = arith.index_cast %add3A_614 : i32 to index
        %get3A_619 = tpu.vector_load %arg5[%get3A_618] {strides = array<i32>} : memref<3456xf32, #tpu.memory_space<vmem>>, vector<16xf32>,
        %get3A_620 = vector.shape_cast %get3A_619 : vector<16xf32> to vector<16xf32>
        %add3A_621 = arith.addf %get3A_617, %get3A_620 : vector<16xf32>
        %swap3A_622 = arith.index_cast %add3A_614 : i32 to index
        %swap3A_623 = tpu.vector_load %arg7[%swap3A_622] {strides = array<i32>} : memref<3456xf32, #tpu.memory_space<vmem>>, vector<16xf32>,
        %swap3A_624 = vector.shape_cast %swap3A_623 : vector<16xf32> to vector<16xf32>
        %swap3A_625 = vector.shape_cast %add3A_621 : vector<16xf32> to vector<16xf32>
        tpu.vector_store %arg7[%swap3A_622], %swap3A_625 {strides = array<i32>} : memref<3456xf32, #tpu.memory_space<vmem>>, vector<16xf32>,
        %add3A_626 = arith.constant 288 : i32
        %add3A_627 = arith.addi %mul3A_393, %add3A_626 : i32
        %get3A_628 = arith.index_cast %add3A_627 : i32 to index
        %get3A_629 = tpu.vector_load %arg7[%get3A_628] {strides = array<i32>} : memref<3456xf32, #tpu.memory_space<vmem>>, vector<16xf32>,
        %get3A_630 = vector.shape_cast %get3A_629 : vector<16xf32> to vector<16xf32>
        %get3A_631 = arith.index_cast %add3A_627 : i32 to index
        %get3A_632 = tpu.vector_load %arg5[%get3A_631] {strides = array<i32>} : memref<3456xf32, #tpu.memory_space<vmem>>, vector<16xf32>,
        %get3A_633 = vector.shape_cast %get3A_632 : vector<16xf32> to vector<16xf32>
        %add3A_634 = arith.addf %get3A_630, %get3A_633 : vector<16xf32>
        %swap3A_635 = arith.index_cast %add3A_627 : i32 to index
        %swap3A_636 = tpu.vector_load %arg7[%swap3A_635] {strides = array<i32>} : memref<3456xf32, #tpu.memory_space<vmem>>, vector<16xf32>,
        %swap3A_637 = vector.shape_cast %swap3A_636 : vector<16xf32> to vector<16xf32>
        %swap3A_638 = vector.shape_cast %add3A_634 : vector<16xf32> to vector<16xf32>
        tpu.vector_store %arg7[%swap3A_635], %swap3A_638 {strides = array<i32>} : memref<3456xf32, #tpu.memory_space<vmem>>, vector<16xf32>,
        %add3A_639 = arith.constant 304 : i32
        %add3A_640 = arith.addi %mul3A_393, %add3A_639 : i32
        %get3A_641 = arith.index_cast %add3A_640 : i32 to index
        %get3A_642 = tpu.vector_load %arg7[%get3A_641] {strides = array<i32>} : memref<3456xf32, #tpu.memory_space<vmem>>, vector<16xf32>,
        %get3A_643 = vector.shape_cast %get3A_642 : vector<16xf32> to vector<16xf32>
        %get3A_644 = arith.index_cast %add3A_640 : i32 to index
        %get3A_645 = tpu.vector_load %arg5[%get3A_644] {strides = array<i32>} : memref<3456xf32, #tpu.memory_space<vmem>>, vector<16xf32>,
        %get3A_646 = vector.shape_cast %get3A_645 : vector<16xf32> to vector<16xf32>
        %add3A_647 = arith.addf %get3A_643, %get3A_646 : vector<16xf32>
        %swap3A_648 = arith.index_cast %add3A_640 : i32 to index
        %swap3A_649 = tpu.vector_load %arg7[%swap3A_648] {strides = array<i32>} : memref<3456xf32, #tpu.memory_space<vmem>>, vector<16xf32>,
        %swap3A_650 = vector.shape_cast %swap3A_649 : vector<16xf32> to vector<16xf32>
        %swap3A_651 = vector.shape_cast %add3A_647 : vector<16xf32> to vector<16xf32>
        tpu.vector_store %arg7[%swap3A_648], %swap3A_651 {strides = array<i32>} : memref<3456xf32, #tpu.memory_space<vmem>>, vector<16xf32>,
        %add3A_652 = arith.constant 320 : i32
        %add3A_653 = arith.addi %mul3A_393, %add3A_652 : i32
        %get3A_654 = arith.index_cast %add3A_653 : i32 to index
        %get3A_655 = tpu.vector_load %arg7[%get3A_654] {strides = array<i32>} : memref<3456xf32, #tpu.memory_space<vmem>>, vector<16xf32>,
        %get3A_656 = vector.shape_cast %get3A_655 : vector<16xf32> to vector<16xf32>
        %get3A_657 = arith.index_cast %add3A_653 : i32 to index
        %get3A_658 = tpu.vector_load %arg5[%get3A_657] {strides = array<i32>} : memref<3456xf32, #tpu.memory_space<vmem>>, vector<16xf32>,
        %get3A_659 = vector.shape_cast %get3A_658 : vector<16xf32> to vector<16xf32>
        %add3A_660 = arith.addf %get3A_656, %get3A_659 : vector<16xf32>
        %swap3A_661 = arith.index_cast %add3A_653 : i32 to index
        %swap3A_662 = tpu.vector_load %arg7[%swap3A_661] {strides = array<i32>} : memref<3456xf32, #tpu.memory_space<vmem>>, vector<16xf32>,
        %swap3A_663 = vector.shape_cast %swap3A_662 : vector<16xf32> to vector<16xf32>
        %swap3A_664 = vector.shape_cast %add3A_660 : vector<16xf32> to vector<16xf32>
        tpu.vector_store %arg7[%swap3A_661], %swap3A_664 {strides = array<i32>} : memref<3456xf32, #tpu.memory_space<vmem>>, vector<16xf32>,
        %add3A_665 = arith.constant 336 : i32
        %add3A_666 = arith.addi %mul3A_393, %add3A_665 : i32
        %get3A_667 = arith.index_cast %add3A_666 : i32 to index
        %get3A_668 = tpu.vector_load %arg7[%get3A_667] {strides = array<i32>} : memref<3456xf32, #tpu.memory_space<vmem>>, vector<16xf32>,
        %get3A_669 = vector.shape_cast %get3A_668 : vector<16xf32> to vector<16xf32>
        %get3A_670 = arith.index_cast %add3A_666 : i32 to index
        %get3A_671 = tpu.vector_load %arg5[%get3A_670] {strides = array<i32>} : memref<3456xf32, #tpu.memory_space<vmem>>, vector<16xf32>,
        %get3A_672 = vector.shape_cast %get3A_671 : vector<16xf32> to vector<16xf32>
        %add3A_673 = arith.addf %get3A_669, %get3A_672 : vector<16xf32>
        %swap3A_674 = arith.index_cast %add3A_666 : i32 to index
        %swap3A_675 = tpu.vector_load %arg7[%swap3A_674] {strides = array<i32>} : memref<3456xf32, #tpu.memory_space<vmem>>, vector<16xf32>,
        %swap3A_676 = vector.shape_cast %swap3A_675 : vector<16xf32> to vector<16xf32>
        %swap3A_677 = vector.shape_cast %add3A_673 : vector<16xf32> to vector<16xf32>
        tpu.vector_store %arg7[%swap3A_674], %swap3A_677 {strides = array<i32>} : memref<3456xf32, #tpu.memory_space<vmem>>, vector<16xf32>,
        %add3A_678 = arith.constant 352 : i32
        %add3A_679 = arith.addi %mul3A_393, %add3A_678 : i32
        %get3A_680 = arith.index_cast %add3A_679 : i32 to index
        %get3A_681 = tpu.vector_load %arg7[%get3A_680] {strides = array<i32>} : memref<3456xf32, #tpu.memory_space<vmem>>, vector<16xf32>,
        %get3A_682 = vector.shape_cast %get3A_681 : vector<16xf32> to vector<16xf32>
        %get3A_683 = arith.index_cast %add3A_679 : i32 to index
        %get3A_684 = tpu.vector_load %arg5[%get3A_683] {strides = array<i32>} : memref<3456xf32, #tpu.memory_space<vmem>>, vector<16xf32>,
        %get3A_685 = vector.shape_cast %get3A_684 : vector<16xf32> to vector<16xf32>
        %add3A_686 = arith.addf %get3A_682, %get3A_685 : vector<16xf32>
        %swap3A_687 = arith.index_cast %add3A_679 : i32 to index
        %swap3A_688 = tpu.vector_load %arg7[%swap3A_687] {strides = array<i32>} : memref<3456xf32, #tpu.memory_space<vmem>>, vector<16xf32>,
        %swap3A_689 = vector.shape_cast %swap3A_688 : vector<16xf32> to vector<16xf32>
        %swap3A_690 = vector.shape_cast %add3A_686 : vector<16xf32> to vector<16xf32>
        tpu.vector_store %arg7[%swap3A_687], %swap3A_690 {strides = array<i32>} : memref<3456xf32, #tpu.memory_space<vmem>>, vector<16xf32>,
        %add3A_691 = arith.constant 368 : i32
        %add3A_692 = arith.addi %mul3A_393, %add3A_691 : i32
        %get3A_693 = arith.index_cast %add3A_692 : i32 to index
        %get3A_694 = tpu.vector_load %arg7[%get3A_693] {strides = array<i32>} : memref<3456xf32, #tpu.memory_space<vmem>>, vector<16xf32>,
        %get3A_695 = vector.shape_cast %get3A_694 : vector<16xf32> to vector<16xf32>
        %get3A_696 = arith.index_cast %add3A_692 : i32 to index
        %get3A_697 = tpu.vector_load %arg5[%get3A_696] {strides = array<i32>} : memref<3456xf32, #tpu.memory_space<vmem>>, vector<16xf32>,
        %get3A_698 = vector.shape_cast %get3A_697 : vector<16xf32> to vector<16xf32>
        %add3A_699 = arith.addf %get3A_695, %get3A_698 : vector<16xf32>
        %swap3A_700 = arith.index_cast %add3A_692 : i32 to index
        %swap3A_701 = tpu.vector_load %arg7[%swap3A_700] {strides = array<i32>} : memref<3456xf32, #tpu.memory_space<vmem>>, vector<16xf32>,
        %swap3A_702 = vector.shape_cast %swap3A_701 : vector<16xf32> to vector<16xf32>
        %swap3A_703 = vector.shape_cast %add3A_699 : vector<16xf32> to vector<16xf32>
        tpu.vector_store %arg7[%swap3A_700], %swap3A_703 {strides = array<i32>} : memref<3456xf32, #tpu.memory_space<vmem>>, vector<16xf32>,
        %scan3A_704 = arith.constant 0 : i32
        scf.yield %scan3A_704 : i32
      }
      %scan3A_147 = arith.constant 9 : i32
      %mul3A_148 = arith.constant 32 : i32
      %mul3A_149 = arith.muli %add3A_119, %mul3A_148 : i32
      %add3A_150 = arith.addi %mul3A_149, %add3A : i32
      %mul3A_151 = arith.constant 3456 : i32
      %mul3A_152 = arith.muli %add3A_150, %mul3A_151 : i32
      %dma_start3A_153 = tpu.memref_slice %arg4[%mul3A_152] : memref<14155776xf32, #tpu.memory_space<hbm>> -> memref<3456xf32, #tpu.memory_space<hbm>>
      %dma_start3A_154 = tpu.memref_slice %arg4[%mul3A_152] : memref<14155776xf32, #tpu.memory_space<hbm>> -> memref<3456xf32, #tpu.memory_space<hbm>>
      tpu.enqueue_dma source(%arg7 : memref<3456xf32, #tpu.memory_space<vmem>>) target(%dma_start3A_154 : memref<3456xf32, #tpu.memory_space<hbm>>) target_semaphore(%arg23 : memref<!tpu.dma_semaphore, #tpu.memory_space<semaphore_mem>>)
      %mul3A_155 = arith.constant 8 : i32
      %mul3A_156 = arith.muli %scan3A_81, %mul3A_155 : i32
      %add3A_157 = arith.constant 2 : i32
      %add3A_158 = arith.addi %mul3A_156, %add3A_157 : i32
      %add3A_159 = arith.constant 8 : i32
      %add3A_160 = arith.addi %add3A_158, %add3A_159 : i32
      %sub3A_161 = arith.constant 1 : i32
      %sub3A_162 = arith.subi %add3A_160, %sub3A_161 : i32
      %ge3A_163 = arith.constant 1 : i32
      %ge3A_164 = arith.cmpi sge, %add3A_158, %ge3A_163 : i32
      %lt3A_165 = arith.constant 128 : i32
      %lt3A_166 = arith.cmpi slt, %sub3A_162, %lt3A_165 : i32
      %and3A_167 = arith.andi %ge3A_164, %lt3A_166 : i1
      %convert_element_type3A_168 = arith.extui %and3A_167 : i1 to i32
      %cond3A_169 = arith.constant 0 : i32
      %cond3A_170 = arith.cmpi ne, %convert_element_type3A_168, %cond3A_169 : i32
      scf.if %cond3A_170 {
        %dma_wait3A_390 = arith.constant 0 : i32
        %dma_wait3A_391 = tpu.memref_slice %arg4[%dma_wait3A_390] : memref<14155776xf32, #tpu.memory_space<hbm>> -> memref<3456xf32, #tpu.memory_space<hbm>>
        %dma_wait3A_392 = arith.constant 0 : i32
        %dma_wait3A_393 = tpu.memref_slice %arg4[%dma_wait3A_392] : memref<14155776xf32, #tpu.memory_space<hbm>> -> memref<3456xf32, #tpu.memory_space<hbm>>
        tpu.wait_dma2 semaphore(%arg23 : memref<!tpu.dma_semaphore, #tpu.memory_space<semaphore_mem>>) src(%arg7 : memref<3456xf32, #tpu.memory_space<vmem>>) dst(%dma_wait3A_393 : memref<3456xf32, #tpu.memory_space<hbm>>)
      } else {
      }
      %lt3A_171 = arith.constant 128 : i32
      %lt3A_172 = arith.cmpi slt, %sub3A_162, %lt3A_171 : i32
      %convert_element_type3A_173 = arith.extui %lt3A_172 : i1 to i32
      %cond3A_174 = arith.constant 0 : i32
      %cond3A_175 = arith.cmpi ne, %convert_element_type3A_173, %cond3A_174 : i32
      scf.if %cond3A_175 {
        %mul3A_390 = arith.constant 32 : i32
        %mul3A_391 = arith.muli %sub3A_162, %mul3A_390 : i32
        %add3A_392 = arith.addi %mul3A_391, %add3A : i32
        %mul3A_393 = arith.constant 3456 : i32
        %mul3A_394 = arith.muli %add3A_392, %mul3A_393 : i32
        %dma_start3A_395 = tpu.memref_slice %arg2[%mul3A_394] : memref<14155776xf32, #tpu.memory_space<hbm>> -> memref<3456xf32, #tpu.memory_space<hbm>>
        %dma_start3A_396 = tpu.memref_slice %arg2[%mul3A_394] : memref<14155776xf32, #tpu.memory_space<hbm>> -> memref<3456xf32, #tpu.memory_space<hbm>>
        tpu.enqueue_dma source(%dma_start3A_396 : memref<3456xf32, #tpu.memory_space<hbm>>) target(%arg7 : memref<3456xf32, #tpu.memory_space<vmem>>) target_semaphore(%arg15 : memref<!tpu.dma_semaphore, #tpu.memory_space<semaphore_mem>>)
      } else {
      }
      %dma_wait3A_176 = arith.constant 0 : i32
      %dma_wait3A_177 = tpu.memref_slice %arg2[%dma_wait3A_176] : memref<14155776xf32, #tpu.memory_space<hbm>> -> memref<3456xf32, #tpu.memory_space<hbm>>
      %dma_wait3A_178 = arith.constant 0 : i32
      %dma_wait3A_179 = tpu.memref_slice %arg2[%dma_wait3A_178] : memref<14155776xf32, #tpu.memory_space<hbm>> -> memref<3456xf32, #tpu.memory_space<hbm>>
      tpu.wait_dma2 semaphore(%arg16 : memref<!tpu.dma_semaphore, #tpu.memory_space<semaphore_mem>>) src(%dma_wait3A_179 : memref<3456xf32, #tpu.memory_space<hbm>>) dst(%arg8 : memref<3456xf32, #tpu.memory_space<vmem>>)
      %scan3A_180 = arith.constant 0 : i32
      %scan3A_181 = arith.constant 0 : i32
      %scan3A_182 = arith.constant 9 : i32
      %scan3A_183 = arith.addi %scan3A_181, %scan3A_182 : i32
      %scan3A_184 = arith.constant 1 : i32
      %scan3A_185 = scf.for %scan3A_390 = %scan3A_181 to %scan3A_183 step %scan3A_184 iter_args(%scan3A_391 = %scan3A_180) -> (i32)  : i32 {
        %mul3A_392 = arith.constant 384 : i32
        %mul3A_393 = arith.muli %scan3A_390, %mul3A_392 : i32
        %add3A_394 = arith.constant 0 : i32
        %add3A_395 = arith.addi %mul3A_393, %add3A_394 : i32
        %get3A = arith.index_cast %add3A_395 : i32 to index
        %get3A_396 = tpu.vector_load %arg8[%get3A] {strides = array<i32>} : memref<3456xf32, #tpu.memory_space<vmem>>, vector<16xf32>,
        %get3A_397 = vector.shape_cast %get3A_396 : vector<16xf32> to vector<16xf32>
        %get3A_398 = arith.index_cast %add3A_395 : i32 to index
        %get3A_399 = tpu.vector_load %arg5[%get3A_398] {strides = array<i32>} : memref<3456xf32, #tpu.memory_space<vmem>>, vector<16xf32>,
        %get3A_400 = vector.shape_cast %get3A_399 : vector<16xf32> to vector<16xf32>
        %add3A_401 = arith.addf %get3A_397, %get3A_400 : vector<16xf32>
        %swap3A = arith.index_cast %add3A_395 : i32 to index
        %swap3A_402 = tpu.vector_load %arg8[%swap3A] {strides = array<i32>} : memref<3456xf32, #tpu.memory_space<vmem>>, vector<16xf32>,
        %swap3A_403 = vector.shape_cast %swap3A_402 : vector<16xf32> to vector<16xf32>
        %swap3A_404 = vector.shape_cast %add3A_401 : vector<16xf32> to vector<16xf32>
        tpu.vector_store %arg8[%swap3A], %swap3A_404 {strides = array<i32>} : memref<3456xf32, #tpu.memory_space<vmem>>, vector<16xf32>,
        %add3A_405 = arith.constant 16 : i32
        %add3A_406 = arith.addi %mul3A_393, %add3A_405 : i32
        %get3A_407 = arith.index_cast %add3A_406 : i32 to index
        %get3A_408 = tpu.vector_load %arg8[%get3A_407] {strides = array<i32>} : memref<3456xf32, #tpu.memory_space<vmem>>, vector<16xf32>,
        %get3A_409 = vector.shape_cast %get3A_408 : vector<16xf32> to vector<16xf32>
        %get3A_410 = arith.index_cast %add3A_406 : i32 to index
        %get3A_411 = tpu.vector_load %arg5[%get3A_410] {strides = array<i32>} : memref<3456xf32, #tpu.memory_space<vmem>>, vector<16xf32>,
        %get3A_412 = vector.shape_cast %get3A_411 : vector<16xf32> to vector<16xf32>
        %add3A_413 = arith.addf %get3A_409, %get3A_412 : vector<16xf32>
        %swap3A_414 = arith.index_cast %add3A_406 : i32 to index
        %swap3A_415 = tpu.vector_load %arg8[%swap3A_414] {strides = array<i32>} : memref<3456xf32, #tpu.memory_space<vmem>>, vector<16xf32>,
        %swap3A_416 = vector.shape_cast %swap3A_415 : vector<16xf32> to vector<16xf32>
        %swap3A_417 = vector.shape_cast %add3A_413 : vector<16xf32> to vector<16xf32>
        tpu.vector_store %arg8[%swap3A_414], %swap3A_417 {strides = array<i32>} : memref<3456xf32, #tpu.memory_space<vmem>>, vector<16xf32>,
        %add3A_418 = arith.constant 32 : i32
        %add3A_419 = arith.addi %mul3A_393, %add3A_418 : i32
        %get3A_420 = arith.index_cast %add3A_419 : i32 to index
        %get3A_421 = tpu.vector_load %arg8[%get3A_420] {strides = array<i32>} : memref<3456xf32, #tpu.memory_space<vmem>>, vector<16xf32>,
        %get3A_422 = vector.shape_cast %get3A_421 : vector<16xf32> to vector<16xf32>
        %get3A_423 = arith.index_cast %add3A_419 : i32 to index
        %get3A_424 = tpu.vector_load %arg5[%get3A_423] {strides = array<i32>} : memref<3456xf32, #tpu.memory_space<vmem>>, vector<16xf32>,
        %get3A_425 = vector.shape_cast %get3A_424 : vector<16xf32> to vector<16xf32>
        %add3A_426 = arith.addf %get3A_422, %get3A_425 : vector<16xf32>
        %swap3A_427 = arith.index_cast %add3A_419 : i32 to index
        %swap3A_428 = tpu.vector_load %arg8[%swap3A_427] {strides = array<i32>} : memref<3456xf32, #tpu.memory_space<vmem>>, vector<16xf32>,
        %swap3A_429 = vector.shape_cast %swap3A_428 : vector<16xf32> to vector<16xf32>
        %swap3A_430 = vector.shape_cast %add3A_426 : vector<16xf32> to vector<16xf32>
        tpu.vector_store %arg8[%swap3A_427], %swap3A_430 {strides = array<i32>} : memref<3456xf32, #tpu.memory_space<vmem>>, vector<16xf32>,
        %add3A_431 = arith.constant 48 : i32
        %add3A_432 = arith.addi %mul3A_393, %add3A_431 : i32
        %get3A_433 = arith.index_cast %add3A_432 : i32 to index
        %get3A_434 = tpu.vector_load %arg8[%get3A_433] {strides = array<i32>} : memref<3456xf32, #tpu.memory_space<vmem>>, vector<16xf32>,
        %get3A_435 = vector.shape_cast %get3A_434 : vector<16xf32> to vector<16xf32>
        %get3A_436 = arith.index_cast %add3A_432 : i32 to index
        %get3A_437 = tpu.vector_load %arg5[%get3A_436] {strides = array<i32>} : memref<3456xf32, #tpu.memory_space<vmem>>, vector<16xf32>,
        %get3A_438 = vector.shape_cast %get3A_437 : vector<16xf32> to vector<16xf32>
        %add3A_439 = arith.addf %get3A_435, %get3A_438 : vector<16xf32>
        %swap3A_440 = arith.index_cast %add3A_432 : i32 to index
        %swap3A_441 = tpu.vector_load %arg8[%swap3A_440] {strides = array<i32>} : memref<3456xf32, #tpu.memory_space<vmem>>, vector<16xf32>,
        %swap3A_442 = vector.shape_cast %swap3A_441 : vector<16xf32> to vector<16xf32>
        %swap3A_443 = vector.shape_cast %add3A_439 : vector<16xf32> to vector<16xf32>
        tpu.vector_store %arg8[%swap3A_440], %swap3A_443 {strides = array<i32>} : memref<3456xf32, #tpu.memory_space<vmem>>, vector<16xf32>,
        %add3A_444 = arith.constant 64 : i32
        %add3A_445 = arith.addi %mul3A_393, %add3A_444 : i32
        %get3A_446 = arith.index_cast %add3A_445 : i32 to index
        %get3A_447 = tpu.vector_load %arg8[%get3A_446] {strides = array<i32>} : memref<3456xf32, #tpu.memory_space<vmem>>, vector<16xf32>,
        %get3A_448 = vector.shape_cast %get3A_447 : vector<16xf32> to vector<16xf32>
        %get3A_449 = arith.index_cast %add3A_445 : i32 to index
        %get3A_450 = tpu.vector_load %arg5[%get3A_449] {strides = array<i32>} : memref<3456xf32, #tpu.memory_space<vmem>>, vector<16xf32>,
        %get3A_451 = vector.shape_cast %get3A_450 : vector<16xf32> to vector<16xf32>
        %add3A_452 = arith.addf %get3A_448, %get3A_451 : vector<16xf32>
        %swap3A_453 = arith.index_cast %add3A_445 : i32 to index
        %swap3A_454 = tpu.vector_load %arg8[%swap3A_453] {strides = array<i32>} : memref<3456xf32, #tpu.memory_space<vmem>>, vector<16xf32>,
        %swap3A_455 = vector.shape_cast %swap3A_454 : vector<16xf32> to vector<16xf32>
        %swap3A_456 = vector.shape_cast %add3A_452 : vector<16xf32> to vector<16xf32>
        tpu.vector_store %arg8[%swap3A_453], %swap3A_456 {strides = array<i32>} : memref<3456xf32, #tpu.memory_space<vmem>>, vector<16xf32>,
        %add3A_457 = arith.constant 80 : i32
        %add3A_458 = arith.addi %mul3A_393, %add3A_457 : i32
        %get3A_459 = arith.index_cast %add3A_458 : i32 to index
        %get3A_460 = tpu.vector_load %arg8[%get3A_459] {strides = array<i32>} : memref<3456xf32, #tpu.memory_space<vmem>>, vector<16xf32>,
        %get3A_461 = vector.shape_cast %get3A_460 : vector<16xf32> to vector<16xf32>
        %get3A_462 = arith.index_cast %add3A_458 : i32 to index
        %get3A_463 = tpu.vector_load %arg5[%get3A_462] {strides = array<i32>} : memref<3456xf32, #tpu.memory_space<vmem>>, vector<16xf32>,
        %get3A_464 = vector.shape_cast %get3A_463 : vector<16xf32> to vector<16xf32>
        %add3A_465 = arith.addf %get3A_461, %get3A_464 : vector<16xf32>
        %swap3A_466 = arith.index_cast %add3A_458 : i32 to index
        %swap3A_467 = tpu.vector_load %arg8[%swap3A_466] {strides = array<i32>} : memref<3456xf32, #tpu.memory_space<vmem>>, vector<16xf32>,
        %swap3A_468 = vector.shape_cast %swap3A_467 : vector<16xf32> to vector<16xf32>
        %swap3A_469 = vector.shape_cast %add3A_465 : vector<16xf32> to vector<16xf32>
        tpu.vector_store %arg8[%swap3A_466], %swap3A_469 {strides = array<i32>} : memref<3456xf32, #tpu.memory_space<vmem>>, vector<16xf32>,
        %add3A_470 = arith.constant 96 : i32
        %add3A_471 = arith.addi %mul3A_393, %add3A_470 : i32
        %get3A_472 = arith.index_cast %add3A_471 : i32 to index
        %get3A_473 = tpu.vector_load %arg8[%get3A_472] {strides = array<i32>} : memref<3456xf32, #tpu.memory_space<vmem>>, vector<16xf32>,
        %get3A_474 = vector.shape_cast %get3A_473 : vector<16xf32> to vector<16xf32>
        %get3A_475 = arith.index_cast %add3A_471 : i32 to index
        %get3A_476 = tpu.vector_load %arg5[%get3A_475] {strides = array<i32>} : memref<3456xf32, #tpu.memory_space<vmem>>, vector<16xf32>,
        %get3A_477 = vector.shape_cast %get3A_476 : vector<16xf32> to vector<16xf32>
        %add3A_478 = arith.addf %get3A_474, %get3A_477 : vector<16xf32>
        %swap3A_479 = arith.index_cast %add3A_471 : i32 to index
        %swap3A_480 = tpu.vector_load %arg8[%swap3A_479] {strides = array<i32>} : memref<3456xf32, #tpu.memory_space<vmem>>, vector<16xf32>,
        %swap3A_481 = vector.shape_cast %swap3A_480 : vector<16xf32> to vector<16xf32>
        %swap3A_482 = vector.shape_cast %add3A_478 : vector<16xf32> to vector<16xf32>
        tpu.vector_store %arg8[%swap3A_479], %swap3A_482 {strides = array<i32>} : memref<3456xf32, #tpu.memory_space<vmem>>, vector<16xf32>,
        %add3A_483 = arith.constant 112 : i32
        %add3A_484 = arith.addi %mul3A_393, %add3A_483 : i32
        %get3A_485 = arith.index_cast %add3A_484 : i32 to index
        %get3A_486 = tpu.vector_load %arg8[%get3A_485] {strides = array<i32>} : memref<3456xf32, #tpu.memory_space<vmem>>, vector<16xf32>,
        %get3A_487 = vector.shape_cast %get3A_486 : vector<16xf32> to vector<16xf32>
        %get3A_488 = arith.index_cast %add3A_484 : i32 to index
        %get3A_489 = tpu.vector_load %arg5[%get3A_488] {strides = array<i32>} : memref<3456xf32, #tpu.memory_space<vmem>>, vector<16xf32>,
        %get3A_490 = vector.shape_cast %get3A_489 : vector<16xf32> to vector<16xf32>
        %add3A_491 = arith.addf %get3A_487, %get3A_490 : vector<16xf32>
        %swap3A_492 = arith.index_cast %add3A_484 : i32 to index
        %swap3A_493 = tpu.vector_load %arg8[%swap3A_492] {strides = array<i32>} : memref<3456xf32, #tpu.memory_space<vmem>>, vector<16xf32>,
        %swap3A_494 = vector.shape_cast %swap3A_493 : vector<16xf32> to vector<16xf32>
        %swap3A_495 = vector.shape_cast %add3A_491 : vector<16xf32> to vector<16xf32>
        tpu.vector_store %arg8[%swap3A_492], %swap3A_495 {strides = array<i32>} : memref<3456xf32, #tpu.memory_space<vmem>>, vector<16xf32>,
        %add3A_496 = arith.constant 128 : i32
        %add3A_497 = arith.addi %mul3A_393, %add3A_496 : i32
        %get3A_498 = arith.index_cast %add3A_497 : i32 to index
        %get3A_499 = tpu.vector_load %arg8[%get3A_498] {strides = array<i32>} : memref<3456xf32, #tpu.memory_space<vmem>>, vector<16xf32>,
        %get3A_500 = vector.shape_cast %get3A_499 : vector<16xf32> to vector<16xf32>
        %get3A_501 = arith.index_cast %add3A_497 : i32 to index
        %get3A_502 = tpu.vector_load %arg5[%get3A_501] {strides = array<i32>} : memref<3456xf32, #tpu.memory_space<vmem>>, vector<16xf32>,
        %get3A_503 = vector.shape_cast %get3A_502 : vector<16xf32> to vector<16xf32>
        %add3A_504 = arith.addf %get3A_500, %get3A_503 : vector<16xf32>
        %swap3A_505 = arith.index_cast %add3A_497 : i32 to index
        %swap3A_506 = tpu.vector_load %arg8[%swap3A_505] {strides = array<i32>} : memref<3456xf32, #tpu.memory_space<vmem>>, vector<16xf32>,
        %swap3A_507 = vector.shape_cast %swap3A_506 : vector<16xf32> to vector<16xf32>
        %swap3A_508 = vector.shape_cast %add3A_504 : vector<16xf32> to vector<16xf32>
        tpu.vector_store %arg8[%swap3A_505], %swap3A_508 {strides = array<i32>} : memref<3456xf32, #tpu.memory_space<vmem>>, vector<16xf32>,
        %add3A_509 = arith.constant 144 : i32
        %add3A_510 = arith.addi %mul3A_393, %add3A_509 : i32
        %get3A_511 = arith.index_cast %add3A_510 : i32 to index
        %get3A_512 = tpu.vector_load %arg8[%get3A_511] {strides = array<i32>} : memref<3456xf32, #tpu.memory_space<vmem>>, vector<16xf32>,
        %get3A_513 = vector.shape_cast %get3A_512 : vector<16xf32> to vector<16xf32>
        %get3A_514 = arith.index_cast %add3A_510 : i32 to index
        %get3A_515 = tpu.vector_load %arg5[%get3A_514] {strides = array<i32>} : memref<3456xf32, #tpu.memory_space<vmem>>, vector<16xf32>,
        %get3A_516 = vector.shape_cast %get3A_515 : vector<16xf32> to vector<16xf32>
        %add3A_517 = arith.addf %get3A_513, %get3A_516 : vector<16xf32>
        %swap3A_518 = arith.index_cast %add3A_510 : i32 to index
        %swap3A_519 = tpu.vector_load %arg8[%swap3A_518] {strides = array<i32>} : memref<3456xf32, #tpu.memory_space<vmem>>, vector<16xf32>,
        %swap3A_520 = vector.shape_cast %swap3A_519 : vector<16xf32> to vector<16xf32>
        %swap3A_521 = vector.shape_cast %add3A_517 : vector<16xf32> to vector<16xf32>
        tpu.vector_store %arg8[%swap3A_518], %swap3A_521 {strides = array<i32>} : memref<3456xf32, #tpu.memory_space<vmem>>, vector<16xf32>,
        %add3A_522 = arith.constant 160 : i32
        %add3A_523 = arith.addi %mul3A_393, %add3A_522 : i32
        %get3A_524 = arith.index_cast %add3A_523 : i32 to index
        %get3A_525 = tpu.vector_load %arg8[%get3A_524] {strides = array<i32>} : memref<3456xf32, #tpu.memory_space<vmem>>, vector<16xf32>,
        %get3A_526 = vector.shape_cast %get3A_525 : vector<16xf32> to vector<16xf32>
        %get3A_527 = arith.index_cast %add3A_523 : i32 to index
        %get3A_528 = tpu.vector_load %arg5[%get3A_527] {strides = array<i32>} : memref<3456xf32, #tpu.memory_space<vmem>>, vector<16xf32>,
        %get3A_529 = vector.shape_cast %get3A_528 : vector<16xf32> to vector<16xf32>
        %add3A_530 = arith.addf %get3A_526, %get3A_529 : vector<16xf32>
        %swap3A_531 = arith.index_cast %add3A_523 : i32 to index
        %swap3A_532 = tpu.vector_load %arg8[%swap3A_531] {strides = array<i32>} : memref<3456xf32, #tpu.memory_space<vmem>>, vector<16xf32>,
        %swap3A_533 = vector.shape_cast %swap3A_532 : vector<16xf32> to vector<16xf32>
        %swap3A_534 = vector.shape_cast %add3A_530 : vector<16xf32> to vector<16xf32>
        tpu.vector_store %arg8[%swap3A_531], %swap3A_534 {strides = array<i32>} : memref<3456xf32, #tpu.memory_space<vmem>>, vector<16xf32>,
        %add3A_535 = arith.constant 176 : i32
        %add3A_536 = arith.addi %mul3A_393, %add3A_535 : i32
        %get3A_537 = arith.index_cast %add3A_536 : i32 to index
        %get3A_538 = tpu.vector_load %arg8[%get3A_537] {strides = array<i32>} : memref<3456xf32, #tpu.memory_space<vmem>>, vector<16xf32>,
        %get3A_539 = vector.shape_cast %get3A_538 : vector<16xf32> to vector<16xf32>
        %get3A_540 = arith.index_cast %add3A_536 : i32 to index
        %get3A_541 = tpu.vector_load %arg5[%get3A_540] {strides = array<i32>} : memref<3456xf32, #tpu.memory_space<vmem>>, vector<16xf32>,
        %get3A_542 = vector.shape_cast %get3A_541 : vector<16xf32> to vector<16xf32>
        %add3A_543 = arith.addf %get3A_539, %get3A_542 : vector<16xf32>
        %swap3A_544 = arith.index_cast %add3A_536 : i32 to index
        %swap3A_545 = tpu.vector_load %arg8[%swap3A_544] {strides = array<i32>} : memref<3456xf32, #tpu.memory_space<vmem>>, vector<16xf32>,
        %swap3A_546 = vector.shape_cast %swap3A_545 : vector<16xf32> to vector<16xf32>
        %swap3A_547 = vector.shape_cast %add3A_543 : vector<16xf32> to vector<16xf32>
        tpu.vector_store %arg8[%swap3A_544], %swap3A_547 {strides = array<i32>} : memref<3456xf32, #tpu.memory_space<vmem>>, vector<16xf32>,
        %add3A_548 = arith.constant 192 : i32
        %add3A_549 = arith.addi %mul3A_393, %add3A_548 : i32
        %get3A_550 = arith.index_cast %add3A_549 : i32 to index
        %get3A_551 = tpu.vector_load %arg8[%get3A_550] {strides = array<i32>} : memref<3456xf32, #tpu.memory_space<vmem>>, vector<16xf32>,
        %get3A_552 = vector.shape_cast %get3A_551 : vector<16xf32> to vector<16xf32>
        %get3A_553 = arith.index_cast %add3A_549 : i32 to index
        %get3A_554 = tpu.vector_load %arg5[%get3A_553] {strides = array<i32>} : memref<3456xf32, #tpu.memory_space<vmem>>, vector<16xf32>,
        %get3A_555 = vector.shape_cast %get3A_554 : vector<16xf32> to vector<16xf32>
        %add3A_556 = arith.addf %get3A_552, %get3A_555 : vector<16xf32>
        %swap3A_557 = arith.index_cast %add3A_549 : i32 to index
        %swap3A_558 = tpu.vector_load %arg8[%swap3A_557] {strides = array<i32>} : memref<3456xf32, #tpu.memory_space<vmem>>, vector<16xf32>,
        %swap3A_559 = vector.shape_cast %swap3A_558 : vector<16xf32> to vector<16xf32>
        %swap3A_560 = vector.shape_cast %add3A_556 : vector<16xf32> to vector<16xf32>
        tpu.vector_store %arg8[%swap3A_557], %swap3A_560 {strides = array<i32>} : memref<3456xf32, #tpu.memory_space<vmem>>, vector<16xf32>,
        %add3A_561 = arith.constant 208 : i32
        %add3A_562 = arith.addi %mul3A_393, %add3A_561 : i32
        %get3A_563 = arith.index_cast %add3A_562 : i32 to index
        %get3A_564 = tpu.vector_load %arg8[%get3A_563] {strides = array<i32>} : memref<3456xf32, #tpu.memory_space<vmem>>, vector<16xf32>,
        %get3A_565 = vector.shape_cast %get3A_564 : vector<16xf32> to vector<16xf32>
        %get3A_566 = arith.index_cast %add3A_562 : i32 to index
        %get3A_567 = tpu.vector_load %arg5[%get3A_566] {strides = array<i32>} : memref<3456xf32, #tpu.memory_space<vmem>>, vector<16xf32>,
        %get3A_568 = vector.shape_cast %get3A_567 : vector<16xf32> to vector<16xf32>
        %add3A_569 = arith.addf %get3A_565, %get3A_568 : vector<16xf32>
        %swap3A_570 = arith.index_cast %add3A_562 : i32 to index
        %swap3A_571 = tpu.vector_load %arg8[%swap3A_570] {strides = array<i32>} : memref<3456xf32, #tpu.memory_space<vmem>>, vector<16xf32>,
        %swap3A_572 = vector.shape_cast %swap3A_571 : vector<16xf32> to vector<16xf32>
        %swap3A_573 = vector.shape_cast %add3A_569 : vector<16xf32> to vector<16xf32>
        tpu.vector_store %arg8[%swap3A_570], %swap3A_573 {strides = array<i32>} : memref<3456xf32, #tpu.memory_space<vmem>>, vector<16xf32>,
        %add3A_574 = arith.constant 224 : i32
        %add3A_575 = arith.addi %mul3A_393, %add3A_574 : i32
        %get3A_576 = arith.index_cast %add3A_575 : i32 to index
        %get3A_577 = tpu.vector_load %arg8[%get3A_576] {strides = array<i32>} : memref<3456xf32, #tpu.memory_space<vmem>>, vector<16xf32>,
        %get3A_578 = vector.shape_cast %get3A_577 : vector<16xf32> to vector<16xf32>
        %get3A_579 = arith.index_cast %add3A_575 : i32 to index
        %get3A_580 = tpu.vector_load %arg5[%get3A_579] {strides = array<i32>} : memref<3456xf32, #tpu.memory_space<vmem>>, vector<16xf32>,
        %get3A_581 = vector.shape_cast %get3A_580 : vector<16xf32> to vector<16xf32>
        %add3A_582 = arith.addf %get3A_578, %get3A_581 : vector<16xf32>
        %swap3A_583 = arith.index_cast %add3A_575 : i32 to index
        %swap3A_584 = tpu.vector_load %arg8[%swap3A_583] {strides = array<i32>} : memref<3456xf32, #tpu.memory_space<vmem>>, vector<16xf32>,
        %swap3A_585 = vector.shape_cast %swap3A_584 : vector<16xf32> to vector<16xf32>
        %swap3A_586 = vector.shape_cast %add3A_582 : vector<16xf32> to vector<16xf32>
        tpu.vector_store %arg8[%swap3A_583], %swap3A_586 {strides = array<i32>} : memref<3456xf32, #tpu.memory_space<vmem>>, vector<16xf32>,
        %add3A_587 = arith.constant 240 : i32
        %add3A_588 = arith.addi %mul3A_393, %add3A_587 : i32
        %get3A_589 = arith.index_cast %add3A_588 : i32 to index
        %get3A_590 = tpu.vector_load %arg8[%get3A_589] {strides = array<i32>} : memref<3456xf32, #tpu.memory_space<vmem>>, vector<16xf32>,
        %get3A_591 = vector.shape_cast %get3A_590 : vector<16xf32> to vector<16xf32>
        %get3A_592 = arith.index_cast %add3A_588 : i32 to index
        %get3A_593 = tpu.vector_load %arg5[%get3A_592] {strides = array<i32>} : memref<3456xf32, #tpu.memory_space<vmem>>, vector<16xf32>,
        %get3A_594 = vector.shape_cast %get3A_593 : vector<16xf32> to vector<16xf32>
        %add3A_595 = arith.addf %get3A_591, %get3A_594 : vector<16xf32>
        %swap3A_596 = arith.index_cast %add3A_588 : i32 to index
        %swap3A_597 = tpu.vector_load %arg8[%swap3A_596] {strides = array<i32>} : memref<3456xf32, #tpu.memory_space<vmem>>, vector<16xf32>,
        %swap3A_598 = vector.shape_cast %swap3A_597 : vector<16xf32> to vector<16xf32>
        %swap3A_599 = vector.shape_cast %add3A_595 : vector<16xf32> to vector<16xf32>
        tpu.vector_store %arg8[%swap3A_596], %swap3A_599 {strides = array<i32>} : memref<3456xf32, #tpu.memory_space<vmem>>, vector<16xf32>,
        %add3A_600 = arith.constant 256 : i32
        %add3A_601 = arith.addi %mul3A_393, %add3A_600 : i32
        %get3A_602 = arith.index_cast %add3A_601 : i32 to index
        %get3A_603 = tpu.vector_load %arg8[%get3A_602] {strides = array<i32>} : memref<3456xf32, #tpu.memory_space<vmem>>, vector<16xf32>,
        %get3A_604 = vector.shape_cast %get3A_603 : vector<16xf32> to vector<16xf32>
        %get3A_605 = arith.index_cast %add3A_601 : i32 to index
        %get3A_606 = tpu.vector_load %arg5[%get3A_605] {strides = array<i32>} : memref<3456xf32, #tpu.memory_space<vmem>>, vector<16xf32>,
        %get3A_607 = vector.shape_cast %get3A_606 : vector<16xf32> to vector<16xf32>
        %add3A_608 = arith.addf %get3A_604, %get3A_607 : vector<16xf32>
        %swap3A_609 = arith.index_cast %add3A_601 : i32 to index
        %swap3A_610 = tpu.vector_load %arg8[%swap3A_609] {strides = array<i32>} : memref<3456xf32, #tpu.memory_space<vmem>>, vector<16xf32>,
        %swap3A_611 = vector.shape_cast %swap3A_610 : vector<16xf32> to vector<16xf32>
        %swap3A_612 = vector.shape_cast %add3A_608 : vector<16xf32> to vector<16xf32>
        tpu.vector_store %arg8[%swap3A_609], %swap3A_612 {strides = array<i32>} : memref<3456xf32, #tpu.memory_space<vmem>>, vector<16xf32>,
        %add3A_613 = arith.constant 272 : i32
        %add3A_614 = arith.addi %mul3A_393, %add3A_613 : i32
        %get3A_615 = arith.index_cast %add3A_614 : i32 to index
        %get3A_616 = tpu.vector_load %arg8[%get3A_615] {strides = array<i32>} : memref<3456xf32, #tpu.memory_space<vmem>>, vector<16xf32>,
        %get3A_617 = vector.shape_cast %get3A_616 : vector<16xf32> to vector<16xf32>
        %get3A_618 = arith.index_cast %add3A_614 : i32 to index
        %get3A_619 = tpu.vector_load %arg5[%get3A_618] {strides = array<i32>} : memref<3456xf32, #tpu.memory_space<vmem>>, vector<16xf32>,
        %get3A_620 = vector.shape_cast %get3A_619 : vector<16xf32> to vector<16xf32>
        %add3A_621 = arith.addf %get3A_617, %get3A_620 : vector<16xf32>
        %swap3A_622 = arith.index_cast %add3A_614 : i32 to index
        %swap3A_623 = tpu.vector_load %arg8[%swap3A_622] {strides = array<i32>} : memref<3456xf32, #tpu.memory_space<vmem>>, vector<16xf32>,
        %swap3A_624 = vector.shape_cast %swap3A_623 : vector<16xf32> to vector<16xf32>
        %swap3A_625 = vector.shape_cast %add3A_621 : vector<16xf32> to vector<16xf32>
        tpu.vector_store %arg8[%swap3A_622], %swap3A_625 {strides = array<i32>} : memref<3456xf32, #tpu.memory_space<vmem>>, vector<16xf32>,
        %add3A_626 = arith.constant 288 : i32
        %add3A_627 = arith.addi %mul3A_393, %add3A_626 : i32
        %get3A_628 = arith.index_cast %add3A_627 : i32 to index
        %get3A_629 = tpu.vector_load %arg8[%get3A_628] {strides = array<i32>} : memref<3456xf32, #tpu.memory_space<vmem>>, vector<16xf32>,
        %get3A_630 = vector.shape_cast %get3A_629 : vector<16xf32> to vector<16xf32>
        %get3A_631 = arith.index_cast %add3A_627 : i32 to index
        %get3A_632 = tpu.vector_load %arg5[%get3A_631] {strides = array<i32>} : memref<3456xf32, #tpu.memory_space<vmem>>, vector<16xf32>,
        %get3A_633 = vector.shape_cast %get3A_632 : vector<16xf32> to vector<16xf32>
        %add3A_634 = arith.addf %get3A_630, %get3A_633 : vector<16xf32>
        %swap3A_635 = arith.index_cast %add3A_627 : i32 to index
        %swap3A_636 = tpu.vector_load %arg8[%swap3A_635] {strides = array<i32>} : memref<3456xf32, #tpu.memory_space<vmem>>, vector<16xf32>,
        %swap3A_637 = vector.shape_cast %swap3A_636 : vector<16xf32> to vector<16xf32>
        %swap3A_638 = vector.shape_cast %add3A_634 : vector<16xf32> to vector<16xf32>
        tpu.vector_store %arg8[%swap3A_635], %swap3A_638 {strides = array<i32>} : memref<3456xf32, #tpu.memory_space<vmem>>, vector<16xf32>,
        %add3A_639 = arith.constant 304 : i32
        %add3A_640 = arith.addi %mul3A_393, %add3A_639 : i32
        %get3A_641 = arith.index_cast %add3A_640 : i32 to index
        %get3A_642 = tpu.vector_load %arg8[%get3A_641] {strides = array<i32>} : memref<3456xf32, #tpu.memory_space<vmem>>, vector<16xf32>,
        %get3A_643 = vector.shape_cast %get3A_642 : vector<16xf32> to vector<16xf32>
        %get3A_644 = arith.index_cast %add3A_640 : i32 to index
        %get3A_645 = tpu.vector_load %arg5[%get3A_644] {strides = array<i32>} : memref<3456xf32, #tpu.memory_space<vmem>>, vector<16xf32>,
        %get3A_646 = vector.shape_cast %get3A_645 : vector<16xf32> to vector<16xf32>
        %add3A_647 = arith.addf %get3A_643, %get3A_646 : vector<16xf32>
        %swap3A_648 = arith.index_cast %add3A_640 : i32 to index
        %swap3A_649 = tpu.vector_load %arg8[%swap3A_648] {strides = array<i32>} : memref<3456xf32, #tpu.memory_space<vmem>>, vector<16xf32>,
        %swap3A_650 = vector.shape_cast %swap3A_649 : vector<16xf32> to vector<16xf32>
        %swap3A_651 = vector.shape_cast %add3A_647 : vector<16xf32> to vector<16xf32>
        tpu.vector_store %arg8[%swap3A_648], %swap3A_651 {strides = array<i32>} : memref<3456xf32, #tpu.memory_space<vmem>>, vector<16xf32>,
        %add3A_652 = arith.constant 320 : i32
        %add3A_653 = arith.addi %mul3A_393, %add3A_652 : i32
        %get3A_654 = arith.index_cast %add3A_653 : i32 to index
        %get3A_655 = tpu.vector_load %arg8[%get3A_654] {strides = array<i32>} : memref<3456xf32, #tpu.memory_space<vmem>>, vector<16xf32>,
        %get3A_656 = vector.shape_cast %get3A_655 : vector<16xf32> to vector<16xf32>
        %get3A_657 = arith.index_cast %add3A_653 : i32 to index
        %get3A_658 = tpu.vector_load %arg5[%get3A_657] {strides = array<i32>} : memref<3456xf32, #tpu.memory_space<vmem>>, vector<16xf32>,
        %get3A_659 = vector.shape_cast %get3A_658 : vector<16xf32> to vector<16xf32>
        %add3A_660 = arith.addf %get3A_656, %get3A_659 : vector<16xf32>
        %swap3A_661 = arith.index_cast %add3A_653 : i32 to index
        %swap3A_662 = tpu.vector_load %arg8[%swap3A_661] {strides = array<i32>} : memref<3456xf32, #tpu.memory_space<vmem>>, vector<16xf32>,
        %swap3A_663 = vector.shape_cast %swap3A_662 : vector<16xf32> to vector<16xf32>
        %swap3A_664 = vector.shape_cast %add3A_660 : vector<16xf32> to vector<16xf32>
        tpu.vector_store %arg8[%swap3A_661], %swap3A_664 {strides = array<i32>} : memref<3456xf32, #tpu.memory_space<vmem>>, vector<16xf32>,
        %add3A_665 = arith.constant 336 : i32
        %add3A_666 = arith.addi %mul3A_393, %add3A_665 : i32
        %get3A_667 = arith.index_cast %add3A_666 : i32 to index
        %get3A_668 = tpu.vector_load %arg8[%get3A_667] {strides = array<i32>} : memref<3456xf32, #tpu.memory_space<vmem>>, vector<16xf32>,
        %get3A_669 = vector.shape_cast %get3A_668 : vector<16xf32> to vector<16xf32>
        %get3A_670 = arith.index_cast %add3A_666 : i32 to index
        %get3A_671 = tpu.vector_load %arg5[%get3A_670] {strides = array<i32>} : memref<3456xf32, #tpu.memory_space<vmem>>, vector<16xf32>,
        %get3A_672 = vector.shape_cast %get3A_671 : vector<16xf32> to vector<16xf32>
        %add3A_673 = arith.addf %get3A_669, %get3A_672 : vector<16xf32>
        %swap3A_674 = arith.index_cast %add3A_666 : i32 to index
        %swap3A_675 = tpu.vector_load %arg8[%swap3A_674] {strides = array<i32>} : memref<3456xf32, #tpu.memory_space<vmem>>, vector<16xf32>,
        %swap3A_676 = vector.shape_cast %swap3A_675 : vector<16xf32> to vector<16xf32>
        %swap3A_677 = vector.shape_cast %add3A_673 : vector<16xf32> to vector<16xf32>
        tpu.vector_store %arg8[%swap3A_674], %swap3A_677 {strides = array<i32>} : memref<3456xf32, #tpu.memory_space<vmem>>, vector<16xf32>,
        %add3A_678 = arith.constant 352 : i32
        %add3A_679 = arith.addi %mul3A_393, %add3A_678 : i32
        %get3A_680 = arith.index_cast %add3A_679 : i32 to index
        %get3A_681 = tpu.vector_load %arg8[%get3A_680] {strides = array<i32>} : memref<3456xf32, #tpu.memory_space<vmem>>, vector<16xf32>,
        %get3A_682 = vector.shape_cast %get3A_681 : vector<16xf32> to vector<16xf32>
        %get3A_683 = arith.index_cast %add3A_679 : i32 to index
        %get3A_684 = tpu.vector_load %arg5[%get3A_683] {strides = array<i32>} : memref<3456xf32, #tpu.memory_space<vmem>>, vector<16xf32>,
        %get3A_685 = vector.shape_cast %get3A_684 : vector<16xf32> to vector<16xf32>
        %add3A_686 = arith.addf %get3A_682, %get3A_685 : vector<16xf32>
        %swap3A_687 = arith.index_cast %add3A_679 : i32 to index
        %swap3A_688 = tpu.vector_load %arg8[%swap3A_687] {strides = array<i32>} : memref<3456xf32, #tpu.memory_space<vmem>>, vector<16xf32>,
        %swap3A_689 = vector.shape_cast %swap3A_688 : vector<16xf32> to vector<16xf32>
        %swap3A_690 = vector.shape_cast %add3A_686 : vector<16xf32> to vector<16xf32>
        tpu.vector_store %arg8[%swap3A_687], %swap3A_690 {strides = array<i32>} : memref<3456xf32, #tpu.memory_space<vmem>>, vector<16xf32>,
        %add3A_691 = arith.constant 368 : i32
        %add3A_692 = arith.addi %mul3A_393, %add3A_691 : i32
        %get3A_693 = arith.index_cast %add3A_692 : i32 to index
        %get3A_694 = tpu.vector_load %arg8[%get3A_693] {strides = array<i32>} : memref<3456xf32, #tpu.memory_space<vmem>>, vector<16xf32>,
        %get3A_695 = vector.shape_cast %get3A_694 : vector<16xf32> to vector<16xf32>
        %get3A_696 = arith.index_cast %add3A_692 : i32 to index
        %get3A_697 = tpu.vector_load %arg5[%get3A_696] {strides = array<i32>} : memref<3456xf32, #tpu.memory_space<vmem>>, vector<16xf32>,
        %get3A_698 = vector.shape_cast %get3A_697 : vector<16xf32> to vector<16xf32>
        %add3A_699 = arith.addf %get3A_695, %get3A_698 : vector<16xf32>
        %swap3A_700 = arith.index_cast %add3A_692 : i32 to index
        %swap3A_701 = tpu.vector_load %arg8[%swap3A_700] {strides = array<i32>} : memref<3456xf32, #tpu.memory_space<vmem>>, vector<16xf32>,
        %swap3A_702 = vector.shape_cast %swap3A_701 : vector<16xf32> to vector<16xf32>
        %swap3A_703 = vector.shape_cast %add3A_699 : vector<16xf32> to vector<16xf32>
        tpu.vector_store %arg8[%swap3A_700], %swap3A_703 {strides = array<i32>} : memref<3456xf32, #tpu.memory_space<vmem>>, vector<16xf32>,
        %scan3A_704 = arith.constant 0 : i32
        scf.yield %scan3A_704 : i32
      }
      %scan3A_186 = arith.constant 9 : i32
      %mul3A_187 = arith.constant 32 : i32
      %mul3A_188 = arith.muli %add3A_158, %mul3A_187 : i32
      %add3A_189 = arith.addi %mul3A_188, %add3A : i32
      %mul3A_190 = arith.constant 3456 : i32
      %mul3A_191 = arith.muli %add3A_189, %mul3A_190 : i32
      %dma_start3A_192 = tpu.memref_slice %arg4[%mul3A_191] : memref<14155776xf32, #tpu.memory_space<hbm>> -> memref<3456xf32, #tpu.memory_space<hbm>>
      %dma_start3A_193 = tpu.memref_slice %arg4[%mul3A_191] : memref<14155776xf32, #tpu.memory_space<hbm>> -> memref<3456xf32, #tpu.memory_space<hbm>>
      tpu.enqueue_dma source(%arg8 : memref<3456xf32, #tpu.memory_space<vmem>>) target(%dma_start3A_193 : memref<3456xf32, #tpu.memory_space<hbm>>) target_semaphore(%arg24 : memref<!tpu.dma_semaphore, #tpu.memory_space<semaphore_mem>>)
      %mul3A_194 = arith.constant 8 : i32
      %mul3A_195 = arith.muli %scan3A_81, %mul3A_194 : i32
      %add3A_196 = arith.constant 3 : i32
      %add3A_197 = arith.addi %mul3A_195, %add3A_196 : i32
      %add3A_198 = arith.constant 8 : i32
      %add3A_199 = arith.addi %add3A_197, %add3A_198 : i32
      %sub3A_200 = arith.constant 1 : i32
      %sub3A_201 = arith.subi %add3A_199, %sub3A_200 : i32
      %ge3A_202 = arith.constant 1 : i32
      %ge3A_203 = arith.cmpi sge, %add3A_197, %ge3A_202 : i32
      %lt3A_204 = arith.constant 128 : i32
      %lt3A_205 = arith.cmpi slt, %sub3A_201, %lt3A_204 : i32
      %and3A_206 = arith.andi %ge3A_203, %lt3A_205 : i1
      %convert_element_type3A_207 = arith.extui %and3A_206 : i1 to i32
      %cond3A_208 = arith.constant 0 : i32
      %cond3A_209 = arith.cmpi ne, %convert_element_type3A_207, %cond3A_208 : i32
      scf.if %cond3A_209 {
        %dma_wait3A_390 = arith.constant 0 : i32
        %dma_wait3A_391 = tpu.memref_slice %arg4[%dma_wait3A_390] : memref<14155776xf32, #tpu.memory_space<hbm>> -> memref<3456xf32, #tpu.memory_space<hbm>>
        %dma_wait3A_392 = arith.constant 0 : i32
        %dma_wait3A_393 = tpu.memref_slice %arg4[%dma_wait3A_392] : memref<14155776xf32, #tpu.memory_space<hbm>> -> memref<3456xf32, #tpu.memory_space<hbm>>
        tpu.wait_dma2 semaphore(%arg24 : memref<!tpu.dma_semaphore, #tpu.memory_space<semaphore_mem>>) src(%arg8 : memref<3456xf32, #tpu.memory_space<vmem>>) dst(%dma_wait3A_393 : memref<3456xf32, #tpu.memory_space<hbm>>)
      } else {
      }
      %lt3A_210 = arith.constant 128 : i32
      %lt3A_211 = arith.cmpi slt, %sub3A_201, %lt3A_210 : i32
      %convert_element_type3A_212 = arith.extui %lt3A_211 : i1 to i32
      %cond3A_213 = arith.constant 0 : i32
      %cond3A_214 = arith.cmpi ne, %convert_element_type3A_212, %cond3A_213 : i32
      scf.if %cond3A_214 {
        %mul3A_390 = arith.constant 32 : i32
        %mul3A_391 = arith.muli %sub3A_201, %mul3A_390 : i32
        %add3A_392 = arith.addi %mul3A_391, %add3A : i32
        %mul3A_393 = arith.constant 3456 : i32
        %mul3A_394 = arith.muli %add3A_392, %mul3A_393 : i32
        %dma_start3A_395 = tpu.memref_slice %arg2[%mul3A_394] : memref<14155776xf32, #tpu.memory_space<hbm>> -> memref<3456xf32, #tpu.memory_space<hbm>>
        %dma_start3A_396 = tpu.memref_slice %arg2[%mul3A_394] : memref<14155776xf32, #tpu.memory_space<hbm>> -> memref<3456xf32, #tpu.memory_space<hbm>>
        tpu.enqueue_dma source(%dma_start3A_396 : memref<3456xf32, #tpu.memory_space<hbm>>) target(%arg8 : memref<3456xf32, #tpu.memory_space<vmem>>) target_semaphore(%arg16 : memref<!tpu.dma_semaphore, #tpu.memory_space<semaphore_mem>>)
      } else {
      }
      %dma_wait3A_215 = arith.constant 0 : i32
      %dma_wait3A_216 = tpu.memref_slice %arg2[%dma_wait3A_215] : memref<14155776xf32, #tpu.memory_space<hbm>> -> memref<3456xf32, #tpu.memory_space<hbm>>
      %dma_wait3A_217 = arith.constant 0 : i32
      %dma_wait3A_218 = tpu.memref_slice %arg2[%dma_wait3A_217] : memref<14155776xf32, #tpu.memory_space<hbm>> -> memref<3456xf32, #tpu.memory_space<hbm>>
      tpu.wait_dma2 semaphore(%arg17 : memref<!tpu.dma_semaphore, #tpu.memory_space<semaphore_mem>>) src(%dma_wait3A_218 : memref<3456xf32, #tpu.memory_space<hbm>>) dst(%arg9 : memref<3456xf32, #tpu.memory_space<vmem>>)
      %scan3A_219 = arith.constant 0 : i32
      %scan3A_220 = arith.constant 0 : i32
      %scan3A_221 = arith.constant 9 : i32
      %scan3A_222 = arith.addi %scan3A_220, %scan3A_221 : i32
      %scan3A_223 = arith.constant 1 : i32
      %scan3A_224 = scf.for %scan3A_390 = %scan3A_220 to %scan3A_222 step %scan3A_223 iter_args(%scan3A_391 = %scan3A_219) -> (i32)  : i32 {
        %mul3A_392 = arith.constant 384 : i32
        %mul3A_393 = arith.muli %scan3A_390, %mul3A_392 : i32
        %add3A_394 = arith.constant 0 : i32
        %add3A_395 = arith.addi %mul3A_393, %add3A_394 : i32
        %get3A = arith.index_cast %add3A_395 : i32 to index
        %get3A_396 = tpu.vector_load %arg9[%get3A] {strides = array<i32>} : memref<3456xf32, #tpu.memory_space<vmem>>, vector<16xf32>,
        %get3A_397 = vector.shape_cast %get3A_396 : vector<16xf32> to vector<16xf32>
        %get3A_398 = arith.index_cast %add3A_395 : i32 to index
        %get3A_399 = tpu.vector_load %arg5[%get3A_398] {strides = array<i32>} : memref<3456xf32, #tpu.memory_space<vmem>>, vector<16xf32>,
        %get3A_400 = vector.shape_cast %get3A_399 : vector<16xf32> to vector<16xf32>
        %add3A_401 = arith.addf %get3A_397, %get3A_400 : vector<16xf32>
        %swap3A = arith.index_cast %add3A_395 : i32 to index
        %swap3A_402 = tpu.vector_load %arg9[%swap3A] {strides = array<i32>} : memref<3456xf32, #tpu.memory_space<vmem>>, vector<16xf32>,
        %swap3A_403 = vector.shape_cast %swap3A_402 : vector<16xf32> to vector<16xf32>
        %swap3A_404 = vector.shape_cast %add3A_401 : vector<16xf32> to vector<16xf32>
        tpu.vector_store %arg9[%swap3A], %swap3A_404 {strides = array<i32>} : memref<3456xf32, #tpu.memory_space<vmem>>, vector<16xf32>,
        %add3A_405 = arith.constant 16 : i32
        %add3A_406 = arith.addi %mul3A_393, %add3A_405 : i32
        %get3A_407 = arith.index_cast %add3A_406 : i32 to index
        %get3A_408 = tpu.vector_load %arg9[%get3A_407] {strides = array<i32>} : memref<3456xf32, #tpu.memory_space<vmem>>, vector<16xf32>,
        %get3A_409 = vector.shape_cast %get3A_408 : vector<16xf32> to vector<16xf32>
        %get3A_410 = arith.index_cast %add3A_406 : i32 to index
        %get3A_411 = tpu.vector_load %arg5[%get3A_410] {strides = array<i32>} : memref<3456xf32, #tpu.memory_space<vmem>>, vector<16xf32>,
        %get3A_412 = vector.shape_cast %get3A_411 : vector<16xf32> to vector<16xf32>
        %add3A_413 = arith.addf %get3A_409, %get3A_412 : vector<16xf32>
        %swap3A_414 = arith.index_cast %add3A_406 : i32 to index
        %swap3A_415 = tpu.vector_load %arg9[%swap3A_414] {strides = array<i32>} : memref<3456xf32, #tpu.memory_space<vmem>>, vector<16xf32>,
        %swap3A_416 = vector.shape_cast %swap3A_415 : vector<16xf32> to vector<16xf32>
        %swap3A_417 = vector.shape_cast %add3A_413 : vector<16xf32> to vector<16xf32>
        tpu.vector_store %arg9[%swap3A_414], %swap3A_417 {strides = array<i32>} : memref<3456xf32, #tpu.memory_space<vmem>>, vector<16xf32>,
        %add3A_418 = arith.constant 32 : i32
        %add3A_419 = arith.addi %mul3A_393, %add3A_418 : i32
        %get3A_420 = arith.index_cast %add3A_419 : i32 to index
        %get3A_421 = tpu.vector_load %arg9[%get3A_420] {strides = array<i32>} : memref<3456xf32, #tpu.memory_space<vmem>>, vector<16xf32>,
        %get3A_422 = vector.shape_cast %get3A_421 : vector<16xf32> to vector<16xf32>
        %get3A_423 = arith.index_cast %add3A_419 : i32 to index
        %get3A_424 = tpu.vector_load %arg5[%get3A_423] {strides = array<i32>} : memref<3456xf32, #tpu.memory_space<vmem>>, vector<16xf32>,
        %get3A_425 = vector.shape_cast %get3A_424 : vector<16xf32> to vector<16xf32>
        %add3A_426 = arith.addf %get3A_422, %get3A_425 : vector<16xf32>
        %swap3A_427 = arith.index_cast %add3A_419 : i32 to index
        %swap3A_428 = tpu.vector_load %arg9[%swap3A_427] {strides = array<i32>} : memref<3456xf32, #tpu.memory_space<vmem>>, vector<16xf32>,
        %swap3A_429 = vector.shape_cast %swap3A_428 : vector<16xf32> to vector<16xf32>
        %swap3A_430 = vector.shape_cast %add3A_426 : vector<16xf32> to vector<16xf32>
        tpu.vector_store %arg9[%swap3A_427], %swap3A_430 {strides = array<i32>} : memref<3456xf32, #tpu.memory_space<vmem>>, vector<16xf32>,
        %add3A_431 = arith.constant 48 : i32
        %add3A_432 = arith.addi %mul3A_393, %add3A_431 : i32
        %get3A_433 = arith.index_cast %add3A_432 : i32 to index
        %get3A_434 = tpu.vector_load %arg9[%get3A_433] {strides = array<i32>} : memref<3456xf32, #tpu.memory_space<vmem>>, vector<16xf32>,
        %get3A_435 = vector.shape_cast %get3A_434 : vector<16xf32> to vector<16xf32>
        %get3A_436 = arith.index_cast %add3A_432 : i32 to index
        %get3A_437 = tpu.vector_load %arg5[%get3A_436] {strides = array<i32>} : memref<3456xf32, #tpu.memory_space<vmem>>, vector<16xf32>,
        %get3A_438 = vector.shape_cast %get3A_437 : vector<16xf32> to vector<16xf32>
        %add3A_439 = arith.addf %get3A_435, %get3A_438 : vector<16xf32>
        %swap3A_440 = arith.index_cast %add3A_432 : i32 to index
        %swap3A_441 = tpu.vector_load %arg9[%swap3A_440] {strides = array<i32>} : memref<3456xf32, #tpu.memory_space<vmem>>, vector<16xf32>,
        %swap3A_442 = vector.shape_cast %swap3A_441 : vector<16xf32> to vector<16xf32>
        %swap3A_443 = vector.shape_cast %add3A_439 : vector<16xf32> to vector<16xf32>
        tpu.vector_store %arg9[%swap3A_440], %swap3A_443 {strides = array<i32>} : memref<3456xf32, #tpu.memory_space<vmem>>, vector<16xf32>,
        %add3A_444 = arith.constant 64 : i32
        %add3A_445 = arith.addi %mul3A_393, %add3A_444 : i32
        %get3A_446 = arith.index_cast %add3A_445 : i32 to index
        %get3A_447 = tpu.vector_load %arg9[%get3A_446] {strides = array<i32>} : memref<3456xf32, #tpu.memory_space<vmem>>, vector<16xf32>,
        %get3A_448 = vector.shape_cast %get3A_447 : vector<16xf32> to vector<16xf32>
        %get3A_449 = arith.index_cast %add3A_445 : i32 to index
        %get3A_450 = tpu.vector_load %arg5[%get3A_449] {strides = array<i32>} : memref<3456xf32, #tpu.memory_space<vmem>>, vector<16xf32>,
        %get3A_451 = vector.shape_cast %get3A_450 : vector<16xf32> to vector<16xf32>
        %add3A_452 = arith.addf %get3A_448, %get3A_451 : vector<16xf32>
        %swap3A_453 = arith.index_cast %add3A_445 : i32 to index
        %swap3A_454 = tpu.vector_load %arg9[%swap3A_453] {strides = array<i32>} : memref<3456xf32, #tpu.memory_space<vmem>>, vector<16xf32>,
        %swap3A_455 = vector.shape_cast %swap3A_454 : vector<16xf32> to vector<16xf32>
        %swap3A_456 = vector.shape_cast %add3A_452 : vector<16xf32> to vector<16xf32>
        tpu.vector_store %arg9[%swap3A_453], %swap3A_456 {strides = array<i32>} : memref<3456xf32, #tpu.memory_space<vmem>>, vector<16xf32>,
        %add3A_457 = arith.constant 80 : i32
        %add3A_458 = arith.addi %mul3A_393, %add3A_457 : i32
        %get3A_459 = arith.index_cast %add3A_458 : i32 to index
        %get3A_460 = tpu.vector_load %arg9[%get3A_459] {strides = array<i32>} : memref<3456xf32, #tpu.memory_space<vmem>>, vector<16xf32>,
        %get3A_461 = vector.shape_cast %get3A_460 : vector<16xf32> to vector<16xf32>
        %get3A_462 = arith.index_cast %add3A_458 : i32 to index
        %get3A_463 = tpu.vector_load %arg5[%get3A_462] {strides = array<i32>} : memref<3456xf32, #tpu.memory_space<vmem>>, vector<16xf32>,
        %get3A_464 = vector.shape_cast %get3A_463 : vector<16xf32> to vector<16xf32>
        %add3A_465 = arith.addf %get3A_461, %get3A_464 : vector<16xf32>
        %swap3A_466 = arith.index_cast %add3A_458 : i32 to index
        %swap3A_467 = tpu.vector_load %arg9[%swap3A_466] {strides = array<i32>} : memref<3456xf32, #tpu.memory_space<vmem>>, vector<16xf32>,
        %swap3A_468 = vector.shape_cast %swap3A_467 : vector<16xf32> to vector<16xf32>
        %swap3A_469 = vector.shape_cast %add3A_465 : vector<16xf32> to vector<16xf32>
        tpu.vector_store %arg9[%swap3A_466], %swap3A_469 {strides = array<i32>} : memref<3456xf32, #tpu.memory_space<vmem>>, vector<16xf32>,
        %add3A_470 = arith.constant 96 : i32
        %add3A_471 = arith.addi %mul3A_393, %add3A_470 : i32
        %get3A_472 = arith.index_cast %add3A_471 : i32 to index
        %get3A_473 = tpu.vector_load %arg9[%get3A_472] {strides = array<i32>} : memref<3456xf32, #tpu.memory_space<vmem>>, vector<16xf32>,
        %get3A_474 = vector.shape_cast %get3A_473 : vector<16xf32> to vector<16xf32>
        %get3A_475 = arith.index_cast %add3A_471 : i32 to index
        %get3A_476 = tpu.vector_load %arg5[%get3A_475] {strides = array<i32>} : memref<3456xf32, #tpu.memory_space<vmem>>, vector<16xf32>,
        %get3A_477 = vector.shape_cast %get3A_476 : vector<16xf32> to vector<16xf32>
        %add3A_478 = arith.addf %get3A_474, %get3A_477 : vector<16xf32>
        %swap3A_479 = arith.index_cast %add3A_471 : i32 to index
        %swap3A_480 = tpu.vector_load %arg9[%swap3A_479] {strides = array<i32>} : memref<3456xf32, #tpu.memory_space<vmem>>, vector<16xf32>,
        %swap3A_481 = vector.shape_cast %swap3A_480 : vector<16xf32> to vector<16xf32>
        %swap3A_482 = vector.shape_cast %add3A_478 : vector<16xf32> to vector<16xf32>
        tpu.vector_store %arg9[%swap3A_479], %swap3A_482 {strides = array<i32>} : memref<3456xf32, #tpu.memory_space<vmem>>, vector<16xf32>,
        %add3A_483 = arith.constant 112 : i32
        %add3A_484 = arith.addi %mul3A_393, %add3A_483 : i32
        %get3A_485 = arith.index_cast %add3A_484 : i32 to index
        %get3A_486 = tpu.vector_load %arg9[%get3A_485] {strides = array<i32>} : memref<3456xf32, #tpu.memory_space<vmem>>, vector<16xf32>,
        %get3A_487 = vector.shape_cast %get3A_486 : vector<16xf32> to vector<16xf32>
        %get3A_488 = arith.index_cast %add3A_484 : i32 to index
        %get3A_489 = tpu.vector_load %arg5[%get3A_488] {strides = array<i32>} : memref<3456xf32, #tpu.memory_space<vmem>>, vector<16xf32>,
        %get3A_490 = vector.shape_cast %get3A_489 : vector<16xf32> to vector<16xf32>
        %add3A_491 = arith.addf %get3A_487, %get3A_490 : vector<16xf32>
        %swap3A_492 = arith.index_cast %add3A_484 : i32 to index
        %swap3A_493 = tpu.vector_load %arg9[%swap3A_492] {strides = array<i32>} : memref<3456xf32, #tpu.memory_space<vmem>>, vector<16xf32>,
        %swap3A_494 = vector.shape_cast %swap3A_493 : vector<16xf32> to vector<16xf32>
        %swap3A_495 = vector.shape_cast %add3A_491 : vector<16xf32> to vector<16xf32>
        tpu.vector_store %arg9[%swap3A_492], %swap3A_495 {strides = array<i32>} : memref<3456xf32, #tpu.memory_space<vmem>>, vector<16xf32>,
        %add3A_496 = arith.constant 128 : i32
        %add3A_497 = arith.addi %mul3A_393, %add3A_496 : i32
        %get3A_498 = arith.index_cast %add3A_497 : i32 to index
        %get3A_499 = tpu.vector_load %arg9[%get3A_498] {strides = array<i32>} : memref<3456xf32, #tpu.memory_space<vmem>>, vector<16xf32>,
        %get3A_500 = vector.shape_cast %get3A_499 : vector<16xf32> to vector<16xf32>
        %get3A_501 = arith.index_cast %add3A_497 : i32 to index
        %get3A_502 = tpu.vector_load %arg5[%get3A_501] {strides = array<i32>} : memref<3456xf32, #tpu.memory_space<vmem>>, vector<16xf32>,
        %get3A_503 = vector.shape_cast %get3A_502 : vector<16xf32> to vector<16xf32>
        %add3A_504 = arith.addf %get3A_500, %get3A_503 : vector<16xf32>
        %swap3A_505 = arith.index_cast %add3A_497 : i32 to index
        %swap3A_506 = tpu.vector_load %arg9[%swap3A_505] {strides = array<i32>} : memref<3456xf32, #tpu.memory_space<vmem>>, vector<16xf32>,
        %swap3A_507 = vector.shape_cast %swap3A_506 : vector<16xf32> to vector<16xf32>
        %swap3A_508 = vector.shape_cast %add3A_504 : vector<16xf32> to vector<16xf32>
        tpu.vector_store %arg9[%swap3A_505], %swap3A_508 {strides = array<i32>} : memref<3456xf32, #tpu.memory_space<vmem>>, vector<16xf32>,
        %add3A_509 = arith.constant 144 : i32
        %add3A_510 = arith.addi %mul3A_393, %add3A_509 : i32
        %get3A_511 = arith.index_cast %add3A_510 : i32 to index
        %get3A_512 = tpu.vector_load %arg9[%get3A_511] {strides = array<i32>} : memref<3456xf32, #tpu.memory_space<vmem>>, vector<16xf32>,
        %get3A_513 = vector.shape_cast %get3A_512 : vector<16xf32> to vector<16xf32>
        %get3A_514 = arith.index_cast %add3A_510 : i32 to index
        %get3A_515 = tpu.vector_load %arg5[%get3A_514] {strides = array<i32>} : memref<3456xf32, #tpu.memory_space<vmem>>, vector<16xf32>,
        %get3A_516 = vector.shape_cast %get3A_515 : vector<16xf32> to vector<16xf32>
        %add3A_517 = arith.addf %get3A_513, %get3A_516 : vector<16xf32>
        %swap3A_518 = arith.index_cast %add3A_510 : i32 to index
        %swap3A_519 = tpu.vector_load %arg9[%swap3A_518] {strides = array<i32>} : memref<3456xf32, #tpu.memory_space<vmem>>, vector<16xf32>,
        %swap3A_520 = vector.shape_cast %swap3A_519 : vector<16xf32> to vector<16xf32>
        %swap3A_521 = vector.shape_cast %add3A_517 : vector<16xf32> to vector<16xf32>
        tpu.vector_store %arg9[%swap3A_518], %swap3A_521 {strides = array<i32>} : memref<3456xf32, #tpu.memory_space<vmem>>, vector<16xf32>,
        %add3A_522 = arith.constant 160 : i32
        %add3A_523 = arith.addi %mul3A_393, %add3A_522 : i32
        %get3A_524 = arith.index_cast %add3A_523 : i32 to index
        %get3A_525 = tpu.vector_load %arg9[%get3A_524] {strides = array<i32>} : memref<3456xf32, #tpu.memory_space<vmem>>, vector<16xf32>,
        %get3A_526 = vector.shape_cast %get3A_525 : vector<16xf32> to vector<16xf32>
        %get3A_527 = arith.index_cast %add3A_523 : i32 to index
        %get3A_528 = tpu.vector_load %arg5[%get3A_527] {strides = array<i32>} : memref<3456xf32, #tpu.memory_space<vmem>>, vector<16xf32>,
        %get3A_529 = vector.shape_cast %get3A_528 : vector<16xf32> to vector<16xf32>
        %add3A_530 = arith.addf %get3A_526, %get3A_529 : vector<16xf32>
        %swap3A_531 = arith.index_cast %add3A_523 : i32 to index
        %swap3A_532 = tpu.vector_load %arg9[%swap3A_531] {strides = array<i32>} : memref<3456xf32, #tpu.memory_space<vmem>>, vector<16xf32>,
        %swap3A_533 = vector.shape_cast %swap3A_532 : vector<16xf32> to vector<16xf32>
        %swap3A_534 = vector.shape_cast %add3A_530 : vector<16xf32> to vector<16xf32>
        tpu.vector_store %arg9[%swap3A_531], %swap3A_534 {strides = array<i32>} : memref<3456xf32, #tpu.memory_space<vmem>>, vector<16xf32>,
        %add3A_535 = arith.constant 176 : i32
        %add3A_536 = arith.addi %mul3A_393, %add3A_535 : i32
        %get3A_537 = arith.index_cast %add3A_536 : i32 to index
        %get3A_538 = tpu.vector_load %arg9[%get3A_537] {strides = array<i32>} : memref<3456xf32, #tpu.memory_space<vmem>>, vector<16xf32>,
        %get3A_539 = vector.shape_cast %get3A_538 : vector<16xf32> to vector<16xf32>
        %get3A_540 = arith.index_cast %add3A_536 : i32 to index
        %get3A_541 = tpu.vector_load %arg5[%get3A_540] {strides = array<i32>} : memref<3456xf32, #tpu.memory_space<vmem>>, vector<16xf32>,
        %get3A_542 = vector.shape_cast %get3A_541 : vector<16xf32> to vector<16xf32>
        %add3A_543 = arith.addf %get3A_539, %get3A_542 : vector<16xf32>
        %swap3A_544 = arith.index_cast %add3A_536 : i32 to index
        %swap3A_545 = tpu.vector_load %arg9[%swap3A_544] {strides = array<i32>} : memref<3456xf32, #tpu.memory_space<vmem>>, vector<16xf32>,
        %swap3A_546 = vector.shape_cast %swap3A_545 : vector<16xf32> to vector<16xf32>
        %swap3A_547 = vector.shape_cast %add3A_543 : vector<16xf32> to vector<16xf32>
        tpu.vector_store %arg9[%swap3A_544], %swap3A_547 {strides = array<i32>} : memref<3456xf32, #tpu.memory_space<vmem>>, vector<16xf32>,
        %add3A_548 = arith.constant 192 : i32
        %add3A_549 = arith.addi %mul3A_393, %add3A_548 : i32
        %get3A_550 = arith.index_cast %add3A_549 : i32 to index
        %get3A_551 = tpu.vector_load %arg9[%get3A_550] {strides = array<i32>} : memref<3456xf32, #tpu.memory_space<vmem>>, vector<16xf32>,
        %get3A_552 = vector.shape_cast %get3A_551 : vector<16xf32> to vector<16xf32>
        %get3A_553 = arith.index_cast %add3A_549 : i32 to index
        %get3A_554 = tpu.vector_load %arg5[%get3A_553] {strides = array<i32>} : memref<3456xf32, #tpu.memory_space<vmem>>, vector<16xf32>,
        %get3A_555 = vector.shape_cast %get3A_554 : vector<16xf32> to vector<16xf32>
        %add3A_556 = arith.addf %get3A_552, %get3A_555 : vector<16xf32>
        %swap3A_557 = arith.index_cast %add3A_549 : i32 to index
        %swap3A_558 = tpu.vector_load %arg9[%swap3A_557] {strides = array<i32>} : memref<3456xf32, #tpu.memory_space<vmem>>, vector<16xf32>,
        %swap3A_559 = vector.shape_cast %swap3A_558 : vector<16xf32> to vector<16xf32>
        %swap3A_560 = vector.shape_cast %add3A_556 : vector<16xf32> to vector<16xf32>
        tpu.vector_store %arg9[%swap3A_557], %swap3A_560 {strides = array<i32>} : memref<3456xf32, #tpu.memory_space<vmem>>, vector<16xf32>,
        %add3A_561 = arith.constant 208 : i32
        %add3A_562 = arith.addi %mul3A_393, %add3A_561 : i32
        %get3A_563 = arith.index_cast %add3A_562 : i32 to index
        %get3A_564 = tpu.vector_load %arg9[%get3A_563] {strides = array<i32>} : memref<3456xf32, #tpu.memory_space<vmem>>, vector<16xf32>,
        %get3A_565 = vector.shape_cast %get3A_564 : vector<16xf32> to vector<16xf32>
        %get3A_566 = arith.index_cast %add3A_562 : i32 to index
        %get3A_567 = tpu.vector_load %arg5[%get3A_566] {strides = array<i32>} : memref<3456xf32, #tpu.memory_space<vmem>>, vector<16xf32>,
        %get3A_568 = vector.shape_cast %get3A_567 : vector<16xf32> to vector<16xf32>
        %add3A_569 = arith.addf %get3A_565, %get3A_568 : vector<16xf32>
        %swap3A_570 = arith.index_cast %add3A_562 : i32 to index
        %swap3A_571 = tpu.vector_load %arg9[%swap3A_570] {strides = array<i32>} : memref<3456xf32, #tpu.memory_space<vmem>>, vector<16xf32>,
        %swap3A_572 = vector.shape_cast %swap3A_571 : vector<16xf32> to vector<16xf32>
        %swap3A_573 = vector.shape_cast %add3A_569 : vector<16xf32> to vector<16xf32>
        tpu.vector_store %arg9[%swap3A_570], %swap3A_573 {strides = array<i32>} : memref<3456xf32, #tpu.memory_space<vmem>>, vector<16xf32>,
        %add3A_574 = arith.constant 224 : i32
        %add3A_575 = arith.addi %mul3A_393, %add3A_574 : i32
        %get3A_576 = arith.index_cast %add3A_575 : i32 to index
        %get3A_577 = tpu.vector_load %arg9[%get3A_576] {strides = array<i32>} : memref<3456xf32, #tpu.memory_space<vmem>>, vector<16xf32>,
        %get3A_578 = vector.shape_cast %get3A_577 : vector<16xf32> to vector<16xf32>
        %get3A_579 = arith.index_cast %add3A_575 : i32 to index
        %get3A_580 = tpu.vector_load %arg5[%get3A_579] {strides = array<i32>} : memref<3456xf32, #tpu.memory_space<vmem>>, vector<16xf32>,
        %get3A_581 = vector.shape_cast %get3A_580 : vector<16xf32> to vector<16xf32>
        %add3A_582 = arith.addf %get3A_578, %get3A_581 : vector<16xf32>
        %swap3A_583 = arith.index_cast %add3A_575 : i32 to index
        %swap3A_584 = tpu.vector_load %arg9[%swap3A_583] {strides = array<i32>} : memref<3456xf32, #tpu.memory_space<vmem>>, vector<16xf32>,
        %swap3A_585 = vector.shape_cast %swap3A_584 : vector<16xf32> to vector<16xf32>
        %swap3A_586 = vector.shape_cast %add3A_582 : vector<16xf32> to vector<16xf32>
        tpu.vector_store %arg9[%swap3A_583], %swap3A_586 {strides = array<i32>} : memref<3456xf32, #tpu.memory_space<vmem>>, vector<16xf32>,
        %add3A_587 = arith.constant 240 : i32
        %add3A_588 = arith.addi %mul3A_393, %add3A_587 : i32
        %get3A_589 = arith.index_cast %add3A_588 : i32 to index
        %get3A_590 = tpu.vector_load %arg9[%get3A_589] {strides = array<i32>} : memref<3456xf32, #tpu.memory_space<vmem>>, vector<16xf32>,
        %get3A_591 = vector.shape_cast %get3A_590 : vector<16xf32> to vector<16xf32>
        %get3A_592 = arith.index_cast %add3A_588 : i32 to index
        %get3A_593 = tpu.vector_load %arg5[%get3A_592] {strides = array<i32>} : memref<3456xf32, #tpu.memory_space<vmem>>, vector<16xf32>,
        %get3A_594 = vector.shape_cast %get3A_593 : vector<16xf32> to vector<16xf32>
        %add3A_595 = arith.addf %get3A_591, %get3A_594 : vector<16xf32>
        %swap3A_596 = arith.index_cast %add3A_588 : i32 to index
        %swap3A_597 = tpu.vector_load %arg9[%swap3A_596] {strides = array<i32>} : memref<3456xf32, #tpu.memory_space<vmem>>, vector<16xf32>,
        %swap3A_598 = vector.shape_cast %swap3A_597 : vector<16xf32> to vector<16xf32>
        %swap3A_599 = vector.shape_cast %add3A_595 : vector<16xf32> to vector<16xf32>
        tpu.vector_store %arg9[%swap3A_596], %swap3A_599 {strides = array<i32>} : memref<3456xf32, #tpu.memory_space<vmem>>, vector<16xf32>,
        %add3A_600 = arith.constant 256 : i32
        %add3A_601 = arith.addi %mul3A_393, %add3A_600 : i32
        %get3A_602 = arith.index_cast %add3A_601 : i32 to index
        %get3A_603 = tpu.vector_load %arg9[%get3A_602] {strides = array<i32>} : memref<3456xf32, #tpu.memory_space<vmem>>, vector<16xf32>,
        %get3A_604 = vector.shape_cast %get3A_603 : vector<16xf32> to vector<16xf32>
        %get3A_605 = arith.index_cast %add3A_601 : i32 to index
        %get3A_606 = tpu.vector_load %arg5[%get3A_605] {strides = array<i32>} : memref<3456xf32, #tpu.memory_space<vmem>>, vector<16xf32>,
        %get3A_607 = vector.shape_cast %get3A_606 : vector<16xf32> to vector<16xf32>
        %add3A_608 = arith.addf %get3A_604, %get3A_607 : vector<16xf32>
        %swap3A_609 = arith.index_cast %add3A_601 : i32 to index
        %swap3A_610 = tpu.vector_load %arg9[%swap3A_609] {strides = array<i32>} : memref<3456xf32, #tpu.memory_space<vmem>>, vector<16xf32>,
        %swap3A_611 = vector.shape_cast %swap3A_610 : vector<16xf32> to vector<16xf32>
        %swap3A_612 = vector.shape_cast %add3A_608 : vector<16xf32> to vector<16xf32>
        tpu.vector_store %arg9[%swap3A_609], %swap3A_612 {strides = array<i32>} : memref<3456xf32, #tpu.memory_space<vmem>>, vector<16xf32>,
        %add3A_613 = arith.constant 272 : i32
        %add3A_614 = arith.addi %mul3A_393, %add3A_613 : i32
        %get3A_615 = arith.index_cast %add3A_614 : i32 to index
        %get3A_616 = tpu.vector_load %arg9[%get3A_615] {strides = array<i32>} : memref<3456xf32, #tpu.memory_space<vmem>>, vector<16xf32>,
        %get3A_617 = vector.shape_cast %get3A_616 : vector<16xf32> to vector<16xf32>
        %get3A_618 = arith.index_cast %add3A_614 : i32 to index
        %get3A_619 = tpu.vector_load %arg5[%get3A_618] {strides = array<i32>} : memref<3456xf32, #tpu.memory_space<vmem>>, vector<16xf32>,
        %get3A_620 = vector.shape_cast %get3A_619 : vector<16xf32> to vector<16xf32>
        %add3A_621 = arith.addf %get3A_617, %get3A_620 : vector<16xf32>
        %swap3A_622 = arith.index_cast %add3A_614 : i32 to index
        %swap3A_623 = tpu.vector_load %arg9[%swap3A_622] {strides = array<i32>} : memref<3456xf32, #tpu.memory_space<vmem>>, vector<16xf32>,
        %swap3A_624 = vector.shape_cast %swap3A_623 : vector<16xf32> to vector<16xf32>
        %swap3A_625 = vector.shape_cast %add3A_621 : vector<16xf32> to vector<16xf32>
        tpu.vector_store %arg9[%swap3A_622], %swap3A_625 {strides = array<i32>} : memref<3456xf32, #tpu.memory_space<vmem>>, vector<16xf32>,
        %add3A_626 = arith.constant 288 : i32
        %add3A_627 = arith.addi %mul3A_393, %add3A_626 : i32
        %get3A_628 = arith.index_cast %add3A_627 : i32 to index
        %get3A_629 = tpu.vector_load %arg9[%get3A_628] {strides = array<i32>} : memref<3456xf32, #tpu.memory_space<vmem>>, vector<16xf32>,
        %get3A_630 = vector.shape_cast %get3A_629 : vector<16xf32> to vector<16xf32>
        %get3A_631 = arith.index_cast %add3A_627 : i32 to index
        %get3A_632 = tpu.vector_load %arg5[%get3A_631] {strides = array<i32>} : memref<3456xf32, #tpu.memory_space<vmem>>, vector<16xf32>,
        %get3A_633 = vector.shape_cast %get3A_632 : vector<16xf32> to vector<16xf32>
        %add3A_634 = arith.addf %get3A_630, %get3A_633 : vector<16xf32>
        %swap3A_635 = arith.index_cast %add3A_627 : i32 to index
        %swap3A_636 = tpu.vector_load %arg9[%swap3A_635] {strides = array<i32>} : memref<3456xf32, #tpu.memory_space<vmem>>, vector<16xf32>,
        %swap3A_637 = vector.shape_cast %swap3A_636 : vector<16xf32> to vector<16xf32>
        %swap3A_638 = vector.shape_cast %add3A_634 : vector<16xf32> to vector<16xf32>
        tpu.vector_store %arg9[%swap3A_635], %swap3A_638 {strides = array<i32>} : memref<3456xf32, #tpu.memory_space<vmem>>, vector<16xf32>,
        %add3A_639 = arith.constant 304 : i32
        %add3A_640 = arith.addi %mul3A_393, %add3A_639 : i32
        %get3A_641 = arith.index_cast %add3A_640 : i32 to index
        %get3A_642 = tpu.vector_load %arg9[%get3A_641] {strides = array<i32>} : memref<3456xf32, #tpu.memory_space<vmem>>, vector<16xf32>,
        %get3A_643 = vector.shape_cast %get3A_642 : vector<16xf32> to vector<16xf32>
        %get3A_644 = arith.index_cast %add3A_640 : i32 to index
        %get3A_645 = tpu.vector_load %arg5[%get3A_644] {strides = array<i32>} : memref<3456xf32, #tpu.memory_space<vmem>>, vector<16xf32>,
        %get3A_646 = vector.shape_cast %get3A_645 : vector<16xf32> to vector<16xf32>
        %add3A_647 = arith.addf %get3A_643, %get3A_646 : vector<16xf32>
        %swap3A_648 = arith.index_cast %add3A_640 : i32 to index
        %swap3A_649 = tpu.vector_load %arg9[%swap3A_648] {strides = array<i32>} : memref<3456xf32, #tpu.memory_space<vmem>>, vector<16xf32>,
        %swap3A_650 = vector.shape_cast %swap3A_649 : vector<16xf32> to vector<16xf32>
        %swap3A_651 = vector.shape_cast %add3A_647 : vector<16xf32> to vector<16xf32>
        tpu.vector_store %arg9[%swap3A_648], %swap3A_651 {strides = array<i32>} : memref<3456xf32, #tpu.memory_space<vmem>>, vector<16xf32>,
        %add3A_652 = arith.constant 320 : i32
        %add3A_653 = arith.addi %mul3A_393, %add3A_652 : i32
        %get3A_654 = arith.index_cast %add3A_653 : i32 to index
        %get3A_655 = tpu.vector_load %arg9[%get3A_654] {strides = array<i32>} : memref<3456xf32, #tpu.memory_space<vmem>>, vector<16xf32>,
        %get3A_656 = vector.shape_cast %get3A_655 : vector<16xf32> to vector<16xf32>
        %get3A_657 = arith.index_cast %add3A_653 : i32 to index
        %get3A_658 = tpu.vector_load %arg5[%get3A_657] {strides = array<i32>} : memref<3456xf32, #tpu.memory_space<vmem>>, vector<16xf32>,
        %get3A_659 = vector.shape_cast %get3A_658 : vector<16xf32> to vector<16xf32>
        %add3A_660 = arith.addf %get3A_656, %get3A_659 : vector<16xf32>
        %swap3A_661 = arith.index_cast %add3A_653 : i32 to index
        %swap3A_662 = tpu.vector_load %arg9[%swap3A_661] {strides = array<i32>} : memref<3456xf32, #tpu.memory_space<vmem>>, vector<16xf32>,
        %swap3A_663 = vector.shape_cast %swap3A_662 : vector<16xf32> to vector<16xf32>
        %swap3A_664 = vector.shape_cast %add3A_660 : vector<16xf32> to vector<16xf32>
        tpu.vector_store %arg9[%swap3A_661], %swap3A_664 {strides = array<i32>} : memref<3456xf32, #tpu.memory_space<vmem>>, vector<16xf32>,
        %add3A_665 = arith.constant 336 : i32
        %add3A_666 = arith.addi %mul3A_393, %add3A_665 : i32
        %get3A_667 = arith.index_cast %add3A_666 : i32 to index
        %get3A_668 = tpu.vector_load %arg9[%get3A_667] {strides = array<i32>} : memref<3456xf32, #tpu.memory_space<vmem>>, vector<16xf32>,
        %get3A_669 = vector.shape_cast %get3A_668 : vector<16xf32> to vector<16xf32>
        %get3A_670 = arith.index_cast %add3A_666 : i32 to index
        %get3A_671 = tpu.vector_load %arg5[%get3A_670] {strides = array<i32>} : memref<3456xf32, #tpu.memory_space<vmem>>, vector<16xf32>,
        %get3A_672 = vector.shape_cast %get3A_671 : vector<16xf32> to vector<16xf32>
        %add3A_673 = arith.addf %get3A_669, %get3A_672 : vector<16xf32>
        %swap3A_674 = arith.index_cast %add3A_666 : i32 to index
        %swap3A_675 = tpu.vector_load %arg9[%swap3A_674] {strides = array<i32>} : memref<3456xf32, #tpu.memory_space<vmem>>, vector<16xf32>,
        %swap3A_676 = vector.shape_cast %swap3A_675 : vector<16xf32> to vector<16xf32>
        %swap3A_677 = vector.shape_cast %add3A_673 : vector<16xf32> to vector<16xf32>
        tpu.vector_store %arg9[%swap3A_674], %swap3A_677 {strides = array<i32>} : memref<3456xf32, #tpu.memory_space<vmem>>, vector<16xf32>,
        %add3A_678 = arith.constant 352 : i32
        %add3A_679 = arith.addi %mul3A_393, %add3A_678 : i32
        %get3A_680 = arith.index_cast %add3A_679 : i32 to index
        %get3A_681 = tpu.vector_load %arg9[%get3A_680] {strides = array<i32>} : memref<3456xf32, #tpu.memory_space<vmem>>, vector<16xf32>,
        %get3A_682 = vector.shape_cast %get3A_681 : vector<16xf32> to vector<16xf32>
        %get3A_683 = arith.index_cast %add3A_679 : i32 to index
        %get3A_684 = tpu.vector_load %arg5[%get3A_683] {strides = array<i32>} : memref<3456xf32, #tpu.memory_space<vmem>>, vector<16xf32>,
        %get3A_685 = vector.shape_cast %get3A_684 : vector<16xf32> to vector<16xf32>
        %add3A_686 = arith.addf %get3A_682, %get3A_685 : vector<16xf32>
        %swap3A_687 = arith.index_cast %add3A_679 : i32 to index
        %swap3A_688 = tpu.vector_load %arg9[%swap3A_687] {strides = array<i32>} : memref<3456xf32, #tpu.memory_space<vmem>>, vector<16xf32>,
        %swap3A_689 = vector.shape_cast %swap3A_688 : vector<16xf32> to vector<16xf32>
        %swap3A_690 = vector.shape_cast %add3A_686 : vector<16xf32> to vector<16xf32>
        tpu.vector_store %arg9[%swap3A_687], %swap3A_690 {strides = array<i32>} : memref<3456xf32, #tpu.memory_space<vmem>>, vector<16xf32>,
        %add3A_691 = arith.constant 368 : i32
        %add3A_692 = arith.addi %mul3A_393, %add3A_691 : i32
        %get3A_693 = arith.index_cast %add3A_692 : i32 to index
        %get3A_694 = tpu.vector_load %arg9[%get3A_693] {strides = array<i32>} : memref<3456xf32, #tpu.memory_space<vmem>>, vector<16xf32>,
        %get3A_695 = vector.shape_cast %get3A_694 : vector<16xf32> to vector<16xf32>
        %get3A_696 = arith.index_cast %add3A_692 : i32 to index
        %get3A_697 = tpu.vector_load %arg5[%get3A_696] {strides = array<i32>} : memref<3456xf32, #tpu.memory_space<vmem>>, vector<16xf32>,
        %get3A_698 = vector.shape_cast %get3A_697 : vector<16xf32> to vector<16xf32>
        %add3A_699 = arith.addf %get3A_695, %get3A_698 : vector<16xf32>
        %swap3A_700 = arith.index_cast %add3A_692 : i32 to index
        %swap3A_701 = tpu.vector_load %arg9[%swap3A_700] {strides = array<i32>} : memref<3456xf32, #tpu.memory_space<vmem>>, vector<16xf32>,
        %swap3A_702 = vector.shape_cast %swap3A_701 : vector<16xf32> to vector<16xf32>
        %swap3A_703 = vector.shape_cast %add3A_699 : vector<16xf32> to vector<16xf32>
        tpu.vector_store %arg9[%swap3A_700], %swap3A_703 {strides = array<i32>} : memref<3456xf32, #tpu.memory_space<vmem>>, vector<16xf32>,
        %scan3A_704 = arith.constant 0 : i32
        scf.yield %scan3A_704 : i32
      }
      %scan3A_225 = arith.constant 9 : i32
      %mul3A_226 = arith.constant 32 : i32
      %mul3A_227 = arith.muli %add3A_197, %mul3A_226 : i32
      %add3A_228 = arith.addi %mul3A_227, %add3A : i32
      %mul3A_229 = arith.constant 3456 : i32
      %mul3A_230 = arith.muli %add3A_228, %mul3A_229 : i32
      %dma_start3A_231 = tpu.memref_slice %arg4[%mul3A_230] : memref<14155776xf32, #tpu.memory_space<hbm>> -> memref<3456xf32, #tpu.memory_space<hbm>>
      %dma_start3A_232 = tpu.memref_slice %arg4[%mul3A_230] : memref<14155776xf32, #tpu.memory_space<hbm>> -> memref<3456xf32, #tpu.memory_space<hbm>>
      tpu.enqueue_dma source(%arg9 : memref<3456xf32, #tpu.memory_space<vmem>>) target(%dma_start3A_232 : memref<3456xf32, #tpu.memory_space<hbm>>) target_semaphore(%arg25 : memref<!tpu.dma_semaphore, #tpu.memory_space<semaphore_mem>>)
      %mul3A_233 = arith.constant 8 : i32
      %mul3A_234 = arith.muli %scan3A_81, %mul3A_233 : i32
      %add3A_235 = arith.constant 4 : i32
      %add3A_236 = arith.addi %mul3A_234, %add3A_235 : i32
      %add3A_237 = arith.constant 8 : i32
      %add3A_238 = arith.addi %add3A_236, %add3A_237 : i32
      %sub3A_239 = arith.constant 1 : i32
      %sub3A_240 = arith.subi %add3A_238, %sub3A_239 : i32
      %ge3A_241 = arith.constant 1 : i32
      %ge3A_242 = arith.cmpi sge, %add3A_236, %ge3A_241 : i32
      %lt3A_243 = arith.constant 128 : i32
      %lt3A_244 = arith.cmpi slt, %sub3A_240, %lt3A_243 : i32
      %and3A_245 = arith.andi %ge3A_242, %lt3A_244 : i1
      %convert_element_type3A_246 = arith.extui %and3A_245 : i1 to i32
      %cond3A_247 = arith.constant 0 : i32
      %cond3A_248 = arith.cmpi ne, %convert_element_type3A_246, %cond3A_247 : i32
      scf.if %cond3A_248 {
        %dma_wait3A_390 = arith.constant 0 : i32
        %dma_wait3A_391 = tpu.memref_slice %arg4[%dma_wait3A_390] : memref<14155776xf32, #tpu.memory_space<hbm>> -> memref<3456xf32, #tpu.memory_space<hbm>>
        %dma_wait3A_392 = arith.constant 0 : i32
        %dma_wait3A_393 = tpu.memref_slice %arg4[%dma_wait3A_392] : memref<14155776xf32, #tpu.memory_space<hbm>> -> memref<3456xf32, #tpu.memory_space<hbm>>
        tpu.wait_dma2 semaphore(%arg25 : memref<!tpu.dma_semaphore, #tpu.memory_space<semaphore_mem>>) src(%arg9 : memref<3456xf32, #tpu.memory_space<vmem>>) dst(%dma_wait3A_393 : memref<3456xf32, #tpu.memory_space<hbm>>)
      } else {
      }
      %lt3A_249 = arith.constant 128 : i32
      %lt3A_250 = arith.cmpi slt, %sub3A_240, %lt3A_249 : i32
      %convert_element_type3A_251 = arith.extui %lt3A_250 : i1 to i32
      %cond3A_252 = arith.constant 0 : i32
      %cond3A_253 = arith.cmpi ne, %convert_element_type3A_251, %cond3A_252 : i32
      scf.if %cond3A_253 {
        %mul3A_390 = arith.constant 32 : i32
        %mul3A_391 = arith.muli %sub3A_240, %mul3A_390 : i32
        %add3A_392 = arith.addi %mul3A_391, %add3A : i32
        %mul3A_393 = arith.constant 3456 : i32
        %mul3A_394 = arith.muli %add3A_392, %mul3A_393 : i32
        %dma_start3A_395 = tpu.memref_slice %arg2[%mul3A_394] : memref<14155776xf32, #tpu.memory_space<hbm>> -> memref<3456xf32, #tpu.memory_space<hbm>>
        %dma_start3A_396 = tpu.memref_slice %arg2[%mul3A_394] : memref<14155776xf32, #tpu.memory_space<hbm>> -> memref<3456xf32, #tpu.memory_space<hbm>>
        tpu.enqueue_dma source(%dma_start3A_396 : memref<3456xf32, #tpu.memory_space<hbm>>) target(%arg9 : memref<3456xf32, #tpu.memory_space<vmem>>) target_semaphore(%arg17 : memref<!tpu.dma_semaphore, #tpu.memory_space<semaphore_mem>>)
      } else {
      }
      %dma_wait3A_254 = arith.constant 0 : i32
      %dma_wait3A_255 = tpu.memref_slice %arg2[%dma_wait3A_254] : memref<14155776xf32, #tpu.memory_space<hbm>> -> memref<3456xf32, #tpu.memory_space<hbm>>
      %dma_wait3A_256 = arith.constant 0 : i32
      %dma_wait3A_257 = tpu.memref_slice %arg2[%dma_wait3A_256] : memref<14155776xf32, #tpu.memory_space<hbm>> -> memref<3456xf32, #tpu.memory_space<hbm>>
      tpu.wait_dma2 semaphore(%arg18 : memref<!tpu.dma_semaphore, #tpu.memory_space<semaphore_mem>>) src(%dma_wait3A_257 : memref<3456xf32, #tpu.memory_space<hbm>>) dst(%arg10 : memref<3456xf32, #tpu.memory_space<vmem>>)
      %scan3A_258 = arith.constant 0 : i32
      %scan3A_259 = arith.constant 0 : i32
      %scan3A_260 = arith.constant 9 : i32
      %scan3A_261 = arith.addi %scan3A_259, %scan3A_260 : i32
      %scan3A_262 = arith.constant 1 : i32
      %scan3A_263 = scf.for %scan3A_390 = %scan3A_259 to %scan3A_261 step %scan3A_262 iter_args(%scan3A_391 = %scan3A_258) -> (i32)  : i32 {
        %mul3A_392 = arith.constant 384 : i32
        %mul3A_393 = arith.muli %scan3A_390, %mul3A_392 : i32
        %add3A_394 = arith.constant 0 : i32
        %add3A_395 = arith.addi %mul3A_393, %add3A_394 : i32
        %get3A = arith.index_cast %add3A_395 : i32 to index
        %get3A_396 = tpu.vector_load %arg10[%get3A] {strides = array<i32>} : memref<3456xf32, #tpu.memory_space<vmem>>, vector<16xf32>,
        %get3A_397 = vector.shape_cast %get3A_396 : vector<16xf32> to vector<16xf32>
        %get3A_398 = arith.index_cast %add3A_395 : i32 to index
        %get3A_399 = tpu.vector_load %arg5[%get3A_398] {strides = array<i32>} : memref<3456xf32, #tpu.memory_space<vmem>>, vector<16xf32>,
        %get3A_400 = vector.shape_cast %get3A_399 : vector<16xf32> to vector<16xf32>
        %add3A_401 = arith.addf %get3A_397, %get3A_400 : vector<16xf32>
        %swap3A = arith.index_cast %add3A_395 : i32 to index
        %swap3A_402 = tpu.vector_load %arg10[%swap3A] {strides = array<i32>} : memref<3456xf32, #tpu.memory_space<vmem>>, vector<16xf32>,
        %swap3A_403 = vector.shape_cast %swap3A_402 : vector<16xf32> to vector<16xf32>
        %swap3A_404 = vector.shape_cast %add3A_401 : vector<16xf32> to vector<16xf32>
        tpu.vector_store %arg10[%swap3A], %swap3A_404 {strides = array<i32>} : memref<3456xf32, #tpu.memory_space<vmem>>, vector<16xf32>,
        %add3A_405 = arith.constant 16 : i32
        %add3A_406 = arith.addi %mul3A_393, %add3A_405 : i32
        %get3A_407 = arith.index_cast %add3A_406 : i32 to index
        %get3A_408 = tpu.vector_load %arg10[%get3A_407] {strides = array<i32>} : memref<3456xf32, #tpu.memory_space<vmem>>, vector<16xf32>,
        %get3A_409 = vector.shape_cast %get3A_408 : vector<16xf32> to vector<16xf32>
        %get3A_410 = arith.index_cast %add3A_406 : i32 to index
        %get3A_411 = tpu.vector_load %arg5[%get3A_410] {strides = array<i32>} : memref<3456xf32, #tpu.memory_space<vmem>>, vector<16xf32>,
        %get3A_412 = vector.shape_cast %get3A_411 : vector<16xf32> to vector<16xf32>
        %add3A_413 = arith.addf %get3A_409, %get3A_412 : vector<16xf32>
        %swap3A_414 = arith.index_cast %add3A_406 : i32 to index
        %swap3A_415 = tpu.vector_load %arg10[%swap3A_414] {strides = array<i32>} : memref<3456xf32, #tpu.memory_space<vmem>>, vector<16xf32>,
        %swap3A_416 = vector.shape_cast %swap3A_415 : vector<16xf32> to vector<16xf32>
        %swap3A_417 = vector.shape_cast %add3A_413 : vector<16xf32> to vector<16xf32>
        tpu.vector_store %arg10[%swap3A_414], %swap3A_417 {strides = array<i32>} : memref<3456xf32, #tpu.memory_space<vmem>>, vector<16xf32>,
        %add3A_418 = arith.constant 32 : i32
        %add3A_419 = arith.addi %mul3A_393, %add3A_418 : i32
        %get3A_420 = arith.index_cast %add3A_419 : i32 to index
        %get3A_421 = tpu.vector_load %arg10[%get3A_420] {strides = array<i32>} : memref<3456xf32, #tpu.memory_space<vmem>>, vector<16xf32>,
        %get3A_422 = vector.shape_cast %get3A_421 : vector<16xf32> to vector<16xf32>
        %get3A_423 = arith.index_cast %add3A_419 : i32 to index
        %get3A_424 = tpu.vector_load %arg5[%get3A_423] {strides = array<i32>} : memref<3456xf32, #tpu.memory_space<vmem>>, vector<16xf32>,
        %get3A_425 = vector.shape_cast %get3A_424 : vector<16xf32> to vector<16xf32>
        %add3A_426 = arith.addf %get3A_422, %get3A_425 : vector<16xf32>
        %swap3A_427 = arith.index_cast %add3A_419 : i32 to index
        %swap3A_428 = tpu.vector_load %arg10[%swap3A_427] {strides = array<i32>} : memref<3456xf32, #tpu.memory_space<vmem>>, vector<16xf32>,
        %swap3A_429 = vector.shape_cast %swap3A_428 : vector<16xf32> to vector<16xf32>
        %swap3A_430 = vector.shape_cast %add3A_426 : vector<16xf32> to vector<16xf32>
        tpu.vector_store %arg10[%swap3A_427], %swap3A_430 {strides = array<i32>} : memref<3456xf32, #tpu.memory_space<vmem>>, vector<16xf32>,
        %add3A_431 = arith.constant 48 : i32
        %add3A_432 = arith.addi %mul3A_393, %add3A_431 : i32
        %get3A_433 = arith.index_cast %add3A_432 : i32 to index
        %get3A_434 = tpu.vector_load %arg10[%get3A_433] {strides = array<i32>} : memref<3456xf32, #tpu.memory_space<vmem>>, vector<16xf32>,
        %get3A_435 = vector.shape_cast %get3A_434 : vector<16xf32> to vector<16xf32>
        %get3A_436 = arith.index_cast %add3A_432 : i32 to index
        %get3A_437 = tpu.vector_load %arg5[%get3A_436] {strides = array<i32>} : memref<3456xf32, #tpu.memory_space<vmem>>, vector<16xf32>,
        %get3A_438 = vector.shape_cast %get3A_437 : vector<16xf32> to vector<16xf32>
        %add3A_439 = arith.addf %get3A_435, %get3A_438 : vector<16xf32>
        %swap3A_440 = arith.index_cast %add3A_432 : i32 to index
        %swap3A_441 = tpu.vector_load %arg10[%swap3A_440] {strides = array<i32>} : memref<3456xf32, #tpu.memory_space<vmem>>, vector<16xf32>,
        %swap3A_442 = vector.shape_cast %swap3A_441 : vector<16xf32> to vector<16xf32>
        %swap3A_443 = vector.shape_cast %add3A_439 : vector<16xf32> to vector<16xf32>
        tpu.vector_store %arg10[%swap3A_440], %swap3A_443 {strides = array<i32>} : memref<3456xf32, #tpu.memory_space<vmem>>, vector<16xf32>,
        %add3A_444 = arith.constant 64 : i32
        %add3A_445 = arith.addi %mul3A_393, %add3A_444 : i32
        %get3A_446 = arith.index_cast %add3A_445 : i32 to index
        %get3A_447 = tpu.vector_load %arg10[%get3A_446] {strides = array<i32>} : memref<3456xf32, #tpu.memory_space<vmem>>, vector<16xf32>,
        %get3A_448 = vector.shape_cast %get3A_447 : vector<16xf32> to vector<16xf32>
        %get3A_449 = arith.index_cast %add3A_445 : i32 to index
        %get3A_450 = tpu.vector_load %arg5[%get3A_449] {strides = array<i32>} : memref<3456xf32, #tpu.memory_space<vmem>>, vector<16xf32>,
        %get3A_451 = vector.shape_cast %get3A_450 : vector<16xf32> to vector<16xf32>
        %add3A_452 = arith.addf %get3A_448, %get3A_451 : vector<16xf32>
        %swap3A_453 = arith.index_cast %add3A_445 : i32 to index
        %swap3A_454 = tpu.vector_load %arg10[%swap3A_453] {strides = array<i32>} : memref<3456xf32, #tpu.memory_space<vmem>>, vector<16xf32>,
        %swap3A_455 = vector.shape_cast %swap3A_454 : vector<16xf32> to vector<16xf32>
        %swap3A_456 = vector.shape_cast %add3A_452 : vector<16xf32> to vector<16xf32>
        tpu.vector_store %arg10[%swap3A_453], %swap3A_456 {strides = array<i32>} : memref<3456xf32, #tpu.memory_space<vmem>>, vector<16xf32>,
        %add3A_457 = arith.constant 80 : i32
        %add3A_458 = arith.addi %mul3A_393, %add3A_457 : i32
        %get3A_459 = arith.index_cast %add3A_458 : i32 to index
        %get3A_460 = tpu.vector_load %arg10[%get3A_459] {strides = array<i32>} : memref<3456xf32, #tpu.memory_space<vmem>>, vector<16xf32>,
        %get3A_461 = vector.shape_cast %get3A_460 : vector<16xf32> to vector<16xf32>
        %get3A_462 = arith.index_cast %add3A_458 : i32 to index
        %get3A_463 = tpu.vector_load %arg5[%get3A_462] {strides = array<i32>} : memref<3456xf32, #tpu.memory_space<vmem>>, vector<16xf32>,
        %get3A_464 = vector.shape_cast %get3A_463 : vector<16xf32> to vector<16xf32>
        %add3A_465 = arith.addf %get3A_461, %get3A_464 : vector<16xf32>
        %swap3A_466 = arith.index_cast %add3A_458 : i32 to index
        %swap3A_467 = tpu.vector_load %arg10[%swap3A_466] {strides = array<i32>} : memref<3456xf32, #tpu.memory_space<vmem>>, vector<16xf32>,
        %swap3A_468 = vector.shape_cast %swap3A_467 : vector<16xf32> to vector<16xf32>
        %swap3A_469 = vector.shape_cast %add3A_465 : vector<16xf32> to vector<16xf32>
        tpu.vector_store %arg10[%swap3A_466], %swap3A_469 {strides = array<i32>} : memref<3456xf32, #tpu.memory_space<vmem>>, vector<16xf32>,
        %add3A_470 = arith.constant 96 : i32
        %add3A_471 = arith.addi %mul3A_393, %add3A_470 : i32
        %get3A_472 = arith.index_cast %add3A_471 : i32 to index
        %get3A_473 = tpu.vector_load %arg10[%get3A_472] {strides = array<i32>} : memref<3456xf32, #tpu.memory_space<vmem>>, vector<16xf32>,
        %get3A_474 = vector.shape_cast %get3A_473 : vector<16xf32> to vector<16xf32>
        %get3A_475 = arith.index_cast %add3A_471 : i32 to index
        %get3A_476 = tpu.vector_load %arg5[%get3A_475] {strides = array<i32>} : memref<3456xf32, #tpu.memory_space<vmem>>, vector<16xf32>,
        %get3A_477 = vector.shape_cast %get3A_476 : vector<16xf32> to vector<16xf32>
        %add3A_478 = arith.addf %get3A_474, %get3A_477 : vector<16xf32>
        %swap3A_479 = arith.index_cast %add3A_471 : i32 to index
        %swap3A_480 = tpu.vector_load %arg10[%swap3A_479] {strides = array<i32>} : memref<3456xf32, #tpu.memory_space<vmem>>, vector<16xf32>,
        %swap3A_481 = vector.shape_cast %swap3A_480 : vector<16xf32> to vector<16xf32>
        %swap3A_482 = vector.shape_cast %add3A_478 : vector<16xf32> to vector<16xf32>
        tpu.vector_store %arg10[%swap3A_479], %swap3A_482 {strides = array<i32>} : memref<3456xf32, #tpu.memory_space<vmem>>, vector<16xf32>,
        %add3A_483 = arith.constant 112 : i32
        %add3A_484 = arith.addi %mul3A_393, %add3A_483 : i32
        %get3A_485 = arith.index_cast %add3A_484 : i32 to index
        %get3A_486 = tpu.vector_load %arg10[%get3A_485] {strides = array<i32>} : memref<3456xf32, #tpu.memory_space<vmem>>, vector<16xf32>,
        %get3A_487 = vector.shape_cast %get3A_486 : vector<16xf32> to vector<16xf32>
        %get3A_488 = arith.index_cast %add3A_484 : i32 to index
        %get3A_489 = tpu.vector_load %arg5[%get3A_488] {strides = array<i32>} : memref<3456xf32, #tpu.memory_space<vmem>>, vector<16xf32>,
        %get3A_490 = vector.shape_cast %get3A_489 : vector<16xf32> to vector<16xf32>
        %add3A_491 = arith.addf %get3A_487, %get3A_490 : vector<16xf32>
        %swap3A_492 = arith.index_cast %add3A_484 : i32 to index
        %swap3A_493 = tpu.vector_load %arg10[%swap3A_492] {strides = array<i32>} : memref<3456xf32, #tpu.memory_space<vmem>>, vector<16xf32>,
        %swap3A_494 = vector.shape_cast %swap3A_493 : vector<16xf32> to vector<16xf32>
        %swap3A_495 = vector.shape_cast %add3A_491 : vector<16xf32> to vector<16xf32>
        tpu.vector_store %arg10[%swap3A_492], %swap3A_495 {strides = array<i32>} : memref<3456xf32, #tpu.memory_space<vmem>>, vector<16xf32>,
        %add3A_496 = arith.constant 128 : i32
        %add3A_497 = arith.addi %mul3A_393, %add3A_496 : i32
        %get3A_498 = arith.index_cast %add3A_497 : i32 to index
        %get3A_499 = tpu.vector_load %arg10[%get3A_498] {strides = array<i32>} : memref<3456xf32, #tpu.memory_space<vmem>>, vector<16xf32>,
        %get3A_500 = vector.shape_cast %get3A_499 : vector<16xf32> to vector<16xf32>
        %get3A_501 = arith.index_cast %add3A_497 : i32 to index
        %get3A_502 = tpu.vector_load %arg5[%get3A_501] {strides = array<i32>} : memref<3456xf32, #tpu.memory_space<vmem>>, vector<16xf32>,
        %get3A_503 = vector.shape_cast %get3A_502 : vector<16xf32> to vector<16xf32>
        %add3A_504 = arith.addf %get3A_500, %get3A_503 : vector<16xf32>
        %swap3A_505 = arith.index_cast %add3A_497 : i32 to index
        %swap3A_506 = tpu.vector_load %arg10[%swap3A_505] {strides = array<i32>} : memref<3456xf32, #tpu.memory_space<vmem>>, vector<16xf32>,
        %swap3A_507 = vector.shape_cast %swap3A_506 : vector<16xf32> to vector<16xf32>
        %swap3A_508 = vector.shape_cast %add3A_504 : vector<16xf32> to vector<16xf32>
        tpu.vector_store %arg10[%swap3A_505], %swap3A_508 {strides = array<i32>} : memref<3456xf32, #tpu.memory_space<vmem>>, vector<16xf32>,
        %add3A_509 = arith.constant 144 : i32
        %add3A_510 = arith.addi %mul3A_393, %add3A_509 : i32
        %get3A_511 = arith.index_cast %add3A_510 : i32 to index
        %get3A_512 = tpu.vector_load %arg10[%get3A_511] {strides = array<i32>} : memref<3456xf32, #tpu.memory_space<vmem>>, vector<16xf32>,
        %get3A_513 = vector.shape_cast %get3A_512 : vector<16xf32> to vector<16xf32>
        %get3A_514 = arith.index_cast %add3A_510 : i32 to index
        %get3A_515 = tpu.vector_load %arg5[%get3A_514] {strides = array<i32>} : memref<3456xf32, #tpu.memory_space<vmem>>, vector<16xf32>,
        %get3A_516 = vector.shape_cast %get3A_515 : vector<16xf32> to vector<16xf32>
        %add3A_517 = arith.addf %get3A_513, %get3A_516 : vector<16xf32>
        %swap3A_518 = arith.index_cast %add3A_510 : i32 to index
        %swap3A_519 = tpu.vector_load %arg10[%swap3A_518] {strides = array<i32>} : memref<3456xf32, #tpu.memory_space<vmem>>, vector<16xf32>,
        %swap3A_520 = vector.shape_cast %swap3A_519 : vector<16xf32> to vector<16xf32>
        %swap3A_521 = vector.shape_cast %add3A_517 : vector<16xf32> to vector<16xf32>
        tpu.vector_store %arg10[%swap3A_518], %swap3A_521 {strides = array<i32>} : memref<3456xf32, #tpu.memory_space<vmem>>, vector<16xf32>,
        %add3A_522 = arith.constant 160 : i32
        %add3A_523 = arith.addi %mul3A_393, %add3A_522 : i32
        %get3A_524 = arith.index_cast %add3A_523 : i32 to index
        %get3A_525 = tpu.vector_load %arg10[%get3A_524] {strides = array<i32>} : memref<3456xf32, #tpu.memory_space<vmem>>, vector<16xf32>,
        %get3A_526 = vector.shape_cast %get3A_525 : vector<16xf32> to vector<16xf32>
        %get3A_527 = arith.index_cast %add3A_523 : i32 to index
        %get3A_528 = tpu.vector_load %arg5[%get3A_527] {strides = array<i32>} : memref<3456xf32, #tpu.memory_space<vmem>>, vector<16xf32>,
        %get3A_529 = vector.shape_cast %get3A_528 : vector<16xf32> to vector<16xf32>
        %add3A_530 = arith.addf %get3A_526, %get3A_529 : vector<16xf32>
        %swap3A_531 = arith.index_cast %add3A_523 : i32 to index
        %swap3A_532 = tpu.vector_load %arg10[%swap3A_531] {strides = array<i32>} : memref<3456xf32, #tpu.memory_space<vmem>>, vector<16xf32>,
        %swap3A_533 = vector.shape_cast %swap3A_532 : vector<16xf32> to vector<16xf32>
        %swap3A_534 = vector.shape_cast %add3A_530 : vector<16xf32> to vector<16xf32>
        tpu.vector_store %arg10[%swap3A_531], %swap3A_534 {strides = array<i32>} : memref<3456xf32, #tpu.memory_space<vmem>>, vector<16xf32>,
        %add3A_535 = arith.constant 176 : i32
        %add3A_536 = arith.addi %mul3A_393, %add3A_535 : i32
        %get3A_537 = arith.index_cast %add3A_536 : i32 to index
        %get3A_538 = tpu.vector_load %arg10[%get3A_537] {strides = array<i32>} : memref<3456xf32, #tpu.memory_space<vmem>>, vector<16xf32>,
        %get3A_539 = vector.shape_cast %get3A_538 : vector<16xf32> to vector<16xf32>
        %get3A_540 = arith.index_cast %add3A_536 : i32 to index
        %get3A_541 = tpu.vector_load %arg5[%get3A_540] {strides = array<i32>} : memref<3456xf32, #tpu.memory_space<vmem>>, vector<16xf32>,
        %get3A_542 = vector.shape_cast %get3A_541 : vector<16xf32> to vector<16xf32>
        %add3A_543 = arith.addf %get3A_539, %get3A_542 : vector<16xf32>
        %swap3A_544 = arith.index_cast %add3A_536 : i32 to index
        %swap3A_545 = tpu.vector_load %arg10[%swap3A_544] {strides = array<i32>} : memref<3456xf32, #tpu.memory_space<vmem>>, vector<16xf32>,
        %swap3A_546 = vector.shape_cast %swap3A_545 : vector<16xf32> to vector<16xf32>
        %swap3A_547 = vector.shape_cast %add3A_543 : vector<16xf32> to vector<16xf32>
        tpu.vector_store %arg10[%swap3A_544], %swap3A_547 {strides = array<i32>} : memref<3456xf32, #tpu.memory_space<vmem>>, vector<16xf32>,
        %add3A_548 = arith.constant 192 : i32
        %add3A_549 = arith.addi %mul3A_393, %add3A_548 : i32
        %get3A_550 = arith.index_cast %add3A_549 : i32 to index
        %get3A_551 = tpu.vector_load %arg10[%get3A_550] {strides = array<i32>} : memref<3456xf32, #tpu.memory_space<vmem>>, vector<16xf32>,
        %get3A_552 = vector.shape_cast %get3A_551 : vector<16xf32> to vector<16xf32>
        %get3A_553 = arith.index_cast %add3A_549 : i32 to index
        %get3A_554 = tpu.vector_load %arg5[%get3A_553] {strides = array<i32>} : memref<3456xf32, #tpu.memory_space<vmem>>, vector<16xf32>,
        %get3A_555 = vector.shape_cast %get3A_554 : vector<16xf32> to vector<16xf32>
        %add3A_556 = arith.addf %get3A_552, %get3A_555 : vector<16xf32>
        %swap3A_557 = arith.index_cast %add3A_549 : i32 to index
        %swap3A_558 = tpu.vector_load %arg10[%swap3A_557] {strides = array<i32>} : memref<3456xf32, #tpu.memory_space<vmem>>, vector<16xf32>,
        %swap3A_559 = vector.shape_cast %swap3A_558 : vector<16xf32> to vector<16xf32>
        %swap3A_560 = vector.shape_cast %add3A_556 : vector<16xf32> to vector<16xf32>
        tpu.vector_store %arg10[%swap3A_557], %swap3A_560 {strides = array<i32>} : memref<3456xf32, #tpu.memory_space<vmem>>, vector<16xf32>,
        %add3A_561 = arith.constant 208 : i32
        %add3A_562 = arith.addi %mul3A_393, %add3A_561 : i32
        %get3A_563 = arith.index_cast %add3A_562 : i32 to index
        %get3A_564 = tpu.vector_load %arg10[%get3A_563] {strides = array<i32>} : memref<3456xf32, #tpu.memory_space<vmem>>, vector<16xf32>,
        %get3A_565 = vector.shape_cast %get3A_564 : vector<16xf32> to vector<16xf32>
        %get3A_566 = arith.index_cast %add3A_562 : i32 to index
        %get3A_567 = tpu.vector_load %arg5[%get3A_566] {strides = array<i32>} : memref<3456xf32, #tpu.memory_space<vmem>>, vector<16xf32>,
        %get3A_568 = vector.shape_cast %get3A_567 : vector<16xf32> to vector<16xf32>
        %add3A_569 = arith.addf %get3A_565, %get3A_568 : vector<16xf32>
        %swap3A_570 = arith.index_cast %add3A_562 : i32 to index
        %swap3A_571 = tpu.vector_load %arg10[%swap3A_570] {strides = array<i32>} : memref<3456xf32, #tpu.memory_space<vmem>>, vector<16xf32>,
        %swap3A_572 = vector.shape_cast %swap3A_571 : vector<16xf32> to vector<16xf32>
        %swap3A_573 = vector.shape_cast %add3A_569 : vector<16xf32> to vector<16xf32>
        tpu.vector_store %arg10[%swap3A_570], %swap3A_573 {strides = array<i32>} : memref<3456xf32, #tpu.memory_space<vmem>>, vector<16xf32>,
        %add3A_574 = arith.constant 224 : i32
        %add3A_575 = arith.addi %mul3A_393, %add3A_574 : i32
        %get3A_576 = arith.index_cast %add3A_575 : i32 to index
        %get3A_577 = tpu.vector_load %arg10[%get3A_576] {strides = array<i32>} : memref<3456xf32, #tpu.memory_space<vmem>>, vector<16xf32>,
        %get3A_578 = vector.shape_cast %get3A_577 : vector<16xf32> to vector<16xf32>
        %get3A_579 = arith.index_cast %add3A_575 : i32 to index
        %get3A_580 = tpu.vector_load %arg5[%get3A_579] {strides = array<i32>} : memref<3456xf32, #tpu.memory_space<vmem>>, vector<16xf32>,
        %get3A_581 = vector.shape_cast %get3A_580 : vector<16xf32> to vector<16xf32>
        %add3A_582 = arith.addf %get3A_578, %get3A_581 : vector<16xf32>
        %swap3A_583 = arith.index_cast %add3A_575 : i32 to index
        %swap3A_584 = tpu.vector_load %arg10[%swap3A_583] {strides = array<i32>} : memref<3456xf32, #tpu.memory_space<vmem>>, vector<16xf32>,
        %swap3A_585 = vector.shape_cast %swap3A_584 : vector<16xf32> to vector<16xf32>
        %swap3A_586 = vector.shape_cast %add3A_582 : vector<16xf32> to vector<16xf32>
        tpu.vector_store %arg10[%swap3A_583], %swap3A_586 {strides = array<i32>} : memref<3456xf32, #tpu.memory_space<vmem>>, vector<16xf32>,
        %add3A_587 = arith.constant 240 : i32
        %add3A_588 = arith.addi %mul3A_393, %add3A_587 : i32
        %get3A_589 = arith.index_cast %add3A_588 : i32 to index
        %get3A_590 = tpu.vector_load %arg10[%get3A_589] {strides = array<i32>} : memref<3456xf32, #tpu.memory_space<vmem>>, vector<16xf32>,
        %get3A_591 = vector.shape_cast %get3A_590 : vector<16xf32> to vector<16xf32>
        %get3A_592 = arith.index_cast %add3A_588 : i32 to index
        %get3A_593 = tpu.vector_load %arg5[%get3A_592] {strides = array<i32>} : memref<3456xf32, #tpu.memory_space<vmem>>, vector<16xf32>,
        %get3A_594 = vector.shape_cast %get3A_593 : vector<16xf32> to vector<16xf32>
        %add3A_595 = arith.addf %get3A_591, %get3A_594 : vector<16xf32>
        %swap3A_596 = arith.index_cast %add3A_588 : i32 to index
        %swap3A_597 = tpu.vector_load %arg10[%swap3A_596] {strides = array<i32>} : memref<3456xf32, #tpu.memory_space<vmem>>, vector<16xf32>,
        %swap3A_598 = vector.shape_cast %swap3A_597 : vector<16xf32> to vector<16xf32>
        %swap3A_599 = vector.shape_cast %add3A_595 : vector<16xf32> to vector<16xf32>
        tpu.vector_store %arg10[%swap3A_596], %swap3A_599 {strides = array<i32>} : memref<3456xf32, #tpu.memory_space<vmem>>, vector<16xf32>,
        %add3A_600 = arith.constant 256 : i32
        %add3A_601 = arith.addi %mul3A_393, %add3A_600 : i32
        %get3A_602 = arith.index_cast %add3A_601 : i32 to index
        %get3A_603 = tpu.vector_load %arg10[%get3A_602] {strides = array<i32>} : memref<3456xf32, #tpu.memory_space<vmem>>, vector<16xf32>,
        %get3A_604 = vector.shape_cast %get3A_603 : vector<16xf32> to vector<16xf32>
        %get3A_605 = arith.index_cast %add3A_601 : i32 to index
        %get3A_606 = tpu.vector_load %arg5[%get3A_605] {strides = array<i32>} : memref<3456xf32, #tpu.memory_space<vmem>>, vector<16xf32>,
        %get3A_607 = vector.shape_cast %get3A_606 : vector<16xf32> to vector<16xf32>
        %add3A_608 = arith.addf %get3A_604, %get3A_607 : vector<16xf32>
        %swap3A_609 = arith.index_cast %add3A_601 : i32 to index
        %swap3A_610 = tpu.vector_load %arg10[%swap3A_609] {strides = array<i32>} : memref<3456xf32, #tpu.memory_space<vmem>>, vector<16xf32>,
        %swap3A_611 = vector.shape_cast %swap3A_610 : vector<16xf32> to vector<16xf32>
        %swap3A_612 = vector.shape_cast %add3A_608 : vector<16xf32> to vector<16xf32>
        tpu.vector_store %arg10[%swap3A_609], %swap3A_612 {strides = array<i32>} : memref<3456xf32, #tpu.memory_space<vmem>>, vector<16xf32>,
        %add3A_613 = arith.constant 272 : i32
        %add3A_614 = arith.addi %mul3A_393, %add3A_613 : i32
        %get3A_615 = arith.index_cast %add3A_614 : i32 to index
        %get3A_616 = tpu.vector_load %arg10[%get3A_615] {strides = array<i32>} : memref<3456xf32, #tpu.memory_space<vmem>>, vector<16xf32>,
        %get3A_617 = vector.shape_cast %get3A_616 : vector<16xf32> to vector<16xf32>
        %get3A_618 = arith.index_cast %add3A_614 : i32 to index
        %get3A_619 = tpu.vector_load %arg5[%get3A_618] {strides = array<i32>} : memref<3456xf32, #tpu.memory_space<vmem>>, vector<16xf32>,
        %get3A_620 = vector.shape_cast %get3A_619 : vector<16xf32> to vector<16xf32>
        %add3A_621 = arith.addf %get3A_617, %get3A_620 : vector<16xf32>
        %swap3A_622 = arith.index_cast %add3A_614 : i32 to index
        %swap3A_623 = tpu.vector_load %arg10[%swap3A_622] {strides = array<i32>} : memref<3456xf32, #tpu.memory_space<vmem>>, vector<16xf32>,
        %swap3A_624 = vector.shape_cast %swap3A_623 : vector<16xf32> to vector<16xf32>
        %swap3A_625 = vector.shape_cast %add3A_621 : vector<16xf32> to vector<16xf32>
        tpu.vector_store %arg10[%swap3A_622], %swap3A_625 {strides = array<i32>} : memref<3456xf32, #tpu.memory_space<vmem>>, vector<16xf32>,
        %add3A_626 = arith.constant 288 : i32
        %add3A_627 = arith.addi %mul3A_393, %add3A_626 : i32
        %get3A_628 = arith.index_cast %add3A_627 : i32 to index
        %get3A_629 = tpu.vector_load %arg10[%get3A_628] {strides = array<i32>} : memref<3456xf32, #tpu.memory_space<vmem>>, vector<16xf32>,
        %get3A_630 = vector.shape_cast %get3A_629 : vector<16xf32> to vector<16xf32>
        %get3A_631 = arith.index_cast %add3A_627 : i32 to index
        %get3A_632 = tpu.vector_load %arg5[%get3A_631] {strides = array<i32>} : memref<3456xf32, #tpu.memory_space<vmem>>, vector<16xf32>,
        %get3A_633 = vector.shape_cast %get3A_632 : vector<16xf32> to vector<16xf32>
        %add3A_634 = arith.addf %get3A_630, %get3A_633 : vector<16xf32>
        %swap3A_635 = arith.index_cast %add3A_627 : i32 to index
        %swap3A_636 = tpu.vector_load %arg10[%swap3A_635] {strides = array<i32>} : memref<3456xf32, #tpu.memory_space<vmem>>, vector<16xf32>,
        %swap3A_637 = vector.shape_cast %swap3A_636 : vector<16xf32> to vector<16xf32>
        %swap3A_638 = vector.shape_cast %add3A_634 : vector<16xf32> to vector<16xf32>
        tpu.vector_store %arg10[%swap3A_635], %swap3A_638 {strides = array<i32>} : memref<3456xf32, #tpu.memory_space<vmem>>, vector<16xf32>,
        %add3A_639 = arith.constant 304 : i32
        %add3A_640 = arith.addi %mul3A_393, %add3A_639 : i32
        %get3A_641 = arith.index_cast %add3A_640 : i32 to index
        %get3A_642 = tpu.vector_load %arg10[%get3A_641] {strides = array<i32>} : memref<3456xf32, #tpu.memory_space<vmem>>, vector<16xf32>,
        %get3A_643 = vector.shape_cast %get3A_642 : vector<16xf32> to vector<16xf32>
        %get3A_644 = arith.index_cast %add3A_640 : i32 to index
        %get3A_645 = tpu.vector_load %arg5[%get3A_644] {strides = array<i32>} : memref<3456xf32, #tpu.memory_space<vmem>>, vector<16xf32>,
        %get3A_646 = vector.shape_cast %get3A_645 : vector<16xf32> to vector<16xf32>
        %add3A_647 = arith.addf %get3A_643, %get3A_646 : vector<16xf32>
        %swap3A_648 = arith.index_cast %add3A_640 : i32 to index
        %swap3A_649 = tpu.vector_load %arg10[%swap3A_648] {strides = array<i32>} : memref<3456xf32, #tpu.memory_space<vmem>>, vector<16xf32>,
        %swap3A_650 = vector.shape_cast %swap3A_649 : vector<16xf32> to vector<16xf32>
        %swap3A_651 = vector.shape_cast %add3A_647 : vector<16xf32> to vector<16xf32>
        tpu.vector_store %arg10[%swap3A_648], %swap3A_651 {strides = array<i32>} : memref<3456xf32, #tpu.memory_space<vmem>>, vector<16xf32>,
        %add3A_652 = arith.constant 320 : i32
        %add3A_653 = arith.addi %mul3A_393, %add3A_652 : i32
        %get3A_654 = arith.index_cast %add3A_653 : i32 to index
        %get3A_655 = tpu.vector_load %arg10[%get3A_654] {strides = array<i32>} : memref<3456xf32, #tpu.memory_space<vmem>>, vector<16xf32>,
        %get3A_656 = vector.shape_cast %get3A_655 : vector<16xf32> to vector<16xf32>
        %get3A_657 = arith.index_cast %add3A_653 : i32 to index
        %get3A_658 = tpu.vector_load %arg5[%get3A_657] {strides = array<i32>} : memref<3456xf32, #tpu.memory_space<vmem>>, vector<16xf32>,
        %get3A_659 = vector.shape_cast %get3A_658 : vector<16xf32> to vector<16xf32>
        %add3A_660 = arith.addf %get3A_656, %get3A_659 : vector<16xf32>
        %swap3A_661 = arith.index_cast %add3A_653 : i32 to index
        %swap3A_662 = tpu.vector_load %arg10[%swap3A_661] {strides = array<i32>} : memref<3456xf32, #tpu.memory_space<vmem>>, vector<16xf32>,
        %swap3A_663 = vector.shape_cast %swap3A_662 : vector<16xf32> to vector<16xf32>
        %swap3A_664 = vector.shape_cast %add3A_660 : vector<16xf32> to vector<16xf32>
        tpu.vector_store %arg10[%swap3A_661], %swap3A_664 {strides = array<i32>} : memref<3456xf32, #tpu.memory_space<vmem>>, vector<16xf32>,
        %add3A_665 = arith.constant 336 : i32
        %add3A_666 = arith.addi %mul3A_393, %add3A_665 : i32
        %get3A_667 = arith.index_cast %add3A_666 : i32 to index
        %get3A_668 = tpu.vector_load %arg10[%get3A_667] {strides = array<i32>} : memref<3456xf32, #tpu.memory_space<vmem>>, vector<16xf32>,
        %get3A_669 = vector.shape_cast %get3A_668 : vector<16xf32> to vector<16xf32>
        %get3A_670 = arith.index_cast %add3A_666 : i32 to index
        %get3A_671 = tpu.vector_load %arg5[%get3A_670] {strides = array<i32>} : memref<3456xf32, #tpu.memory_space<vmem>>, vector<16xf32>,
        %get3A_672 = vector.shape_cast %get3A_671 : vector<16xf32> to vector<16xf32>
        %add3A_673 = arith.addf %get3A_669, %get3A_672 : vector<16xf32>
        %swap3A_674 = arith.index_cast %add3A_666 : i32 to index
        %swap3A_675 = tpu.vector_load %arg10[%swap3A_674] {strides = array<i32>} : memref<3456xf32, #tpu.memory_space<vmem>>, vector<16xf32>,
        %swap3A_676 = vector.shape_cast %swap3A_675 : vector<16xf32> to vector<16xf32>
        %swap3A_677 = vector.shape_cast %add3A_673 : vector<16xf32> to vector<16xf32>
        tpu.vector_store %arg10[%swap3A_674], %swap3A_677 {strides = array<i32>} : memref<3456xf32, #tpu.memory_space<vmem>>, vector<16xf32>,
        %add3A_678 = arith.constant 352 : i32
        %add3A_679 = arith.addi %mul3A_393, %add3A_678 : i32
        %get3A_680 = arith.index_cast %add3A_679 : i32 to index
        %get3A_681 = tpu.vector_load %arg10[%get3A_680] {strides = array<i32>} : memref<3456xf32, #tpu.memory_space<vmem>>, vector<16xf32>,
        %get3A_682 = vector.shape_cast %get3A_681 : vector<16xf32> to vector<16xf32>
        %get3A_683 = arith.index_cast %add3A_679 : i32 to index
        %get3A_684 = tpu.vector_load %arg5[%get3A_683] {strides = array<i32>} : memref<3456xf32, #tpu.memory_space<vmem>>, vector<16xf32>,
        %get3A_685 = vector.shape_cast %get3A_684 : vector<16xf32> to vector<16xf32>
        %add3A_686 = arith.addf %get3A_682, %get3A_685 : vector<16xf32>
        %swap3A_687 = arith.index_cast %add3A_679 : i32 to index
        %swap3A_688 = tpu.vector_load %arg10[%swap3A_687] {strides = array<i32>} : memref<3456xf32, #tpu.memory_space<vmem>>, vector<16xf32>,
        %swap3A_689 = vector.shape_cast %swap3A_688 : vector<16xf32> to vector<16xf32>
        %swap3A_690 = vector.shape_cast %add3A_686 : vector<16xf32> to vector<16xf32>
        tpu.vector_store %arg10[%swap3A_687], %swap3A_690 {strides = array<i32>} : memref<3456xf32, #tpu.memory_space<vmem>>, vector<16xf32>,
        %add3A_691 = arith.constant 368 : i32
        %add3A_692 = arith.addi %mul3A_393, %add3A_691 : i32
        %get3A_693 = arith.index_cast %add3A_692 : i32 to index
        %get3A_694 = tpu.vector_load %arg10[%get3A_693] {strides = array<i32>} : memref<3456xf32, #tpu.memory_space<vmem>>, vector<16xf32>,
        %get3A_695 = vector.shape_cast %get3A_694 : vector<16xf32> to vector<16xf32>
        %get3A_696 = arith.index_cast %add3A_692 : i32 to index
        %get3A_697 = tpu.vector_load %arg5[%get3A_696] {strides = array<i32>} : memref<3456xf32, #tpu.memory_space<vmem>>, vector<16xf32>,
        %get3A_698 = vector.shape_cast %get3A_697 : vector<16xf32> to vector<16xf32>
        %add3A_699 = arith.addf %get3A_695, %get3A_698 : vector<16xf32>
        %swap3A_700 = arith.index_cast %add3A_692 : i32 to index
        %swap3A_701 = tpu.vector_load %arg10[%swap3A_700] {strides = array<i32>} : memref<3456xf32, #tpu.memory_space<vmem>>, vector<16xf32>,
        %swap3A_702 = vector.shape_cast %swap3A_701 : vector<16xf32> to vector<16xf32>
        %swap3A_703 = vector.shape_cast %add3A_699 : vector<16xf32> to vector<16xf32>
        tpu.vector_store %arg10[%swap3A_700], %swap3A_703 {strides = array<i32>} : memref<3456xf32, #tpu.memory_space<vmem>>, vector<16xf32>,
        %scan3A_704 = arith.constant 0 : i32
        scf.yield %scan3A_704 : i32
      }
      %scan3A_264 = arith.constant 9 : i32
      %mul3A_265 = arith.constant 32 : i32
      %mul3A_266 = arith.muli %add3A_236, %mul3A_265 : i32
      %add3A_267 = arith.addi %mul3A_266, %add3A : i32
      %mul3A_268 = arith.constant 3456 : i32
      %mul3A_269 = arith.muli %add3A_267, %mul3A_268 : i32
      %dma_start3A_270 = tpu.memref_slice %arg4[%mul3A_269] : memref<14155776xf32, #tpu.memory_space<hbm>> -> memref<3456xf32, #tpu.memory_space<hbm>>
      %dma_start3A_271 = tpu.memref_slice %arg4[%mul3A_269] : memref<14155776xf32, #tpu.memory_space<hbm>> -> memref<3456xf32, #tpu.memory_space<hbm>>
      tpu.enqueue_dma source(%arg10 : memref<3456xf32, #tpu.memory_space<vmem>>) target(%dma_start3A_271 : memref<3456xf32, #tpu.memory_space<hbm>>) target_semaphore(%arg26 : memref<!tpu.dma_semaphore, #tpu.memory_space<semaphore_mem>>)
      %mul3A_272 = arith.constant 8 : i32
      %mul3A_273 = arith.muli %scan3A_81, %mul3A_272 : i32
      %add3A_274 = arith.constant 5 : i32
      %add3A_275 = arith.addi %mul3A_273, %add3A_274 : i32
      %add3A_276 = arith.constant 8 : i32
      %add3A_277 = arith.addi %add3A_275, %add3A_276 : i32
      %sub3A_278 = arith.constant 1 : i32
      %sub3A_279 = arith.subi %add3A_277, %sub3A_278 : i32
      %ge3A_280 = arith.constant 1 : i32
      %ge3A_281 = arith.cmpi sge, %add3A_275, %ge3A_280 : i32
      %lt3A_282 = arith.constant 128 : i32
      %lt3A_283 = arith.cmpi slt, %sub3A_279, %lt3A_282 : i32
      %and3A_284 = arith.andi %ge3A_281, %lt3A_283 : i1
      %convert_element_type3A_285 = arith.extui %and3A_284 : i1 to i32
      %cond3A_286 = arith.constant 0 : i32
      %cond3A_287 = arith.cmpi ne, %convert_element_type3A_285, %cond3A_286 : i32
      scf.if %cond3A_287 {
        %dma_wait3A_390 = arith.constant 0 : i32
        %dma_wait3A_391 = tpu.memref_slice %arg4[%dma_wait3A_390] : memref<14155776xf32, #tpu.memory_space<hbm>> -> memref<3456xf32, #tpu.memory_space<hbm>>
        %dma_wait3A_392 = arith.constant 0 : i32
        %dma_wait3A_393 = tpu.memref_slice %arg4[%dma_wait3A_392] : memref<14155776xf32, #tpu.memory_space<hbm>> -> memref<3456xf32, #tpu.memory_space<hbm>>
        tpu.wait_dma2 semaphore(%arg26 : memref<!tpu.dma_semaphore, #tpu.memory_space<semaphore_mem>>) src(%arg10 : memref<3456xf32, #tpu.memory_space<vmem>>) dst(%dma_wait3A_393 : memref<3456xf32, #tpu.memory_space<hbm>>)
      } else {
      }
      %lt3A_288 = arith.constant 128 : i32
      %lt3A_289 = arith.cmpi slt, %sub3A_279, %lt3A_288 : i32
      %convert_element_type3A_290 = arith.extui %lt3A_289 : i1 to i32
      %cond3A_291 = arith.constant 0 : i32
      %cond3A_292 = arith.cmpi ne, %convert_element_type3A_290, %cond3A_291 : i32
      scf.if %cond3A_292 {
        %mul3A_390 = arith.constant 32 : i32
        %mul3A_391 = arith.muli %sub3A_279, %mul3A_390 : i32
        %add3A_392 = arith.addi %mul3A_391, %add3A : i32
        %mul3A_393 = arith.constant 3456 : i32
        %mul3A_394 = arith.muli %add3A_392, %mul3A_393 : i32
        %dma_start3A_395 = tpu.memref_slice %arg2[%mul3A_394] : memref<14155776xf32, #tpu.memory_space<hbm>> -> memref<3456xf32, #tpu.memory_space<hbm>>
        %dma_start3A_396 = tpu.memref_slice %arg2[%mul3A_394] : memref<14155776xf32, #tpu.memory_space<hbm>> -> memref<3456xf32, #tpu.memory_space<hbm>>
        tpu.enqueue_dma source(%dma_start3A_396 : memref<3456xf32, #tpu.memory_space<hbm>>) target(%arg10 : memref<3456xf32, #tpu.memory_space<vmem>>) target_semaphore(%arg18 : memref<!tpu.dma_semaphore, #tpu.memory_space<semaphore_mem>>)
      } else {
      }
      %dma_wait3A_293 = arith.constant 0 : i32
      %dma_wait3A_294 = tpu.memref_slice %arg2[%dma_wait3A_293] : memref<14155776xf32, #tpu.memory_space<hbm>> -> memref<3456xf32, #tpu.memory_space<hbm>>
      %dma_wait3A_295 = arith.constant 0 : i32
      %dma_wait3A_296 = tpu.memref_slice %arg2[%dma_wait3A_295] : memref<14155776xf32, #tpu.memory_space<hbm>> -> memref<3456xf32, #tpu.memory_space<hbm>>
      tpu.wait_dma2 semaphore(%arg19 : memref<!tpu.dma_semaphore, #tpu.memory_space<semaphore_mem>>) src(%dma_wait3A_296 : memref<3456xf32, #tpu.memory_space<hbm>>) dst(%arg11 : memref<3456xf32, #tpu.memory_space<vmem>>)
      %scan3A_297 = arith.constant 0 : i32
      %scan3A_298 = arith.constant 0 : i32
      %scan3A_299 = arith.constant 9 : i32
      %scan3A_300 = arith.addi %scan3A_298, %scan3A_299 : i32
      %scan3A_301 = arith.constant 1 : i32
      %scan3A_302 = scf.for %scan3A_390 = %scan3A_298 to %scan3A_300 step %scan3A_301 iter_args(%scan3A_391 = %scan3A_297) -> (i32)  : i32 {
        %mul3A_392 = arith.constant 384 : i32
        %mul3A_393 = arith.muli %scan3A_390, %mul3A_392 : i32
        %add3A_394 = arith.constant 0 : i32
        %add3A_395 = arith.addi %mul3A_393, %add3A_394 : i32
        %get3A = arith.index_cast %add3A_395 : i32 to index
        %get3A_396 = tpu.vector_load %arg11[%get3A] {strides = array<i32>} : memref<3456xf32, #tpu.memory_space<vmem>>, vector<16xf32>,
        %get3A_397 = vector.shape_cast %get3A_396 : vector<16xf32> to vector<16xf32>
        %get3A_398 = arith.index_cast %add3A_395 : i32 to index
        %get3A_399 = tpu.vector_load %arg5[%get3A_398] {strides = array<i32>} : memref<3456xf32, #tpu.memory_space<vmem>>, vector<16xf32>,
        %get3A_400 = vector.shape_cast %get3A_399 : vector<16xf32> to vector<16xf32>
        %add3A_401 = arith.addf %get3A_397, %get3A_400 : vector<16xf32>
        %swap3A = arith.index_cast %add3A_395 : i32 to index
        %swap3A_402 = tpu.vector_load %arg11[%swap3A] {strides = array<i32>} : memref<3456xf32, #tpu.memory_space<vmem>>, vector<16xf32>,
        %swap3A_403 = vector.shape_cast %swap3A_402 : vector<16xf32> to vector<16xf32>
        %swap3A_404 = vector.shape_cast %add3A_401 : vector<16xf32> to vector<16xf32>
        tpu.vector_store %arg11[%swap3A], %swap3A_404 {strides = array<i32>} : memref<3456xf32, #tpu.memory_space<vmem>>, vector<16xf32>,
        %add3A_405 = arith.constant 16 : i32
        %add3A_406 = arith.addi %mul3A_393, %add3A_405 : i32
        %get3A_407 = arith.index_cast %add3A_406 : i32 to index
        %get3A_408 = tpu.vector_load %arg11[%get3A_407] {strides = array<i32>} : memref<3456xf32, #tpu.memory_space<vmem>>, vector<16xf32>,
        %get3A_409 = vector.shape_cast %get3A_408 : vector<16xf32> to vector<16xf32>
        %get3A_410 = arith.index_cast %add3A_406 : i32 to index
        %get3A_411 = tpu.vector_load %arg5[%get3A_410] {strides = array<i32>} : memref<3456xf32, #tpu.memory_space<vmem>>, vector<16xf32>,
        %get3A_412 = vector.shape_cast %get3A_411 : vector<16xf32> to vector<16xf32>
        %add3A_413 = arith.addf %get3A_409, %get3A_412 : vector<16xf32>
        %swap3A_414 = arith.index_cast %add3A_406 : i32 to index
        %swap3A_415 = tpu.vector_load %arg11[%swap3A_414] {strides = array<i32>} : memref<3456xf32, #tpu.memory_space<vmem>>, vector<16xf32>,
        %swap3A_416 = vector.shape_cast %swap3A_415 : vector<16xf32> to vector<16xf32>
        %swap3A_417 = vector.shape_cast %add3A_413 : vector<16xf32> to vector<16xf32>
        tpu.vector_store %arg11[%swap3A_414], %swap3A_417 {strides = array<i32>} : memref<3456xf32, #tpu.memory_space<vmem>>, vector<16xf32>,
        %add3A_418 = arith.constant 32 : i32
        %add3A_419 = arith.addi %mul3A_393, %add3A_418 : i32
        %get3A_420 = arith.index_cast %add3A_419 : i32 to index
        %get3A_421 = tpu.vector_load %arg11[%get3A_420] {strides = array<i32>} : memref<3456xf32, #tpu.memory_space<vmem>>, vector<16xf32>,
        %get3A_422 = vector.shape_cast %get3A_421 : vector<16xf32> to vector<16xf32>
        %get3A_423 = arith.index_cast %add3A_419 : i32 to index
        %get3A_424 = tpu.vector_load %arg5[%get3A_423] {strides = array<i32>} : memref<3456xf32, #tpu.memory_space<vmem>>, vector<16xf32>,
        %get3A_425 = vector.shape_cast %get3A_424 : vector<16xf32> to vector<16xf32>
        %add3A_426 = arith.addf %get3A_422, %get3A_425 : vector<16xf32>
        %swap3A_427 = arith.index_cast %add3A_419 : i32 to index
        %swap3A_428 = tpu.vector_load %arg11[%swap3A_427] {strides = array<i32>} : memref<3456xf32, #tpu.memory_space<vmem>>, vector<16xf32>,
        %swap3A_429 = vector.shape_cast %swap3A_428 : vector<16xf32> to vector<16xf32>
        %swap3A_430 = vector.shape_cast %add3A_426 : vector<16xf32> to vector<16xf32>
        tpu.vector_store %arg11[%swap3A_427], %swap3A_430 {strides = array<i32>} : memref<3456xf32, #tpu.memory_space<vmem>>, vector<16xf32>,
        %add3A_431 = arith.constant 48 : i32
        %add3A_432 = arith.addi %mul3A_393, %add3A_431 : i32
        %get3A_433 = arith.index_cast %add3A_432 : i32 to index
        %get3A_434 = tpu.vector_load %arg11[%get3A_433] {strides = array<i32>} : memref<3456xf32, #tpu.memory_space<vmem>>, vector<16xf32>,
        %get3A_435 = vector.shape_cast %get3A_434 : vector<16xf32> to vector<16xf32>
        %get3A_436 = arith.index_cast %add3A_432 : i32 to index
        %get3A_437 = tpu.vector_load %arg5[%get3A_436] {strides = array<i32>} : memref<3456xf32, #tpu.memory_space<vmem>>, vector<16xf32>,
        %get3A_438 = vector.shape_cast %get3A_437 : vector<16xf32> to vector<16xf32>
        %add3A_439 = arith.addf %get3A_435, %get3A_438 : vector<16xf32>
        %swap3A_440 = arith.index_cast %add3A_432 : i32 to index
        %swap3A_441 = tpu.vector_load %arg11[%swap3A_440] {strides = array<i32>} : memref<3456xf32, #tpu.memory_space<vmem>>, vector<16xf32>,
        %swap3A_442 = vector.shape_cast %swap3A_441 : vector<16xf32> to vector<16xf32>
        %swap3A_443 = vector.shape_cast %add3A_439 : vector<16xf32> to vector<16xf32>
        tpu.vector_store %arg11[%swap3A_440], %swap3A_443 {strides = array<i32>} : memref<3456xf32, #tpu.memory_space<vmem>>, vector<16xf32>,
        %add3A_444 = arith.constant 64 : i32
        %add3A_445 = arith.addi %mul3A_393, %add3A_444 : i32
        %get3A_446 = arith.index_cast %add3A_445 : i32 to index
        %get3A_447 = tpu.vector_load %arg11[%get3A_446] {strides = array<i32>} : memref<3456xf32, #tpu.memory_space<vmem>>, vector<16xf32>,
        %get3A_448 = vector.shape_cast %get3A_447 : vector<16xf32> to vector<16xf32>
        %get3A_449 = arith.index_cast %add3A_445 : i32 to index
        %get3A_450 = tpu.vector_load %arg5[%get3A_449] {strides = array<i32>} : memref<3456xf32, #tpu.memory_space<vmem>>, vector<16xf32>,
        %get3A_451 = vector.shape_cast %get3A_450 : vector<16xf32> to vector<16xf32>
        %add3A_452 = arith.addf %get3A_448, %get3A_451 : vector<16xf32>
        %swap3A_453 = arith.index_cast %add3A_445 : i32 to index
        %swap3A_454 = tpu.vector_load %arg11[%swap3A_453] {strides = array<i32>} : memref<3456xf32, #tpu.memory_space<vmem>>, vector<16xf32>,
        %swap3A_455 = vector.shape_cast %swap3A_454 : vector<16xf32> to vector<16xf32>
        %swap3A_456 = vector.shape_cast %add3A_452 : vector<16xf32> to vector<16xf32>
        tpu.vector_store %arg11[%swap3A_453], %swap3A_456 {strides = array<i32>} : memref<3456xf32, #tpu.memory_space<vmem>>, vector<16xf32>,
        %add3A_457 = arith.constant 80 : i32
        %add3A_458 = arith.addi %mul3A_393, %add3A_457 : i32
        %get3A_459 = arith.index_cast %add3A_458 : i32 to index
        %get3A_460 = tpu.vector_load %arg11[%get3A_459] {strides = array<i32>} : memref<3456xf32, #tpu.memory_space<vmem>>, vector<16xf32>,
        %get3A_461 = vector.shape_cast %get3A_460 : vector<16xf32> to vector<16xf32>
        %get3A_462 = arith.index_cast %add3A_458 : i32 to index
        %get3A_463 = tpu.vector_load %arg5[%get3A_462] {strides = array<i32>} : memref<3456xf32, #tpu.memory_space<vmem>>, vector<16xf32>,
        %get3A_464 = vector.shape_cast %get3A_463 : vector<16xf32> to vector<16xf32>
        %add3A_465 = arith.addf %get3A_461, %get3A_464 : vector<16xf32>
        %swap3A_466 = arith.index_cast %add3A_458 : i32 to index
        %swap3A_467 = tpu.vector_load %arg11[%swap3A_466] {strides = array<i32>} : memref<3456xf32, #tpu.memory_space<vmem>>, vector<16xf32>,
        %swap3A_468 = vector.shape_cast %swap3A_467 : vector<16xf32> to vector<16xf32>
        %swap3A_469 = vector.shape_cast %add3A_465 : vector<16xf32> to vector<16xf32>
        tpu.vector_store %arg11[%swap3A_466], %swap3A_469 {strides = array<i32>} : memref<3456xf32, #tpu.memory_space<vmem>>, vector<16xf32>,
        %add3A_470 = arith.constant 96 : i32
        %add3A_471 = arith.addi %mul3A_393, %add3A_470 : i32
        %get3A_472 = arith.index_cast %add3A_471 : i32 to index
        %get3A_473 = tpu.vector_load %arg11[%get3A_472] {strides = array<i32>} : memref<3456xf32, #tpu.memory_space<vmem>>, vector<16xf32>,
        %get3A_474 = vector.shape_cast %get3A_473 : vector<16xf32> to vector<16xf32>
        %get3A_475 = arith.index_cast %add3A_471 : i32 to index
        %get3A_476 = tpu.vector_load %arg5[%get3A_475] {strides = array<i32>} : memref<3456xf32, #tpu.memory_space<vmem>>, vector<16xf32>,
        %get3A_477 = vector.shape_cast %get3A_476 : vector<16xf32> to vector<16xf32>
        %add3A_478 = arith.addf %get3A_474, %get3A_477 : vector<16xf32>
        %swap3A_479 = arith.index_cast %add3A_471 : i32 to index
        %swap3A_480 = tpu.vector_load %arg11[%swap3A_479] {strides = array<i32>} : memref<3456xf32, #tpu.memory_space<vmem>>, vector<16xf32>,
        %swap3A_481 = vector.shape_cast %swap3A_480 : vector<16xf32> to vector<16xf32>
        %swap3A_482 = vector.shape_cast %add3A_478 : vector<16xf32> to vector<16xf32>
        tpu.vector_store %arg11[%swap3A_479], %swap3A_482 {strides = array<i32>} : memref<3456xf32, #tpu.memory_space<vmem>>, vector<16xf32>,
        %add3A_483 = arith.constant 112 : i32
        %add3A_484 = arith.addi %mul3A_393, %add3A_483 : i32
        %get3A_485 = arith.index_cast %add3A_484 : i32 to index
        %get3A_486 = tpu.vector_load %arg11[%get3A_485] {strides = array<i32>} : memref<3456xf32, #tpu.memory_space<vmem>>, vector<16xf32>,
        %get3A_487 = vector.shape_cast %get3A_486 : vector<16xf32> to vector<16xf32>
        %get3A_488 = arith.index_cast %add3A_484 : i32 to index
        %get3A_489 = tpu.vector_load %arg5[%get3A_488] {strides = array<i32>} : memref<3456xf32, #tpu.memory_space<vmem>>, vector<16xf32>,
        %get3A_490 = vector.shape_cast %get3A_489 : vector<16xf32> to vector<16xf32>
        %add3A_491 = arith.addf %get3A_487, %get3A_490 : vector<16xf32>
        %swap3A_492 = arith.index_cast %add3A_484 : i32 to index
        %swap3A_493 = tpu.vector_load %arg11[%swap3A_492] {strides = array<i32>} : memref<3456xf32, #tpu.memory_space<vmem>>, vector<16xf32>,
        %swap3A_494 = vector.shape_cast %swap3A_493 : vector<16xf32> to vector<16xf32>
        %swap3A_495 = vector.shape_cast %add3A_491 : vector<16xf32> to vector<16xf32>
        tpu.vector_store %arg11[%swap3A_492], %swap3A_495 {strides = array<i32>} : memref<3456xf32, #tpu.memory_space<vmem>>, vector<16xf32>,
        %add3A_496 = arith.constant 128 : i32
        %add3A_497 = arith.addi %mul3A_393, %add3A_496 : i32
        %get3A_498 = arith.index_cast %add3A_497 : i32 to index
        %get3A_499 = tpu.vector_load %arg11[%get3A_498] {strides = array<i32>} : memref<3456xf32, #tpu.memory_space<vmem>>, vector<16xf32>,
        %get3A_500 = vector.shape_cast %get3A_499 : vector<16xf32> to vector<16xf32>
        %get3A_501 = arith.index_cast %add3A_497 : i32 to index
        %get3A_502 = tpu.vector_load %arg5[%get3A_501] {strides = array<i32>} : memref<3456xf32, #tpu.memory_space<vmem>>, vector<16xf32>,
        %get3A_503 = vector.shape_cast %get3A_502 : vector<16xf32> to vector<16xf32>
        %add3A_504 = arith.addf %get3A_500, %get3A_503 : vector<16xf32>
        %swap3A_505 = arith.index_cast %add3A_497 : i32 to index
        %swap3A_506 = tpu.vector_load %arg11[%swap3A_505] {strides = array<i32>} : memref<3456xf32, #tpu.memory_space<vmem>>, vector<16xf32>,
        %swap3A_507 = vector.shape_cast %swap3A_506 : vector<16xf32> to vector<16xf32>
        %swap3A_508 = vector.shape_cast %add3A_504 : vector<16xf32> to vector<16xf32>
        tpu.vector_store %arg11[%swap3A_505], %swap3A_508 {strides = array<i32>} : memref<3456xf32, #tpu.memory_space<vmem>>, vector<16xf32>,
        %add3A_509 = arith.constant 144 : i32
        %add3A_510 = arith.addi %mul3A_393, %add3A_509 : i32
        %get3A_511 = arith.index_cast %add3A_510 : i32 to index
        %get3A_512 = tpu.vector_load %arg11[%get3A_511] {strides = array<i32>} : memref<3456xf32, #tpu.memory_space<vmem>>, vector<16xf32>,
        %get3A_513 = vector.shape_cast %get3A_512 : vector<16xf32> to vector<16xf32>
        %get3A_514 = arith.index_cast %add3A_510 : i32 to index
        %get3A_515 = tpu.vector_load %arg5[%get3A_514] {strides = array<i32>} : memref<3456xf32, #tpu.memory_space<vmem>>, vector<16xf32>,
        %get3A_516 = vector.shape_cast %get3A_515 : vector<16xf32> to vector<16xf32>
        %add3A_517 = arith.addf %get3A_513, %get3A_516 : vector<16xf32>
        %swap3A_518 = arith.index_cast %add3A_510 : i32 to index
        %swap3A_519 = tpu.vector_load %arg11[%swap3A_518] {strides = array<i32>} : memref<3456xf32, #tpu.memory_space<vmem>>, vector<16xf32>,
        %swap3A_520 = vector.shape_cast %swap3A_519 : vector<16xf32> to vector<16xf32>
        %swap3A_521 = vector.shape_cast %add3A_517 : vector<16xf32> to vector<16xf32>
        tpu.vector_store %arg11[%swap3A_518], %swap3A_521 {strides = array<i32>} : memref<3456xf32, #tpu.memory_space<vmem>>, vector<16xf32>,
        %add3A_522 = arith.constant 160 : i32
        %add3A_523 = arith.addi %mul3A_393, %add3A_522 : i32
        %get3A_524 = arith.index_cast %add3A_523 : i32 to index
        %get3A_525 = tpu.vector_load %arg11[%get3A_524] {strides = array<i32>} : memref<3456xf32, #tpu.memory_space<vmem>>, vector<16xf32>,
        %get3A_526 = vector.shape_cast %get3A_525 : vector<16xf32> to vector<16xf32>
        %get3A_527 = arith.index_cast %add3A_523 : i32 to index
        %get3A_528 = tpu.vector_load %arg5[%get3A_527] {strides = array<i32>} : memref<3456xf32, #tpu.memory_space<vmem>>, vector<16xf32>,
        %get3A_529 = vector.shape_cast %get3A_528 : vector<16xf32> to vector<16xf32>
        %add3A_530 = arith.addf %get3A_526, %get3A_529 : vector<16xf32>
        %swap3A_531 = arith.index_cast %add3A_523 : i32 to index
        %swap3A_532 = tpu.vector_load %arg11[%swap3A_531] {strides = array<i32>} : memref<3456xf32, #tpu.memory_space<vmem>>, vector<16xf32>,
        %swap3A_533 = vector.shape_cast %swap3A_532 : vector<16xf32> to vector<16xf32>
        %swap3A_534 = vector.shape_cast %add3A_530 : vector<16xf32> to vector<16xf32>
        tpu.vector_store %arg11[%swap3A_531], %swap3A_534 {strides = array<i32>} : memref<3456xf32, #tpu.memory_space<vmem>>, vector<16xf32>,
        %add3A_535 = arith.constant 176 : i32
        %add3A_536 = arith.addi %mul3A_393, %add3A_535 : i32
        %get3A_537 = arith.index_cast %add3A_536 : i32 to index
        %get3A_538 = tpu.vector_load %arg11[%get3A_537] {strides = array<i32>} : memref<3456xf32, #tpu.memory_space<vmem>>, vector<16xf32>,
        %get3A_539 = vector.shape_cast %get3A_538 : vector<16xf32> to vector<16xf32>
        %get3A_540 = arith.index_cast %add3A_536 : i32 to index
        %get3A_541 = tpu.vector_load %arg5[%get3A_540] {strides = array<i32>} : memref<3456xf32, #tpu.memory_space<vmem>>, vector<16xf32>,
        %get3A_542 = vector.shape_cast %get3A_541 : vector<16xf32> to vector<16xf32>
        %add3A_543 = arith.addf %get3A_539, %get3A_542 : vector<16xf32>
        %swap3A_544 = arith.index_cast %add3A_536 : i32 to index
        %swap3A_545 = tpu.vector_load %arg11[%swap3A_544] {strides = array<i32>} : memref<3456xf32, #tpu.memory_space<vmem>>, vector<16xf32>,
        %swap3A_546 = vector.shape_cast %swap3A_545 : vector<16xf32> to vector<16xf32>
        %swap3A_547 = vector.shape_cast %add3A_543 : vector<16xf32> to vector<16xf32>
        tpu.vector_store %arg11[%swap3A_544], %swap3A_547 {strides = array<i32>} : memref<3456xf32, #tpu.memory_space<vmem>>, vector<16xf32>,
        %add3A_548 = arith.constant 192 : i32
        %add3A_549 = arith.addi %mul3A_393, %add3A_548 : i32
        %get3A_550 = arith.index_cast %add3A_549 : i32 to index
        %get3A_551 = tpu.vector_load %arg11[%get3A_550] {strides = array<i32>} : memref<3456xf32, #tpu.memory_space<vmem>>, vector<16xf32>,
        %get3A_552 = vector.shape_cast %get3A_551 : vector<16xf32> to vector<16xf32>
        %get3A_553 = arith.index_cast %add3A_549 : i32 to index
        %get3A_554 = tpu.vector_load %arg5[%get3A_553] {strides = array<i32>} : memref<3456xf32, #tpu.memory_space<vmem>>, vector<16xf32>,
        %get3A_555 = vector.shape_cast %get3A_554 : vector<16xf32> to vector<16xf32>
        %add3A_556 = arith.addf %get3A_552, %get3A_555 : vector<16xf32>
        %swap3A_557 = arith.index_cast %add3A_549 : i32 to index
        %swap3A_558 = tpu.vector_load %arg11[%swap3A_557] {strides = array<i32>} : memref<3456xf32, #tpu.memory_space<vmem>>, vector<16xf32>,
        %swap3A_559 = vector.shape_cast %swap3A_558 : vector<16xf32> to vector<16xf32>
        %swap3A_560 = vector.shape_cast %add3A_556 : vector<16xf32> to vector<16xf32>
        tpu.vector_store %arg11[%swap3A_557], %swap3A_560 {strides = array<i32>} : memref<3456xf32, #tpu.memory_space<vmem>>, vector<16xf32>,
        %add3A_561 = arith.constant 208 : i32
        %add3A_562 = arith.addi %mul3A_393, %add3A_561 : i32
        %get3A_563 = arith.index_cast %add3A_562 : i32 to index
        %get3A_564 = tpu.vector_load %arg11[%get3A_563] {strides = array<i32>} : memref<3456xf32, #tpu.memory_space<vmem>>, vector<16xf32>,
        %get3A_565 = vector.shape_cast %get3A_564 : vector<16xf32> to vector<16xf32>
        %get3A_566 = arith.index_cast %add3A_562 : i32 to index
        %get3A_567 = tpu.vector_load %arg5[%get3A_566] {strides = array<i32>} : memref<3456xf32, #tpu.memory_space<vmem>>, vector<16xf32>,
        %get3A_568 = vector.shape_cast %get3A_567 : vector<16xf32> to vector<16xf32>
        %add3A_569 = arith.addf %get3A_565, %get3A_568 : vector<16xf32>
        %swap3A_570 = arith.index_cast %add3A_562 : i32 to index
        %swap3A_571 = tpu.vector_load %arg11[%swap3A_570] {strides = array<i32>} : memref<3456xf32, #tpu.memory_space<vmem>>, vector<16xf32>,
        %swap3A_572 = vector.shape_cast %swap3A_571 : vector<16xf32> to vector<16xf32>
        %swap3A_573 = vector.shape_cast %add3A_569 : vector<16xf32> to vector<16xf32>
        tpu.vector_store %arg11[%swap3A_570], %swap3A_573 {strides = array<i32>} : memref<3456xf32, #tpu.memory_space<vmem>>, vector<16xf32>,
        %add3A_574 = arith.constant 224 : i32
        %add3A_575 = arith.addi %mul3A_393, %add3A_574 : i32
        %get3A_576 = arith.index_cast %add3A_575 : i32 to index
        %get3A_577 = tpu.vector_load %arg11[%get3A_576] {strides = array<i32>} : memref<3456xf32, #tpu.memory_space<vmem>>, vector<16xf32>,
        %get3A_578 = vector.shape_cast %get3A_577 : vector<16xf32> to vector<16xf32>
        %get3A_579 = arith.index_cast %add3A_575 : i32 to index
        %get3A_580 = tpu.vector_load %arg5[%get3A_579] {strides = array<i32>} : memref<3456xf32, #tpu.memory_space<vmem>>, vector<16xf32>,
        %get3A_581 = vector.shape_cast %get3A_580 : vector<16xf32> to vector<16xf32>
        %add3A_582 = arith.addf %get3A_578, %get3A_581 : vector<16xf32>
        %swap3A_583 = arith.index_cast %add3A_575 : i32 to index
        %swap3A_584 = tpu.vector_load %arg11[%swap3A_583] {strides = array<i32>} : memref<3456xf32, #tpu.memory_space<vmem>>, vector<16xf32>,
        %swap3A_585 = vector.shape_cast %swap3A_584 : vector<16xf32> to vector<16xf32>
        %swap3A_586 = vector.shape_cast %add3A_582 : vector<16xf32> to vector<16xf32>
        tpu.vector_store %arg11[%swap3A_583], %swap3A_586 {strides = array<i32>} : memref<3456xf32, #tpu.memory_space<vmem>>, vector<16xf32>,
        %add3A_587 = arith.constant 240 : i32
        %add3A_588 = arith.addi %mul3A_393, %add3A_587 : i32
        %get3A_589 = arith.index_cast %add3A_588 : i32 to index
        %get3A_590 = tpu.vector_load %arg11[%get3A_589] {strides = array<i32>} : memref<3456xf32, #tpu.memory_space<vmem>>, vector<16xf32>,
        %get3A_591 = vector.shape_cast %get3A_590 : vector<16xf32> to vector<16xf32>
        %get3A_592 = arith.index_cast %add3A_588 : i32 to index
        %get3A_593 = tpu.vector_load %arg5[%get3A_592] {strides = array<i32>} : memref<3456xf32, #tpu.memory_space<vmem>>, vector<16xf32>,
        %get3A_594 = vector.shape_cast %get3A_593 : vector<16xf32> to vector<16xf32>
        %add3A_595 = arith.addf %get3A_591, %get3A_594 : vector<16xf32>
        %swap3A_596 = arith.index_cast %add3A_588 : i32 to index
        %swap3A_597 = tpu.vector_load %arg11[%swap3A_596] {strides = array<i32>} : memref<3456xf32, #tpu.memory_space<vmem>>, vector<16xf32>,
        %swap3A_598 = vector.shape_cast %swap3A_597 : vector<16xf32> to vector<16xf32>
        %swap3A_599 = vector.shape_cast %add3A_595 : vector<16xf32> to vector<16xf32>
        tpu.vector_store %arg11[%swap3A_596], %swap3A_599 {strides = array<i32>} : memref<3456xf32, #tpu.memory_space<vmem>>, vector<16xf32>,
        %add3A_600 = arith.constant 256 : i32
        %add3A_601 = arith.addi %mul3A_393, %add3A_600 : i32
        %get3A_602 = arith.index_cast %add3A_601 : i32 to index
        %get3A_603 = tpu.vector_load %arg11[%get3A_602] {strides = array<i32>} : memref<3456xf32, #tpu.memory_space<vmem>>, vector<16xf32>,
        %get3A_604 = vector.shape_cast %get3A_603 : vector<16xf32> to vector<16xf32>
        %get3A_605 = arith.index_cast %add3A_601 : i32 to index
        %get3A_606 = tpu.vector_load %arg5[%get3A_605] {strides = array<i32>} : memref<3456xf32, #tpu.memory_space<vmem>>, vector<16xf32>,
        %get3A_607 = vector.shape_cast %get3A_606 : vector<16xf32> to vector<16xf32>
        %add3A_608 = arith.addf %get3A_604, %get3A_607 : vector<16xf32>
        %swap3A_609 = arith.index_cast %add3A_601 : i32 to index
        %swap3A_610 = tpu.vector_load %arg11[%swap3A_609] {strides = array<i32>} : memref<3456xf32, #tpu.memory_space<vmem>>, vector<16xf32>,
        %swap3A_611 = vector.shape_cast %swap3A_610 : vector<16xf32> to vector<16xf32>
        %swap3A_612 = vector.shape_cast %add3A_608 : vector<16xf32> to vector<16xf32>
        tpu.vector_store %arg11[%swap3A_609], %swap3A_612 {strides = array<i32>} : memref<3456xf32, #tpu.memory_space<vmem>>, vector<16xf32>,
        %add3A_613 = arith.constant 272 : i32
        %add3A_614 = arith.addi %mul3A_393, %add3A_613 : i32
        %get3A_615 = arith.index_cast %add3A_614 : i32 to index
        %get3A_616 = tpu.vector_load %arg11[%get3A_615] {strides = array<i32>} : memref<3456xf32, #tpu.memory_space<vmem>>, vector<16xf32>,
        %get3A_617 = vector.shape_cast %get3A_616 : vector<16xf32> to vector<16xf32>
        %get3A_618 = arith.index_cast %add3A_614 : i32 to index
        %get3A_619 = tpu.vector_load %arg5[%get3A_618] {strides = array<i32>} : memref<3456xf32, #tpu.memory_space<vmem>>, vector<16xf32>,
        %get3A_620 = vector.shape_cast %get3A_619 : vector<16xf32> to vector<16xf32>
        %add3A_621 = arith.addf %get3A_617, %get3A_620 : vector<16xf32>
        %swap3A_622 = arith.index_cast %add3A_614 : i32 to index
        %swap3A_623 = tpu.vector_load %arg11[%swap3A_622] {strides = array<i32>} : memref<3456xf32, #tpu.memory_space<vmem>>, vector<16xf32>,
        %swap3A_624 = vector.shape_cast %swap3A_623 : vector<16xf32> to vector<16xf32>
        %swap3A_625 = vector.shape_cast %add3A_621 : vector<16xf32> to vector<16xf32>
        tpu.vector_store %arg11[%swap3A_622], %swap3A_625 {strides = array<i32>} : memref<3456xf32, #tpu.memory_space<vmem>>, vector<16xf32>,
        %add3A_626 = arith.constant 288 : i32
        %add3A_627 = arith.addi %mul3A_393, %add3A_626 : i32
        %get3A_628 = arith.index_cast %add3A_627 : i32 to index
        %get3A_629 = tpu.vector_load %arg11[%get3A_628] {strides = array<i32>} : memref<3456xf32, #tpu.memory_space<vmem>>, vector<16xf32>,
        %get3A_630 = vector.shape_cast %get3A_629 : vector<16xf32> to vector<16xf32>
        %get3A_631 = arith.index_cast %add3A_627 : i32 to index
        %get3A_632 = tpu.vector_load %arg5[%get3A_631] {strides = array<i32>} : memref<3456xf32, #tpu.memory_space<vmem>>, vector<16xf32>,
        %get3A_633 = vector.shape_cast %get3A_632 : vector<16xf32> to vector<16xf32>
        %add3A_634 = arith.addf %get3A_630, %get3A_633 : vector<16xf32>
        %swap3A_635 = arith.index_cast %add3A_627 : i32 to index
        %swap3A_636 = tpu.vector_load %arg11[%swap3A_635] {strides = array<i32>} : memref<3456xf32, #tpu.memory_space<vmem>>, vector<16xf32>,
        %swap3A_637 = vector.shape_cast %swap3A_636 : vector<16xf32> to vector<16xf32>
        %swap3A_638 = vector.shape_cast %add3A_634 : vector<16xf32> to vector<16xf32>
        tpu.vector_store %arg11[%swap3A_635], %swap3A_638 {strides = array<i32>} : memref<3456xf32, #tpu.memory_space<vmem>>, vector<16xf32>,
        %add3A_639 = arith.constant 304 : i32
        %add3A_640 = arith.addi %mul3A_393, %add3A_639 : i32
        %get3A_641 = arith.index_cast %add3A_640 : i32 to index
        %get3A_642 = tpu.vector_load %arg11[%get3A_641] {strides = array<i32>} : memref<3456xf32, #tpu.memory_space<vmem>>, vector<16xf32>,
        %get3A_643 = vector.shape_cast %get3A_642 : vector<16xf32> to vector<16xf32>
        %get3A_644 = arith.index_cast %add3A_640 : i32 to index
        %get3A_645 = tpu.vector_load %arg5[%get3A_644] {strides = array<i32>} : memref<3456xf32, #tpu.memory_space<vmem>>, vector<16xf32>,
        %get3A_646 = vector.shape_cast %get3A_645 : vector<16xf32> to vector<16xf32>
        %add3A_647 = arith.addf %get3A_643, %get3A_646 : vector<16xf32>
        %swap3A_648 = arith.index_cast %add3A_640 : i32 to index
        %swap3A_649 = tpu.vector_load %arg11[%swap3A_648] {strides = array<i32>} : memref<3456xf32, #tpu.memory_space<vmem>>, vector<16xf32>,
        %swap3A_650 = vector.shape_cast %swap3A_649 : vector<16xf32> to vector<16xf32>
        %swap3A_651 = vector.shape_cast %add3A_647 : vector<16xf32> to vector<16xf32>
        tpu.vector_store %arg11[%swap3A_648], %swap3A_651 {strides = array<i32>} : memref<3456xf32, #tpu.memory_space<vmem>>, vector<16xf32>,
        %add3A_652 = arith.constant 320 : i32
        %add3A_653 = arith.addi %mul3A_393, %add3A_652 : i32
        %get3A_654 = arith.index_cast %add3A_653 : i32 to index
        %get3A_655 = tpu.vector_load %arg11[%get3A_654] {strides = array<i32>} : memref<3456xf32, #tpu.memory_space<vmem>>, vector<16xf32>,
        %get3A_656 = vector.shape_cast %get3A_655 : vector<16xf32> to vector<16xf32>
        %get3A_657 = arith.index_cast %add3A_653 : i32 to index
        %get3A_658 = tpu.vector_load %arg5[%get3A_657] {strides = array<i32>} : memref<3456xf32, #tpu.memory_space<vmem>>, vector<16xf32>,
        %get3A_659 = vector.shape_cast %get3A_658 : vector<16xf32> to vector<16xf32>
        %add3A_660 = arith.addf %get3A_656, %get3A_659 : vector<16xf32>
        %swap3A_661 = arith.index_cast %add3A_653 : i32 to index
        %swap3A_662 = tpu.vector_load %arg11[%swap3A_661] {strides = array<i32>} : memref<3456xf32, #tpu.memory_space<vmem>>, vector<16xf32>,
        %swap3A_663 = vector.shape_cast %swap3A_662 : vector<16xf32> to vector<16xf32>
        %swap3A_664 = vector.shape_cast %add3A_660 : vector<16xf32> to vector<16xf32>
        tpu.vector_store %arg11[%swap3A_661], %swap3A_664 {strides = array<i32>} : memref<3456xf32, #tpu.memory_space<vmem>>, vector<16xf32>,
        %add3A_665 = arith.constant 336 : i32
        %add3A_666 = arith.addi %mul3A_393, %add3A_665 : i32
        %get3A_667 = arith.index_cast %add3A_666 : i32 to index
        %get3A_668 = tpu.vector_load %arg11[%get3A_667] {strides = array<i32>} : memref<3456xf32, #tpu.memory_space<vmem>>, vector<16xf32>,
        %get3A_669 = vector.shape_cast %get3A_668 : vector<16xf32> to vector<16xf32>
        %get3A_670 = arith.index_cast %add3A_666 : i32 to index
        %get3A_671 = tpu.vector_load %arg5[%get3A_670] {strides = array<i32>} : memref<3456xf32, #tpu.memory_space<vmem>>, vector<16xf32>,
        %get3A_672 = vector.shape_cast %get3A_671 : vector<16xf32> to vector<16xf32>
        %add3A_673 = arith.addf %get3A_669, %get3A_672 : vector<16xf32>
        %swap3A_674 = arith.index_cast %add3A_666 : i32 to index
        %swap3A_675 = tpu.vector_load %arg11[%swap3A_674] {strides = array<i32>} : memref<3456xf32, #tpu.memory_space<vmem>>, vector<16xf32>,
        %swap3A_676 = vector.shape_cast %swap3A_675 : vector<16xf32> to vector<16xf32>
        %swap3A_677 = vector.shape_cast %add3A_673 : vector<16xf32> to vector<16xf32>
        tpu.vector_store %arg11[%swap3A_674], %swap3A_677 {strides = array<i32>} : memref<3456xf32, #tpu.memory_space<vmem>>, vector<16xf32>,
        %add3A_678 = arith.constant 352 : i32
        %add3A_679 = arith.addi %mul3A_393, %add3A_678 : i32
        %get3A_680 = arith.index_cast %add3A_679 : i32 to index
        %get3A_681 = tpu.vector_load %arg11[%get3A_680] {strides = array<i32>} : memref<3456xf32, #tpu.memory_space<vmem>>, vector<16xf32>,
        %get3A_682 = vector.shape_cast %get3A_681 : vector<16xf32> to vector<16xf32>
        %get3A_683 = arith.index_cast %add3A_679 : i32 to index
        %get3A_684 = tpu.vector_load %arg5[%get3A_683] {strides = array<i32>} : memref<3456xf32, #tpu.memory_space<vmem>>, vector<16xf32>,
        %get3A_685 = vector.shape_cast %get3A_684 : vector<16xf32> to vector<16xf32>
        %add3A_686 = arith.addf %get3A_682, %get3A_685 : vector<16xf32>
        %swap3A_687 = arith.index_cast %add3A_679 : i32 to index
        %swap3A_688 = tpu.vector_load %arg11[%swap3A_687] {strides = array<i32>} : memref<3456xf32, #tpu.memory_space<vmem>>, vector<16xf32>,
        %swap3A_689 = vector.shape_cast %swap3A_688 : vector<16xf32> to vector<16xf32>
        %swap3A_690 = vector.shape_cast %add3A_686 : vector<16xf32> to vector<16xf32>
        tpu.vector_store %arg11[%swap3A_687], %swap3A_690 {strides = array<i32>} : memref<3456xf32, #tpu.memory_space<vmem>>, vector<16xf32>,
        %add3A_691 = arith.constant 368 : i32
        %add3A_692 = arith.addi %mul3A_393, %add3A_691 : i32
        %get3A_693 = arith.index_cast %add3A_692 : i32 to index
        %get3A_694 = tpu.vector_load %arg11[%get3A_693] {strides = array<i32>} : memref<3456xf32, #tpu.memory_space<vmem>>, vector<16xf32>,
        %get3A_695 = vector.shape_cast %get3A_694 : vector<16xf32> to vector<16xf32>
        %get3A_696 = arith.index_cast %add3A_692 : i32 to index
        %get3A_697 = tpu.vector_load %arg5[%get3A_696] {strides = array<i32>} : memref<3456xf32, #tpu.memory_space<vmem>>, vector<16xf32>,
        %get3A_698 = vector.shape_cast %get3A_697 : vector<16xf32> to vector<16xf32>
        %add3A_699 = arith.addf %get3A_695, %get3A_698 : vector<16xf32>
        %swap3A_700 = arith.index_cast %add3A_692 : i32 to index
        %swap3A_701 = tpu.vector_load %arg11[%swap3A_700] {strides = array<i32>} : memref<3456xf32, #tpu.memory_space<vmem>>, vector<16xf32>,
        %swap3A_702 = vector.shape_cast %swap3A_701 : vector<16xf32> to vector<16xf32>
        %swap3A_703 = vector.shape_cast %add3A_699 : vector<16xf32> to vector<16xf32>
        tpu.vector_store %arg11[%swap3A_700], %swap3A_703 {strides = array<i32>} : memref<3456xf32, #tpu.memory_space<vmem>>, vector<16xf32>,
        %scan3A_704 = arith.constant 0 : i32
        scf.yield %scan3A_704 : i32
      }
      %scan3A_303 = arith.constant 9 : i32
      %mul3A_304 = arith.constant 32 : i32
      %mul3A_305 = arith.muli %add3A_275, %mul3A_304 : i32
      %add3A_306 = arith.addi %mul3A_305, %add3A : i32
      %mul3A_307 = arith.constant 3456 : i32
      %mul3A_308 = arith.muli %add3A_306, %mul3A_307 : i32
      %dma_start3A_309 = tpu.memref_slice %arg4[%mul3A_308] : memref<14155776xf32, #tpu.memory_space<hbm>> -> memref<3456xf32, #tpu.memory_space<hbm>>
      %dma_start3A_310 = tpu.memref_slice %arg4[%mul3A_308] : memref<14155776xf32, #tpu.memory_space<hbm>> -> memref<3456xf32, #tpu.memory_space<hbm>>
      tpu.enqueue_dma source(%arg11 : memref<3456xf32, #tpu.memory_space<vmem>>) target(%dma_start3A_310 : memref<3456xf32, #tpu.memory_space<hbm>>) target_semaphore(%arg27 : memref<!tpu.dma_semaphore, #tpu.memory_space<semaphore_mem>>)
      %mul3A_311 = arith.constant 8 : i32
      %mul3A_312 = arith.muli %scan3A_81, %mul3A_311 : i32
      %add3A_313 = arith.constant 6 : i32
      %add3A_314 = arith.addi %mul3A_312, %add3A_313 : i32
      %add3A_315 = arith.constant 8 : i32
      %add3A_316 = arith.addi %add3A_314, %add3A_315 : i32
      %sub3A_317 = arith.constant 1 : i32
      %sub3A_318 = arith.subi %add3A_316, %sub3A_317 : i32
      %ge3A_319 = arith.constant 1 : i32
      %ge3A_320 = arith.cmpi sge, %add3A_314, %ge3A_319 : i32
      %lt3A_321 = arith.constant 128 : i32
      %lt3A_322 = arith.cmpi slt, %sub3A_318, %lt3A_321 : i32
      %and3A_323 = arith.andi %ge3A_320, %lt3A_322 : i1
      %convert_element_type3A_324 = arith.extui %and3A_323 : i1 to i32
      %cond3A_325 = arith.constant 0 : i32
      %cond3A_326 = arith.cmpi ne, %convert_element_type3A_324, %cond3A_325 : i32
      scf.if %cond3A_326 {
        %dma_wait3A_390 = arith.constant 0 : i32
        %dma_wait3A_391 = tpu.memref_slice %arg4[%dma_wait3A_390] : memref<14155776xf32, #tpu.memory_space<hbm>> -> memref<3456xf32, #tpu.memory_space<hbm>>
        %dma_wait3A_392 = arith.constant 0 : i32
        %dma_wait3A_393 = tpu.memref_slice %arg4[%dma_wait3A_392] : memref<14155776xf32, #tpu.memory_space<hbm>> -> memref<3456xf32, #tpu.memory_space<hbm>>
        tpu.wait_dma2 semaphore(%arg27 : memref<!tpu.dma_semaphore, #tpu.memory_space<semaphore_mem>>) src(%arg11 : memref<3456xf32, #tpu.memory_space<vmem>>) dst(%dma_wait3A_393 : memref<3456xf32, #tpu.memory_space<hbm>>)
      } else {
      }
      %lt3A_327 = arith.constant 128 : i32
      %lt3A_328 = arith.cmpi slt, %sub3A_318, %lt3A_327 : i32
      %convert_element_type3A_329 = arith.extui %lt3A_328 : i1 to i32
      %cond3A_330 = arith.constant 0 : i32
      %cond3A_331 = arith.cmpi ne, %convert_element_type3A_329, %cond3A_330 : i32
      scf.if %cond3A_331 {
        %mul3A_390 = arith.constant 32 : i32
        %mul3A_391 = arith.muli %sub3A_318, %mul3A_390 : i32
        %add3A_392 = arith.addi %mul3A_391, %add3A : i32
        %mul3A_393 = arith.constant 3456 : i32
        %mul3A_394 = arith.muli %add3A_392, %mul3A_393 : i32
        %dma_start3A_395 = tpu.memref_slice %arg2[%mul3A_394] : memref<14155776xf32, #tpu.memory_space<hbm>> -> memref<3456xf32, #tpu.memory_space<hbm>>
        %dma_start3A_396 = tpu.memref_slice %arg2[%mul3A_394] : memref<14155776xf32, #tpu.memory_space<hbm>> -> memref<3456xf32, #tpu.memory_space<hbm>>
        tpu.enqueue_dma source(%dma_start3A_396 : memref<3456xf32, #tpu.memory_space<hbm>>) target(%arg11 : memref<3456xf32, #tpu.memory_space<vmem>>) target_semaphore(%arg19 : memref<!tpu.dma_semaphore, #tpu.memory_space<semaphore_mem>>)
      } else {
      }
      %dma_wait3A_332 = arith.constant 0 : i32
      %dma_wait3A_333 = tpu.memref_slice %arg2[%dma_wait3A_332] : memref<14155776xf32, #tpu.memory_space<hbm>> -> memref<3456xf32, #tpu.memory_space<hbm>>
      %dma_wait3A_334 = arith.constant 0 : i32
      %dma_wait3A_335 = tpu.memref_slice %arg2[%dma_wait3A_334] : memref<14155776xf32, #tpu.memory_space<hbm>> -> memref<3456xf32, #tpu.memory_space<hbm>>
      tpu.wait_dma2 semaphore(%arg20 : memref<!tpu.dma_semaphore, #tpu.memory_space<semaphore_mem>>) src(%dma_wait3A_335 : memref<3456xf32, #tpu.memory_space<hbm>>) dst(%arg12 : memref<3456xf32, #tpu.memory_space<vmem>>)
      %scan3A_336 = arith.constant 0 : i32
      %scan3A_337 = arith.constant 0 : i32
      %scan3A_338 = arith.constant 9 : i32
      %scan3A_339 = arith.addi %scan3A_337, %scan3A_338 : i32
      %scan3A_340 = arith.constant 1 : i32
      %scan3A_341 = scf.for %scan3A_390 = %scan3A_337 to %scan3A_339 step %scan3A_340 iter_args(%scan3A_391 = %scan3A_336) -> (i32)  : i32 {
        %mul3A_392 = arith.constant 384 : i32
        %mul3A_393 = arith.muli %scan3A_390, %mul3A_392 : i32
        %add3A_394 = arith.constant 0 : i32
        %add3A_395 = arith.addi %mul3A_393, %add3A_394 : i32
        %get3A = arith.index_cast %add3A_395 : i32 to index
        %get3A_396 = tpu.vector_load %arg12[%get3A] {strides = array<i32>} : memref<3456xf32, #tpu.memory_space<vmem>>, vector<16xf32>,
        %get3A_397 = vector.shape_cast %get3A_396 : vector<16xf32> to vector<16xf32>
        %get3A_398 = arith.index_cast %add3A_395 : i32 to index
        %get3A_399 = tpu.vector_load %arg5[%get3A_398] {strides = array<i32>} : memref<3456xf32, #tpu.memory_space<vmem>>, vector<16xf32>,
        %get3A_400 = vector.shape_cast %get3A_399 : vector<16xf32> to vector<16xf32>
        %add3A_401 = arith.addf %get3A_397, %get3A_400 : vector<16xf32>
        %swap3A = arith.index_cast %add3A_395 : i32 to index
        %swap3A_402 = tpu.vector_load %arg12[%swap3A] {strides = array<i32>} : memref<3456xf32, #tpu.memory_space<vmem>>, vector<16xf32>,
        %swap3A_403 = vector.shape_cast %swap3A_402 : vector<16xf32> to vector<16xf32>
        %swap3A_404 = vector.shape_cast %add3A_401 : vector<16xf32> to vector<16xf32>
        tpu.vector_store %arg12[%swap3A], %swap3A_404 {strides = array<i32>} : memref<3456xf32, #tpu.memory_space<vmem>>, vector<16xf32>,
        %add3A_405 = arith.constant 16 : i32
        %add3A_406 = arith.addi %mul3A_393, %add3A_405 : i32
        %get3A_407 = arith.index_cast %add3A_406 : i32 to index
        %get3A_408 = tpu.vector_load %arg12[%get3A_407] {strides = array<i32>} : memref<3456xf32, #tpu.memory_space<vmem>>, vector<16xf32>,
        %get3A_409 = vector.shape_cast %get3A_408 : vector<16xf32> to vector<16xf32>
        %get3A_410 = arith.index_cast %add3A_406 : i32 to index
        %get3A_411 = tpu.vector_load %arg5[%get3A_410] {strides = array<i32>} : memref<3456xf32, #tpu.memory_space<vmem>>, vector<16xf32>,
        %get3A_412 = vector.shape_cast %get3A_411 : vector<16xf32> to vector<16xf32>
        %add3A_413 = arith.addf %get3A_409, %get3A_412 : vector<16xf32>
        %swap3A_414 = arith.index_cast %add3A_406 : i32 to index
        %swap3A_415 = tpu.vector_load %arg12[%swap3A_414] {strides = array<i32>} : memref<3456xf32, #tpu.memory_space<vmem>>, vector<16xf32>,
        %swap3A_416 = vector.shape_cast %swap3A_415 : vector<16xf32> to vector<16xf32>
        %swap3A_417 = vector.shape_cast %add3A_413 : vector<16xf32> to vector<16xf32>
        tpu.vector_store %arg12[%swap3A_414], %swap3A_417 {strides = array<i32>} : memref<3456xf32, #tpu.memory_space<vmem>>, vector<16xf32>,
        %add3A_418 = arith.constant 32 : i32
        %add3A_419 = arith.addi %mul3A_393, %add3A_418 : i32
        %get3A_420 = arith.index_cast %add3A_419 : i32 to index
        %get3A_421 = tpu.vector_load %arg12[%get3A_420] {strides = array<i32>} : memref<3456xf32, #tpu.memory_space<vmem>>, vector<16xf32>,
        %get3A_422 = vector.shape_cast %get3A_421 : vector<16xf32> to vector<16xf32>
        %get3A_423 = arith.index_cast %add3A_419 : i32 to index
        %get3A_424 = tpu.vector_load %arg5[%get3A_423] {strides = array<i32>} : memref<3456xf32, #tpu.memory_space<vmem>>, vector<16xf32>,
        %get3A_425 = vector.shape_cast %get3A_424 : vector<16xf32> to vector<16xf32>
        %add3A_426 = arith.addf %get3A_422, %get3A_425 : vector<16xf32>
        %swap3A_427 = arith.index_cast %add3A_419 : i32 to index
        %swap3A_428 = tpu.vector_load %arg12[%swap3A_427] {strides = array<i32>} : memref<3456xf32, #tpu.memory_space<vmem>>, vector<16xf32>,
        %swap3A_429 = vector.shape_cast %swap3A_428 : vector<16xf32> to vector<16xf32>
        %swap3A_430 = vector.shape_cast %add3A_426 : vector<16xf32> to vector<16xf32>
        tpu.vector_store %arg12[%swap3A_427], %swap3A_430 {strides = array<i32>} : memref<3456xf32, #tpu.memory_space<vmem>>, vector<16xf32>,
        %add3A_431 = arith.constant 48 : i32
        %add3A_432 = arith.addi %mul3A_393, %add3A_431 : i32
        %get3A_433 = arith.index_cast %add3A_432 : i32 to index
        %get3A_434 = tpu.vector_load %arg12[%get3A_433] {strides = array<i32>} : memref<3456xf32, #tpu.memory_space<vmem>>, vector<16xf32>,
        %get3A_435 = vector.shape_cast %get3A_434 : vector<16xf32> to vector<16xf32>
        %get3A_436 = arith.index_cast %add3A_432 : i32 to index
        %get3A_437 = tpu.vector_load %arg5[%get3A_436] {strides = array<i32>} : memref<3456xf32, #tpu.memory_space<vmem>>, vector<16xf32>,
        %get3A_438 = vector.shape_cast %get3A_437 : vector<16xf32> to vector<16xf32>
        %add3A_439 = arith.addf %get3A_435, %get3A_438 : vector<16xf32>
        %swap3A_440 = arith.index_cast %add3A_432 : i32 to index
        %swap3A_441 = tpu.vector_load %arg12[%swap3A_440] {strides = array<i32>} : memref<3456xf32, #tpu.memory_space<vmem>>, vector<16xf32>,
        %swap3A_442 = vector.shape_cast %swap3A_441 : vector<16xf32> to vector<16xf32>
        %swap3A_443 = vector.shape_cast %add3A_439 : vector<16xf32> to vector<16xf32>
        tpu.vector_store %arg12[%swap3A_440], %swap3A_443 {strides = array<i32>} : memref<3456xf32, #tpu.memory_space<vmem>>, vector<16xf32>,
        %add3A_444 = arith.constant 64 : i32
        %add3A_445 = arith.addi %mul3A_393, %add3A_444 : i32
        %get3A_446 = arith.index_cast %add3A_445 : i32 to index
        %get3A_447 = tpu.vector_load %arg12[%get3A_446] {strides = array<i32>} : memref<3456xf32, #tpu.memory_space<vmem>>, vector<16xf32>,
        %get3A_448 = vector.shape_cast %get3A_447 : vector<16xf32> to vector<16xf32>
        %get3A_449 = arith.index_cast %add3A_445 : i32 to index
        %get3A_450 = tpu.vector_load %arg5[%get3A_449] {strides = array<i32>} : memref<3456xf32, #tpu.memory_space<vmem>>, vector<16xf32>,
        %get3A_451 = vector.shape_cast %get3A_450 : vector<16xf32> to vector<16xf32>
        %add3A_452 = arith.addf %get3A_448, %get3A_451 : vector<16xf32>
        %swap3A_453 = arith.index_cast %add3A_445 : i32 to index
        %swap3A_454 = tpu.vector_load %arg12[%swap3A_453] {strides = array<i32>} : memref<3456xf32, #tpu.memory_space<vmem>>, vector<16xf32>,
        %swap3A_455 = vector.shape_cast %swap3A_454 : vector<16xf32> to vector<16xf32>
        %swap3A_456 = vector.shape_cast %add3A_452 : vector<16xf32> to vector<16xf32>
        tpu.vector_store %arg12[%swap3A_453], %swap3A_456 {strides = array<i32>} : memref<3456xf32, #tpu.memory_space<vmem>>, vector<16xf32>,
        %add3A_457 = arith.constant 80 : i32
        %add3A_458 = arith.addi %mul3A_393, %add3A_457 : i32
        %get3A_459 = arith.index_cast %add3A_458 : i32 to index
        %get3A_460 = tpu.vector_load %arg12[%get3A_459] {strides = array<i32>} : memref<3456xf32, #tpu.memory_space<vmem>>, vector<16xf32>,
        %get3A_461 = vector.shape_cast %get3A_460 : vector<16xf32> to vector<16xf32>
        %get3A_462 = arith.index_cast %add3A_458 : i32 to index
        %get3A_463 = tpu.vector_load %arg5[%get3A_462] {strides = array<i32>} : memref<3456xf32, #tpu.memory_space<vmem>>, vector<16xf32>,
        %get3A_464 = vector.shape_cast %get3A_463 : vector<16xf32> to vector<16xf32>
        %add3A_465 = arith.addf %get3A_461, %get3A_464 : vector<16xf32>
        %swap3A_466 = arith.index_cast %add3A_458 : i32 to index
        %swap3A_467 = tpu.vector_load %arg12[%swap3A_466] {strides = array<i32>} : memref<3456xf32, #tpu.memory_space<vmem>>, vector<16xf32>,
        %swap3A_468 = vector.shape_cast %swap3A_467 : vector<16xf32> to vector<16xf32>
        %swap3A_469 = vector.shape_cast %add3A_465 : vector<16xf32> to vector<16xf32>
        tpu.vector_store %arg12[%swap3A_466], %swap3A_469 {strides = array<i32>} : memref<3456xf32, #tpu.memory_space<vmem>>, vector<16xf32>,
        %add3A_470 = arith.constant 96 : i32
        %add3A_471 = arith.addi %mul3A_393, %add3A_470 : i32
        %get3A_472 = arith.index_cast %add3A_471 : i32 to index
        %get3A_473 = tpu.vector_load %arg12[%get3A_472] {strides = array<i32>} : memref<3456xf32, #tpu.memory_space<vmem>>, vector<16xf32>,
        %get3A_474 = vector.shape_cast %get3A_473 : vector<16xf32> to vector<16xf32>
        %get3A_475 = arith.index_cast %add3A_471 : i32 to index
        %get3A_476 = tpu.vector_load %arg5[%get3A_475] {strides = array<i32>} : memref<3456xf32, #tpu.memory_space<vmem>>, vector<16xf32>,
        %get3A_477 = vector.shape_cast %get3A_476 : vector<16xf32> to vector<16xf32>
        %add3A_478 = arith.addf %get3A_474, %get3A_477 : vector<16xf32>
        %swap3A_479 = arith.index_cast %add3A_471 : i32 to index
        %swap3A_480 = tpu.vector_load %arg12[%swap3A_479] {strides = array<i32>} : memref<3456xf32, #tpu.memory_space<vmem>>, vector<16xf32>,
        %swap3A_481 = vector.shape_cast %swap3A_480 : vector<16xf32> to vector<16xf32>
        %swap3A_482 = vector.shape_cast %add3A_478 : vector<16xf32> to vector<16xf32>
        tpu.vector_store %arg12[%swap3A_479], %swap3A_482 {strides = array<i32>} : memref<3456xf32, #tpu.memory_space<vmem>>, vector<16xf32>,
        %add3A_483 = arith.constant 112 : i32
        %add3A_484 = arith.addi %mul3A_393, %add3A_483 : i32
        %get3A_485 = arith.index_cast %add3A_484 : i32 to index
        %get3A_486 = tpu.vector_load %arg12[%get3A_485] {strides = array<i32>} : memref<3456xf32, #tpu.memory_space<vmem>>, vector<16xf32>,
        %get3A_487 = vector.shape_cast %get3A_486 : vector<16xf32> to vector<16xf32>
        %get3A_488 = arith.index_cast %add3A_484 : i32 to index
        %get3A_489 = tpu.vector_load %arg5[%get3A_488] {strides = array<i32>} : memref<3456xf32, #tpu.memory_space<vmem>>, vector<16xf32>,
        %get3A_490 = vector.shape_cast %get3A_489 : vector<16xf32> to vector<16xf32>
        %add3A_491 = arith.addf %get3A_487, %get3A_490 : vector<16xf32>
        %swap3A_492 = arith.index_cast %add3A_484 : i32 to index
        %swap3A_493 = tpu.vector_load %arg12[%swap3A_492] {strides = array<i32>} : memref<3456xf32, #tpu.memory_space<vmem>>, vector<16xf32>,
        %swap3A_494 = vector.shape_cast %swap3A_493 : vector<16xf32> to vector<16xf32>
        %swap3A_495 = vector.shape_cast %add3A_491 : vector<16xf32> to vector<16xf32>
        tpu.vector_store %arg12[%swap3A_492], %swap3A_495 {strides = array<i32>} : memref<3456xf32, #tpu.memory_space<vmem>>, vector<16xf32>,
        %add3A_496 = arith.constant 128 : i32
        %add3A_497 = arith.addi %mul3A_393, %add3A_496 : i32
        %get3A_498 = arith.index_cast %add3A_497 : i32 to index
        %get3A_499 = tpu.vector_load %arg12[%get3A_498] {strides = array<i32>} : memref<3456xf32, #tpu.memory_space<vmem>>, vector<16xf32>,
        %get3A_500 = vector.shape_cast %get3A_499 : vector<16xf32> to vector<16xf32>
        %get3A_501 = arith.index_cast %add3A_497 : i32 to index
        %get3A_502 = tpu.vector_load %arg5[%get3A_501] {strides = array<i32>} : memref<3456xf32, #tpu.memory_space<vmem>>, vector<16xf32>,
        %get3A_503 = vector.shape_cast %get3A_502 : vector<16xf32> to vector<16xf32>
        %add3A_504 = arith.addf %get3A_500, %get3A_503 : vector<16xf32>
        %swap3A_505 = arith.index_cast %add3A_497 : i32 to index
        %swap3A_506 = tpu.vector_load %arg12[%swap3A_505] {strides = array<i32>} : memref<3456xf32, #tpu.memory_space<vmem>>, vector<16xf32>,
        %swap3A_507 = vector.shape_cast %swap3A_506 : vector<16xf32> to vector<16xf32>
        %swap3A_508 = vector.shape_cast %add3A_504 : vector<16xf32> to vector<16xf32>
        tpu.vector_store %arg12[%swap3A_505], %swap3A_508 {strides = array<i32>} : memref<3456xf32, #tpu.memory_space<vmem>>, vector<16xf32>,
        %add3A_509 = arith.constant 144 : i32
        %add3A_510 = arith.addi %mul3A_393, %add3A_509 : i32
        %get3A_511 = arith.index_cast %add3A_510 : i32 to index
        %get3A_512 = tpu.vector_load %arg12[%get3A_511] {strides = array<i32>} : memref<3456xf32, #tpu.memory_space<vmem>>, vector<16xf32>,
        %get3A_513 = vector.shape_cast %get3A_512 : vector<16xf32> to vector<16xf32>
        %get3A_514 = arith.index_cast %add3A_510 : i32 to index
        %get3A_515 = tpu.vector_load %arg5[%get3A_514] {strides = array<i32>} : memref<3456xf32, #tpu.memory_space<vmem>>, vector<16xf32>,
        %get3A_516 = vector.shape_cast %get3A_515 : vector<16xf32> to vector<16xf32>
        %add3A_517 = arith.addf %get3A_513, %get3A_516 : vector<16xf32>
        %swap3A_518 = arith.index_cast %add3A_510 : i32 to index
        %swap3A_519 = tpu.vector_load %arg12[%swap3A_518] {strides = array<i32>} : memref<3456xf32, #tpu.memory_space<vmem>>, vector<16xf32>,
        %swap3A_520 = vector.shape_cast %swap3A_519 : vector<16xf32> to vector<16xf32>
        %swap3A_521 = vector.shape_cast %add3A_517 : vector<16xf32> to vector<16xf32>
        tpu.vector_store %arg12[%swap3A_518], %swap3A_521 {strides = array<i32>} : memref<3456xf32, #tpu.memory_space<vmem>>, vector<16xf32>,
        %add3A_522 = arith.constant 160 : i32
        %add3A_523 = arith.addi %mul3A_393, %add3A_522 : i32
        %get3A_524 = arith.index_cast %add3A_523 : i32 to index
        %get3A_525 = tpu.vector_load %arg12[%get3A_524] {strides = array<i32>} : memref<3456xf32, #tpu.memory_space<vmem>>, vector<16xf32>,
        %get3A_526 = vector.shape_cast %get3A_525 : vector<16xf32> to vector<16xf32>
        %get3A_527 = arith.index_cast %add3A_523 : i32 to index
        %get3A_528 = tpu.vector_load %arg5[%get3A_527] {strides = array<i32>} : memref<3456xf32, #tpu.memory_space<vmem>>, vector<16xf32>,
        %get3A_529 = vector.shape_cast %get3A_528 : vector<16xf32> to vector<16xf32>
        %add3A_530 = arith.addf %get3A_526, %get3A_529 : vector<16xf32>
        %swap3A_531 = arith.index_cast %add3A_523 : i32 to index
        %swap3A_532 = tpu.vector_load %arg12[%swap3A_531] {strides = array<i32>} : memref<3456xf32, #tpu.memory_space<vmem>>, vector<16xf32>,
        %swap3A_533 = vector.shape_cast %swap3A_532 : vector<16xf32> to vector<16xf32>
        %swap3A_534 = vector.shape_cast %add3A_530 : vector<16xf32> to vector<16xf32>
        tpu.vector_store %arg12[%swap3A_531], %swap3A_534 {strides = array<i32>} : memref<3456xf32, #tpu.memory_space<vmem>>, vector<16xf32>,
        %add3A_535 = arith.constant 176 : i32
        %add3A_536 = arith.addi %mul3A_393, %add3A_535 : i32
        %get3A_537 = arith.index_cast %add3A_536 : i32 to index
        %get3A_538 = tpu.vector_load %arg12[%get3A_537] {strides = array<i32>} : memref<3456xf32, #tpu.memory_space<vmem>>, vector<16xf32>,
        %get3A_539 = vector.shape_cast %get3A_538 : vector<16xf32> to vector<16xf32>
        %get3A_540 = arith.index_cast %add3A_536 : i32 to index
        %get3A_541 = tpu.vector_load %arg5[%get3A_540] {strides = array<i32>} : memref<3456xf32, #tpu.memory_space<vmem>>, vector<16xf32>,
        %get3A_542 = vector.shape_cast %get3A_541 : vector<16xf32> to vector<16xf32>
        %add3A_543 = arith.addf %get3A_539, %get3A_542 : vector<16xf32>
        %swap3A_544 = arith.index_cast %add3A_536 : i32 to index
        %swap3A_545 = tpu.vector_load %arg12[%swap3A_544] {strides = array<i32>} : memref<3456xf32, #tpu.memory_space<vmem>>, vector<16xf32>,
        %swap3A_546 = vector.shape_cast %swap3A_545 : vector<16xf32> to vector<16xf32>
        %swap3A_547 = vector.shape_cast %add3A_543 : vector<16xf32> to vector<16xf32>
        tpu.vector_store %arg12[%swap3A_544], %swap3A_547 {strides = array<i32>} : memref<3456xf32, #tpu.memory_space<vmem>>, vector<16xf32>,
        %add3A_548 = arith.constant 192 : i32
        %add3A_549 = arith.addi %mul3A_393, %add3A_548 : i32
        %get3A_550 = arith.index_cast %add3A_549 : i32 to index
        %get3A_551 = tpu.vector_load %arg12[%get3A_550] {strides = array<i32>} : memref<3456xf32, #tpu.memory_space<vmem>>, vector<16xf32>,
        %get3A_552 = vector.shape_cast %get3A_551 : vector<16xf32> to vector<16xf32>
        %get3A_553 = arith.index_cast %add3A_549 : i32 to index
        %get3A_554 = tpu.vector_load %arg5[%get3A_553] {strides = array<i32>} : memref<3456xf32, #tpu.memory_space<vmem>>, vector<16xf32>,
        %get3A_555 = vector.shape_cast %get3A_554 : vector<16xf32> to vector<16xf32>
        %add3A_556 = arith.addf %get3A_552, %get3A_555 : vector<16xf32>
        %swap3A_557 = arith.index_cast %add3A_549 : i32 to index
        %swap3A_558 = tpu.vector_load %arg12[%swap3A_557] {strides = array<i32>} : memref<3456xf32, #tpu.memory_space<vmem>>, vector<16xf32>,
        %swap3A_559 = vector.shape_cast %swap3A_558 : vector<16xf32> to vector<16xf32>
        %swap3A_560 = vector.shape_cast %add3A_556 : vector<16xf32> to vector<16xf32>
        tpu.vector_store %arg12[%swap3A_557], %swap3A_560 {strides = array<i32>} : memref<3456xf32, #tpu.memory_space<vmem>>, vector<16xf32>,
        %add3A_561 = arith.constant 208 : i32
        %add3A_562 = arith.addi %mul3A_393, %add3A_561 : i32
        %get3A_563 = arith.index_cast %add3A_562 : i32 to index
        %get3A_564 = tpu.vector_load %arg12[%get3A_563] {strides = array<i32>} : memref<3456xf32, #tpu.memory_space<vmem>>, vector<16xf32>,
        %get3A_565 = vector.shape_cast %get3A_564 : vector<16xf32> to vector<16xf32>
        %get3A_566 = arith.index_cast %add3A_562 : i32 to index
        %get3A_567 = tpu.vector_load %arg5[%get3A_566] {strides = array<i32>} : memref<3456xf32, #tpu.memory_space<vmem>>, vector<16xf32>,
        %get3A_568 = vector.shape_cast %get3A_567 : vector<16xf32> to vector<16xf32>
        %add3A_569 = arith.addf %get3A_565, %get3A_568 : vector<16xf32>
        %swap3A_570 = arith.index_cast %add3A_562 : i32 to index
        %swap3A_571 = tpu.vector_load %arg12[%swap3A_570] {strides = array<i32>} : memref<3456xf32, #tpu.memory_space<vmem>>, vector<16xf32>,
        %swap3A_572 = vector.shape_cast %swap3A_571 : vector<16xf32> to vector<16xf32>
        %swap3A_573 = vector.shape_cast %add3A_569 : vector<16xf32> to vector<16xf32>
        tpu.vector_store %arg12[%swap3A_570], %swap3A_573 {strides = array<i32>} : memref<3456xf32, #tpu.memory_space<vmem>>, vector<16xf32>,
        %add3A_574 = arith.constant 224 : i32
        %add3A_575 = arith.addi %mul3A_393, %add3A_574 : i32
        %get3A_576 = arith.index_cast %add3A_575 : i32 to index
        %get3A_577 = tpu.vector_load %arg12[%get3A_576] {strides = array<i32>} : memref<3456xf32, #tpu.memory_space<vmem>>, vector<16xf32>,
        %get3A_578 = vector.shape_cast %get3A_577 : vector<16xf32> to vector<16xf32>
        %get3A_579 = arith.index_cast %add3A_575 : i32 to index
        %get3A_580 = tpu.vector_load %arg5[%get3A_579] {strides = array<i32>} : memref<3456xf32, #tpu.memory_space<vmem>>, vector<16xf32>,
        %get3A_581 = vector.shape_cast %get3A_580 : vector<16xf32> to vector<16xf32>
        %add3A_582 = arith.addf %get3A_578, %get3A_581 : vector<16xf32>
        %swap3A_583 = arith.index_cast %add3A_575 : i32 to index
        %swap3A_584 = tpu.vector_load %arg12[%swap3A_583] {strides = array<i32>} : memref<3456xf32, #tpu.memory_space<vmem>>, vector<16xf32>,
        %swap3A_585 = vector.shape_cast %swap3A_584 : vector<16xf32> to vector<16xf32>
        %swap3A_586 = vector.shape_cast %add3A_582 : vector<16xf32> to vector<16xf32>
        tpu.vector_store %arg12[%swap3A_583], %swap3A_586 {strides = array<i32>} : memref<3456xf32, #tpu.memory_space<vmem>>, vector<16xf32>,
        %add3A_587 = arith.constant 240 : i32
        %add3A_588 = arith.addi %mul3A_393, %add3A_587 : i32
        %get3A_589 = arith.index_cast %add3A_588 : i32 to index
        %get3A_590 = tpu.vector_load %arg12[%get3A_589] {strides = array<i32>} : memref<3456xf32, #tpu.memory_space<vmem>>, vector<16xf32>,
        %get3A_591 = vector.shape_cast %get3A_590 : vector<16xf32> to vector<16xf32>
        %get3A_592 = arith.index_cast %add3A_588 : i32 to index
        %get3A_593 = tpu.vector_load %arg5[%get3A_592] {strides = array<i32>} : memref<3456xf32, #tpu.memory_space<vmem>>, vector<16xf32>,
        %get3A_594 = vector.shape_cast %get3A_593 : vector<16xf32> to vector<16xf32>
        %add3A_595 = arith.addf %get3A_591, %get3A_594 : vector<16xf32>
        %swap3A_596 = arith.index_cast %add3A_588 : i32 to index
        %swap3A_597 = tpu.vector_load %arg12[%swap3A_596] {strides = array<i32>} : memref<3456xf32, #tpu.memory_space<vmem>>, vector<16xf32>,
        %swap3A_598 = vector.shape_cast %swap3A_597 : vector<16xf32> to vector<16xf32>
        %swap3A_599 = vector.shape_cast %add3A_595 : vector<16xf32> to vector<16xf32>
        tpu.vector_store %arg12[%swap3A_596], %swap3A_599 {strides = array<i32>} : memref<3456xf32, #tpu.memory_space<vmem>>, vector<16xf32>,
        %add3A_600 = arith.constant 256 : i32
        %add3A_601 = arith.addi %mul3A_393, %add3A_600 : i32
        %get3A_602 = arith.index_cast %add3A_601 : i32 to index
        %get3A_603 = tpu.vector_load %arg12[%get3A_602] {strides = array<i32>} : memref<3456xf32, #tpu.memory_space<vmem>>, vector<16xf32>,
        %get3A_604 = vector.shape_cast %get3A_603 : vector<16xf32> to vector<16xf32>
        %get3A_605 = arith.index_cast %add3A_601 : i32 to index
        %get3A_606 = tpu.vector_load %arg5[%get3A_605] {strides = array<i32>} : memref<3456xf32, #tpu.memory_space<vmem>>, vector<16xf32>,
        %get3A_607 = vector.shape_cast %get3A_606 : vector<16xf32> to vector<16xf32>
        %add3A_608 = arith.addf %get3A_604, %get3A_607 : vector<16xf32>
        %swap3A_609 = arith.index_cast %add3A_601 : i32 to index
        %swap3A_610 = tpu.vector_load %arg12[%swap3A_609] {strides = array<i32>} : memref<3456xf32, #tpu.memory_space<vmem>>, vector<16xf32>,
        %swap3A_611 = vector.shape_cast %swap3A_610 : vector<16xf32> to vector<16xf32>
        %swap3A_612 = vector.shape_cast %add3A_608 : vector<16xf32> to vector<16xf32>
        tpu.vector_store %arg12[%swap3A_609], %swap3A_612 {strides = array<i32>} : memref<3456xf32, #tpu.memory_space<vmem>>, vector<16xf32>,
        %add3A_613 = arith.constant 272 : i32
        %add3A_614 = arith.addi %mul3A_393, %add3A_613 : i32
        %get3A_615 = arith.index_cast %add3A_614 : i32 to index
        %get3A_616 = tpu.vector_load %arg12[%get3A_615] {strides = array<i32>} : memref<3456xf32, #tpu.memory_space<vmem>>, vector<16xf32>,
        %get3A_617 = vector.shape_cast %get3A_616 : vector<16xf32> to vector<16xf32>
        %get3A_618 = arith.index_cast %add3A_614 : i32 to index
        %get3A_619 = tpu.vector_load %arg5[%get3A_618] {strides = array<i32>} : memref<3456xf32, #tpu.memory_space<vmem>>, vector<16xf32>,
        %get3A_620 = vector.shape_cast %get3A_619 : vector<16xf32> to vector<16xf32>
        %add3A_621 = arith.addf %get3A_617, %get3A_620 : vector<16xf32>
        %swap3A_622 = arith.index_cast %add3A_614 : i32 to index
        %swap3A_623 = tpu.vector_load %arg12[%swap3A_622] {strides = array<i32>} : memref<3456xf32, #tpu.memory_space<vmem>>, vector<16xf32>,
        %swap3A_624 = vector.shape_cast %swap3A_623 : vector<16xf32> to vector<16xf32>
        %swap3A_625 = vector.shape_cast %add3A_621 : vector<16xf32> to vector<16xf32>
        tpu.vector_store %arg12[%swap3A_622], %swap3A_625 {strides = array<i32>} : memref<3456xf32, #tpu.memory_space<vmem>>, vector<16xf32>,
        %add3A_626 = arith.constant 288 : i32
        %add3A_627 = arith.addi %mul3A_393, %add3A_626 : i32
        %get3A_628 = arith.index_cast %add3A_627 : i32 to index
        %get3A_629 = tpu.vector_load %arg12[%get3A_628] {strides = array<i32>} : memref<3456xf32, #tpu.memory_space<vmem>>, vector<16xf32>,
        %get3A_630 = vector.shape_cast %get3A_629 : vector<16xf32> to vector<16xf32>
        %get3A_631 = arith.index_cast %add3A_627 : i32 to index
        %get3A_632 = tpu.vector_load %arg5[%get3A_631] {strides = array<i32>} : memref<3456xf32, #tpu.memory_space<vmem>>, vector<16xf32>,
        %get3A_633 = vector.shape_cast %get3A_632 : vector<16xf32> to vector<16xf32>
        %add3A_634 = arith.addf %get3A_630, %get3A_633 : vector<16xf32>
        %swap3A_635 = arith.index_cast %add3A_627 : i32 to index
        %swap3A_636 = tpu.vector_load %arg12[%swap3A_635] {strides = array<i32>} : memref<3456xf32, #tpu.memory_space<vmem>>, vector<16xf32>,
        %swap3A_637 = vector.shape_cast %swap3A_636 : vector<16xf32> to vector<16xf32>
        %swap3A_638 = vector.shape_cast %add3A_634 : vector<16xf32> to vector<16xf32>
        tpu.vector_store %arg12[%swap3A_635], %swap3A_638 {strides = array<i32>} : memref<3456xf32, #tpu.memory_space<vmem>>, vector<16xf32>,
        %add3A_639 = arith.constant 304 : i32
        %add3A_640 = arith.addi %mul3A_393, %add3A_639 : i32
        %get3A_641 = arith.index_cast %add3A_640 : i32 to index
        %get3A_642 = tpu.vector_load %arg12[%get3A_641] {strides = array<i32>} : memref<3456xf32, #tpu.memory_space<vmem>>, vector<16xf32>,
        %get3A_643 = vector.shape_cast %get3A_642 : vector<16xf32> to vector<16xf32>
        %get3A_644 = arith.index_cast %add3A_640 : i32 to index
        %get3A_645 = tpu.vector_load %arg5[%get3A_644] {strides = array<i32>} : memref<3456xf32, #tpu.memory_space<vmem>>, vector<16xf32>,
        %get3A_646 = vector.shape_cast %get3A_645 : vector<16xf32> to vector<16xf32>
        %add3A_647 = arith.addf %get3A_643, %get3A_646 : vector<16xf32>
        %swap3A_648 = arith.index_cast %add3A_640 : i32 to index
        %swap3A_649 = tpu.vector_load %arg12[%swap3A_648] {strides = array<i32>} : memref<3456xf32, #tpu.memory_space<vmem>>, vector<16xf32>,
        %swap3A_650 = vector.shape_cast %swap3A_649 : vector<16xf32> to vector<16xf32>
        %swap3A_651 = vector.shape_cast %add3A_647 : vector<16xf32> to vector<16xf32>
        tpu.vector_store %arg12[%swap3A_648], %swap3A_651 {strides = array<i32>} : memref<3456xf32, #tpu.memory_space<vmem>>, vector<16xf32>,
        %add3A_652 = arith.constant 320 : i32
        %add3A_653 = arith.addi %mul3A_393, %add3A_652 : i32
        %get3A_654 = arith.index_cast %add3A_653 : i32 to index
        %get3A_655 = tpu.vector_load %arg12[%get3A_654] {strides = array<i32>} : memref<3456xf32, #tpu.memory_space<vmem>>, vector<16xf32>,
        %get3A_656 = vector.shape_cast %get3A_655 : vector<16xf32> to vector<16xf32>
        %get3A_657 = arith.index_cast %add3A_653 : i32 to index
        %get3A_658 = tpu.vector_load %arg5[%get3A_657] {strides = array<i32>} : memref<3456xf32, #tpu.memory_space<vmem>>, vector<16xf32>,
        %get3A_659 = vector.shape_cast %get3A_658 : vector<16xf32> to vector<16xf32>
        %add3A_660 = arith.addf %get3A_656, %get3A_659 : vector<16xf32>
        %swap3A_661 = arith.index_cast %add3A_653 : i32 to index
        %swap3A_662 = tpu.vector_load %arg12[%swap3A_661] {strides = array<i32>} : memref<3456xf32, #tpu.memory_space<vmem>>, vector<16xf32>,
        %swap3A_663 = vector.shape_cast %swap3A_662 : vector<16xf32> to vector<16xf32>
        %swap3A_664 = vector.shape_cast %add3A_660 : vector<16xf32> to vector<16xf32>
        tpu.vector_store %arg12[%swap3A_661], %swap3A_664 {strides = array<i32>} : memref<3456xf32, #tpu.memory_space<vmem>>, vector<16xf32>,
        %add3A_665 = arith.constant 336 : i32
        %add3A_666 = arith.addi %mul3A_393, %add3A_665 : i32
        %get3A_667 = arith.index_cast %add3A_666 : i32 to index
        %get3A_668 = tpu.vector_load %arg12[%get3A_667] {strides = array<i32>} : memref<3456xf32, #tpu.memory_space<vmem>>, vector<16xf32>,
        %get3A_669 = vector.shape_cast %get3A_668 : vector<16xf32> to vector<16xf32>
        %get3A_670 = arith.index_cast %add3A_666 : i32 to index
        %get3A_671 = tpu.vector_load %arg5[%get3A_670] {strides = array<i32>} : memref<3456xf32, #tpu.memory_space<vmem>>, vector<16xf32>,
        %get3A_672 = vector.shape_cast %get3A_671 : vector<16xf32> to vector<16xf32>
        %add3A_673 = arith.addf %get3A_669, %get3A_672 : vector<16xf32>
        %swap3A_674 = arith.index_cast %add3A_666 : i32 to index
        %swap3A_675 = tpu.vector_load %arg12[%swap3A_674] {strides = array<i32>} : memref<3456xf32, #tpu.memory_space<vmem>>, vector<16xf32>,
        %swap3A_676 = vector.shape_cast %swap3A_675 : vector<16xf32> to vector<16xf32>
        %swap3A_677 = vector.shape_cast %add3A_673 : vector<16xf32> to vector<16xf32>
        tpu.vector_store %arg12[%swap3A_674], %swap3A_677 {strides = array<i32>} : memref<3456xf32, #tpu.memory_space<vmem>>, vector<16xf32>,
        %add3A_678 = arith.constant 352 : i32
        %add3A_679 = arith.addi %mul3A_393, %add3A_678 : i32
        %get3A_680 = arith.index_cast %add3A_679 : i32 to index
        %get3A_681 = tpu.vector_load %arg12[%get3A_680] {strides = array<i32>} : memref<3456xf32, #tpu.memory_space<vmem>>, vector<16xf32>,
        %get3A_682 = vector.shape_cast %get3A_681 : vector<16xf32> to vector<16xf32>
        %get3A_683 = arith.index_cast %add3A_679 : i32 to index
        %get3A_684 = tpu.vector_load %arg5[%get3A_683] {strides = array<i32>} : memref<3456xf32, #tpu.memory_space<vmem>>, vector<16xf32>,
        %get3A_685 = vector.shape_cast %get3A_684 : vector<16xf32> to vector<16xf32>
        %add3A_686 = arith.addf %get3A_682, %get3A_685 : vector<16xf32>
        %swap3A_687 = arith.index_cast %add3A_679 : i32 to index
        %swap3A_688 = tpu.vector_load %arg12[%swap3A_687] {strides = array<i32>} : memref<3456xf32, #tpu.memory_space<vmem>>, vector<16xf32>,
        %swap3A_689 = vector.shape_cast %swap3A_688 : vector<16xf32> to vector<16xf32>
        %swap3A_690 = vector.shape_cast %add3A_686 : vector<16xf32> to vector<16xf32>
        tpu.vector_store %arg12[%swap3A_687], %swap3A_690 {strides = array<i32>} : memref<3456xf32, #tpu.memory_space<vmem>>, vector<16xf32>,
        %add3A_691 = arith.constant 368 : i32
        %add3A_692 = arith.addi %mul3A_393, %add3A_691 : i32
        %get3A_693 = arith.index_cast %add3A_692 : i32 to index
        %get3A_694 = tpu.vector_load %arg12[%get3A_693] {strides = array<i32>} : memref<3456xf32, #tpu.memory_space<vmem>>, vector<16xf32>,
        %get3A_695 = vector.shape_cast %get3A_694 : vector<16xf32> to vector<16xf32>
        %get3A_696 = arith.index_cast %add3A_692 : i32 to index
        %get3A_697 = tpu.vector_load %arg5[%get3A_696] {strides = array<i32>} : memref<3456xf32, #tpu.memory_space<vmem>>, vector<16xf32>,
        %get3A_698 = vector.shape_cast %get3A_697 : vector<16xf32> to vector<16xf32>
        %add3A_699 = arith.addf %get3A_695, %get3A_698 : vector<16xf32>
        %swap3A_700 = arith.index_cast %add3A_692 : i32 to index
        %swap3A_701 = tpu.vector_load %arg12[%swap3A_700] {strides = array<i32>} : memref<3456xf32, #tpu.memory_space<vmem>>, vector<16xf32>,
        %swap3A_702 = vector.shape_cast %swap3A_701 : vector<16xf32> to vector<16xf32>
        %swap3A_703 = vector.shape_cast %add3A_699 : vector<16xf32> to vector<16xf32>
        tpu.vector_store %arg12[%swap3A_700], %swap3A_703 {strides = array<i32>} : memref<3456xf32, #tpu.memory_space<vmem>>, vector<16xf32>,
        %scan3A_704 = arith.constant 0 : i32
        scf.yield %scan3A_704 : i32
      }
      %scan3A_342 = arith.constant 9 : i32
      %mul3A_343 = arith.constant 32 : i32
      %mul3A_344 = arith.muli %add3A_314, %mul3A_343 : i32
      %add3A_345 = arith.addi %mul3A_344, %add3A : i32
      %mul3A_346 = arith.constant 3456 : i32
      %mul3A_347 = arith.muli %add3A_345, %mul3A_346 : i32
      %dma_start3A_348 = tpu.memref_slice %arg4[%mul3A_347] : memref<14155776xf32, #tpu.memory_space<hbm>> -> memref<3456xf32, #tpu.memory_space<hbm>>
      %dma_start3A_349 = tpu.memref_slice %arg4[%mul3A_347] : memref<14155776xf32, #tpu.memory_space<hbm>> -> memref<3456xf32, #tpu.memory_space<hbm>>
      tpu.enqueue_dma source(%arg12 : memref<3456xf32, #tpu.memory_space<vmem>>) target(%dma_start3A_349 : memref<3456xf32, #tpu.memory_space<hbm>>) target_semaphore(%arg28 : memref<!tpu.dma_semaphore, #tpu.memory_space<semaphore_mem>>)
      %mul3A_350 = arith.constant 8 : i32
      %mul3A_351 = arith.muli %scan3A_81, %mul3A_350 : i32
      %add3A_352 = arith.constant 7 : i32
      %add3A_353 = arith.addi %mul3A_351, %add3A_352 : i32
      %add3A_354 = arith.constant 8 : i32
      %add3A_355 = arith.addi %add3A_353, %add3A_354 : i32
      %sub3A_356 = arith.constant 1 : i32
      %sub3A_357 = arith.subi %add3A_355, %sub3A_356 : i32
      %ge3A_358 = arith.constant 1 : i32
      %ge3A_359 = arith.cmpi sge, %add3A_353, %ge3A_358 : i32
      %lt3A_360 = arith.constant 128 : i32
      %lt3A_361 = arith.cmpi slt, %sub3A_357, %lt3A_360 : i32
      %and3A_362 = arith.andi %ge3A_359, %lt3A_361 : i1
      %convert_element_type3A_363 = arith.extui %and3A_362 : i1 to i32
      %cond3A_364 = arith.constant 0 : i32
      %cond3A_365 = arith.cmpi ne, %convert_element_type3A_363, %cond3A_364 : i32
      scf.if %cond3A_365 {
        %dma_wait3A_390 = arith.constant 0 : i32
        %dma_wait3A_391 = tpu.memref_slice %arg4[%dma_wait3A_390] : memref<14155776xf32, #tpu.memory_space<hbm>> -> memref<3456xf32, #tpu.memory_space<hbm>>
        %dma_wait3A_392 = arith.constant 0 : i32
        %dma_wait3A_393 = tpu.memref_slice %arg4[%dma_wait3A_392] : memref<14155776xf32, #tpu.memory_space<hbm>> -> memref<3456xf32, #tpu.memory_space<hbm>>
        tpu.wait_dma2 semaphore(%arg28 : memref<!tpu.dma_semaphore, #tpu.memory_space<semaphore_mem>>) src(%arg12 : memref<3456xf32, #tpu.memory_space<vmem>>) dst(%dma_wait3A_393 : memref<3456xf32, #tpu.memory_space<hbm>>)
      } else {
      }
      %lt3A_366 = arith.constant 128 : i32
      %lt3A_367 = arith.cmpi slt, %sub3A_357, %lt3A_366 : i32
      %convert_element_type3A_368 = arith.extui %lt3A_367 : i1 to i32
      %cond3A_369 = arith.constant 0 : i32
      %cond3A_370 = arith.cmpi ne, %convert_element_type3A_368, %cond3A_369 : i32
      scf.if %cond3A_370 {
        %mul3A_390 = arith.constant 32 : i32
        %mul3A_391 = arith.muli %sub3A_357, %mul3A_390 : i32
        %add3A_392 = arith.addi %mul3A_391, %add3A : i32
        %mul3A_393 = arith.constant 3456 : i32
        %mul3A_394 = arith.muli %add3A_392, %mul3A_393 : i32
        %dma_start3A_395 = tpu.memref_slice %arg2[%mul3A_394] : memref<14155776xf32, #tpu.memory_space<hbm>> -> memref<3456xf32, #tpu.memory_space<hbm>>
        %dma_start3A_396 = tpu.memref_slice %arg2[%mul3A_394] : memref<14155776xf32, #tpu.memory_space<hbm>> -> memref<3456xf32, #tpu.memory_space<hbm>>
        tpu.enqueue_dma source(%dma_start3A_396 : memref<3456xf32, #tpu.memory_space<hbm>>) target(%arg12 : memref<3456xf32, #tpu.memory_space<vmem>>) target_semaphore(%arg20 : memref<!tpu.dma_semaphore, #tpu.memory_space<semaphore_mem>>)
      } else {
      }
      %dma_wait3A_371 = arith.constant 0 : i32
      %dma_wait3A_372 = tpu.memref_slice %arg2[%dma_wait3A_371] : memref<14155776xf32, #tpu.memory_space<hbm>> -> memref<3456xf32, #tpu.memory_space<hbm>>
      %dma_wait3A_373 = arith.constant 0 : i32
      %dma_wait3A_374 = tpu.memref_slice %arg2[%dma_wait3A_373] : memref<14155776xf32, #tpu.memory_space<hbm>> -> memref<3456xf32, #tpu.memory_space<hbm>>
      tpu.wait_dma2 semaphore(%arg21 : memref<!tpu.dma_semaphore, #tpu.memory_space<semaphore_mem>>) src(%dma_wait3A_374 : memref<3456xf32, #tpu.memory_space<hbm>>) dst(%arg13 : memref<3456xf32, #tpu.memory_space<vmem>>)
      %scan3A_375 = arith.constant 0 : i32
      %scan3A_376 = arith.constant 0 : i32
      %scan3A_377 = arith.constant 9 : i32
      %scan3A_378 = arith.addi %scan3A_376, %scan3A_377 : i32
      %scan3A_379 = arith.constant 1 : i32
      %scan3A_380 = scf.for %scan3A_390 = %scan3A_376 to %scan3A_378 step %scan3A_379 iter_args(%scan3A_391 = %scan3A_375) -> (i32)  : i32 {
        %mul3A_392 = arith.constant 384 : i32
        %mul3A_393 = arith.muli %scan3A_390, %mul3A_392 : i32
        %add3A_394 = arith.constant 0 : i32
        %add3A_395 = arith.addi %mul3A_393, %add3A_394 : i32
        %get3A = arith.index_cast %add3A_395 : i32 to index
        %get3A_396 = tpu.vector_load %arg13[%get3A] {strides = array<i32>} : memref<3456xf32, #tpu.memory_space<vmem>>, vector<16xf32>,
        %get3A_397 = vector.shape_cast %get3A_396 : vector<16xf32> to vector<16xf32>
        %get3A_398 = arith.index_cast %add3A_395 : i32 to index
        %get3A_399 = tpu.vector_load %arg5[%get3A_398] {strides = array<i32>} : memref<3456xf32, #tpu.memory_space<vmem>>, vector<16xf32>,
        %get3A_400 = vector.shape_cast %get3A_399 : vector<16xf32> to vector<16xf32>
        %add3A_401 = arith.addf %get3A_397, %get3A_400 : vector<16xf32>
        %swap3A = arith.index_cast %add3A_395 : i32 to index
        %swap3A_402 = tpu.vector_load %arg13[%swap3A] {strides = array<i32>} : memref<3456xf32, #tpu.memory_space<vmem>>, vector<16xf32>,
        %swap3A_403 = vector.shape_cast %swap3A_402 : vector<16xf32> to vector<16xf32>
        %swap3A_404 = vector.shape_cast %add3A_401 : vector<16xf32> to vector<16xf32>
        tpu.vector_store %arg13[%swap3A], %swap3A_404 {strides = array<i32>} : memref<3456xf32, #tpu.memory_space<vmem>>, vector<16xf32>,
        %add3A_405 = arith.constant 16 : i32
        %add3A_406 = arith.addi %mul3A_393, %add3A_405 : i32
        %get3A_407 = arith.index_cast %add3A_406 : i32 to index
        %get3A_408 = tpu.vector_load %arg13[%get3A_407] {strides = array<i32>} : memref<3456xf32, #tpu.memory_space<vmem>>, vector<16xf32>,
        %get3A_409 = vector.shape_cast %get3A_408 : vector<16xf32> to vector<16xf32>
        %get3A_410 = arith.index_cast %add3A_406 : i32 to index
        %get3A_411 = tpu.vector_load %arg5[%get3A_410] {strides = array<i32>} : memref<3456xf32, #tpu.memory_space<vmem>>, vector<16xf32>,
        %get3A_412 = vector.shape_cast %get3A_411 : vector<16xf32> to vector<16xf32>
        %add3A_413 = arith.addf %get3A_409, %get3A_412 : vector<16xf32>
        %swap3A_414 = arith.index_cast %add3A_406 : i32 to index
        %swap3A_415 = tpu.vector_load %arg13[%swap3A_414] {strides = array<i32>} : memref<3456xf32, #tpu.memory_space<vmem>>, vector<16xf32>,
        %swap3A_416 = vector.shape_cast %swap3A_415 : vector<16xf32> to vector<16xf32>
        %swap3A_417 = vector.shape_cast %add3A_413 : vector<16xf32> to vector<16xf32>
        tpu.vector_store %arg13[%swap3A_414], %swap3A_417 {strides = array<i32>} : memref<3456xf32, #tpu.memory_space<vmem>>, vector<16xf32>,
        %add3A_418 = arith.constant 32 : i32
        %add3A_419 = arith.addi %mul3A_393, %add3A_418 : i32
        %get3A_420 = arith.index_cast %add3A_419 : i32 to index
        %get3A_421 = tpu.vector_load %arg13[%get3A_420] {strides = array<i32>} : memref<3456xf32, #tpu.memory_space<vmem>>, vector<16xf32>,
        %get3A_422 = vector.shape_cast %get3A_421 : vector<16xf32> to vector<16xf32>
        %get3A_423 = arith.index_cast %add3A_419 : i32 to index
        %get3A_424 = tpu.vector_load %arg5[%get3A_423] {strides = array<i32>} : memref<3456xf32, #tpu.memory_space<vmem>>, vector<16xf32>,
        %get3A_425 = vector.shape_cast %get3A_424 : vector<16xf32> to vector<16xf32>
        %add3A_426 = arith.addf %get3A_422, %get3A_425 : vector<16xf32>
        %swap3A_427 = arith.index_cast %add3A_419 : i32 to index
        %swap3A_428 = tpu.vector_load %arg13[%swap3A_427] {strides = array<i32>} : memref<3456xf32, #tpu.memory_space<vmem>>, vector<16xf32>,
        %swap3A_429 = vector.shape_cast %swap3A_428 : vector<16xf32> to vector<16xf32>
        %swap3A_430 = vector.shape_cast %add3A_426 : vector<16xf32> to vector<16xf32>
        tpu.vector_store %arg13[%swap3A_427], %swap3A_430 {strides = array<i32>} : memref<3456xf32, #tpu.memory_space<vmem>>, vector<16xf32>,
        %add3A_431 = arith.constant 48 : i32
        %add3A_432 = arith.addi %mul3A_393, %add3A_431 : i32
        %get3A_433 = arith.index_cast %add3A_432 : i32 to index
        %get3A_434 = tpu.vector_load %arg13[%get3A_433] {strides = array<i32>} : memref<3456xf32, #tpu.memory_space<vmem>>, vector<16xf32>,
        %get3A_435 = vector.shape_cast %get3A_434 : vector<16xf32> to vector<16xf32>
        %get3A_436 = arith.index_cast %add3A_432 : i32 to index
        %get3A_437 = tpu.vector_load %arg5[%get3A_436] {strides = array<i32>} : memref<3456xf32, #tpu.memory_space<vmem>>, vector<16xf32>,
        %get3A_438 = vector.shape_cast %get3A_437 : vector<16xf32> to vector<16xf32>
        %add3A_439 = arith.addf %get3A_435, %get3A_438 : vector<16xf32>
        %swap3A_440 = arith.index_cast %add3A_432 : i32 to index
        %swap3A_441 = tpu.vector_load %arg13[%swap3A_440] {strides = array<i32>} : memref<3456xf32, #tpu.memory_space<vmem>>, vector<16xf32>,
        %swap3A_442 = vector.shape_cast %swap3A_441 : vector<16xf32> to vector<16xf32>
        %swap3A_443 = vector.shape_cast %add3A_439 : vector<16xf32> to vector<16xf32>
        tpu.vector_store %arg13[%swap3A_440], %swap3A_443 {strides = array<i32>} : memref<3456xf32, #tpu.memory_space<vmem>>, vector<16xf32>,
        %add3A_444 = arith.constant 64 : i32
        %add3A_445 = arith.addi %mul3A_393, %add3A_444 : i32
        %get3A_446 = arith.index_cast %add3A_445 : i32 to index
        %get3A_447 = tpu.vector_load %arg13[%get3A_446] {strides = array<i32>} : memref<3456xf32, #tpu.memory_space<vmem>>, vector<16xf32>,
        %get3A_448 = vector.shape_cast %get3A_447 : vector<16xf32> to vector<16xf32>
        %get3A_449 = arith.index_cast %add3A_445 : i32 to index
        %get3A_450 = tpu.vector_load %arg5[%get3A_449] {strides = array<i32>} : memref<3456xf32, #tpu.memory_space<vmem>>, vector<16xf32>,
        %get3A_451 = vector.shape_cast %get3A_450 : vector<16xf32> to vector<16xf32>
        %add3A_452 = arith.addf %get3A_448, %get3A_451 : vector<16xf32>
        %swap3A_453 = arith.index_cast %add3A_445 : i32 to index
        %swap3A_454 = tpu.vector_load %arg13[%swap3A_453] {strides = array<i32>} : memref<3456xf32, #tpu.memory_space<vmem>>, vector<16xf32>,
        %swap3A_455 = vector.shape_cast %swap3A_454 : vector<16xf32> to vector<16xf32>
        %swap3A_456 = vector.shape_cast %add3A_452 : vector<16xf32> to vector<16xf32>
        tpu.vector_store %arg13[%swap3A_453], %swap3A_456 {strides = array<i32>} : memref<3456xf32, #tpu.memory_space<vmem>>, vector<16xf32>,
        %add3A_457 = arith.constant 80 : i32
        %add3A_458 = arith.addi %mul3A_393, %add3A_457 : i32
        %get3A_459 = arith.index_cast %add3A_458 : i32 to index
        %get3A_460 = tpu.vector_load %arg13[%get3A_459] {strides = array<i32>} : memref<3456xf32, #tpu.memory_space<vmem>>, vector<16xf32>,
        %get3A_461 = vector.shape_cast %get3A_460 : vector<16xf32> to vector<16xf32>
        %get3A_462 = arith.index_cast %add3A_458 : i32 to index
        %get3A_463 = tpu.vector_load %arg5[%get3A_462] {strides = array<i32>} : memref<3456xf32, #tpu.memory_space<vmem>>, vector<16xf32>,
        %get3A_464 = vector.shape_cast %get3A_463 : vector<16xf32> to vector<16xf32>
        %add3A_465 = arith.addf %get3A_461, %get3A_464 : vector<16xf32>
        %swap3A_466 = arith.index_cast %add3A_458 : i32 to index
        %swap3A_467 = tpu.vector_load %arg13[%swap3A_466] {strides = array<i32>} : memref<3456xf32, #tpu.memory_space<vmem>>, vector<16xf32>,
        %swap3A_468 = vector.shape_cast %swap3A_467 : vector<16xf32> to vector<16xf32>
        %swap3A_469 = vector.shape_cast %add3A_465 : vector<16xf32> to vector<16xf32>
        tpu.vector_store %arg13[%swap3A_466], %swap3A_469 {strides = array<i32>} : memref<3456xf32, #tpu.memory_space<vmem>>, vector<16xf32>,
        %add3A_470 = arith.constant 96 : i32
        %add3A_471 = arith.addi %mul3A_393, %add3A_470 : i32
        %get3A_472 = arith.index_cast %add3A_471 : i32 to index
        %get3A_473 = tpu.vector_load %arg13[%get3A_472] {strides = array<i32>} : memref<3456xf32, #tpu.memory_space<vmem>>, vector<16xf32>,
        %get3A_474 = vector.shape_cast %get3A_473 : vector<16xf32> to vector<16xf32>
        %get3A_475 = arith.index_cast %add3A_471 : i32 to index
        %get3A_476 = tpu.vector_load %arg5[%get3A_475] {strides = array<i32>} : memref<3456xf32, #tpu.memory_space<vmem>>, vector<16xf32>,
        %get3A_477 = vector.shape_cast %get3A_476 : vector<16xf32> to vector<16xf32>
        %add3A_478 = arith.addf %get3A_474, %get3A_477 : vector<16xf32>
        %swap3A_479 = arith.index_cast %add3A_471 : i32 to index
        %swap3A_480 = tpu.vector_load %arg13[%swap3A_479] {strides = array<i32>} : memref<3456xf32, #tpu.memory_space<vmem>>, vector<16xf32>,
        %swap3A_481 = vector.shape_cast %swap3A_480 : vector<16xf32> to vector<16xf32>
        %swap3A_482 = vector.shape_cast %add3A_478 : vector<16xf32> to vector<16xf32>
        tpu.vector_store %arg13[%swap3A_479], %swap3A_482 {strides = array<i32>} : memref<3456xf32, #tpu.memory_space<vmem>>, vector<16xf32>,
        %add3A_483 = arith.constant 112 : i32
        %add3A_484 = arith.addi %mul3A_393, %add3A_483 : i32
        %get3A_485 = arith.index_cast %add3A_484 : i32 to index
        %get3A_486 = tpu.vector_load %arg13[%get3A_485] {strides = array<i32>} : memref<3456xf32, #tpu.memory_space<vmem>>, vector<16xf32>,
        %get3A_487 = vector.shape_cast %get3A_486 : vector<16xf32> to vector<16xf32>
        %get3A_488 = arith.index_cast %add3A_484 : i32 to index
        %get3A_489 = tpu.vector_load %arg5[%get3A_488] {strides = array<i32>} : memref<3456xf32, #tpu.memory_space<vmem>>, vector<16xf32>,
        %get3A_490 = vector.shape_cast %get3A_489 : vector<16xf32> to vector<16xf32>
        %add3A_491 = arith.addf %get3A_487, %get3A_490 : vector<16xf32>
        %swap3A_492 = arith.index_cast %add3A_484 : i32 to index
        %swap3A_493 = tpu.vector_load %arg13[%swap3A_492] {strides = array<i32>} : memref<3456xf32, #tpu.memory_space<vmem>>, vector<16xf32>,
        %swap3A_494 = vector.shape_cast %swap3A_493 : vector<16xf32> to vector<16xf32>
        %swap3A_495 = vector.shape_cast %add3A_491 : vector<16xf32> to vector<16xf32>
        tpu.vector_store %arg13[%swap3A_492], %swap3A_495 {strides = array<i32>} : memref<3456xf32, #tpu.memory_space<vmem>>, vector<16xf32>,
        %add3A_496 = arith.constant 128 : i32
        %add3A_497 = arith.addi %mul3A_393, %add3A_496 : i32
        %get3A_498 = arith.index_cast %add3A_497 : i32 to index
        %get3A_499 = tpu.vector_load %arg13[%get3A_498] {strides = array<i32>} : memref<3456xf32, #tpu.memory_space<vmem>>, vector<16xf32>,
        %get3A_500 = vector.shape_cast %get3A_499 : vector<16xf32> to vector<16xf32>
        %get3A_501 = arith.index_cast %add3A_497 : i32 to index
        %get3A_502 = tpu.vector_load %arg5[%get3A_501] {strides = array<i32>} : memref<3456xf32, #tpu.memory_space<vmem>>, vector<16xf32>,
        %get3A_503 = vector.shape_cast %get3A_502 : vector<16xf32> to vector<16xf32>
        %add3A_504 = arith.addf %get3A_500, %get3A_503 : vector<16xf32>
        %swap3A_505 = arith.index_cast %add3A_497 : i32 to index
        %swap3A_506 = tpu.vector_load %arg13[%swap3A_505] {strides = array<i32>} : memref<3456xf32, #tpu.memory_space<vmem>>, vector<16xf32>,
        %swap3A_507 = vector.shape_cast %swap3A_506 : vector<16xf32> to vector<16xf32>
        %swap3A_508 = vector.shape_cast %add3A_504 : vector<16xf32> to vector<16xf32>
        tpu.vector_store %arg13[%swap3A_505], %swap3A_508 {strides = array<i32>} : memref<3456xf32, #tpu.memory_space<vmem>>, vector<16xf32>,
        %add3A_509 = arith.constant 144 : i32
        %add3A_510 = arith.addi %mul3A_393, %add3A_509 : i32
        %get3A_511 = arith.index_cast %add3A_510 : i32 to index
        %get3A_512 = tpu.vector_load %arg13[%get3A_511] {strides = array<i32>} : memref<3456xf32, #tpu.memory_space<vmem>>, vector<16xf32>,
        %get3A_513 = vector.shape_cast %get3A_512 : vector<16xf32> to vector<16xf32>
        %get3A_514 = arith.index_cast %add3A_510 : i32 to index
        %get3A_515 = tpu.vector_load %arg5[%get3A_514] {strides = array<i32>} : memref<3456xf32, #tpu.memory_space<vmem>>, vector<16xf32>,
        %get3A_516 = vector.shape_cast %get3A_515 : vector<16xf32> to vector<16xf32>
        %add3A_517 = arith.addf %get3A_513, %get3A_516 : vector<16xf32>
        %swap3A_518 = arith.index_cast %add3A_510 : i32 to index
        %swap3A_519 = tpu.vector_load %arg13[%swap3A_518] {strides = array<i32>} : memref<3456xf32, #tpu.memory_space<vmem>>, vector<16xf32>,
        %swap3A_520 = vector.shape_cast %swap3A_519 : vector<16xf32> to vector<16xf32>
        %swap3A_521 = vector.shape_cast %add3A_517 : vector<16xf32> to vector<16xf32>
        tpu.vector_store %arg13[%swap3A_518], %swap3A_521 {strides = array<i32>} : memref<3456xf32, #tpu.memory_space<vmem>>, vector<16xf32>,
        %add3A_522 = arith.constant 160 : i32
        %add3A_523 = arith.addi %mul3A_393, %add3A_522 : i32
        %get3A_524 = arith.index_cast %add3A_523 : i32 to index
        %get3A_525 = tpu.vector_load %arg13[%get3A_524] {strides = array<i32>} : memref<3456xf32, #tpu.memory_space<vmem>>, vector<16xf32>,
        %get3A_526 = vector.shape_cast %get3A_525 : vector<16xf32> to vector<16xf32>
        %get3A_527 = arith.index_cast %add3A_523 : i32 to index
        %get3A_528 = tpu.vector_load %arg5[%get3A_527] {strides = array<i32>} : memref<3456xf32, #tpu.memory_space<vmem>>, vector<16xf32>,
        %get3A_529 = vector.shape_cast %get3A_528 : vector<16xf32> to vector<16xf32>
        %add3A_530 = arith.addf %get3A_526, %get3A_529 : vector<16xf32>
        %swap3A_531 = arith.index_cast %add3A_523 : i32 to index
        %swap3A_532 = tpu.vector_load %arg13[%swap3A_531] {strides = array<i32>} : memref<3456xf32, #tpu.memory_space<vmem>>, vector<16xf32>,
        %swap3A_533 = vector.shape_cast %swap3A_532 : vector<16xf32> to vector<16xf32>
        %swap3A_534 = vector.shape_cast %add3A_530 : vector<16xf32> to vector<16xf32>
        tpu.vector_store %arg13[%swap3A_531], %swap3A_534 {strides = array<i32>} : memref<3456xf32, #tpu.memory_space<vmem>>, vector<16xf32>,
        %add3A_535 = arith.constant 176 : i32
        %add3A_536 = arith.addi %mul3A_393, %add3A_535 : i32
        %get3A_537 = arith.index_cast %add3A_536 : i32 to index
        %get3A_538 = tpu.vector_load %arg13[%get3A_537] {strides = array<i32>} : memref<3456xf32, #tpu.memory_space<vmem>>, vector<16xf32>,
        %get3A_539 = vector.shape_cast %get3A_538 : vector<16xf32> to vector<16xf32>
        %get3A_540 = arith.index_cast %add3A_536 : i32 to index
        %get3A_541 = tpu.vector_load %arg5[%get3A_540] {strides = array<i32>} : memref<3456xf32, #tpu.memory_space<vmem>>, vector<16xf32>,
        %get3A_542 = vector.shape_cast %get3A_541 : vector<16xf32> to vector<16xf32>
        %add3A_543 = arith.addf %get3A_539, %get3A_542 : vector<16xf32>
        %swap3A_544 = arith.index_cast %add3A_536 : i32 to index
        %swap3A_545 = tpu.vector_load %arg13[%swap3A_544] {strides = array<i32>} : memref<3456xf32, #tpu.memory_space<vmem>>, vector<16xf32>,
        %swap3A_546 = vector.shape_cast %swap3A_545 : vector<16xf32> to vector<16xf32>
        %swap3A_547 = vector.shape_cast %add3A_543 : vector<16xf32> to vector<16xf32>
        tpu.vector_store %arg13[%swap3A_544], %swap3A_547 {strides = array<i32>} : memref<3456xf32, #tpu.memory_space<vmem>>, vector<16xf32>,
        %add3A_548 = arith.constant 192 : i32
        %add3A_549 = arith.addi %mul3A_393, %add3A_548 : i32
        %get3A_550 = arith.index_cast %add3A_549 : i32 to index
        %get3A_551 = tpu.vector_load %arg13[%get3A_550] {strides = array<i32>} : memref<3456xf32, #tpu.memory_space<vmem>>, vector<16xf32>,
        %get3A_552 = vector.shape_cast %get3A_551 : vector<16xf32> to vector<16xf32>
        %get3A_553 = arith.index_cast %add3A_549 : i32 to index
        %get3A_554 = tpu.vector_load %arg5[%get3A_553] {strides = array<i32>} : memref<3456xf32, #tpu.memory_space<vmem>>, vector<16xf32>,
        %get3A_555 = vector.shape_cast %get3A_554 : vector<16xf32> to vector<16xf32>
        %add3A_556 = arith.addf %get3A_552, %get3A_555 : vector<16xf32>
        %swap3A_557 = arith.index_cast %add3A_549 : i32 to index
        %swap3A_558 = tpu.vector_load %arg13[%swap3A_557] {strides = array<i32>} : memref<3456xf32, #tpu.memory_space<vmem>>, vector<16xf32>,
        %swap3A_559 = vector.shape_cast %swap3A_558 : vector<16xf32> to vector<16xf32>
        %swap3A_560 = vector.shape_cast %add3A_556 : vector<16xf32> to vector<16xf32>
        tpu.vector_store %arg13[%swap3A_557], %swap3A_560 {strides = array<i32>} : memref<3456xf32, #tpu.memory_space<vmem>>, vector<16xf32>,
        %add3A_561 = arith.constant 208 : i32
        %add3A_562 = arith.addi %mul3A_393, %add3A_561 : i32
        %get3A_563 = arith.index_cast %add3A_562 : i32 to index
        %get3A_564 = tpu.vector_load %arg13[%get3A_563] {strides = array<i32>} : memref<3456xf32, #tpu.memory_space<vmem>>, vector<16xf32>,
        %get3A_565 = vector.shape_cast %get3A_564 : vector<16xf32> to vector<16xf32>
        %get3A_566 = arith.index_cast %add3A_562 : i32 to index
        %get3A_567 = tpu.vector_load %arg5[%get3A_566] {strides = array<i32>} : memref<3456xf32, #tpu.memory_space<vmem>>, vector<16xf32>,
        %get3A_568 = vector.shape_cast %get3A_567 : vector<16xf32> to vector<16xf32>
        %add3A_569 = arith.addf %get3A_565, %get3A_568 : vector<16xf32>
        %swap3A_570 = arith.index_cast %add3A_562 : i32 to index
        %swap3A_571 = tpu.vector_load %arg13[%swap3A_570] {strides = array<i32>} : memref<3456xf32, #tpu.memory_space<vmem>>, vector<16xf32>,
        %swap3A_572 = vector.shape_cast %swap3A_571 : vector<16xf32> to vector<16xf32>
        %swap3A_573 = vector.shape_cast %add3A_569 : vector<16xf32> to vector<16xf32>
        tpu.vector_store %arg13[%swap3A_570], %swap3A_573 {strides = array<i32>} : memref<3456xf32, #tpu.memory_space<vmem>>, vector<16xf32>,
        %add3A_574 = arith.constant 224 : i32
        %add3A_575 = arith.addi %mul3A_393, %add3A_574 : i32
        %get3A_576 = arith.index_cast %add3A_575 : i32 to index
        %get3A_577 = tpu.vector_load %arg13[%get3A_576] {strides = array<i32>} : memref<3456xf32, #tpu.memory_space<vmem>>, vector<16xf32>,
        %get3A_578 = vector.shape_cast %get3A_577 : vector<16xf32> to vector<16xf32>
        %get3A_579 = arith.index_cast %add3A_575 : i32 to index
        %get3A_580 = tpu.vector_load %arg5[%get3A_579] {strides = array<i32>} : memref<3456xf32, #tpu.memory_space<vmem>>, vector<16xf32>,
        %get3A_581 = vector.shape_cast %get3A_580 : vector<16xf32> to vector<16xf32>
        %add3A_582 = arith.addf %get3A_578, %get3A_581 : vector<16xf32>
        %swap3A_583 = arith.index_cast %add3A_575 : i32 to index
        %swap3A_584 = tpu.vector_load %arg13[%swap3A_583] {strides = array<i32>} : memref<3456xf32, #tpu.memory_space<vmem>>, vector<16xf32>,
        %swap3A_585 = vector.shape_cast %swap3A_584 : vector<16xf32> to vector<16xf32>
        %swap3A_586 = vector.shape_cast %add3A_582 : vector<16xf32> to vector<16xf32>
        tpu.vector_store %arg13[%swap3A_583], %swap3A_586 {strides = array<i32>} : memref<3456xf32, #tpu.memory_space<vmem>>, vector<16xf32>,
        %add3A_587 = arith.constant 240 : i32
        %add3A_588 = arith.addi %mul3A_393, %add3A_587 : i32
        %get3A_589 = arith.index_cast %add3A_588 : i32 to index
        %get3A_590 = tpu.vector_load %arg13[%get3A_589] {strides = array<i32>} : memref<3456xf32, #tpu.memory_space<vmem>>, vector<16xf32>,
        %get3A_591 = vector.shape_cast %get3A_590 : vector<16xf32> to vector<16xf32>
        %get3A_592 = arith.index_cast %add3A_588 : i32 to index
        %get3A_593 = tpu.vector_load %arg5[%get3A_592] {strides = array<i32>} : memref<3456xf32, #tpu.memory_space<vmem>>, vector<16xf32>,
        %get3A_594 = vector.shape_cast %get3A_593 : vector<16xf32> to vector<16xf32>
        %add3A_595 = arith.addf %get3A_591, %get3A_594 : vector<16xf32>
        %swap3A_596 = arith.index_cast %add3A_588 : i32 to index
        %swap3A_597 = tpu.vector_load %arg13[%swap3A_596] {strides = array<i32>} : memref<3456xf32, #tpu.memory_space<vmem>>, vector<16xf32>,
        %swap3A_598 = vector.shape_cast %swap3A_597 : vector<16xf32> to vector<16xf32>
        %swap3A_599 = vector.shape_cast %add3A_595 : vector<16xf32> to vector<16xf32>
        tpu.vector_store %arg13[%swap3A_596], %swap3A_599 {strides = array<i32>} : memref<3456xf32, #tpu.memory_space<vmem>>, vector<16xf32>,
        %add3A_600 = arith.constant 256 : i32
        %add3A_601 = arith.addi %mul3A_393, %add3A_600 : i32
        %get3A_602 = arith.index_cast %add3A_601 : i32 to index
        %get3A_603 = tpu.vector_load %arg13[%get3A_602] {strides = array<i32>} : memref<3456xf32, #tpu.memory_space<vmem>>, vector<16xf32>,
        %get3A_604 = vector.shape_cast %get3A_603 : vector<16xf32> to vector<16xf32>
        %get3A_605 = arith.index_cast %add3A_601 : i32 to index
        %get3A_606 = tpu.vector_load %arg5[%get3A_605] {strides = array<i32>} : memref<3456xf32, #tpu.memory_space<vmem>>, vector<16xf32>,
        %get3A_607 = vector.shape_cast %get3A_606 : vector<16xf32> to vector<16xf32>
        %add3A_608 = arith.addf %get3A_604, %get3A_607 : vector<16xf32>
        %swap3A_609 = arith.index_cast %add3A_601 : i32 to index
        %swap3A_610 = tpu.vector_load %arg13[%swap3A_609] {strides = array<i32>} : memref<3456xf32, #tpu.memory_space<vmem>>, vector<16xf32>,
        %swap3A_611 = vector.shape_cast %swap3A_610 : vector<16xf32> to vector<16xf32>
        %swap3A_612 = vector.shape_cast %add3A_608 : vector<16xf32> to vector<16xf32>
        tpu.vector_store %arg13[%swap3A_609], %swap3A_612 {strides = array<i32>} : memref<3456xf32, #tpu.memory_space<vmem>>, vector<16xf32>,
        %add3A_613 = arith.constant 272 : i32
        %add3A_614 = arith.addi %mul3A_393, %add3A_613 : i32
        %get3A_615 = arith.index_cast %add3A_614 : i32 to index
        %get3A_616 = tpu.vector_load %arg13[%get3A_615] {strides = array<i32>} : memref<3456xf32, #tpu.memory_space<vmem>>, vector<16xf32>,
        %get3A_617 = vector.shape_cast %get3A_616 : vector<16xf32> to vector<16xf32>
        %get3A_618 = arith.index_cast %add3A_614 : i32 to index
        %get3A_619 = tpu.vector_load %arg5[%get3A_618] {strides = array<i32>} : memref<3456xf32, #tpu.memory_space<vmem>>, vector<16xf32>,
        %get3A_620 = vector.shape_cast %get3A_619 : vector<16xf32> to vector<16xf32>
        %add3A_621 = arith.addf %get3A_617, %get3A_620 : vector<16xf32>
        %swap3A_622 = arith.index_cast %add3A_614 : i32 to index
        %swap3A_623 = tpu.vector_load %arg13[%swap3A_622] {strides = array<i32>} : memref<3456xf32, #tpu.memory_space<vmem>>, vector<16xf32>,
        %swap3A_624 = vector.shape_cast %swap3A_623 : vector<16xf32> to vector<16xf32>
        %swap3A_625 = vector.shape_cast %add3A_621 : vector<16xf32> to vector<16xf32>
        tpu.vector_store %arg13[%swap3A_622], %swap3A_625 {strides = array<i32>} : memref<3456xf32, #tpu.memory_space<vmem>>, vector<16xf32>,
        %add3A_626 = arith.constant 288 : i32
        %add3A_627 = arith.addi %mul3A_393, %add3A_626 : i32
        %get3A_628 = arith.index_cast %add3A_627 : i32 to index
        %get3A_629 = tpu.vector_load %arg13[%get3A_628] {strides = array<i32>} : memref<3456xf32, #tpu.memory_space<vmem>>, vector<16xf32>,
        %get3A_630 = vector.shape_cast %get3A_629 : vector<16xf32> to vector<16xf32>
        %get3A_631 = arith.index_cast %add3A_627 : i32 to index
        %get3A_632 = tpu.vector_load %arg5[%get3A_631] {strides = array<i32>} : memref<3456xf32, #tpu.memory_space<vmem>>, vector<16xf32>,
        %get3A_633 = vector.shape_cast %get3A_632 : vector<16xf32> to vector<16xf32>
        %add3A_634 = arith.addf %get3A_630, %get3A_633 : vector<16xf32>
        %swap3A_635 = arith.index_cast %add3A_627 : i32 to index
        %swap3A_636 = tpu.vector_load %arg13[%swap3A_635] {strides = array<i32>} : memref<3456xf32, #tpu.memory_space<vmem>>, vector<16xf32>,
        %swap3A_637 = vector.shape_cast %swap3A_636 : vector<16xf32> to vector<16xf32>
        %swap3A_638 = vector.shape_cast %add3A_634 : vector<16xf32> to vector<16xf32>
        tpu.vector_store %arg13[%swap3A_635], %swap3A_638 {strides = array<i32>} : memref<3456xf32, #tpu.memory_space<vmem>>, vector<16xf32>,
        %add3A_639 = arith.constant 304 : i32
        %add3A_640 = arith.addi %mul3A_393, %add3A_639 : i32
        %get3A_641 = arith.index_cast %add3A_640 : i32 to index
        %get3A_642 = tpu.vector_load %arg13[%get3A_641] {strides = array<i32>} : memref<3456xf32, #tpu.memory_space<vmem>>, vector<16xf32>,
        %get3A_643 = vector.shape_cast %get3A_642 : vector<16xf32> to vector<16xf32>
        %get3A_644 = arith.index_cast %add3A_640 : i32 to index
        %get3A_645 = tpu.vector_load %arg5[%get3A_644] {strides = array<i32>} : memref<3456xf32, #tpu.memory_space<vmem>>, vector<16xf32>,
        %get3A_646 = vector.shape_cast %get3A_645 : vector<16xf32> to vector<16xf32>
        %add3A_647 = arith.addf %get3A_643, %get3A_646 : vector<16xf32>
        %swap3A_648 = arith.index_cast %add3A_640 : i32 to index
        %swap3A_649 = tpu.vector_load %arg13[%swap3A_648] {strides = array<i32>} : memref<3456xf32, #tpu.memory_space<vmem>>, vector<16xf32>,
        %swap3A_650 = vector.shape_cast %swap3A_649 : vector<16xf32> to vector<16xf32>
        %swap3A_651 = vector.shape_cast %add3A_647 : vector<16xf32> to vector<16xf32>
        tpu.vector_store %arg13[%swap3A_648], %swap3A_651 {strides = array<i32>} : memref<3456xf32, #tpu.memory_space<vmem>>, vector<16xf32>,
        %add3A_652 = arith.constant 320 : i32
        %add3A_653 = arith.addi %mul3A_393, %add3A_652 : i32
        %get3A_654 = arith.index_cast %add3A_653 : i32 to index
        %get3A_655 = tpu.vector_load %arg13[%get3A_654] {strides = array<i32>} : memref<3456xf32, #tpu.memory_space<vmem>>, vector<16xf32>,
        %get3A_656 = vector.shape_cast %get3A_655 : vector<16xf32> to vector<16xf32>
        %get3A_657 = arith.index_cast %add3A_653 : i32 to index
        %get3A_658 = tpu.vector_load %arg5[%get3A_657] {strides = array<i32>} : memref<3456xf32, #tpu.memory_space<vmem>>, vector<16xf32>,
        %get3A_659 = vector.shape_cast %get3A_658 : vector<16xf32> to vector<16xf32>
        %add3A_660 = arith.addf %get3A_656, %get3A_659 : vector<16xf32>
        %swap3A_661 = arith.index_cast %add3A_653 : i32 to index
        %swap3A_662 = tpu.vector_load %arg13[%swap3A_661] {strides = array<i32>} : memref<3456xf32, #tpu.memory_space<vmem>>, vector<16xf32>,
        %swap3A_663 = vector.shape_cast %swap3A_662 : vector<16xf32> to vector<16xf32>
        %swap3A_664 = vector.shape_cast %add3A_660 : vector<16xf32> to vector<16xf32>
        tpu.vector_store %arg13[%swap3A_661], %swap3A_664 {strides = array<i32>} : memref<3456xf32, #tpu.memory_space<vmem>>, vector<16xf32>,
        %add3A_665 = arith.constant 336 : i32
        %add3A_666 = arith.addi %mul3A_393, %add3A_665 : i32
        %get3A_667 = arith.index_cast %add3A_666 : i32 to index
        %get3A_668 = tpu.vector_load %arg13[%get3A_667] {strides = array<i32>} : memref<3456xf32, #tpu.memory_space<vmem>>, vector<16xf32>,
        %get3A_669 = vector.shape_cast %get3A_668 : vector<16xf32> to vector<16xf32>
        %get3A_670 = arith.index_cast %add3A_666 : i32 to index
        %get3A_671 = tpu.vector_load %arg5[%get3A_670] {strides = array<i32>} : memref<3456xf32, #tpu.memory_space<vmem>>, vector<16xf32>,
        %get3A_672 = vector.shape_cast %get3A_671 : vector<16xf32> to vector<16xf32>
        %add3A_673 = arith.addf %get3A_669, %get3A_672 : vector<16xf32>
        %swap3A_674 = arith.index_cast %add3A_666 : i32 to index
        %swap3A_675 = tpu.vector_load %arg13[%swap3A_674] {strides = array<i32>} : memref<3456xf32, #tpu.memory_space<vmem>>, vector<16xf32>,
        %swap3A_676 = vector.shape_cast %swap3A_675 : vector<16xf32> to vector<16xf32>
        %swap3A_677 = vector.shape_cast %add3A_673 : vector<16xf32> to vector<16xf32>
        tpu.vector_store %arg13[%swap3A_674], %swap3A_677 {strides = array<i32>} : memref<3456xf32, #tpu.memory_space<vmem>>, vector<16xf32>,
        %add3A_678 = arith.constant 352 : i32
        %add3A_679 = arith.addi %mul3A_393, %add3A_678 : i32
        %get3A_680 = arith.index_cast %add3A_679 : i32 to index
        %get3A_681 = tpu.vector_load %arg13[%get3A_680] {strides = array<i32>} : memref<3456xf32, #tpu.memory_space<vmem>>, vector<16xf32>,
        %get3A_682 = vector.shape_cast %get3A_681 : vector<16xf32> to vector<16xf32>
        %get3A_683 = arith.index_cast %add3A_679 : i32 to index
        %get3A_684 = tpu.vector_load %arg5[%get3A_683] {strides = array<i32>} : memref<3456xf32, #tpu.memory_space<vmem>>, vector<16xf32>,
        %get3A_685 = vector.shape_cast %get3A_684 : vector<16xf32> to vector<16xf32>
        %add3A_686 = arith.addf %get3A_682, %get3A_685 : vector<16xf32>
        %swap3A_687 = arith.index_cast %add3A_679 : i32 to index
        %swap3A_688 = tpu.vector_load %arg13[%swap3A_687] {strides = array<i32>} : memref<3456xf32, #tpu.memory_space<vmem>>, vector<16xf32>,
        %swap3A_689 = vector.shape_cast %swap3A_688 : vector<16xf32> to vector<16xf32>
        %swap3A_690 = vector.shape_cast %add3A_686 : vector<16xf32> to vector<16xf32>
        tpu.vector_store %arg13[%swap3A_687], %swap3A_690 {strides = array<i32>} : memref<3456xf32, #tpu.memory_space<vmem>>, vector<16xf32>,
        %add3A_691 = arith.constant 368 : i32
        %add3A_692 = arith.addi %mul3A_393, %add3A_691 : i32
        %get3A_693 = arith.index_cast %add3A_692 : i32 to index
        %get3A_694 = tpu.vector_load %arg13[%get3A_693] {strides = array<i32>} : memref<3456xf32, #tpu.memory_space<vmem>>, vector<16xf32>,
        %get3A_695 = vector.shape_cast %get3A_694 : vector<16xf32> to vector<16xf32>
        %get3A_696 = arith.index_cast %add3A_692 : i32 to index
        %get3A_697 = tpu.vector_load %arg5[%get3A_696] {strides = array<i32>} : memref<3456xf32, #tpu.memory_space<vmem>>, vector<16xf32>,
        %get3A_698 = vector.shape_cast %get3A_697 : vector<16xf32> to vector<16xf32>
        %add3A_699 = arith.addf %get3A_695, %get3A_698 : vector<16xf32>
        %swap3A_700 = arith.index_cast %add3A_692 : i32 to index
        %swap3A_701 = tpu.vector_load %arg13[%swap3A_700] {strides = array<i32>} : memref<3456xf32, #tpu.memory_space<vmem>>, vector<16xf32>,
        %swap3A_702 = vector.shape_cast %swap3A_701 : vector<16xf32> to vector<16xf32>
        %swap3A_703 = vector.shape_cast %add3A_699 : vector<16xf32> to vector<16xf32>
        tpu.vector_store %arg13[%swap3A_700], %swap3A_703 {strides = array<i32>} : memref<3456xf32, #tpu.memory_space<vmem>>, vector<16xf32>,
        %scan3A_704 = arith.constant 0 : i32
        scf.yield %scan3A_704 : i32
      }
      %scan3A_381 = arith.constant 9 : i32
      %mul3A_382 = arith.constant 32 : i32
      %mul3A_383 = arith.muli %add3A_353, %mul3A_382 : i32
      %add3A_384 = arith.addi %mul3A_383, %add3A : i32
      %mul3A_385 = arith.constant 3456 : i32
      %mul3A_386 = arith.muli %add3A_384, %mul3A_385 : i32
      %dma_start3A_387 = tpu.memref_slice %arg4[%mul3A_386] : memref<14155776xf32, #tpu.memory_space<hbm>> -> memref<3456xf32, #tpu.memory_space<hbm>>
      %dma_start3A_388 = tpu.memref_slice %arg4[%mul3A_386] : memref<14155776xf32, #tpu.memory_space<hbm>> -> memref<3456xf32, #tpu.memory_space<hbm>>
      tpu.enqueue_dma source(%arg13 : memref<3456xf32, #tpu.memory_space<vmem>>) target(%dma_start3A_388 : memref<3456xf32, #tpu.memory_space<hbm>>) target_semaphore(%arg29 : memref<!tpu.dma_semaphore, #tpu.memory_space<semaphore_mem>>)
      %scan3A_389 = arith.constant 0 : i32
      scf.yield %scan3A_389 : i32
    }
    %scan3A_49 = arith.constant 16 : i32
    %dma_wait3A = arith.constant 0 : i32
    %dma_wait3A_50 = tpu.memref_slice %arg4[%dma_wait3A] : memref<14155776xf32, #tpu.memory_space<hbm>> -> memref<3456xf32, #tpu.memory_space<hbm>>
    %dma_wait3A_51 = arith.constant 0 : i32
    %dma_wait3A_52 = tpu.memref_slice %arg4[%dma_wait3A_51] : memref<14155776xf32, #tpu.memory_space<hbm>> -> memref<3456xf32, #tpu.memory_space<hbm>>
    tpu.wait_dma2 semaphore(%arg22 : memref<!tpu.dma_semaphore, #tpu.memory_space<semaphore_mem>>) src(%arg6 : memref<3456xf32, #tpu.memory_space<vmem>>) dst(%dma_wait3A_52 : memref<3456xf32, #tpu.memory_space<hbm>>)
    %dma_wait3A_53 = arith.constant 0 : i32
    %dma_wait3A_54 = tpu.memref_slice %arg4[%dma_wait3A_53] : memref<14155776xf32, #tpu.memory_space<hbm>> -> memref<3456xf32, #tpu.memory_space<hbm>>
    %dma_wait3A_55 = arith.constant 0 : i32
    %dma_wait3A_56 = tpu.memref_slice %arg4[%dma_wait3A_55] : memref<14155776xf32, #tpu.memory_space<hbm>> -> memref<3456xf32, #tpu.memory_space<hbm>>
    tpu.wait_dma2 semaphore(%arg23 : memref<!tpu.dma_semaphore, #tpu.memory_space<semaphore_mem>>) src(%arg7 : memref<3456xf32, #tpu.memory_space<vmem>>) dst(%dma_wait3A_56 : memref<3456xf32, #tpu.memory_space<hbm>>)
    %dma_wait3A_57 = arith.constant 0 : i32
    %dma_wait3A_58 = tpu.memref_slice %arg4[%dma_wait3A_57] : memref<14155776xf32, #tpu.memory_space<hbm>> -> memref<3456xf32, #tpu.memory_space<hbm>>
    %dma_wait3A_59 = arith.constant 0 : i32
    %dma_wait3A_60 = tpu.memref_slice %arg4[%dma_wait3A_59] : memref<14155776xf32, #tpu.memory_space<hbm>> -> memref<3456xf32, #tpu.memory_space<hbm>>
    tpu.wait_dma2 semaphore(%arg24 : memref<!tpu.dma_semaphore, #tpu.memory_space<semaphore_mem>>) src(%arg8 : memref<3456xf32, #tpu.memory_space<vmem>>) dst(%dma_wait3A_60 : memref<3456xf32, #tpu.memory_space<hbm>>)
    %dma_wait3A_61 = arith.constant 0 : i32
    %dma_wait3A_62 = tpu.memref_slice %arg4[%dma_wait3A_61] : memref<14155776xf32, #tpu.memory_space<hbm>> -> memref<3456xf32, #tpu.memory_space<hbm>>
    %dma_wait3A_63 = arith.constant 0 : i32
    %dma_wait3A_64 = tpu.memref_slice %arg4[%dma_wait3A_63] : memref<14155776xf32, #tpu.memory_space<hbm>> -> memref<3456xf32, #tpu.memory_space<hbm>>
    tpu.wait_dma2 semaphore(%arg25 : memref<!tpu.dma_semaphore, #tpu.memory_space<semaphore_mem>>) src(%arg9 : memref<3456xf32, #tpu.memory_space<vmem>>) dst(%dma_wait3A_64 : memref<3456xf32, #tpu.memory_space<hbm>>)
    %dma_wait3A_65 = arith.constant 0 : i32
    %dma_wait3A_66 = tpu.memref_slice %arg4[%dma_wait3A_65] : memref<14155776xf32, #tpu.memory_space<hbm>> -> memref<3456xf32, #tpu.memory_space<hbm>>
    %dma_wait3A_67 = arith.constant 0 : i32
    %dma_wait3A_68 = tpu.memref_slice %arg4[%dma_wait3A_67] : memref<14155776xf32, #tpu.memory_space<hbm>> -> memref<3456xf32, #tpu.memory_space<hbm>>
    tpu.wait_dma2 semaphore(%arg26 : memref<!tpu.dma_semaphore, #tpu.memory_space<semaphore_mem>>) src(%arg10 : memref<3456xf32, #tpu.memory_space<vmem>>) dst(%dma_wait3A_68 : memref<3456xf32, #tpu.memory_space<hbm>>)
    %dma_wait3A_69 = arith.constant 0 : i32
    %dma_wait3A_70 = tpu.memref_slice %arg4[%dma_wait3A_69] : memref<14155776xf32, #tpu.memory_space<hbm>> -> memref<3456xf32, #tpu.memory_space<hbm>>
    %dma_wait3A_71 = arith.constant 0 : i32
    %dma_wait3A_72 = tpu.memref_slice %arg4[%dma_wait3A_71] : memref<14155776xf32, #tpu.memory_space<hbm>> -> memref<3456xf32, #tpu.memory_space<hbm>>
    tpu.wait_dma2 semaphore(%arg27 : memref<!tpu.dma_semaphore, #tpu.memory_space<semaphore_mem>>) src(%arg11 : memref<3456xf32, #tpu.memory_space<vmem>>) dst(%dma_wait3A_72 : memref<3456xf32, #tpu.memory_space<hbm>>)
    %dma_wait3A_73 = arith.constant 0 : i32
    %dma_wait3A_74 = tpu.memref_slice %arg4[%dma_wait3A_73] : memref<14155776xf32, #tpu.memory_space<hbm>> -> memref<3456xf32, #tpu.memory_space<hbm>>
    %dma_wait3A_75 = arith.constant 0 : i32
    %dma_wait3A_76 = tpu.memref_slice %arg4[%dma_wait3A_75] : memref<14155776xf32, #tpu.memory_space<hbm>> -> memref<3456xf32, #tpu.memory_space<hbm>>
    tpu.wait_dma2 semaphore(%arg28 : memref<!tpu.dma_semaphore, #tpu.memory_space<semaphore_mem>>) src(%arg12 : memref<3456xf32, #tpu.memory_space<vmem>>) dst(%dma_wait3A_76 : memref<3456xf32, #tpu.memory_space<hbm>>)
    %dma_wait3A_77 = arith.constant 0 : i32
    %dma_wait3A_78 = tpu.memref_slice %arg4[%dma_wait3A_77] : memref<14155776xf32, #tpu.memory_space<hbm>> -> memref<3456xf32, #tpu.memory_space<hbm>>
    %dma_wait3A_79 = arith.constant 0 : i32
    %dma_wait3A_80 = tpu.memref_slice %arg4[%dma_wait3A_79] : memref<14155776xf32, #tpu.memory_space<hbm>> -> memref<3456xf32, #tpu.memory_space<hbm>>
    tpu.wait_dma2 semaphore(%arg29 : memref<!tpu.dma_semaphore, #tpu.memory_space<semaphore_mem>>) src(%arg13 : memref<3456xf32, #tpu.memory_space<vmem>>) dst(%dma_wait3A_80 : memref<3456xf32, #tpu.memory_space<hbm>>)
    return
  }
}

</mosaic_0001>

<sc_bundles>
// kernel: kernel.3.cloned.1.call-start
scs
__scs_entry_jumppad:
0x0: {  	(pc) =	sbr.rel $0x88, $3  }
0x1: {  	(tag) =	ssettag $0x0;
	lr =	simm.s32 $0x1  }
0x2: {  	[smem:$0x3F9F] =	sst lr;
	_ =	strace $0xD0000000  }
0x3: {  	_ = 	snop  }
0x4: {  	_ = 	snop  }
0x5: {  	_ = 	snop  }
0x6: {  	_ = 	snop  }
0x7: {  	_ = 	snop  }
__scs_overlays_trampoline_lowered:
0x8: {  	[smem:$0x3FAE] =	sst s0  }
0x9: {  	[smem:$0x3FAF] =	sst s1  }
0xa: {  	[smem:$0x3FB0] =	sst s2  }
0xb: {  	[smem:$0x3FB1] =	sst s3  }
0xc: {  	[smem:$0x3FB2] =	sst s4  }
0xd: {  	[smem:$0x3FB3] =	sst s5  }
0xe: {  	[smem:$0x3FB4] =	sst s6  }
0xf: {  	[smem:$0x3FB5] =	sst s7  }
0x10: {  	[smem:$0x3FB6] =	sst s8  }
0x11: {  	[smem:$0x3FB7] =	sst s9;
	s0 =	simm.s32 @!p0 $0x0  }
0x12: {  	s1 =	sld [smem:$0x3F9D];
	s0 =	simm.s32 @p0 $0x1  }
0x13: {  	[smem:$0x3FB8] =	sst s0;
	s0 =	simm.s32 @!p1 $0x0  }
0x14: {  	s2 =	sld [smem:$0x3F9C];
	s0 =	simm.s32 @p1 $0x1  }
0x15: {  	[smem:$0x3FB9] =	sst s0;
	s0 =	simm.s32 @!p2 $0x0  }
0x16: {  	s3 =	sld [smem:$0x3FDB];
	s0 =	simm.s32 @p2 $0x1  }
0x17: {  	s4 =	simm.s32 $0x1BF5;
	[smem:$0x3FBB] =	sst s0  }
0x18: {  	s0 =	sld [smem:$0x3F9E];
	_ =	swait.ge [sflag:s4], $0x0  }
0x19: {  	s7 =	sld [smem:$0x3F9F]  }
0x1a: {  	s8 =	sadd.s32 $0xFFFFE003, lr  }
0x1b: {  	s9 =	sadd.s32 $0xFFFFFEF7, lr;
	s5 =	simm.s32 $0xFFFFFFFF;
	p2 =	slt.u32 s8, $0xFFFFF086  }
0x1c: {  	p1 =	slt.u32 s9, $0xF7A;
	s5 =	simm.s32 @!p2 $0x0  }
0x1d: {  	s5 =	simm.s32 @p1 $0x1;
	p0 =	seq.s32 s7, s2  }
0x1e: {  	s7 =	smul.u32 @!p0 $0xF7A, s2;
	p2 =	seq.s32 @!p0 s5, $0x0  }
0x1f: {  	s9 =	smul.u32 $0xF7A, s1;
	s8 =	simm.s32 @!p0 $0x1BF5;
	p2 =	por !p2, p0  }
0x20: {  	[sflag:s8] =	ssyncset.s32 @!p0 $0xFFFFF086;
	s6 =	sadd.s32 @!p0 s3, s7;
	s7 =	simm.s32 @!p0 $0x108  }
0x21: {  	s3 =	sadd.s32 s3, s9;
	s6 =	sadd.s32 @!p0 $0x88, s6;
	s7 =	simm.s32 @p2 $0x1082  }
0x22: {  	[simem:s7], [sflag:s8] =	dma.local @!p0 [hbm:s6], $0xF7A  }
0x23: {  	s9 =	sor.u32 $0xD0000000, s2;
	s6 =	simm.s32 $0x108;
	_ =	swait.ge @!p0 [sflag:s8], $0x0  }
0x24: {  	s3 =	sadd.s32 $0x88, s3;
	s6 =	simm.s32 @!p1 $0x1082;
	[sflag:s4] =	ssyncset.s32 $0xFFFFF086  }
0x25: {  	[simem:s6], [sflag:s4] =	dma.local [hbm:s3], $0xF7A  }
0x26: {  	[smem:$0x3F9F] =	sst s1;
	(tag) =	ssettag s2;
	_ =	strace s9  }
0x27: {  	s1 =	sld [smem:$0x3FAF]  }
0x28: {  	s2 =	sld [smem:$0x3FB0]  }
0x29: {  	s4 =	sld [smem:$0x3FB2]  }
0x2a: {  	p0 =	seq.s32 s5, $0x0;
	s5 =	sld [smem:$0x3FB3]  }
0x2b: {  	s6 =	sld [smem:$0x3FB4]  }
0x2c: {  	s7 =	sld [smem:$0x3FB5]  }
0x2d: {  	s3 =	simm.s32 $0x108;
	s8 =	sld [smem:$0x3FB6]  }
0x2e: {  	s3 =	simm.s32 @!p0 $0x1082;
	s9 =	sld [smem:$0x3FB7]  }
0x2f: {  	lr =	sadd.s32 s0, s3;
	s0 =	sld [smem:$0x3FAE]  }
0x30: {  	s3 =	sld [smem:$0x3FB1]  }
0x31: {  	[smem:$0x3FBA] =	sst s10  }
0x32: {  	s10 =	sld [smem:$0x3FB8];
	_ =	sdelay $0x3  }
0x33: {  	p0 =	seq.s32 s10, $0x1;
	s10 =	sld [smem:$0x3FBA];
	_ =	sdelay $0x3  }
0x34: {  	[smem:$0x3FBA] =	sst s10  }
0x35: {  	s10 =	sld [smem:$0x3FB9];
	_ =	sdelay $0x3  }
0x36: {  	p1 =	seq.s32 s10, $0x1;
	s10 =	sld [smem:$0x3FBA];
	_ =	sdelay $0x3  }
0x37: {  	[smem:$0x3FBA] =	sst s10  }
0x38: {  	s10 =	sld [smem:$0x3FBB]  }
0x39: {  	_ = 	snop;
	(pc) =	sbr.ind lr, $3  }
0x3a: {  	_ = 	snop  }
0x3b: {  	_ = 	snop  }
0x3c: {  	p2 =	seq.s32 s10, $0x1;
	s10 =	sld [smem:$0x3FBA]  }
0x3d: {  	_ =	shalt  }
0x3e: {  	_ =	shalt  }
0x3f: {  	_ =	shalt  }
0x40: {  	_ =	shalt  }
0x41: {  	_ =	shalt  }
0x42: {  	_ =	shalt  }
0x43: {  	_ =	shalt  }
0x44: {  	_ =	shalt  }
0x45: {  	_ =	shalt  }
0x46: {  	_ =	shalt  }
0x47: {  	_ =	shalt  }
0x48: {  	_ =	shalt  }
0x49: {  	_ =	shalt  }
0x4a: {  	_ =	shalt  }
0x4b: {  	_ =	shalt  }
0x4c: {  	_ =	shalt  }
0x4d: {  	_ =	shalt  }
0x4e: {  	_ =	shalt  }
0x4f: {  	_ =	shalt  }
0x50: {  	_ =	shalt  }
0x51: {  	_ =	shalt  }
0x52: {  	_ =	shalt  }
0x53: {  	_ =	shalt  }
0x54: {  	_ =	shalt  }
0x55: {  	_ =	shalt  }
0x56: {  	_ =	shalt  }
0x57: {  	_ =	shalt  }
0x58: {  	_ =	shalt  }
0x59: {  	_ =	shalt  }
0x5a: {  	_ =	shalt  }
0x5b: {  	_ =	shalt  }
0x5c: {  	_ =	shalt  }
0x5d: {  	_ =	shalt  }
0x5e: {  	_ =	shalt  }
0x5f: {  	_ =	shalt  }
0x60: {  	_ =	shalt  }
0x61: {  	_ =	shalt  }
0x62: {  	_ =	shalt  }
0x63: {  	_ =	shalt  }
0x64: {  	_ =	shalt  }
0x65: {  	_ =	shalt  }
0x66: {  	_ =	shalt  }
0x67: {  	_ =	shalt  }
0x68: {  	_ =	shalt  }
0x69: {  	_ =	shalt  }
0x6a: {  	_ =	shalt  }
0x6b: {  	_ =	shalt  }
0x6c: {  	_ =	shalt  }
0x6d: {  	_ =	shalt  }
0x6e: {  	_ =	shalt  }
0x6f: {  	_ =	shalt  }
0x70: {  	_ =	shalt  }
0x71: {  	_ =	shalt  }
0x72: {  	_ =	shalt  }
0x73: {  	_ =	shalt  }
0x74: {  	_ =	shalt  }
0x75: {  	_ =	shalt  }
0x76: {  	_ =	shalt  }
0x77: {  	_ =	shalt  }
0x78: {  	_ =	shalt  }
0x79: {  	_ =	shalt  }
0x7a: {  	_ =	shalt  }
0x7b: {  	_ =	shalt  }
0x7c: {  	_ =	shalt  }
0x7d: {  	_ =	shalt  }
0x7e: {  	_ =	shalt  }
0x7f: {  	_ =	shalt  }
0x80: {  	_ =	shalt  }
0x81: {  	_ =	shalt  }
0x82: {  	_ =	shalt  }
0x83: {  	_ =	shalt  }
0x84: {  	_ =	shalt  }
0x85: {  	_ =	shalt  }
0x86: {  	_ =	shalt  }
0x87: {  	_ =	shalt  }
.Lfunc_end0:
.L_simem_size_0:
called_computation.1_lowered:
.L_overlay_start_0:
0x88: {  	s2 =	sld [smem:$0x3FD9]  }
0x89: {  	s3 =	sld [smem:$0x3FFE];
	_ =	sdelay $0x1  }
0x8a: {  	s1 =	srdreg.scid  }
0x8b: {  	s0 =	sand.u32 $0x1, s1  }
0x8c: {  	s17 =	sshll.u32 s0, $0xA;
	s2 =	sadd.s32 s3, s2  }
0x8d: {  	s2 =	sadd.s32 s2, s17  }
0x8e: {  	[smem:$0x3FC6] =	sst s2  }
0x8f: {  	_ = 	snop  }
0x90: {  	s2 =	sld [smem:$0x3FD0];
	(tm) =	ssettm $0x1  }
0x91: {  	s18 =	sld [smem:$0x3FFB];
	_ =	sdelay $0x3  }
0x92: {  	_ =	strace s18  }
0x93: {  	s3 =	sld [smem:$0x3FFC];
	_ =	sdelay $0x3  }
0x94: {  	_ =	strace s3  }
0x95: {  	s3 =	sld [smem:$0x3FFD];
	_ =	sdelay $0x3  }
0x96: {  	_ =	strace s3  }
0x97: {  	_ =	strace $0x8FFFFFFF  }
0x98: {  	s19 =	sld [smem:$0x3FDB];
	_ =	sdelay $0x1  }
0x99: {  	s4 =	simm.s32 $_scs_section_size  }
0x9a: {  	s5 =	simm.s32 $_size__tile_overlayer_lowered;
	s6 =	simm.s32 $_tile_overlayer_lowered  }
0x9b: {  	s22 =	simm.s32 $0x1BFF;
	s21 =	sshll.u32 s6, $0x1;
	s3 =	sadd.s32 s4, s19  }
0x9c: {  	s7 =	simm.s32 $0x0;
	s20 =	sshll.u32 s5, $0x1;
	s5 =	sadd.s32 s21, s3  }
0x9d: {  	[timem:s7], [sflag:s22] =	dma.local [hbm:s5], s20  }
0x9e: {  	_ =	swait.ge [sflag:s22], s20  }
0x9f: {  	s4 =	ssub.s32 $0x0, s20;
	[sflag:s22] =	ssyncset.done $0x0  }
0xa0: {  	[sflag:s22] =	ssyncadd.s32 s4;
	_ =	sdelay $0x1  }
0xa1: {  	s23 =	simm.s32 $0x1B8B  }
0xa2: {  	_ =	swait.ge [sflag:s23], $0x1  }
0xa3: {  	[sflag:s23] =	ssyncset.done $0x0  }
0xa4: {  	s25 =	simm.s32 $0x1B8E;
	s24 =	sld [smem:$0x3FFE];
	[sflag:s23] =	ssyncadd.s32 $0xFFFFFFFF  }
0xa5: {  	s26 =	simm.s32 $execute0_lowered;
	[smem:$0x3FD2] =	sst s25  }
0xa6: {  	s5 =	sshll.u32 s26, $0x1;
	_ =	strace $0x80000046;
	[dreg:$0x1] =	wrdreg $0xFFFFFFFF  }
0xa7: {  	s28 =	simm.s32 $_size_execute0_lowered;
	s3 =	sadd.s32 s3, s5;
	[dreg:$0x0] =	wrdreg $0x0  }
0xa8: {  	s5 =	sshll.u32 s28, $0x1;
	[dreg:$0x2] =	wrdreg s3  }
0xa9: {  	[dreg:$0x3] =	wrdreg s5  }
0xaa: {  	[dreg:$0x4] =	wrdreg $0xC0  }
0xab: {  	_ =	task [dreg:s7], $0x5FFFF  }
0xac: {  	[dreg:$0x1] =	wrdreg $0xFFFFFFFF  }
0xad: {  	[dreg:$0x0] =	wrdreg $0x60  }
0xae: {  	[dreg:$0x2] =	wrdreg s2  }
0xaf: {  	[dreg:$0x3] =	wrdreg s24  }
0xb0: {  	[dreg:$0x4] =	wrdreg $0x9  }
0xb1: {  	_ =	task.clear_ibuf [dreg:s7], $0x5FFFF;
	_ =	strace $0x90000046  }
0xb2: {  	s29 =	simm.s32 $0x9;
	_ =	strace $0x80000048  }
0xb3: {  	_ =	swait.ge [sflag:s29], $0x1  }
0xb4: {  	[sflag:s29] =	ssyncadd.s32 $0xFFFFFFFF  }
0xb5: {  	_ =	strace $0x90000048  }
0xb6: {  	_ =	sfence  }
0xb7: {  	s30 =	sld [smem:$0x0];
	_ =	sdelay $0x2  }
0xb8: {  	s31 =	sshll.u32 s1, $0xD;
	s1 =	sshrl.u32 s1, $0x2  }
0xb9: {  	s3 =	sand.u32 $0x4000, s31;
	s1 =	sadd.s32 s1, s30  }
0xba: {  	s0 =	sor.u32 s3, s0;
	s1 =	sshll.u32 s1, $0x11  }
0xbb: {  	s0 =	sor.u32 s1, s0  }
0xbc: {  	s0 =	sadd.s32 $0x8F2B, s0  }
0xbd: {  	[sflag:s0] =	ssyncadd.remote.s32 $0x1  }
0xbe: {  	_ =	sfence.sel $0xFFFF  }
0xbf: {  	[dreg:$0x0] =	wrdreg $0xFFFFFFFF;
	(pc) =	sbr.abs _section_cstart, $3  }
0xc0: {  	[dreg:$0x1] =	wrdreg $0xFFFFFFFF  }
0xc1: {  	_ =	task.clear_ibuf [dreg:s7], $0x2FFFF;
	_ =	strace $0x9FFFFFFF  }
0xc2: {  	(tm) =	ssettm $0x7FFFFFFF  }
0xc3: {  	_ =	shalt  }
tec
execute0_lowered:
.L_overlay_start_1:
0x0: {  	(tag) =	ssettag $0x1  }
0x1: {  	s0 =	srdreg.scid  }
0x2: {  	s1 =	stileid.u32;
	s2 =	rddreg [dreg:$0x0]  }
0x3: {  	s5 =	rddreg [dreg:$0x1];
	s4 =	simm.s32 $0x0;
	s28 =	simm.s32 $0x4380  }
0x4: {  	s29 =	simm.s32 $0x5100;
	s30 =	simm.s32 $0x5E80;
	s31 =	simm.s32 $0x6C00  }
0x5: {  	s9 =	simm.s32 $0x6;
	s0 =	sand.u32 $0x1, s0;
	s1 =	sshll.u32 s1, $0x1  }
0x6: {  	s10 =	simm.s32 $0x7;
	s11 =	simm.s32 $0x8;
	s3 =	sor.u32 s0, s1  }
0x7: {  	[smem:$0x7FF] =	sst s4;
	s0 =	ssub.s32 $0x2, s0;
	s1 =	smul.u32 $0x1B0, s3  }
0x8: {  	_ =	strace $0x80000047;
	s6 =	smul.u32 $0xD80, s3;
	s8 =	sshrl.u32 s0, $0x1  }
0x9: {  	s14 =	sor.u32 $0x100, s3;
	s15 =	sor.u32 $0x120, s3;
	s16 =	sor.u32 $0x140, s3  }
0xa: {  	s17 =	sor.u32 $0x160, s3;
	s18 =	sor.u32 $0x180, s3;
	s19 =	sor.u32 $0x1A0, s3  }
0xb: {  	s0 =	ssub.s32 s0, s8;
	s7 =	sadd.s32 s1, s5;
	s1 =	sadd.s32 s2, s1  }
0xc: {  	s6 =	sshrl.u32 s6, $0x3;
	s0 =	smax.u32 s0, $0x1;
	[dreg:$0x4] =	wrdreg s1  }
0xd: {  	s6 =	sadd.s32 s2, s6;
	s7 =	sadd.s32 $0xA00, s7;
	[dreg:$0xb] =	wrdreg s0  }
0xe: {  	s20 =	sor.u32 $0x1C0, s3;
	[dreg:$0x3] =	wrdreg s7;
	s21 =	sadd.s32 $0x3600, s6  }
0xf: {  	s8 =	simm.s32 $0x5;
	s22 =	sadd.s32 $0x6C00, s6;
	[dreg:$0x5] =	wrdreg s21  }
0x10: {  	s5 =	sadd.s32 $0x4000, s5;
	s23 =	sadd.s32 $0xA200, s6;
	[dreg:$0x6] =	wrdreg s22  }
0x11: {  	s1 =	simm.s32 $0x1;
	s24 =	sadd.s32 $0xD800, s6;
	[dreg:$0x7] =	wrdreg s23  }
0x12: {  	s0 =	simm.s32 $0x2;
	s25 =	sadd.s32 $0x10E00, s6;
	[dreg:$0x8] =	wrdreg s24  }
0x13: {  	s26 =	sadd.s32 $0x14400, s6;
	s6 =	simm.s32 $0x3;
	[dreg:$0x9] =	wrdreg s25  }
0x14: {  	s7 =	simm.s32 $0x4;
	[dreg:$0xa] =	wrdreg s26;
	s21 =	simm.s32 $0x0  }
.LBB2_1:
0x15: {  	[dreg:$0xc] =	wrdreg s21  }
0x16: {  	s12 =	rddreg [dreg:$0x3];
	s23 =	simm.s32 $0x11  }
0x17: {  	[tilespmem:s4], [sflag:$0x11] =	stream.linear.gather [hbm4b:s12+s4], $0xD80, $0x38;
	[tilespmem:$0x7980] =	vst v63  }
0x18: {  	_ =	swait.ge [sflag:s23], $0xD80  }
0x19: {  	[sflag:s23] =	ssyncset.done $0x0  }
0x1a: {  	s13 =	simm.s32 $0xD80;
	s24 =	rddreg [dreg:$0x4];
	[sflag:s23] =	ssyncadd.s32 $0xFFFFF280  }
0x1b: {  	[tilespmem:s13], [sflag:$0x1] =	stream.linear.gather [hbm4b:s24+s4], $0xD80, $0x38;
	[tilespmem:$0x7980] =	vst v63  }
0x1c: {  	s26 =	simm.s32 $0x1B00;
	s25 =	rddreg [dreg:$0x5]  }
0x1d: {  	[tilespmem:s26], [sflag:$0x2] =	stream.linear.gather [hbm4b:s25+s4], $0xD80, $0x38;
	[tilespmem:$0x7980] =	vst v63  }
0x1e: {  	s21 =	simm.s32 $0x2880;
	s13 =	rddreg [dreg:$0x6]  }
0x1f: {  	[tilespmem:s21], [sflag:$0x3] =	stream.linear.gather [hbm4b:s13+s4], $0xD80, $0x38;
	[tilespmem:$0x7980] =	vst v63  }
0x20: {  	s22 =	rddreg [dreg:$0x7];
	s23 =	simm.s32 $0x3600  }
0x21: {  	[tilespmem:s23], [sflag:$0x4] =	stream.linear.gather [hbm4b:s22+s4], $0xD80, $0x38;
	[tilespmem:$0x7980] =	vst v63  }
0x22: {  	s24 =	rddreg [dreg:$0x8]  }
0x23: {  	[tilespmem:s28], [sflag:$0x5] =	stream.linear.gather [hbm4b:s24+s4], $0xD80, $0x38;
	[tilespmem:$0x7980] =	vst v63  }
0x24: {  	s25 =	rddreg [dreg:$0x9]  }
0x25: {  	[tilespmem:s29], [sflag:$0x6] =	stream.linear.gather [hbm4b:s25+s4], $0xD80, $0x38;
	[tilespmem:$0x7980] =	vst v63  }
0x26: {  	s26 =	rddreg [dreg:$0xa];
	s13 =	simm.s32 $0x0  }
0x27: {  	[tilespmem:s30], [sflag:$0x7] =	stream.linear.gather [hbm4b:s26+s4], $0xD80, $0x38;
	[tilespmem:$0x7980] =	vst v63  }
.LBB2_2:
0x28: {  	s22 =	sshll.u32 s13, $0x8  }
0x29: {  	p0 =	seq.s32 s13, $0x0;
	s12 =	sor.u32 s3, s22  }
0x2a: {  	s24 =	simm.s32 @!p0 $0x10;
	s23 =	smul.u32 $0x1B0, s12  }
0x2b: {  	_ =	swait.ge @!p0 [sflag:s24], $0xD80  }
0x2c: {  	[sflag:s24] =	ssyncset.done @!p0 $0x0;
	s21 =	sadd.s32 $0x17A00, s23  }
0x2d: {  	s25 =	simm.s32 $0x0;
	[sflag:s24] =	ssyncadd.s32 @!p0 $0xFFFFF280;
	s26 =	sadd.s32 s2, s21  }
0x2e: {  	[tilespmem:s31], [sflag:$0x8] =	stream.linear.gather [hbm4b:s26+s25], $0xD80, $0x38;
	[tilespmem:$0x7980] =	vst v63  }
0x2f: {  	_ =	swait.ge [sflag:s1], $0xD80  }
0x30: {  	[sflag:s1] =	ssyncset.done $0x0  }
0x31: {  	s24 =	simm.s32 $0x0;
	[sflag:s1] =	ssyncadd.s32 $0xFFFFF280  }
0x32: {  	v6 =	vld [tilespmem:s24+$0x0]  }
0x33: {  	v7 =	vld [tilespmem:s24+$0x10]  }
0x34: {  	v8 =	vld [tilespmem:s24+$0x20]  }
0x35: {  	v9 =	vld [tilespmem:s24+$0x30]  }
0x36: {  	v10 =	vld [tilespmem:s24+$0x40]  }
0x37: {  	v11 =	vld [tilespmem:s24+$0x50]  }
0x38: {  	v12 =	vld [tilespmem:s24+$0x60]  }
0x39: {  	v13 =	vld [tilespmem:s24+$0x70]  }
0x3a: {  	v14 =	vld [tilespmem:s24+$0x80]  }
0x3b: {  	v15 =	vld [tilespmem:s24+$0x90]  }
0x3c: {  	v16 =	vld [tilespmem:s24+$0xA0]  }
0x3d: {  	v17 =	vld [tilespmem:s24+$0xB0]  }
0x3e: {  	v18 =	vld [tilespmem:s24+$0xC0]  }
0x3f: {  	v19 =	vld [tilespmem:s24+$0xD0]  }
0x40: {  	v20 =	vld [tilespmem:s24+$0xE0]  }
0x41: {  	v21 =	vld [tilespmem:s24+$0xF0]  }
0x42: {  	v22 =	vld [tilespmem:s24+$0x100]  }
0x43: {  	v23 =	vld [tilespmem:s24+$0x110]  }
0x44: {  	v5 =	vld [tilespmem:s24+$0x120]  }
0x45: {  	v4 =	vld [tilespmem:s24+$0x130]  }
0x46: {  	v3 =	vld [tilespmem:s24+$0x140]  }
0x47: {  	v2 =	vld [tilespmem:s24+$0x150]  }
0x48: {  	v1 =	vld [tilespmem:s24+$0x160]  }
0x49: {  	v0 =	vld [tilespmem:s24+$0x170]  }
0x4a: {  	v24 =	vld [tilespmem:s24+$0xD80]  }
0x4b: {  	v25 =	vld [tilespmem:s24+$0xD90]  }
0x4c: {  	v26 =	vld [tilespmem:s24+$0xDA0]  }
0x4d: {  	v27 =	vld [tilespmem:s24+$0xDB0]  }
0x4e: {  	v63 =	vld [tilespmem:s24+$0xDD0]  }
0x4f: {  	v28 =	vld [tilespmem:s24+$0xDC0];
	v6 =	vadd.f32 v6, v24  }
0x50: {  	v29 =	vld [tilespmem:s24+$0xDE0];
	v7 =	vadd.f32 v7, v25  }
0x51: {  	v8 =	vadd.f32 v8, v26;
	[tilespmem:s24+$0xD80] =	vst v6;
	v6 =	vld [tilespmem:s24+$0xDF0]  }
0x52: {  	v9 =	vadd.f32 v9, v27;
	[tilespmem:s24+$0xD90] =	vst v7;
	v7 =	vld [tilespmem:s24+$0xE00]  }
0x53: {  	v11 =	vadd.f32 v11, v63;
	[tilespmem:s24+$0xDA0] =	vst v8;
	v8 =	vld [tilespmem:s24+$0xE10]  }
0x54: {  	v10 =	vadd.f32 v10, v28;
	[tilespmem:s24+$0xDB0] =	vst v9;
	v9 =	vld [tilespmem:s24+$0xE20]  }
0x55: {  	v12 =	vadd.f32 v12, v29;
	[tilespmem:s24+$0xDD0] =	vst v11;
	v11 =	vld [tilespmem:s24+$0xE40]  }
0x56: {  	[tilespmem:s24+$0xDC0] =	vst v10;
	v10 =	vld [tilespmem:s24+$0xE30];
	v6 =	vadd.f32 v13, v6  }
0x57: {  	[tilespmem:s24+$0xDE0] =	vst v12;
	v12 =	vld [tilespmem:s24+$0xE50];
	v7 =	vadd.f32 v14, v7  }
0x58: {  	v14 =	vld [tilespmem:s24+$0xE70];
	[tilespmem:s24+$0xDF0] =	vst v6;
	v6 =	vadd.f32 v15, v8  }
0x59: {  	v13 =	vld [tilespmem:s24+$0xE60];
	[tilespmem:s24+$0xE00] =	vst v7;
	v7 =	vadd.f32 v16, v9  }
0x5a: {  	v15 =	vld [tilespmem:s24+$0xE80];
	v8 =	vadd.f32 v18, v11;
	[tilespmem:s24+$0xE10] =	vst v6  }
0x5b: {  	v6 =	vadd.f32 v17, v10;
	[tilespmem:s24+$0xE20] =	vst v7;
	v10 =	vld [tilespmem:s24+$0xE90]  }
0x5c: {  	v9 =	vadd.f32 v19, v12;
	v7 =	vld [tilespmem:s24+$0xEA0];
	[tilespmem:s24+$0xE40] =	vst v8  }
0x5d: {  	v12 =	vadd.f32 v21, v14;
	[tilespmem:s24+$0xE30] =	vst v6;
	v6 =	vld [tilespmem:s24+$0xEB0]  }
0x5e: {  	[tilespmem:s24+$0xE50] =	vst v9;
	v8 =	vld [tilespmem:s24+$0xEC0];
	v11 =	vadd.f32 v20, v13  }
0x5f: {  	v9 =	vld [tilespmem:s24+$0xED0];
	[tilespmem:s24+$0xE70] =	vst v12;
	v12 =	vadd.f32 v22, v15  }
0x60: {  	s25 =	simm.s32 $0x600;
	[tilespmem:s24+$0xE60] =	vst v11;
	v11 =	vadd.f32 v23, v10;
	v10 =	vld [tilespmem:s24+$0xEE0]  }
.LBB2_3:
0x61: {  	s26 =	sshra.s32 s25, $0x2;
	p0 =	sne.s32 s25, $0x3000;
	[tilespmem:s24+$0xE80] =	vst v12;
	v5 =	vadd.f32 v5, v7;
	v7 =	vld [tilespmem:s24+$0xEF0]  }
0x62: {  	v12 =	vld [tilespmem:s26+$0x0];
	[tilespmem:s24+$0xE90] =	vst v11;
	v4 =	vadd.f32 v4, v6  }
0x63: {  	v6 =	vld [tilespmem:s26+$0x10];
	[tilespmem:s24+$0xEA0] =	vst v5;
	v3 =	vadd.f32 v3, v8  }
0x64: {  	v8 =	vld [tilespmem:s26+$0x20];
	[tilespmem:s24+$0xEB0] =	vst v4;
	v2 =	vadd.f32 v2, v9  }
0x65: {  	v9 =	vld [tilespmem:s26+$0x30];
	[tilespmem:s24+$0xEC0] =	vst v3;
	v1 =	vadd.f32 v1, v10  }
0x66: {  	v10 =	vld [tilespmem:s26+$0x40];
	[tilespmem:s24+$0xED0] =	vst v2;
	v0 =	vadd.f32 v0, v7  }
0x67: {  	v7 =	vld [tilespmem:s26+$0x50];
	[tilespmem:s24+$0xEE0] =	vst v1  }
0x68: {  	v11 =	vld [tilespmem:s26+$0x60];
	[tilespmem:s24+$0xEF0] =	vst v0;
	s24 =	smov.u32 s26  }
0x69: {  	v13 =	vld [tilespmem:s24+$0x70]  }
0x6a: {  	v14 =	vld [tilespmem:s24+$0x80]  }
0x6b: {  	v15 =	vld [tilespmem:s24+$0x90]  }
0x6c: {  	v16 =	vld [tilespmem:s24+$0xA0]  }
0x6d: {  	v17 =	vld [tilespmem:s24+$0xB0]  }
0x6e: {  	v18 =	vld [tilespmem:s24+$0xC0]  }
0x6f: {  	v19 =	vld [tilespmem:s24+$0xD0]  }
0x70: {  	v20 =	vld [tilespmem:s24+$0xE0]  }
0x71: {  	v21 =	vld [tilespmem:s24+$0xF0]  }
0x72: {  	v22 =	vld [tilespmem:s24+$0x100]  }
0x73: {  	v23 =	vld [tilespmem:s24+$0x110]  }
0x74: {  	v5 =	vld [tilespmem:s24+$0x120]  }
0x75: {  	v4 =	vld [tilespmem:s24+$0x130]  }
0x76: {  	v3 =	vld [tilespmem:s24+$0x140]  }
0x77: {  	v2 =	vld [tilespmem:s24+$0x150]  }
0x78: {  	v1 =	vld [tilespmem:s24+$0x160]  }
0x79: {  	v0 =	vld [tilespmem:s24+$0x170]  }
0x7a: {  	v24 =	vld [tilespmem:s24+$0xD80]  }
0x7b: {  	v25 =	vld [tilespmem:s24+$0xD90]  }
0x7c: {  	v26 =	vld [tilespmem:s24+$0xDA0]  }
0x7d: {  	v27 =	vld [tilespmem:s24+$0xDB0]  }
0x7e: {  	v28 =	vld [tilespmem:s24+$0xDC0]  }
0x7f: {  	v12 =	vadd.f32 v12, v24;
	v24 =	vld [tilespmem:s24+$0xDD0]  }
0x80: {  	v6 =	vadd.f32 v6, v25;
	v25 =	vld [tilespmem:s24+$0xDE0]  }
0x81: {  	[tilespmem:s24+$0xD80] =	vst v12;
	v8 =	vadd.f32 v8, v26;
	v12 =	vld [tilespmem:s24+$0xDF0]  }
0x82: {  	[tilespmem:s24+$0xD90] =	vst v6;
	v6 =	vadd.f32 v9, v27;
	v9 =	vld [tilespmem:s24+$0xE00]  }
0x83: {  	[tilespmem:s24+$0xDA0] =	vst v8;
	v8 =	vadd.f32 v10, v28;
	v10 =	vld [tilespmem:s24+$0xE10]  }
0x84: {  	[tilespmem:s24+$0xDB0] =	vst v6;
	v6 =	vadd.f32 v7, v24;
	v7 =	vld [tilespmem:s24+$0xE20]  }
0x85: {  	[tilespmem:s24+$0xDC0] =	vst v8;
	v8 =	vadd.f32 v11, v25;
	v11 =	vld [tilespmem:s24+$0xE30]  }
0x86: {  	[tilespmem:s24+$0xDD0] =	vst v6;
	v6 =	vadd.f32 v13, v12;
	v12 =	vld [tilespmem:s24+$0xE40]  }
0x87: {  	[tilespmem:s24+$0xDE0] =	vst v8;
	v8 =	vadd.f32 v14, v9;
	v9 =	vld [tilespmem:s24+$0xE50]  }
0x88: {  	[tilespmem:s24+$0xDF0] =	vst v6;
	v6 =	vadd.f32 v15, v10;
	v10 =	vld [tilespmem:s24+$0xE60]  }
0x89: {  	[tilespmem:s24+$0xE00] =	vst v8;
	v7 =	vadd.f32 v16, v7;
	v8 =	vld [tilespmem:s24+$0xE70]  }
0x8a: {  	[tilespmem:s24+$0xE10] =	vst v6;
	v6 =	vadd.f32 v17, v11;
	v11 =	vld [tilespmem:s24+$0xE80]  }
0x8b: {  	[tilespmem:s24+$0xE20] =	vst v7;
	v12 =	vadd.f32 v18, v12;
	v13 =	vld [tilespmem:s24+$0xE90]  }
.Ltmp0:
0x8c: {  	[tilespmem:s24+$0xE30] =	vst v6;
	v9 =	vadd.f32 v19, v9;
	v7 =	vld [tilespmem:s24+$0xEA0];
	(pc) =	sbr.rel @p0 .LBB2_3-.Ltmp0, $4  }
0x8d: {  	[tilespmem:s24+$0xE40] =	vst v12;
	v10 =	vadd.f32 v20, v10;
	v6 =	vld [tilespmem:s24+$0xEB0]  }
0x8e: {  	[tilespmem:s24+$0xE50] =	vst v9;
	v14 =	vadd.f32 v21, v8;
	v8 =	vld [tilespmem:s24+$0xEC0]  }
0x8f: {  	[tilespmem:s24+$0xE60] =	vst v10;
	v12 =	vadd.f32 v22, v11;
	v9 =	vld [tilespmem:s24+$0xED0]  }
0x90: {  	s25 =	sadd.s32 $0x600, s25;
	[tilespmem:s24+$0xE70] =	vst v14;
	v11 =	vadd.f32 v23, v13;
	v10 =	vld [tilespmem:s24+$0xEE0]  }
0x91: {  	[tilespmem:s24+$0xE80] =	vst v12;
	v5 =	vadd.f32 v5, v7;
	v7 =	vld [tilespmem:s24+$0xEF0]  }
0x92: {  	[tilespmem:s24+$0xE90] =	vst v11;
	v4 =	vadd.f32 v4, v6  }
0x93: {  	[tilespmem:s24+$0xEA0] =	vst v5;
	v3 =	vadd.f32 v3, v8  }
0x94: {  	[tilespmem:s24+$0xEB0] =	vst v4;
	v2 =	vadd.f32 v2, v9  }
0x95: {  	[tilespmem:s24+$0xEC0] =	vst v3;
	v1 =	vadd.f32 v1, v10  }
0x96: {  	[tilespmem:s24+$0xED0] =	vst v2;
	v0 =	vadd.f32 v0, v7  }
0x97: {  	[tilespmem:s24+$0xEE0] =	vst v1  }
0x98: {  	s23 =	sadd.s32 s5, s23;
	s26 =	simm.s32 $0xD80;
	p0 =	seq.s32 s13, $0xF;
	[tilespmem:s24+$0xEF0] =	vst v0  }
0x99: {  	[hbm4b:s23+s4] =	stream.linear.scatter [tilespmem:s26], [sflag:$0x9], $0xD80, $0x38;
	[tilespmem:$0x7980] =	vst v63  }
0x9a: {  	s24 =	sadd.s32 @!p0 s14, s22;
	s23 =	simm.s32 @!p0 $0x9  }
0x9b: {  	s24 =	smul.u32 @!p0 $0x1B0, s24;
	_ =	swait.ge @!p0 [sflag:s23], $0xD80  }
0x9c: {  	s25 =	simm.s32 @!p0 $0xD80;
	[sflag:s23] =	ssyncset.done @!p0 $0x0  }
0x9d: {  	[sflag:s23] =	ssyncadd.s32 @!p0 $0xFFFFF280;
	s23 =	sadd.s32 @!p0 s2, s24;
	s24 =	simm.s32 @!p0 $0x0  }
0x9e: {  	[tilespmem:s25], [sflag:$0x1] =	stream.linear.gather @!p0 [hbm4b:s23+s24], $0xD80, $0x38;
	[tilespmem:$0x7980] =	vst v63  }
0x9f: {  	_ =	swait.ge [sflag:s0], $0xD80  }
0xa0: {  	[sflag:s0] =	ssyncset.done $0x0  }
0xa1: {  	s23 =	simm.s32 $0x0;
	[sflag:s0] =	ssyncadd.s32 $0xFFFFF280  }
0xa2: {  	v6 =	vld [tilespmem:s23+$0x0]  }
0xa3: {  	v7 =	vld [tilespmem:s23+$0x10]  }
0xa4: {  	v8 =	vld [tilespmem:s23+$0x20]  }
0xa5: {  	v9 =	vld [tilespmem:s23+$0x30]  }
0xa6: {  	v10 =	vld [tilespmem:s23+$0x40]  }
0xa7: {  	v11 =	vld [tilespmem:s23+$0x50]  }
0xa8: {  	v12 =	vld [tilespmem:s23+$0x60]  }
0xa9: {  	v13 =	vld [tilespmem:s23+$0x70]  }
0xaa: {  	v14 =	vld [tilespmem:s23+$0x80]  }
0xab: {  	v15 =	vld [tilespmem:s23+$0x90]  }
0xac: {  	v16 =	vld [tilespmem:s23+$0xA0]  }
0xad: {  	v17 =	vld [tilespmem:s23+$0xB0]  }
0xae: {  	v18 =	vld [tilespmem:s23+$0xC0]  }
0xaf: {  	v19 =	vld [tilespmem:s23+$0xD0]  }
0xb0: {  	v20 =	vld [tilespmem:s23+$0xE0]  }
0xb1: {  	v21 =	vld [tilespmem:s23+$0xF0]  }
0xb2: {  	v22 =	vld [tilespmem:s23+$0x100]  }
0xb3: {  	v23 =	vld [tilespmem:s23+$0x110]  }
0xb4: {  	v5 =	vld [tilespmem:s23+$0x120]  }
0xb5: {  	v4 =	vld [tilespmem:s23+$0x130]  }
0xb6: {  	v3 =	vld [tilespmem:s23+$0x140]  }
0xb7: {  	v2 =	vld [tilespmem:s23+$0x150]  }
0xb8: {  	v1 =	vld [tilespmem:s23+$0x160]  }
0xb9: {  	v0 =	vld [tilespmem:s23+$0x170]  }
0xba: {  	v24 =	vld [tilespmem:s23+$0x1B00]  }
0xbb: {  	v25 =	vld [tilespmem:s23+$0x1B10]  }
0xbc: {  	v26 =	vld [tilespmem:s23+$0x1B20]  }
0xbd: {  	v27 =	vld [tilespmem:s23+$0x1B30]  }
0xbe: {  	v63 =	vld [tilespmem:s23+$0x1B50]  }
0xbf: {  	v28 =	vld [tilespmem:s23+$0x1B40];
	v6 =	vadd.f32 v6, v24  }
0xc0: {  	v29 =	vld [tilespmem:s23+$0x1B60];
	v7 =	vadd.f32 v7, v25  }
0xc1: {  	v8 =	vadd.f32 v8, v26;
	[tilespmem:s23+$0x1B00] =	vst v6;
	v6 =	vld [tilespmem:s23+$0x1B70]  }
0xc2: {  	v9 =	vadd.f32 v9, v27;
	[tilespmem:s23+$0x1B10] =	vst v7;
	v7 =	vld [tilespmem:s23+$0x1B80]  }
0xc3: {  	v11 =	vadd.f32 v11, v63;
	[tilespmem:s23+$0x1B20] =	vst v8;
	v8 =	vld [tilespmem:s23+$0x1B90]  }
0xc4: {  	v10 =	vadd.f32 v10, v28;
	[tilespmem:s23+$0x1B30] =	vst v9;
	v9 =	vld [tilespmem:s23+$0x1BA0]  }
0xc5: {  	v12 =	vadd.f32 v12, v29;
	[tilespmem:s23+$0x1B50] =	vst v11;
	v11 =	vld [tilespmem:s23+$0x1BC0]  }
0xc6: {  	[tilespmem:s23+$0x1B40] =	vst v10;
	v10 =	vld [tilespmem:s23+$0x1BB0];
	v6 =	vadd.f32 v13, v6  }
0xc7: {  	[tilespmem:s23+$0x1B60] =	vst v12;
	v12 =	vld [tilespmem:s23+$0x1BD0];
	v7 =	vadd.f32 v14, v7  }
0xc8: {  	v14 =	vld [tilespmem:s23+$0x1BF0];
	[tilespmem:s23+$0x1B70] =	vst v6;
	v6 =	vadd.f32 v15, v8  }
0xc9: {  	v13 =	vld [tilespmem:s23+$0x1BE0];
	[tilespmem:s23+$0x1B80] =	vst v7;
	v7 =	vadd.f32 v16, v9  }
0xca: {  	v15 =	vld [tilespmem:s23+$0x1C00];
	v8 =	vadd.f32 v18, v11;
	[tilespmem:s23+$0x1B90] =	vst v6  }
0xcb: {  	v6 =	vadd.f32 v17, v10;
	[tilespmem:s23+$0x1BA0] =	vst v7;
	v10 =	vld [tilespmem:s23+$0x1C10]  }
0xcc: {  	v9 =	vadd.f32 v19, v12;
	v7 =	vld [tilespmem:s23+$0x1C20];
	[tilespmem:s23+$0x1BC0] =	vst v8  }
0xcd: {  	v12 =	vadd.f32 v21, v14;
	[tilespmem:s23+$0x1BB0] =	vst v6;
	v6 =	vld [tilespmem:s23+$0x1C30]  }
0xce: {  	[tilespmem:s23+$0x1BD0] =	vst v9;
	v8 =	vld [tilespmem:s23+$0x1C40];
	v11 =	vadd.f32 v20, v13  }
0xcf: {  	v9 =	vld [tilespmem:s23+$0x1C50];
	[tilespmem:s23+$0x1BF0] =	vst v12;
	v12 =	vadd.f32 v22, v15  }
0xd0: {  	s24 =	simm.s32 $0x600;
	[tilespmem:s23+$0x1BE0] =	vst v11;
	v11 =	vadd.f32 v23, v10;
	v10 =	vld [tilespmem:s23+$0x1C60]  }
.LBB2_5:
0xd1: {  	s25 =	sshra.s32 s24, $0x2;
	p1 =	sne.s32 s24, $0x3000;
	[tilespmem:s23+$0x1C00] =	vst v12;
	v5 =	vadd.f32 v5, v7;
	v7 =	vld [tilespmem:s23+$0x1C70]  }
0xd2: {  	v12 =	vld [tilespmem:s25+$0x0];
	[tilespmem:s23+$0x1C10] =	vst v11;
	v4 =	vadd.f32 v4, v6  }
0xd3: {  	v6 =	vld [tilespmem:s25+$0x10];
	[tilespmem:s23+$0x1C20] =	vst v5;
	v3 =	vadd.f32 v3, v8  }
0xd4: {  	v8 =	vld [tilespmem:s25+$0x20];
	[tilespmem:s23+$0x1C30] =	vst v4;
	v2 =	vadd.f32 v2, v9  }
0xd5: {  	v9 =	vld [tilespmem:s25+$0x30];
	[tilespmem:s23+$0x1C40] =	vst v3;
	v1 =	vadd.f32 v1, v10  }
0xd6: {  	v10 =	vld [tilespmem:s25+$0x40];
	[tilespmem:s23+$0x1C50] =	vst v2;
	v0 =	vadd.f32 v0, v7  }
0xd7: {  	v7 =	vld [tilespmem:s25+$0x50];
	[tilespmem:s23+$0x1C60] =	vst v1  }
0xd8: {  	v11 =	vld [tilespmem:s25+$0x60];
	[tilespmem:s23+$0x1C70] =	vst v0;
	s23 =	smov.u32 s25  }
0xd9: {  	v13 =	vld [tilespmem:s23+$0x70]  }
0xda: {  	v14 =	vld [tilespmem:s23+$0x80]  }
0xdb: {  	v15 =	vld [tilespmem:s23+$0x90]  }
0xdc: {  	v16 =	vld [tilespmem:s23+$0xA0]  }
0xdd: {  	v17 =	vld [tilespmem:s23+$0xB0]  }
0xde: {  	v18 =	vld [tilespmem:s23+$0xC0]  }
0xdf: {  	v19 =	vld [tilespmem:s23+$0xD0]  }
0xe0: {  	v20 =	vld [tilespmem:s23+$0xE0]  }
0xe1: {  	v21 =	vld [tilespmem:s23+$0xF0]  }
0xe2: {  	v22 =	vld [tilespmem:s23+$0x100]  }
0xe3: {  	v23 =	vld [tilespmem:s23+$0x110]  }
0xe4: {  	v5 =	vld [tilespmem:s23+$0x120]  }
0xe5: {  	v4 =	vld [tilespmem:s23+$0x130]  }
0xe6: {  	v3 =	vld [tilespmem:s23+$0x140]  }
0xe7: {  	v2 =	vld [tilespmem:s23+$0x150]  }
0xe8: {  	v1 =	vld [tilespmem:s23+$0x160]  }
0xe9: {  	v0 =	vld [tilespmem:s23+$0x170]  }
0xea: {  	v24 =	vld [tilespmem:s23+$0x1B00]  }
0xeb: {  	v25 =	vld [tilespmem:s23+$0x1B10]  }
0xec: {  	v26 =	vld [tilespmem:s23+$0x1B20]  }
0xed: {  	v27 =	vld [tilespmem:s23+$0x1B30]  }
0xee: {  	v28 =	vld [tilespmem:s23+$0x1B40]  }
0xef: {  	v12 =	vadd.f32 v12, v24;
	v24 =	vld [tilespmem:s23+$0x1B50]  }
0xf0: {  	v6 =	vadd.f32 v6, v25;
	v25 =	vld [tilespmem:s23+$0x1B60]  }
0xf1: {  	[tilespmem:s23+$0x1B00] =	vst v12;
	v8 =	vadd.f32 v8, v26;
	v12 =	vld [tilespmem:s23+$0x1B70]  }
0xf2: {  	[tilespmem:s23+$0x1B10] =	vst v6;
	v6 =	vadd.f32 v9, v27;
	v9 =	vld [tilespmem:s23+$0x1B80]  }
0xf3: {  	[tilespmem:s23+$0x1B20] =	vst v8;
	v8 =	vadd.f32 v10, v28;
	v10 =	vld [tilespmem:s23+$0x1B90]  }
0xf4: {  	[tilespmem:s23+$0x1B30] =	vst v6;
	v6 =	vadd.f32 v7, v24;
	v7 =	vld [tilespmem:s23+$0x1BA0]  }
0xf5: {  	[tilespmem:s23+$0x1B40] =	vst v8;
	v8 =	vadd.f32 v11, v25;
	v11 =	vld [tilespmem:s23+$0x1BB0]  }
0xf6: {  	[tilespmem:s23+$0x1B50] =	vst v6;
	v6 =	vadd.f32 v13, v12;
	v12 =	vld [tilespmem:s23+$0x1BC0]  }
0xf7: {  	[tilespmem:s23+$0x1B60] =	vst v8;
	v8 =	vadd.f32 v14, v9;
	v9 =	vld [tilespmem:s23+$0x1BD0]  }
0xf8: {  	[tilespmem:s23+$0x1B70] =	vst v6;
	v6 =	vadd.f32 v15, v10;
	v10 =	vld [tilespmem:s23+$0x1BE0]  }
0xf9: {  	[tilespmem:s23+$0x1B80] =	vst v8;
	v7 =	vadd.f32 v16, v7;
	v8 =	vld [tilespmem:s23+$0x1BF0]  }
0xfa: {  	[tilespmem:s23+$0x1B90] =	vst v6;
	v6 =	vadd.f32 v17, v11;
	v11 =	vld [tilespmem:s23+$0x1C00]  }
0xfb: {  	[tilespmem:s23+$0x1BA0] =	vst v7;
	v12 =	vadd.f32 v18, v12;
	v13 =	vld [tilespmem:s23+$0x1C10]  }
.Ltmp1:
0xfc: {  	[tilespmem:s23+$0x1BB0] =	vst v6;
	v9 =	vadd.f32 v19, v9;
	v7 =	vld [tilespmem:s23+$0x1C20];
	(pc) =	sbr.rel @p1 .LBB2_5-.Ltmp1, $4  }
0xfd: {  	[tilespmem:s23+$0x1BC0] =	vst v12;
	v10 =	vadd.f32 v20, v10;
	v6 =	vld [tilespmem:s23+$0x1C30]  }
0xfe: {  	[tilespmem:s23+$0x1BD0] =	vst v9;
	v14 =	vadd.f32 v21, v8;
	v8 =	vld [tilespmem:s23+$0x1C40]  }
0xff: {  	[tilespmem:s23+$0x1BE0] =	vst v10;
	v12 =	vadd.f32 v22, v11;
	v9 =	vld [tilespmem:s23+$0x1C50]  }
0x100: {  	s24 =	sadd.s32 $0x600, s24;
	[tilespmem:s23+$0x1BF0] =	vst v14;
	v11 =	vadd.f32 v23, v13;
	v10 =	vld [tilespmem:s23+$0x1C60]  }
0x101: {  	[tilespmem:s23+$0x1C00] =	vst v12;
	v5 =	vadd.f32 v5, v7;
	v7 =	vld [tilespmem:s23+$0x1C70]  }
0x102: {  	[tilespmem:s23+$0x1C10] =	vst v11;
	v4 =	vadd.f32 v4, v6  }
0x103: {  	[tilespmem:s23+$0x1C20] =	vst v5;
	v3 =	vadd.f32 v3, v8  }
0x104: {  	s12 =	smul.u32 $0xD80, s12;
	[tilespmem:s23+$0x1C30] =	vst v4;
	v2 =	vadd.f32 v2, v9  }
0x105: {  	[tilespmem:s23+$0x1C40] =	vst v3;
	v1 =	vadd.f32 v1, v10  }
0x106: {  	s12 =	sshrl.u32 s12, $0x3;
	[tilespmem:s23+$0x1C50] =	vst v2;
	v0 =	vadd.f32 v0, v7  }
0x107: {  	s12 =	sadd.s32 s5, s12;
	[tilespmem:s23+$0x1C60] =	vst v1  }
0x108: {  	s24 =	simm.s32 $0x1B00;
	s26 =	sadd.s32 $0x3600, s12;
	[tilespmem:s23+$0x1C70] =	vst v0  }
0x109: {  	[hbm4b:s26+s4] =	stream.linear.scatter [tilespmem:s24], [sflag:$0xA], $0xD80, $0x38;
	[tilespmem:$0x7980] =	vst v63  }
0x10a: {  	s23 =	simm.s32 @!p0 $0xA;
	s24 =	sadd.s32 @!p0 s15, s22  }
0x10b: {  	_ =	swait.ge @!p0 [sflag:s23], $0xD80;
	s24 =	smul.u32 @!p0 $0x1B0, s24  }
0x10c: {  	s25 =	simm.s32 @!p0 $0x1B00;
	[sflag:s23] =	ssyncset.done @!p0 $0x0  }
0x10d: {  	[sflag:s23] =	ssyncadd.s32 @!p0 $0xFFFFF280;
	s23 =	sadd.s32 @!p0 s2, s24;
	s24 =	simm.s32 @!p0 $0x0  }
0x10e: {  	[tilespmem:s25], [sflag:$0x2] =	stream.linear.gather @!p0 [hbm4b:s23+s24], $0xD80, $0x38;
	[tilespmem:$0x7980] =	vst v63  }
0x10f: {  	_ =	swait.ge [sflag:s6], $0xD80  }
0x110: {  	[sflag:s6] =	ssyncset.done $0x0  }
0x111: {  	s23 =	simm.s32 $0x0;
	[sflag:s6] =	ssyncadd.s32 $0xFFFFF280  }
0x112: {  	v6 =	vld [tilespmem:s23+$0x0]  }
0x113: {  	v7 =	vld [tilespmem:s23+$0x10]  }
0x114: {  	v8 =	vld [tilespmem:s23+$0x20]  }
0x115: {  	v9 =	vld [tilespmem:s23+$0x30]  }
0x116: {  	v10 =	vld [tilespmem:s23+$0x40]  }
0x117: {  	v11 =	vld [tilespmem:s23+$0x50]  }
0x118: {  	v12 =	vld [tilespmem:s23+$0x60]  }
0x119: {  	v13 =	vld [tilespmem:s23+$0x70]  }
0x11a: {  	v14 =	vld [tilespmem:s23+$0x80]  }
0x11b: {  	v15 =	vld [tilespmem:s23+$0x90]  }
0x11c: {  	v16 =	vld [tilespmem:s23+$0xA0]  }
0x11d: {  	v17 =	vld [tilespmem:s23+$0xB0]  }
0x11e: {  	v18 =	vld [tilespmem:s23+$0xC0]  }
0x11f: {  	v19 =	vld [tilespmem:s23+$0xD0]  }
0x120: {  	v20 =	vld [tilespmem:s23+$0xE0]  }
0x121: {  	v21 =	vld [tilespmem:s23+$0xF0]  }
0x122: {  	v22 =	vld [tilespmem:s23+$0x100]  }
0x123: {  	v23 =	vld [tilespmem:s23+$0x110]  }
0x124: {  	v5 =	vld [tilespmem:s23+$0x120]  }
0x125: {  	v4 =	vld [tilespmem:s23+$0x130]  }
0x126: {  	v3 =	vld [tilespmem:s23+$0x140]  }
0x127: {  	v2 =	vld [tilespmem:s23+$0x150]  }
0x128: {  	v1 =	vld [tilespmem:s23+$0x160]  }
0x129: {  	v0 =	vld [tilespmem:s23+$0x170]  }
0x12a: {  	v24 =	vld [tilespmem:s23+$0x2880]  }
0x12b: {  	v25 =	vld [tilespmem:s23+$0x2890]  }
0x12c: {  	v26 =	vld [tilespmem:s23+$0x28A0]  }
0x12d: {  	v27 =	vld [tilespmem:s23+$0x28B0]  }
0x12e: {  	v63 =	vld [tilespmem:s23+$0x28D0]  }
0x12f: {  	v28 =	vld [tilespmem:s23+$0x28C0];
	v6 =	vadd.f32 v6, v24  }
0x130: {  	v29 =	vld [tilespmem:s23+$0x28E0];
	v7 =	vadd.f32 v7, v25  }
0x131: {  	v8 =	vadd.f32 v8, v26;
	[tilespmem:s23+$0x2880] =	vst v6;
	v6 =	vld [tilespmem:s23+$0x28F0]  }
0x132: {  	v9 =	vadd.f32 v9, v27;
	[tilespmem:s23+$0x2890] =	vst v7;
	v7 =	vld [tilespmem:s23+$0x2900]  }
0x133: {  	v11 =	vadd.f32 v11, v63;
	[tilespmem:s23+$0x28A0] =	vst v8;
	v8 =	vld [tilespmem:s23+$0x2910]  }
0x134: {  	v10 =	vadd.f32 v10, v28;
	[tilespmem:s23+$0x28B0] =	vst v9;
	v9 =	vld [tilespmem:s23+$0x2920]  }
0x135: {  	v12 =	vadd.f32 v12, v29;
	[tilespmem:s23+$0x28D0] =	vst v11;
	v11 =	vld [tilespmem:s23+$0x2940]  }
0x136: {  	[tilespmem:s23+$0x28C0] =	vst v10;
	v10 =	vld [tilespmem:s23+$0x2930];
	v6 =	vadd.f32 v13, v6  }
0x137: {  	[tilespmem:s23+$0x28E0] =	vst v12;
	v12 =	vld [tilespmem:s23+$0x2950];
	v7 =	vadd.f32 v14, v7  }
0x138: {  	v14 =	vld [tilespmem:s23+$0x2970];
	[tilespmem:s23+$0x28F0] =	vst v6;
	v6 =	vadd.f32 v15, v8  }
0x139: {  	v13 =	vld [tilespmem:s23+$0x2960];
	[tilespmem:s23+$0x2900] =	vst v7;
	v7 =	vadd.f32 v16, v9  }
0x13a: {  	v15 =	vld [tilespmem:s23+$0x2980];
	v8 =	vadd.f32 v18, v11;
	[tilespmem:s23+$0x2910] =	vst v6  }
0x13b: {  	v6 =	vadd.f32 v17, v10;
	[tilespmem:s23+$0x2920] =	vst v7;
	v10 =	vld [tilespmem:s23+$0x2990]  }
0x13c: {  	v9 =	vadd.f32 v19, v12;
	v7 =	vld [tilespmem:s23+$0x29A0];
	[tilespmem:s23+$0x2940] =	vst v8  }
0x13d: {  	v12 =	vadd.f32 v21, v14;
	[tilespmem:s23+$0x2930] =	vst v6;
	v6 =	vld [tilespmem:s23+$0x29B0]  }
0x13e: {  	[tilespmem:s23+$0x2950] =	vst v9;
	v8 =	vld [tilespmem:s23+$0x29C0];
	v11 =	vadd.f32 v20, v13  }
0x13f: {  	v9 =	vld [tilespmem:s23+$0x29D0];
	[tilespmem:s23+$0x2970] =	vst v12;
	v12 =	vadd.f32 v22, v15  }
0x140: {  	s24 =	simm.s32 $0x600;
	[tilespmem:s23+$0x2960] =	vst v11;
	v11 =	vadd.f32 v23, v10;
	v10 =	vld [tilespmem:s23+$0x29E0]  }
.LBB2_7:
0x141: {  	s25 =	sshra.s32 s24, $0x2;
	p1 =	sne.s32 s24, $0x3000;
	[tilespmem:s23+$0x2980] =	vst v12;
	v5 =	vadd.f32 v5, v7;
	v7 =	vld [tilespmem:s23+$0x29F0]  }
0x142: {  	v12 =	vld [tilespmem:s25+$0x0];
	[tilespmem:s23+$0x2990] =	vst v11;
	v4 =	vadd.f32 v4, v6  }
0x143: {  	v6 =	vld [tilespmem:s25+$0x10];
	[tilespmem:s23+$0x29A0] =	vst v5;
	v3 =	vadd.f32 v3, v8  }
0x144: {  	v8 =	vld [tilespmem:s25+$0x20];
	[tilespmem:s23+$0x29B0] =	vst v4;
	v2 =	vadd.f32 v2, v9  }
0x145: {  	v9 =	vld [tilespmem:s25+$0x30];
	[tilespmem:s23+$0x29C0] =	vst v3;
	v1 =	vadd.f32 v1, v10  }
0x146: {  	v10 =	vld [tilespmem:s25+$0x40];
	[tilespmem:s23+$0x29D0] =	vst v2;
	v0 =	vadd.f32 v0, v7  }
0x147: {  	v7 =	vld [tilespmem:s25+$0x50];
	[tilespmem:s23+$0x29E0] =	vst v1  }
0x148: {  	v11 =	vld [tilespmem:s25+$0x60];
	[tilespmem:s23+$0x29F0] =	vst v0;
	s23 =	smov.u32 s25  }
0x149: {  	v13 =	vld [tilespmem:s23+$0x70]  }
0x14a: {  	v14 =	vld [tilespmem:s23+$0x80]  }
0x14b: {  	v15 =	vld [tilespmem:s23+$0x90]  }
0x14c: {  	v16 =	vld [tilespmem:s23+$0xA0]  }
0x14d: {  	v17 =	vld [tilespmem:s23+$0xB0]  }
0x14e: {  	v18 =	vld [tilespmem:s23+$0xC0]  }
0x14f: {  	v19 =	vld [tilespmem:s23+$0xD0]  }
0x150: {  	v20 =	vld [tilespmem:s23+$0xE0]  }
0x151: {  	v21 =	vld [tilespmem:s23+$0xF0]  }
0x152: {  	v22 =	vld [tilespmem:s23+$0x100]  }
0x153: {  	v23 =	vld [tilespmem:s23+$0x110]  }
0x154: {  	v5 =	vld [tilespmem:s23+$0x120]  }
0x155: {  	v4 =	vld [tilespmem:s23+$0x130]  }
0x156: {  	v3 =	vld [tilespmem:s23+$0x140]  }
0x157: {  	v2 =	vld [tilespmem:s23+$0x150]  }
0x158: {  	v1 =	vld [tilespmem:s23+$0x160]  }
0x159: {  	v0 =	vld [tilespmem:s23+$0x170]  }
0x15a: {  	v24 =	vld [tilespmem:s23+$0x2880]  }
0x15b: {  	v25 =	vld [tilespmem:s23+$0x2890]  }
0x15c: {  	v26 =	vld [tilespmem:s23+$0x28A0]  }
0x15d: {  	v27 =	vld [tilespmem:s23+$0x28B0]  }
0x15e: {  	v28 =	vld [tilespmem:s23+$0x28C0]  }
0x15f: {  	v12 =	vadd.f32 v12, v24;
	v24 =	vld [tilespmem:s23+$0x28D0]  }
0x160: {  	v6 =	vadd.f32 v6, v25;
	v25 =	vld [tilespmem:s23+$0x28E0]  }
0x161: {  	[tilespmem:s23+$0x2880] =	vst v12;
	v8 =	vadd.f32 v8, v26;
	v12 =	vld [tilespmem:s23+$0x28F0]  }
0x162: {  	[tilespmem:s23+$0x2890] =	vst v6;
	v6 =	vadd.f32 v9, v27;
	v9 =	vld [tilespmem:s23+$0x2900]  }
0x163: {  	[tilespmem:s23+$0x28A0] =	vst v8;
	v8 =	vadd.f32 v10, v28;
	v10 =	vld [tilespmem:s23+$0x2910]  }
0x164: {  	[tilespmem:s23+$0x28B0] =	vst v6;
	v6 =	vadd.f32 v7, v24;
	v7 =	vld [tilespmem:s23+$0x2920]  }
0x165: {  	[tilespmem:s23+$0x28C0] =	vst v8;
	v8 =	vadd.f32 v11, v25;
	v11 =	vld [tilespmem:s23+$0x2930]  }
0x166: {  	[tilespmem:s23+$0x28D0] =	vst v6;
	v6 =	vadd.f32 v13, v12;
	v12 =	vld [tilespmem:s23+$0x2940]  }
0x167: {  	[tilespmem:s23+$0x28E0] =	vst v8;
	v8 =	vadd.f32 v14, v9;
	v9 =	vld [tilespmem:s23+$0x2950]  }
0x168: {  	[tilespmem:s23+$0x28F0] =	vst v6;
	v6 =	vadd.f32 v15, v10;
	v10 =	vld [tilespmem:s23+$0x2960]  }
0x169: {  	[tilespmem:s23+$0x2900] =	vst v8;
	v7 =	vadd.f32 v16, v7;
	v8 =	vld [tilespmem:s23+$0x2970]  }
0x16a: {  	[tilespmem:s23+$0x2910] =	vst v6;
	v6 =	vadd.f32 v17, v11;
	v11 =	vld [tilespmem:s23+$0x2980]  }
0x16b: {  	[tilespmem:s23+$0x2920] =	vst v7;
	v12 =	vadd.f32 v18, v12;
	v13 =	vld [tilespmem:s23+$0x2990]  }
.Ltmp2:
0x16c: {  	[tilespmem:s23+$0x2930] =	vst v6;
	v9 =	vadd.f32 v19, v9;
	v7 =	vld [tilespmem:s23+$0x29A0];
	(pc) =	sbr.rel @p1 .LBB2_7-.Ltmp2, $4  }
0x16d: {  	[tilespmem:s23+$0x2940] =	vst v12;
	v10 =	vadd.f32 v20, v10;
	v6 =	vld [tilespmem:s23+$0x29B0]  }
0x16e: {  	[tilespmem:s23+$0x2950] =	vst v9;
	v14 =	vadd.f32 v21, v8;
	v8 =	vld [tilespmem:s23+$0x29C0]  }
0x16f: {  	[tilespmem:s23+$0x2960] =	vst v10;
	v12 =	vadd.f32 v22, v11;
	v9 =	vld [tilespmem:s23+$0x29D0]  }
0x170: {  	s24 =	sadd.s32 $0x600, s24;
	[tilespmem:s23+$0x2970] =	vst v14;
	v11 =	vadd.f32 v23, v13;
	v10 =	vld [tilespmem:s23+$0x29E0]  }
0x171: {  	[tilespmem:s23+$0x2980] =	vst v12;
	v5 =	vadd.f32 v5, v7;
	v7 =	vld [tilespmem:s23+$0x29F0]  }
0x172: {  	[tilespmem:s23+$0x2990] =	vst v11;
	v4 =	vadd.f32 v4, v6  }
0x173: {  	[tilespmem:s23+$0x29A0] =	vst v5;
	v3 =	vadd.f32 v3, v8  }
0x174: {  	[tilespmem:s23+$0x29B0] =	vst v4;
	v2 =	vadd.f32 v2, v9  }
0x175: {  	[tilespmem:s23+$0x29C0] =	vst v3;
	v1 =	vadd.f32 v1, v10  }
0x176: {  	[tilespmem:s23+$0x29D0] =	vst v2;
	v0 =	vadd.f32 v0, v7  }
0x177: {  	[tilespmem:s23+$0x29E0] =	vst v1  }
0x178: {  	s26 =	sadd.s32 $0x6C00, s12;
	s24 =	simm.s32 $0x2880;
	[tilespmem:s23+$0x29F0] =	vst v0  }
0x179: {  	[hbm4b:s26+s4] =	stream.linear.scatter [tilespmem:s24], [sflag:$0xB], $0xD80, $0x38;
	[tilespmem:$0x7980] =	vst v63  }
0x17a: {  	s23 =	simm.s32 @!p0 $0xB;
	s24 =	sadd.s32 @!p0 s16, s22  }
0x17b: {  	_ =	swait.ge @!p0 [sflag:s23], $0xD80;
	s24 =	smul.u32 @!p0 $0x1B0, s24  }
0x17c: {  	s25 =	simm.s32 @!p0 $0x2880;
	[sflag:s23] =	ssyncset.done @!p0 $0x0  }
0x17d: {  	[sflag:s23] =	ssyncadd.s32 @!p0 $0xFFFFF280;
	s23 =	sadd.s32 @!p0 s2, s24;
	s24 =	simm.s32 @!p0 $0x0  }
0x17e: {  	[tilespmem:s25], [sflag:$0x3] =	stream.linear.gather @!p0 [hbm4b:s23+s24], $0xD80, $0x38;
	[tilespmem:$0x7980] =	vst v63  }
0x17f: {  	_ =	swait.ge [sflag:s7], $0xD80  }
0x180: {  	[sflag:s7] =	ssyncset.done $0x0  }
0x181: {  	s23 =	simm.s32 $0x0;
	[sflag:s7] =	ssyncadd.s32 $0xFFFFF280  }
0x182: {  	v6 =	vld [tilespmem:s23+$0x0]  }
0x183: {  	v7 =	vld [tilespmem:s23+$0x10]  }
0x184: {  	v8 =	vld [tilespmem:s23+$0x20]  }
0x185: {  	v9 =	vld [tilespmem:s23+$0x30]  }
0x186: {  	v10 =	vld [tilespmem:s23+$0x40]  }
0x187: {  	v11 =	vld [tilespmem:s23+$0x50]  }
0x188: {  	v12 =	vld [tilespmem:s23+$0x60]  }
0x189: {  	v13 =	vld [tilespmem:s23+$0x70]  }
0x18a: {  	v14 =	vld [tilespmem:s23+$0x80]  }
0x18b: {  	v15 =	vld [tilespmem:s23+$0x90]  }
0x18c: {  	v16 =	vld [tilespmem:s23+$0xA0]  }
0x18d: {  	v17 =	vld [tilespmem:s23+$0xB0]  }
0x18e: {  	v18 =	vld [tilespmem:s23+$0xC0]  }
0x18f: {  	v19 =	vld [tilespmem:s23+$0xD0]  }
0x190: {  	v20 =	vld [tilespmem:s23+$0xE0]  }
0x191: {  	v21 =	vld [tilespmem:s23+$0xF0]  }
0x192: {  	v22 =	vld [tilespmem:s23+$0x100]  }
0x193: {  	v23 =	vld [tilespmem:s23+$0x110]  }
0x194: {  	v5 =	vld [tilespmem:s23+$0x120]  }
0x195: {  	v4 =	vld [tilespmem:s23+$0x130]  }
0x196: {  	v3 =	vld [tilespmem:s23+$0x140]  }
0x197: {  	v2 =	vld [tilespmem:s23+$0x150]  }
0x198: {  	v1 =	vld [tilespmem:s23+$0x160]  }
0x199: {  	v0 =	vld [tilespmem:s23+$0x170]  }
0x19a: {  	v24 =	vld [tilespmem:s23+$0x3600]  }
0x19b: {  	v25 =	vld [tilespmem:s23+$0x3610]  }
0x19c: {  	v26 =	vld [tilespmem:s23+$0x3620]  }
0x19d: {  	v27 =	vld [tilespmem:s23+$0x3630]  }
0x19e: {  	v63 =	vld [tilespmem:s23+$0x3650]  }
0x19f: {  	v28 =	vld [tilespmem:s23+$0x3640];
	v6 =	vadd.f32 v6, v24  }
0x1a0: {  	v29 =	vld [tilespmem:s23+$0x3660];
	v7 =	vadd.f32 v7, v25  }
0x1a1: {  	v8 =	vadd.f32 v8, v26;
	[tilespmem:s23+$0x3600] =	vst v6;
	v6 =	vld [tilespmem:s23+$0x3670]  }
0x1a2: {  	v9 =	vadd.f32 v9, v27;
	[tilespmem:s23+$0x3610] =	vst v7;
	v7 =	vld [tilespmem:s23+$0x3680]  }
0x1a3: {  	v11 =	vadd.f32 v11, v63;
	[tilespmem:s23+$0x3620] =	vst v8;
	v8 =	vld [tilespmem:s23+$0x3690]  }
0x1a4: {  	v10 =	vadd.f32 v10, v28;
	[tilespmem:s23+$0x3630] =	vst v9;
	v9 =	vld [tilespmem:s23+$0x36A0]  }
0x1a5: {  	v12 =	vadd.f32 v12, v29;
	[tilespmem:s23+$0x3650] =	vst v11;
	v11 =	vld [tilespmem:s23+$0x36C0]  }
0x1a6: {  	[tilespmem:s23+$0x3640] =	vst v10;
	v10 =	vld [tilespmem:s23+$0x36B0];
	v6 =	vadd.f32 v13, v6  }
0x1a7: {  	[tilespmem:s23+$0x3660] =	vst v12;
	v12 =	vld [tilespmem:s23+$0x36D0];
	v7 =	vadd.f32 v14, v7  }
0x1a8: {  	v14 =	vld [tilespmem:s23+$0x36F0];
	[tilespmem:s23+$0x3670] =	vst v6;
	v6 =	vadd.f32 v15, v8  }
0x1a9: {  	v13 =	vld [tilespmem:s23+$0x36E0];
	[tilespmem:s23+$0x3680] =	vst v7;
	v7 =	vadd.f32 v16, v9  }
0x1aa: {  	v15 =	vld [tilespmem:s23+$0x3700];
	v8 =	vadd.f32 v18, v11;
	[tilespmem:s23+$0x3690] =	vst v6  }
0x1ab: {  	v6 =	vadd.f32 v17, v10;
	[tilespmem:s23+$0x36A0] =	vst v7;
	v10 =	vld [tilespmem:s23+$0x3710]  }
0x1ac: {  	v9 =	vadd.f32 v19, v12;
	v7 =	vld [tilespmem:s23+$0x3720];
	[tilespmem:s23+$0x36C0] =	vst v8  }
0x1ad: {  	v12 =	vadd.f32 v21, v14;
	[tilespmem:s23+$0x36B0] =	vst v6;
	v6 =	vld [tilespmem:s23+$0x3730]  }
0x1ae: {  	[tilespmem:s23+$0x36D0] =	vst v9;
	v8 =	vld [tilespmem:s23+$0x3740];
	v11 =	vadd.f32 v20, v13  }
0x1af: {  	v9 =	vld [tilespmem:s23+$0x3750];
	[tilespmem:s23+$0x36F0] =	vst v12;
	v12 =	vadd.f32 v22, v15  }
0x1b0: {  	s24 =	simm.s32 $0x600;
	[tilespmem:s23+$0x36E0] =	vst v11;
	v11 =	vadd.f32 v23, v10;
	v10 =	vld [tilespmem:s23+$0x3760]  }
.LBB2_9:
0x1b1: {  	s25 =	sshra.s32 s24, $0x2;
	p1 =	sne.s32 s24, $0x3000;
	[tilespmem:s23+$0x3700] =	vst v12;
	v5 =	vadd.f32 v5, v7;
	v7 =	vld [tilespmem:s23+$0x3770]  }
0x1b2: {  	v12 =	vld [tilespmem:s25+$0x0];
	[tilespmem:s23+$0x3710] =	vst v11;
	v4 =	vadd.f32 v4, v6  }
0x1b3: {  	v6 =	vld [tilespmem:s25+$0x10];
	[tilespmem:s23+$0x3720] =	vst v5;
	v3 =	vadd.f32 v3, v8  }
0x1b4: {  	v8 =	vld [tilespmem:s25+$0x20];
	[tilespmem:s23+$0x3730] =	vst v4;
	v2 =	vadd.f32 v2, v9  }
0x1b5: {  	v9 =	vld [tilespmem:s25+$0x30];
	[tilespmem:s23+$0x3740] =	vst v3;
	v1 =	vadd.f32 v1, v10  }
0x1b6: {  	v10 =	vld [tilespmem:s25+$0x40];
	[tilespmem:s23+$0x3750] =	vst v2;
	v0 =	vadd.f32 v0, v7  }
0x1b7: {  	v7 =	vld [tilespmem:s25+$0x50];
	[tilespmem:s23+$0x3760] =	vst v1  }
0x1b8: {  	v11 =	vld [tilespmem:s25+$0x60];
	[tilespmem:s23+$0x3770] =	vst v0;
	s23 =	smov.u32 s25  }
0x1b9: {  	v13 =	vld [tilespmem:s23+$0x70]  }
0x1ba: {  	v14 =	vld [tilespmem:s23+$0x80]  }
0x1bb: {  	v15 =	vld [tilespmem:s23+$0x90]  }
0x1bc: {  	v16 =	vld [tilespmem:s23+$0xA0]  }
0x1bd: {  	v17 =	vld [tilespmem:s23+$0xB0]  }
0x1be: {  	v18 =	vld [tilespmem:s23+$0xC0]  }
0x1bf: {  	v19 =	vld [tilespmem:s23+$0xD0]  }
0x1c0: {  	v20 =	vld [tilespmem:s23+$0xE0]  }
0x1c1: {  	v21 =	vld [tilespmem:s23+$0xF0]  }
0x1c2: {  	v22 =	vld [tilespmem:s23+$0x100]  }
0x1c3: {  	v23 =	vld [tilespmem:s23+$0x110]  }
0x1c4: {  	v5 =	vld [tilespmem:s23+$0x120]  }
0x1c5: {  	v4 =	vld [tilespmem:s23+$0x130]  }
0x1c6: {  	v3 =	vld [tilespmem:s23+$0x140]  }
0x1c7: {  	v2 =	vld [tilespmem:s23+$0x150]  }
0x1c8: {  	v1 =	vld [tilespmem:s23+$0x160]  }
0x1c9: {  	v0 =	vld [tilespmem:s23+$0x170]  }
0x1ca: {  	v24 =	vld [tilespmem:s23+$0x3600]  }
0x1cb: {  	v25 =	vld [tilespmem:s23+$0x3610]  }
0x1cc: {  	v26 =	vld [tilespmem:s23+$0x3620]  }
0x1cd: {  	v27 =	vld [tilespmem:s23+$0x3630]  }
0x1ce: {  	v28 =	vld [tilespmem:s23+$0x3640]  }
0x1cf: {  	v12 =	vadd.f32 v12, v24;
	v24 =	vld [tilespmem:s23+$0x3650]  }
0x1d0: {  	v6 =	vadd.f32 v6, v25;
	v25 =	vld [tilespmem:s23+$0x3660]  }
0x1d1: {  	[tilespmem:s23+$0x3600] =	vst v12;
	v8 =	vadd.f32 v8, v26;
	v12 =	vld [tilespmem:s23+$0x3670]  }
0x1d2: {  	[tilespmem:s23+$0x3610] =	vst v6;
	v6 =	vadd.f32 v9, v27;
	v9 =	vld [tilespmem:s23+$0x3680]  }
0x1d3: {  	[tilespmem:s23+$0x3620] =	vst v8;
	v8 =	vadd.f32 v10, v28;
	v10 =	vld [tilespmem:s23+$0x3690]  }
0x1d4: {  	[tilespmem:s23+$0x3630] =	vst v6;
	v6 =	vadd.f32 v7, v24;
	v7 =	vld [tilespmem:s23+$0x36A0]  }
0x1d5: {  	[tilespmem:s23+$0x3640] =	vst v8;
	v8 =	vadd.f32 v11, v25;
	v11 =	vld [tilespmem:s23+$0x36B0]  }
0x1d6: {  	[tilespmem:s23+$0x3650] =	vst v6;
	v6 =	vadd.f32 v13, v12;
	v12 =	vld [tilespmem:s23+$0x36C0]  }
0x1d7: {  	[tilespmem:s23+$0x3660] =	vst v8;
	v8 =	vadd.f32 v14, v9;
	v9 =	vld [tilespmem:s23+$0x36D0]  }
0x1d8: {  	[tilespmem:s23+$0x3670] =	vst v6;
	v6 =	vadd.f32 v15, v10;
	v10 =	vld [tilespmem:s23+$0x36E0]  }
0x1d9: {  	[tilespmem:s23+$0x3680] =	vst v8;
	v7 =	vadd.f32 v16, v7;
	v8 =	vld [tilespmem:s23+$0x36F0]  }
0x1da: {  	[tilespmem:s23+$0x3690] =	vst v6;
	v6 =	vadd.f32 v17, v11;
	v11 =	vld [tilespmem:s23+$0x3700]  }
0x1db: {  	[tilespmem:s23+$0x36A0] =	vst v7;
	v12 =	vadd.f32 v18, v12;
	v13 =	vld [tilespmem:s23+$0x3710]  }
.Ltmp3:
0x1dc: {  	[tilespmem:s23+$0x36B0] =	vst v6;
	v9 =	vadd.f32 v19, v9;
	v7 =	vld [tilespmem:s23+$0x3720];
	(pc) =	sbr.rel @p1 .LBB2_9-.Ltmp3, $4  }
0x1dd: {  	[tilespmem:s23+$0x36C0] =	vst v12;
	v10 =	vadd.f32 v20, v10;
	v6 =	vld [tilespmem:s23+$0x3730]  }
0x1de: {  	[tilespmem:s23+$0x36D0] =	vst v9;
	v14 =	vadd.f32 v21, v8;
	v8 =	vld [tilespmem:s23+$0x3740]  }
0x1df: {  	[tilespmem:s23+$0x36E0] =	vst v10;
	v12 =	vadd.f32 v22, v11;
	v9 =	vld [tilespmem:s23+$0x3750]  }
0x1e0: {  	s24 =	sadd.s32 $0x600, s24;
	[tilespmem:s23+$0x36F0] =	vst v14;
	v11 =	vadd.f32 v23, v13;
	v10 =	vld [tilespmem:s23+$0x3760]  }
0x1e1: {  	[tilespmem:s23+$0x3700] =	vst v12;
	v5 =	vadd.f32 v5, v7;
	v7 =	vld [tilespmem:s23+$0x3770]  }
0x1e2: {  	[tilespmem:s23+$0x3710] =	vst v11;
	v4 =	vadd.f32 v4, v6  }
0x1e3: {  	[tilespmem:s23+$0x3720] =	vst v5;
	v3 =	vadd.f32 v3, v8  }
0x1e4: {  	[tilespmem:s23+$0x3730] =	vst v4;
	v2 =	vadd.f32 v2, v9  }
0x1e5: {  	[tilespmem:s23+$0x3740] =	vst v3;
	v1 =	vadd.f32 v1, v10  }
0x1e6: {  	[tilespmem:s23+$0x3750] =	vst v2;
	v0 =	vadd.f32 v0, v7  }
0x1e7: {  	[tilespmem:s23+$0x3760] =	vst v1  }
0x1e8: {  	s26 =	sadd.s32 $0xA200, s12;
	s24 =	simm.s32 $0x3600;
	[tilespmem:s23+$0x3770] =	vst v0  }
0x1e9: {  	[hbm4b:s26+s4] =	stream.linear.scatter [tilespmem:s24], [sflag:$0xC], $0xD80, $0x38;
	[tilespmem:$0x7980] =	vst v63  }
0x1ea: {  	s23 =	simm.s32 @!p0 $0xC;
	s24 =	sadd.s32 @!p0 s17, s22  }
0x1eb: {  	_ =	swait.ge @!p0 [sflag:s23], $0xD80;
	s24 =	smul.u32 @!p0 $0x1B0, s24  }
0x1ec: {  	s25 =	simm.s32 @!p0 $0x3600;
	[sflag:s23] =	ssyncset.done @!p0 $0x0  }
0x1ed: {  	[sflag:s23] =	ssyncadd.s32 @!p0 $0xFFFFF280;
	s23 =	sadd.s32 @!p0 s2, s24;
	s24 =	simm.s32 @!p0 $0x0  }
0x1ee: {  	[tilespmem:s25], [sflag:$0x4] =	stream.linear.gather @!p0 [hbm4b:s23+s24], $0xD80, $0x38;
	[tilespmem:$0x7980] =	vst v63  }
0x1ef: {  	_ =	swait.ge [sflag:s8], $0xD80  }
0x1f0: {  	[sflag:s8] =	ssyncset.done $0x0  }
0x1f1: {  	s23 =	simm.s32 $0x0;
	[sflag:s8] =	ssyncadd.s32 $0xFFFFF280  }
0x1f2: {  	v6 =	vld [tilespmem:s23+$0x0]  }
0x1f3: {  	v7 =	vld [tilespmem:s23+$0x10]  }
0x1f4: {  	v8 =	vld [tilespmem:s23+$0x20]  }
0x1f5: {  	v9 =	vld [tilespmem:s23+$0x30]  }
0x1f6: {  	v10 =	vld [tilespmem:s23+$0x40]  }
0x1f7: {  	v11 =	vld [tilespmem:s23+$0x50]  }
0x1f8: {  	v12 =	vld [tilespmem:s23+$0x60]  }
0x1f9: {  	v13 =	vld [tilespmem:s23+$0x70]  }
0x1fa: {  	v14 =	vld [tilespmem:s23+$0x80]  }
0x1fb: {  	v15 =	vld [tilespmem:s23+$0x90]  }
0x1fc: {  	v16 =	vld [tilespmem:s23+$0xA0]  }
0x1fd: {  	v17 =	vld [tilespmem:s23+$0xB0]  }
0x1fe: {  	v18 =	vld [tilespmem:s23+$0xC0]  }
0x1ff: {  	v19 =	vld [tilespmem:s23+$0xD0]  }
0x200: {  	v20 =	vld [tilespmem:s23+$0xE0]  }
0x201: {  	v21 =	vld [tilespmem:s23+$0xF0]  }
0x202: {  	v22 =	vld [tilespmem:s23+$0x100]  }
0x203: {  	v23 =	vld [tilespmem:s23+$0x110]  }
0x204: {  	v5 =	vld [tilespmem:s23+$0x120]  }
0x205: {  	v4 =	vld [tilespmem:s23+$0x130]  }
0x206: {  	v3 =	vld [tilespmem:s23+$0x140]  }
0x207: {  	v2 =	vld [tilespmem:s23+$0x150]  }
0x208: {  	v1 =	vld [tilespmem:s23+$0x160]  }
0x209: {  	v0 =	vld [tilespmem:s23+$0x170]  }
0x20a: {  	v24 =	vld [tilespmem:s23+$0x4380]  }
0x20b: {  	v25 =	vld [tilespmem:s23+$0x4390]  }
0x20c: {  	v26 =	vld [tilespmem:s23+$0x43A0]  }
0x20d: {  	v27 =	vld [tilespmem:s23+$0x43B0]  }
0x20e: {  	v63 =	vld [tilespmem:s23+$0x43D0]  }
0x20f: {  	v28 =	vld [tilespmem:s23+$0x43C0];
	v6 =	vadd.f32 v6, v24  }
0x210: {  	v29 =	vld [tilespmem:s23+$0x43E0];
	v7 =	vadd.f32 v7, v25  }
0x211: {  	v8 =	vadd.f32 v8, v26;
	[tilespmem:s23+$0x4380] =	vst v6;
	v6 =	vld [tilespmem:s23+$0x43F0]  }
0x212: {  	v9 =	vadd.f32 v9, v27;
	[tilespmem:s23+$0x4390] =	vst v7;
	v7 =	vld [tilespmem:s23+$0x4400]  }
0x213: {  	v11 =	vadd.f32 v11, v63;
	[tilespmem:s23+$0x43A0] =	vst v8;
	v8 =	vld [tilespmem:s23+$0x4410]  }
0x214: {  	v10 =	vadd.f32 v10, v28;
	[tilespmem:s23+$0x43B0] =	vst v9;
	v9 =	vld [tilespmem:s23+$0x4420]  }
0x215: {  	v12 =	vadd.f32 v12, v29;
	[tilespmem:s23+$0x43D0] =	vst v11;
	v11 =	vld [tilespmem:s23+$0x4440]  }
0x216: {  	[tilespmem:s23+$0x43C0] =	vst v10;
	v10 =	vld [tilespmem:s23+$0x4430];
	v6 =	vadd.f32 v13, v6  }
0x217: {  	[tilespmem:s23+$0x43E0] =	vst v12;
	v12 =	vld [tilespmem:s23+$0x4450];
	v7 =	vadd.f32 v14, v7  }
0x218: {  	v14 =	vld [tilespmem:s23+$0x4470];
	[tilespmem:s23+$0x43F0] =	vst v6;
	v6 =	vadd.f32 v15, v8  }
0x219: {  	v13 =	vld [tilespmem:s23+$0x4460];
	[tilespmem:s23+$0x4400] =	vst v7;
	v7 =	vadd.f32 v16, v9  }
0x21a: {  	v15 =	vld [tilespmem:s23+$0x4480];
	v8 =	vadd.f32 v18, v11;
	[tilespmem:s23+$0x4410] =	vst v6  }
0x21b: {  	v6 =	vadd.f32 v17, v10;
	[tilespmem:s23+$0x4420] =	vst v7;
	v10 =	vld [tilespmem:s23+$0x4490]  }
0x21c: {  	v9 =	vadd.f32 v19, v12;
	v7 =	vld [tilespmem:s23+$0x44A0];
	[tilespmem:s23+$0x4440] =	vst v8  }
0x21d: {  	v12 =	vadd.f32 v21, v14;
	[tilespmem:s23+$0x4430] =	vst v6;
	v6 =	vld [tilespmem:s23+$0x44B0]  }
0x21e: {  	[tilespmem:s23+$0x4450] =	vst v9;
	v8 =	vld [tilespmem:s23+$0x44C0];
	v11 =	vadd.f32 v20, v13  }
0x21f: {  	v9 =	vld [tilespmem:s23+$0x44D0];
	[tilespmem:s23+$0x4470] =	vst v12;
	v12 =	vadd.f32 v22, v15  }
0x220: {  	s24 =	simm.s32 $0x600;
	[tilespmem:s23+$0x4460] =	vst v11;
	v11 =	vadd.f32 v23, v10;
	v10 =	vld [tilespmem:s23+$0x44E0]  }
.LBB2_11:
0x221: {  	s25 =	sshra.s32 s24, $0x2;
	p1 =	sne.s32 s24, $0x3000;
	[tilespmem:s23+$0x4480] =	vst v12;
	v5 =	vadd.f32 v5, v7;
	v7 =	vld [tilespmem:s23+$0x44F0]  }
0x222: {  	v12 =	vld [tilespmem:s25+$0x0];
	[tilespmem:s23+$0x4490] =	vst v11;
	v4 =	vadd.f32 v4, v6  }
0x223: {  	v6 =	vld [tilespmem:s25+$0x10];
	[tilespmem:s23+$0x44A0] =	vst v5;
	v3 =	vadd.f32 v3, v8  }
0x224: {  	v8 =	vld [tilespmem:s25+$0x20];
	[tilespmem:s23+$0x44B0] =	vst v4;
	v2 =	vadd.f32 v2, v9  }
0x225: {  	v9 =	vld [tilespmem:s25+$0x30];
	[tilespmem:s23+$0x44C0] =	vst v3;
	v1 =	vadd.f32 v1, v10  }
0x226: {  	v10 =	vld [tilespmem:s25+$0x40];
	[tilespmem:s23+$0x44D0] =	vst v2;
	v0 =	vadd.f32 v0, v7  }
0x227: {  	v7 =	vld [tilespmem:s25+$0x50];
	[tilespmem:s23+$0x44E0] =	vst v1  }
0x228: {  	v11 =	vld [tilespmem:s25+$0x60];
	[tilespmem:s23+$0x44F0] =	vst v0;
	s23 =	smov.u32 s25  }
0x229: {  	v13 =	vld [tilespmem:s23+$0x70]  }
0x22a: {  	v14 =	vld [tilespmem:s23+$0x80]  }
0x22b: {  	v15 =	vld [tilespmem:s23+$0x90]  }
0x22c: {  	v16 =	vld [tilespmem:s23+$0xA0]  }
0x22d: {  	v17 =	vld [tilespmem:s23+$0xB0]  }
0x22e: {  	v18 =	vld [tilespmem:s23+$0xC0]  }
0x22f: {  	v19 =	vld [tilespmem:s23+$0xD0]  }
0x230: {  	v20 =	vld [tilespmem:s23+$0xE0]  }
0x231: {  	v21 =	vld [tilespmem:s23+$0xF0]  }
0x232: {  	v22 =	vld [tilespmem:s23+$0x100]  }
0x233: {  	v23 =	vld [tilespmem:s23+$0x110]  }
0x234: {  	v5 =	vld [tilespmem:s23+$0x120]  }
0x235: {  	v4 =	vld [tilespmem:s23+$0x130]  }
0x236: {  	v3 =	vld [tilespmem:s23+$0x140]  }
0x237: {  	v2 =	vld [tilespmem:s23+$0x150]  }
0x238: {  	v1 =	vld [tilespmem:s23+$0x160]  }
0x239: {  	v0 =	vld [tilespmem:s23+$0x170]  }
0x23a: {  	v24 =	vld [tilespmem:s23+$0x4380]  }
0x23b: {  	v25 =	vld [tilespmem:s23+$0x4390]  }
0x23c: {  	v26 =	vld [tilespmem:s23+$0x43A0]  }
0x23d: {  	v27 =	vld [tilespmem:s23+$0x43B0]  }
0x23e: {  	v28 =	vld [tilespmem:s23+$0x43C0]  }
0x23f: {  	v12 =	vadd.f32 v12, v24;
	v24 =	vld [tilespmem:s23+$0x43D0]  }
0x240: {  	v6 =	vadd.f32 v6, v25;
	v25 =	vld [tilespmem:s23+$0x43E0]  }
0x241: {  	[tilespmem:s23+$0x4380] =	vst v12;
	v8 =	vadd.f32 v8, v26;
	v12 =	vld [tilespmem:s23+$0x43F0]  }
0x242: {  	[tilespmem:s23+$0x4390] =	vst v6;
	v6 =	vadd.f32 v9, v27;
	v9 =	vld [tilespmem:s23+$0x4400]  }
0x243: {  	[tilespmem:s23+$0x43A0] =	vst v8;
	v8 =	vadd.f32 v10, v28;
	v10 =	vld [tilespmem:s23+$0x4410]  }
0x244: {  	[tilespmem:s23+$0x43B0] =	vst v6;
	v6 =	vadd.f32 v7, v24;
	v7 =	vld [tilespmem:s23+$0x4420]  }
0x245: {  	[tilespmem:s23+$0x43C0] =	vst v8;
	v8 =	vadd.f32 v11, v25;
	v11 =	vld [tilespmem:s23+$0x4430]  }
0x246: {  	[tilespmem:s23+$0x43D0] =	vst v6;
	v6 =	vadd.f32 v13, v12;
	v12 =	vld [tilespmem:s23+$0x4440]  }
0x247: {  	[tilespmem:s23+$0x43E0] =	vst v8;
	v8 =	vadd.f32 v14, v9;
	v9 =	vld [tilespmem:s23+$0x4450]  }
0x248: {  	[tilespmem:s23+$0x43F0] =	vst v6;
	v6 =	vadd.f32 v15, v10;
	v10 =	vld [tilespmem:s23+$0x4460]  }
0x249: {  	[tilespmem:s23+$0x4400] =	vst v8;
	v7 =	vadd.f32 v16, v7;
	v8 =	vld [tilespmem:s23+$0x4470]  }
0x24a: {  	[tilespmem:s23+$0x4410] =	vst v6;
	v6 =	vadd.f32 v17, v11;
	v11 =	vld [tilespmem:s23+$0x4480]  }
0x24b: {  	[tilespmem:s23+$0x4420] =	vst v7;
	v12 =	vadd.f32 v18, v12;
	v13 =	vld [tilespmem:s23+$0x4490]  }
.Ltmp4:
0x24c: {  	[tilespmem:s23+$0x4430] =	vst v6;
	v9 =	vadd.f32 v19, v9;
	v7 =	vld [tilespmem:s23+$0x44A0];
	(pc) =	sbr.rel @p1 .LBB2_11-.Ltmp4, $4  }
0x24d: {  	[tilespmem:s23+$0x4440] =	vst v12;
	v10 =	vadd.f32 v20, v10;
	v6 =	vld [tilespmem:s23+$0x44B0]  }
0x24e: {  	[tilespmem:s23+$0x4450] =	vst v9;
	v14 =	vadd.f32 v21, v8;
	v8 =	vld [tilespmem:s23+$0x44C0]  }
0x24f: {  	[tilespmem:s23+$0x4460] =	vst v10;
	v12 =	vadd.f32 v22, v11;
	v9 =	vld [tilespmem:s23+$0x44D0]  }
0x250: {  	s24 =	sadd.s32 $0x600, s24;
	[tilespmem:s23+$0x4470] =	vst v14;
	v11 =	vadd.f32 v23, v13;
	v10 =	vld [tilespmem:s23+$0x44E0]  }
0x251: {  	[tilespmem:s23+$0x4480] =	vst v12;
	v5 =	vadd.f32 v5, v7;
	v7 =	vld [tilespmem:s23+$0x44F0]  }
0x252: {  	[tilespmem:s23+$0x4490] =	vst v11;
	v4 =	vadd.f32 v4, v6  }
0x253: {  	[tilespmem:s23+$0x44A0] =	vst v5;
	v3 =	vadd.f32 v3, v8  }
0x254: {  	[tilespmem:s23+$0x44B0] =	vst v4;
	v2 =	vadd.f32 v2, v9  }
0x255: {  	[tilespmem:s23+$0x44C0] =	vst v3;
	v1 =	vadd.f32 v1, v10  }
0x256: {  	[tilespmem:s23+$0x44D0] =	vst v2;
	v0 =	vadd.f32 v0, v7  }
0x257: {  	[tilespmem:s23+$0x44E0] =	vst v1  }
0x258: {  	s26 =	sadd.s32 $0xD800, s12;
	s24 =	sadd.s32 @!p0 s18, s22;
	[tilespmem:s23+$0x44F0] =	vst v0;
	s23 =	simm.s32 @!p0 $0xD  }
0x259: {  	[hbm4b:s26+s4] =	stream.linear.scatter [tilespmem:s28], [sflag:$0xD], $0xD80, $0x38;
	[tilespmem:$0x7980] =	vst v63  }
0x25a: {  	s24 =	smul.u32 @!p0 $0x1B0, s24;
	_ =	swait.ge @!p0 [sflag:s23], $0xD80  }
0x25b: {  	s25 =	simm.s32 @!p0 $0x4380;
	[sflag:s23] =	ssyncset.done @!p0 $0x0  }
0x25c: {  	[sflag:s23] =	ssyncadd.s32 @!p0 $0xFFFFF280;
	s23 =	sadd.s32 @!p0 s2, s24;
	s24 =	simm.s32 @!p0 $0x0  }
0x25d: {  	[tilespmem:s25], [sflag:$0x5] =	stream.linear.gather @!p0 [hbm4b:s23+s24], $0xD80, $0x38;
	[tilespmem:$0x7980] =	vst v63  }
0x25e: {  	_ =	swait.ge [sflag:s9], $0xD80  }
0x25f: {  	[sflag:s9] =	ssyncset.done $0x0  }
0x260: {  	s23 =	simm.s32 $0x0;
	[sflag:s9] =	ssyncadd.s32 $0xFFFFF280  }
0x261: {  	v6 =	vld [tilespmem:s23+$0x0]  }
0x262: {  	v7 =	vld [tilespmem:s23+$0x10]  }
0x263: {  	v8 =	vld [tilespmem:s23+$0x20]  }
0x264: {  	v9 =	vld [tilespmem:s23+$0x30]  }
0x265: {  	v10 =	vld [tilespmem:s23+$0x40]  }
0x266: {  	v11 =	vld [tilespmem:s23+$0x50]  }
0x267: {  	v12 =	vld [tilespmem:s23+$0x60]  }
0x268: {  	v13 =	vld [tilespmem:s23+$0x70]  }
0x269: {  	v14 =	vld [tilespmem:s23+$0x80]  }
0x26a: {  	v15 =	vld [tilespmem:s23+$0x90]  }
0x26b: {  	v16 =	vld [tilespmem:s23+$0xA0]  }
0x26c: {  	v17 =	vld [tilespmem:s23+$0xB0]  }
0x26d: {  	v18 =	vld [tilespmem:s23+$0xC0]  }
0x26e: {  	v19 =	vld [tilespmem:s23+$0xD0]  }
0x26f: {  	v20 =	vld [tilespmem:s23+$0xE0]  }
0x270: {  	v21 =	vld [tilespmem:s23+$0xF0]  }
0x271: {  	v22 =	vld [tilespmem:s23+$0x100]  }
0x272: {  	v23 =	vld [tilespmem:s23+$0x110]  }
0x273: {  	v5 =	vld [tilespmem:s23+$0x120]  }
0x274: {  	v4 =	vld [tilespmem:s23+$0x130]  }
0x275: {  	v3 =	vld [tilespmem:s23+$0x140]  }
0x276: {  	v2 =	vld [tilespmem:s23+$0x150]  }
0x277: {  	v1 =	vld [tilespmem:s23+$0x160]  }
0x278: {  	v0 =	vld [tilespmem:s23+$0x170]  }
0x279: {  	v24 =	vld [tilespmem:s23+$0x5100]  }
0x27a: {  	v25 =	vld [tilespmem:s23+$0x5110]  }
0x27b: {  	v26 =	vld [tilespmem:s23+$0x5120]  }
0x27c: {  	v27 =	vld [tilespmem:s23+$0x5130]  }
0x27d: {  	v63 =	vld [tilespmem:s23+$0x5150]  }
0x27e: {  	v28 =	vld [tilespmem:s23+$0x5140];
	v6 =	vadd.f32 v6, v24  }
0x27f: {  	v29 =	vld [tilespmem:s23+$0x5160];
	v7 =	vadd.f32 v7, v25  }
0x280: {  	v8 =	vadd.f32 v8, v26;
	[tilespmem:s23+$0x5100] =	vst v6;
	v6 =	vld [tilespmem:s23+$0x5170]  }
0x281: {  	v9 =	vadd.f32 v9, v27;
	[tilespmem:s23+$0x5110] =	vst v7;
	v7 =	vld [tilespmem:s23+$0x5180]  }
0x282: {  	v11 =	vadd.f32 v11, v63;
	[tilespmem:s23+$0x5120] =	vst v8;
	v8 =	vld [tilespmem:s23+$0x5190]  }
0x283: {  	v10 =	vadd.f32 v10, v28;
	[tilespmem:s23+$0x5130] =	vst v9;
	v9 =	vld [tilespmem:s23+$0x51A0]  }
0x284: {  	v12 =	vadd.f32 v12, v29;
	[tilespmem:s23+$0x5150] =	vst v11;
	v11 =	vld [tilespmem:s23+$0x51C0]  }
0x285: {  	[tilespmem:s23+$0x5140] =	vst v10;
	v10 =	vld [tilespmem:s23+$0x51B0];
	v6 =	vadd.f32 v13, v6  }
0x286: {  	[tilespmem:s23+$0x5160] =	vst v12;
	v12 =	vld [tilespmem:s23+$0x51D0];
	v7 =	vadd.f32 v14, v7  }
0x287: {  	v14 =	vld [tilespmem:s23+$0x51F0];
	[tilespmem:s23+$0x5170] =	vst v6;
	v6 =	vadd.f32 v15, v8  }
0x288: {  	v13 =	vld [tilespmem:s23+$0x51E0];
	[tilespmem:s23+$0x5180] =	vst v7;
	v7 =	vadd.f32 v16, v9  }
0x289: {  	v15 =	vld [tilespmem:s23+$0x5200];
	v8 =	vadd.f32 v18, v11;
	[tilespmem:s23+$0x5190] =	vst v6  }
0x28a: {  	v6 =	vadd.f32 v17, v10;
	[tilespmem:s23+$0x51A0] =	vst v7;
	v10 =	vld [tilespmem:s23+$0x5210]  }
0x28b: {  	v9 =	vadd.f32 v19, v12;
	v7 =	vld [tilespmem:s23+$0x5220];
	[tilespmem:s23+$0x51C0] =	vst v8  }
0x28c: {  	v12 =	vadd.f32 v21, v14;
	[tilespmem:s23+$0x51B0] =	vst v6;
	v6 =	vld [tilespmem:s23+$0x5230]  }
0x28d: {  	[tilespmem:s23+$0x51D0] =	vst v9;
	v8 =	vld [tilespmem:s23+$0x5240];
	v11 =	vadd.f32 v20, v13  }
0x28e: {  	v9 =	vld [tilespmem:s23+$0x5250];
	[tilespmem:s23+$0x51F0] =	vst v12;
	v12 =	vadd.f32 v22, v15  }
0x28f: {  	s24 =	simm.s32 $0x600;
	[tilespmem:s23+$0x51E0] =	vst v11;
	v11 =	vadd.f32 v23, v10;
	v10 =	vld [tilespmem:s23+$0x5260]  }
.LBB2_13:
0x290: {  	s25 =	sshra.s32 s24, $0x2;
	p1 =	sne.s32 s24, $0x3000;
	[tilespmem:s23+$0x5200] =	vst v12;
	v5 =	vadd.f32 v5, v7;
	v7 =	vld [tilespmem:s23+$0x5270]  }
0x291: {  	v12 =	vld [tilespmem:s25+$0x0];
	[tilespmem:s23+$0x5210] =	vst v11;
	v4 =	vadd.f32 v4, v6  }
0x292: {  	v6 =	vld [tilespmem:s25+$0x10];
	[tilespmem:s23+$0x5220] =	vst v5;
	v3 =	vadd.f32 v3, v8  }
0x293: {  	v8 =	vld [tilespmem:s25+$0x20];
	[tilespmem:s23+$0x5230] =	vst v4;
	v2 =	vadd.f32 v2, v9  }
0x294: {  	v9 =	vld [tilespmem:s25+$0x30];
	[tilespmem:s23+$0x5240] =	vst v3;
	v1 =	vadd.f32 v1, v10  }
0x295: {  	v10 =	vld [tilespmem:s25+$0x40];
	[tilespmem:s23+$0x5250] =	vst v2;
	v0 =	vadd.f32 v0, v7  }
0x296: {  	v7 =	vld [tilespmem:s25+$0x50];
	[tilespmem:s23+$0x5260] =	vst v1  }
0x297: {  	v11 =	vld [tilespmem:s25+$0x60];
	[tilespmem:s23+$0x5270] =	vst v0;
	s23 =	smov.u32 s25  }
0x298: {  	v13 =	vld [tilespmem:s23+$0x70]  }
0x299: {  	v14 =	vld [tilespmem:s23+$0x80]  }
0x29a: {  	v15 =	vld [tilespmem:s23+$0x90]  }
0x29b: {  	v16 =	vld [tilespmem:s23+$0xA0]  }
0x29c: {  	v17 =	vld [tilespmem:s23+$0xB0]  }
0x29d: {  	v18 =	vld [tilespmem:s23+$0xC0]  }
0x29e: {  	v19 =	vld [tilespmem:s23+$0xD0]  }
0x29f: {  	v20 =	vld [tilespmem:s23+$0xE0]  }
0x2a0: {  	v21 =	vld [tilespmem:s23+$0xF0]  }
0x2a1: {  	v22 =	vld [tilespmem:s23+$0x100]  }
0x2a2: {  	v23 =	vld [tilespmem:s23+$0x110]  }
0x2a3: {  	v5 =	vld [tilespmem:s23+$0x120]  }
0x2a4: {  	v4 =	vld [tilespmem:s23+$0x130]  }
0x2a5: {  	v3 =	vld [tilespmem:s23+$0x140]  }
0x2a6: {  	v2 =	vld [tilespmem:s23+$0x150]  }
0x2a7: {  	v1 =	vld [tilespmem:s23+$0x160]  }
0x2a8: {  	v0 =	vld [tilespmem:s23+$0x170]  }
0x2a9: {  	v24 =	vld [tilespmem:s23+$0x5100]  }
0x2aa: {  	v25 =	vld [tilespmem:s23+$0x5110]  }
0x2ab: {  	v26 =	vld [tilespmem:s23+$0x5120]  }
0x2ac: {  	v27 =	vld [tilespmem:s23+$0x5130]  }
0x2ad: {  	v28 =	vld [tilespmem:s23+$0x5140]  }
0x2ae: {  	v12 =	vadd.f32 v12, v24;
	v24 =	vld [tilespmem:s23+$0x5150]  }
0x2af: {  	v6 =	vadd.f32 v6, v25;
	v25 =	vld [tilespmem:s23+$0x5160]  }
0x2b0: {  	[tilespmem:s23+$0x5100] =	vst v12;
	v8 =	vadd.f32 v8, v26;
	v12 =	vld [tilespmem:s23+$0x5170]  }
0x2b1: {  	[tilespmem:s23+$0x5110] =	vst v6;
	v6 =	vadd.f32 v9, v27;
	v9 =	vld [tilespmem:s23+$0x5180]  }
0x2b2: {  	[tilespmem:s23+$0x5120] =	vst v8;
	v8 =	vadd.f32 v10, v28;
	v10 =	vld [tilespmem:s23+$0x5190]  }
0x2b3: {  	[tilespmem:s23+$0x5130] =	vst v6;
	v6 =	vadd.f32 v7, v24;
	v7 =	vld [tilespmem:s23+$0x51A0]  }
0x2b4: {  	[tilespmem:s23+$0x5140] =	vst v8;
	v8 =	vadd.f32 v11, v25;
	v11 =	vld [tilespmem:s23+$0x51B0]  }
0x2b5: {  	[tilespmem:s23+$0x5150] =	vst v6;
	v6 =	vadd.f32 v13, v12;
	v12 =	vld [tilespmem:s23+$0x51C0]  }
0x2b6: {  	[tilespmem:s23+$0x5160] =	vst v8;
	v8 =	vadd.f32 v14, v9;
	v9 =	vld [tilespmem:s23+$0x51D0]  }
0x2b7: {  	[tilespmem:s23+$0x5170] =	vst v6;
	v6 =	vadd.f32 v15, v10;
	v10 =	vld [tilespmem:s23+$0x51E0]  }
0x2b8: {  	[tilespmem:s23+$0x5180] =	vst v8;
	v7 =	vadd.f32 v16, v7;
	v8 =	vld [tilespmem:s23+$0x51F0]  }
0x2b9: {  	[tilespmem:s23+$0x5190] =	vst v6;
	v6 =	vadd.f32 v17, v11;
	v11 =	vld [tilespmem:s23+$0x5200]  }
0x2ba: {  	[tilespmem:s23+$0x51A0] =	vst v7;
	v12 =	vadd.f32 v18, v12;
	v13 =	vld [tilespmem:s23+$0x5210]  }
.Ltmp5:
0x2bb: {  	[tilespmem:s23+$0x51B0] =	vst v6;
	v9 =	vadd.f32 v19, v9;
	v7 =	vld [tilespmem:s23+$0x5220];
	(pc) =	sbr.rel @p1 .LBB2_13-.Ltmp5, $4  }
0x2bc: {  	[tilespmem:s23+$0x51C0] =	vst v12;
	v10 =	vadd.f32 v20, v10;
	v6 =	vld [tilespmem:s23+$0x5230]  }
0x2bd: {  	[tilespmem:s23+$0x51D0] =	vst v9;
	v14 =	vadd.f32 v21, v8;
	v8 =	vld [tilespmem:s23+$0x5240]  }
0x2be: {  	[tilespmem:s23+$0x51E0] =	vst v10;
	v12 =	vadd.f32 v22, v11;
	v9 =	vld [tilespmem:s23+$0x5250]  }
0x2bf: {  	s24 =	sadd.s32 $0x600, s24;
	[tilespmem:s23+$0x51F0] =	vst v14;
	v11 =	vadd.f32 v23, v13;
	v10 =	vld [tilespmem:s23+$0x5260]  }
0x2c0: {  	[tilespmem:s23+$0x5200] =	vst v12;
	v5 =	vadd.f32 v5, v7;
	v7 =	vld [tilespmem:s23+$0x5270]  }
0x2c1: {  	[tilespmem:s23+$0x5210] =	vst v11;
	v4 =	vadd.f32 v4, v6  }
0x2c2: {  	[tilespmem:s23+$0x5220] =	vst v5;
	v3 =	vadd.f32 v3, v8  }
0x2c3: {  	[tilespmem:s23+$0x5230] =	vst v4;
	v2 =	vadd.f32 v2, v9  }
0x2c4: {  	[tilespmem:s23+$0x5240] =	vst v3;
	v1 =	vadd.f32 v1, v10  }
0x2c5: {  	[tilespmem:s23+$0x5250] =	vst v2;
	v0 =	vadd.f32 v0, v7  }
0x2c6: {  	[tilespmem:s23+$0x5260] =	vst v1  }
0x2c7: {  	s26 =	sadd.s32 $0x10E00, s12;
	s24 =	sadd.s32 @!p0 s19, s22;
	[tilespmem:s23+$0x5270] =	vst v0;
	s23 =	simm.s32 @!p0 $0xE  }
0x2c8: {  	[hbm4b:s26+s4] =	stream.linear.scatter [tilespmem:s29], [sflag:$0xE], $0xD80, $0x38;
	[tilespmem:$0x7980] =	vst v63  }
0x2c9: {  	s24 =	smul.u32 @!p0 $0x1B0, s24;
	_ =	swait.ge @!p0 [sflag:s23], $0xD80  }
0x2ca: {  	s25 =	simm.s32 @!p0 $0x5100;
	[sflag:s23] =	ssyncset.done @!p0 $0x0  }
0x2cb: {  	[sflag:s23] =	ssyncadd.s32 @!p0 $0xFFFFF280;
	s23 =	sadd.s32 @!p0 s2, s24;
	s24 =	simm.s32 @!p0 $0x0  }
0x2cc: {  	[tilespmem:s25], [sflag:$0x6] =	stream.linear.gather @!p0 [hbm4b:s23+s24], $0xD80, $0x38;
	[tilespmem:$0x7980] =	vst v63  }
0x2cd: {  	_ =	swait.ge [sflag:s10], $0xD80  }
0x2ce: {  	[sflag:s10] =	ssyncset.done $0x0  }
0x2cf: {  	s23 =	simm.s32 $0x0;
	[sflag:s10] =	ssyncadd.s32 $0xFFFFF280  }
0x2d0: {  	v6 =	vld [tilespmem:s23+$0x0]  }
0x2d1: {  	v7 =	vld [tilespmem:s23+$0x10]  }
0x2d2: {  	v8 =	vld [tilespmem:s23+$0x20]  }
0x2d3: {  	v9 =	vld [tilespmem:s23+$0x30]  }
0x2d4: {  	v10 =	vld [tilespmem:s23+$0x40]  }
0x2d5: {  	v11 =	vld [tilespmem:s23+$0x50]  }
0x2d6: {  	v12 =	vld [tilespmem:s23+$0x60]  }
0x2d7: {  	v13 =	vld [tilespmem:s23+$0x70]  }
0x2d8: {  	v14 =	vld [tilespmem:s23+$0x80]  }
0x2d9: {  	v15 =	vld [tilespmem:s23+$0x90]  }
0x2da: {  	v16 =	vld [tilespmem:s23+$0xA0]  }
0x2db: {  	v17 =	vld [tilespmem:s23+$0xB0]  }
0x2dc: {  	v18 =	vld [tilespmem:s23+$0xC0]  }
0x2dd: {  	v19 =	vld [tilespmem:s23+$0xD0]  }
0x2de: {  	v20 =	vld [tilespmem:s23+$0xE0]  }
0x2df: {  	v21 =	vld [tilespmem:s23+$0xF0]  }
0x2e0: {  	v22 =	vld [tilespmem:s23+$0x100]  }
0x2e1: {  	v23 =	vld [tilespmem:s23+$0x110]  }
0x2e2: {  	v5 =	vld [tilespmem:s23+$0x120]  }
0x2e3: {  	v4 =	vld [tilespmem:s23+$0x130]  }
0x2e4: {  	v3 =	vld [tilespmem:s23+$0x140]  }
0x2e5: {  	v2 =	vld [tilespmem:s23+$0x150]  }
0x2e6: {  	v1 =	vld [tilespmem:s23+$0x160]  }
0x2e7: {  	v0 =	vld [tilespmem:s23+$0x170]  }
0x2e8: {  	v24 =	vld [tilespmem:s23+$0x5E80]  }
0x2e9: {  	v25 =	vld [tilespmem:s23+$0x5E90]  }
0x2ea: {  	v26 =	vld [tilespmem:s23+$0x5EA0]  }
0x2eb: {  	v27 =	vld [tilespmem:s23+$0x5EB0]  }
0x2ec: {  	v63 =	vld [tilespmem:s23+$0x5ED0]  }
0x2ed: {  	v28 =	vld [tilespmem:s23+$0x5EC0];
	v6 =	vadd.f32 v6, v24  }
0x2ee: {  	v29 =	vld [tilespmem:s23+$0x5EE0];
	v7 =	vadd.f32 v7, v25  }
0x2ef: {  	v8 =	vadd.f32 v8, v26;
	[tilespmem:s23+$0x5E80] =	vst v6;
	v6 =	vld [tilespmem:s23+$0x5EF0]  }
0x2f0: {  	v9 =	vadd.f32 v9, v27;
	[tilespmem:s23+$0x5E90] =	vst v7;
	v7 =	vld [tilespmem:s23+$0x5F00]  }
0x2f1: {  	v11 =	vadd.f32 v11, v63;
	[tilespmem:s23+$0x5EA0] =	vst v8;
	v8 =	vld [tilespmem:s23+$0x5F10]  }
0x2f2: {  	v10 =	vadd.f32 v10, v28;
	[tilespmem:s23+$0x5EB0] =	vst v9;
	v9 =	vld [tilespmem:s23+$0x5F20]  }
0x2f3: {  	v12 =	vadd.f32 v12, v29;
	[tilespmem:s23+$0x5ED0] =	vst v11;
	v11 =	vld [tilespmem:s23+$0x5F40]  }
0x2f4: {  	[tilespmem:s23+$0x5EC0] =	vst v10;
	v10 =	vld [tilespmem:s23+$0x5F30];
	v6 =	vadd.f32 v13, v6  }
0x2f5: {  	[tilespmem:s23+$0x5EE0] =	vst v12;
	v12 =	vld [tilespmem:s23+$0x5F50];
	v7 =	vadd.f32 v14, v7  }
0x2f6: {  	v14 =	vld [tilespmem:s23+$0x5F70];
	[tilespmem:s23+$0x5EF0] =	vst v6;
	v6 =	vadd.f32 v15, v8  }
0x2f7: {  	v13 =	vld [tilespmem:s23+$0x5F60];
	[tilespmem:s23+$0x5F00] =	vst v7;
	v7 =	vadd.f32 v16, v9  }
0x2f8: {  	v15 =	vld [tilespmem:s23+$0x5F80];
	v8 =	vadd.f32 v18, v11;
	[tilespmem:s23+$0x5F10] =	vst v6  }
0x2f9: {  	v6 =	vadd.f32 v17, v10;
	[tilespmem:s23+$0x5F20] =	vst v7;
	v10 =	vld [tilespmem:s23+$0x5F90]  }
0x2fa: {  	v9 =	vadd.f32 v19, v12;
	v7 =	vld [tilespmem:s23+$0x5FA0];
	[tilespmem:s23+$0x5F40] =	vst v8  }
0x2fb: {  	v12 =	vadd.f32 v21, v14;
	[tilespmem:s23+$0x5F30] =	vst v6;
	v6 =	vld [tilespmem:s23+$0x5FB0]  }
0x2fc: {  	[tilespmem:s23+$0x5F50] =	vst v9;
	v8 =	vld [tilespmem:s23+$0x5FC0];
	v11 =	vadd.f32 v20, v13  }
0x2fd: {  	v9 =	vld [tilespmem:s23+$0x5FD0];
	[tilespmem:s23+$0x5F70] =	vst v12;
	v12 =	vadd.f32 v22, v15  }
0x2fe: {  	s24 =	simm.s32 $0x600;
	[tilespmem:s23+$0x5F60] =	vst v11;
	v11 =	vadd.f32 v23, v10;
	v10 =	vld [tilespmem:s23+$0x5FE0]  }
.LBB2_15:
0x2ff: {  	s25 =	sshra.s32 s24, $0x2;
	p1 =	sne.s32 s24, $0x3000;
	[tilespmem:s23+$0x5F80] =	vst v12;
	v5 =	vadd.f32 v5, v7;
	v7 =	vld [tilespmem:s23+$0x5FF0]  }
0x300: {  	v12 =	vld [tilespmem:s25+$0x0];
	[tilespmem:s23+$0x5F90] =	vst v11;
	v4 =	vadd.f32 v4, v6  }
0x301: {  	v6 =	vld [tilespmem:s25+$0x10];
	[tilespmem:s23+$0x5FA0] =	vst v5;
	v3 =	vadd.f32 v3, v8  }
0x302: {  	v8 =	vld [tilespmem:s25+$0x20];
	[tilespmem:s23+$0x5FB0] =	vst v4;
	v2 =	vadd.f32 v2, v9  }
0x303: {  	v9 =	vld [tilespmem:s25+$0x30];
	[tilespmem:s23+$0x5FC0] =	vst v3;
	v1 =	vadd.f32 v1, v10  }
0x304: {  	v10 =	vld [tilespmem:s25+$0x40];
	[tilespmem:s23+$0x5FD0] =	vst v2;
	v0 =	vadd.f32 v0, v7  }
0x305: {  	v7 =	vld [tilespmem:s25+$0x50];
	[tilespmem:s23+$0x5FE0] =	vst v1  }
0x306: {  	v11 =	vld [tilespmem:s25+$0x60];
	[tilespmem:s23+$0x5FF0] =	vst v0;
	s23 =	smov.u32 s25  }
0x307: {  	v13 =	vld [tilespmem:s23+$0x70]  }
0x308: {  	v14 =	vld [tilespmem:s23+$0x80]  }
0x309: {  	v15 =	vld [tilespmem:s23+$0x90]  }
0x30a: {  	v16 =	vld [tilespmem:s23+$0xA0]  }
0x30b: {  	v17 =	vld [tilespmem:s23+$0xB0]  }
0x30c: {  	v18 =	vld [tilespmem:s23+$0xC0]  }
0x30d: {  	v19 =	vld [tilespmem:s23+$0xD0]  }
0x30e: {  	v20 =	vld [tilespmem:s23+$0xE0]  }
0x30f: {  	v21 =	vld [tilespmem:s23+$0xF0]  }
0x310: {  	v22 =	vld [tilespmem:s23+$0x100]  }
0x311: {  	v23 =	vld [tilespmem:s23+$0x110]  }
0x312: {  	v5 =	vld [tilespmem:s23+$0x120]  }
0x313: {  	v4 =	vld [tilespmem:s23+$0x130]  }
0x314: {  	v3 =	vld [tilespmem:s23+$0x140]  }
0x315: {  	v2 =	vld [tilespmem:s23+$0x150]  }
0x316: {  	v1 =	vld [tilespmem:s23+$0x160]  }
0x317: {  	v0 =	vld [tilespmem:s23+$0x170]  }
0x318: {  	v24 =	vld [tilespmem:s23+$0x5E80]  }
0x319: {  	v25 =	vld [tilespmem:s23+$0x5E90]  }
0x31a: {  	v26 =	vld [tilespmem:s23+$0x5EA0]  }
0x31b: {  	v27 =	vld [tilespmem:s23+$0x5EB0]  }
0x31c: {  	v28 =	vld [tilespmem:s23+$0x5EC0]  }
0x31d: {  	v12 =	vadd.f32 v12, v24;
	v24 =	vld [tilespmem:s23+$0x5ED0]  }
0x31e: {  	v6 =	vadd.f32 v6, v25;
	v25 =	vld [tilespmem:s23+$0x5EE0]  }
0x31f: {  	[tilespmem:s23+$0x5E80] =	vst v12;
	v8 =	vadd.f32 v8, v26;
	v12 =	vld [tilespmem:s23+$0x5EF0]  }
0x320: {  	[tilespmem:s23+$0x5E90] =	vst v6;
	v6 =	vadd.f32 v9, v27;
	v9 =	vld [tilespmem:s23+$0x5F00]  }
0x321: {  	[tilespmem:s23+$0x5EA0] =	vst v8;
	v8 =	vadd.f32 v10, v28;
	v10 =	vld [tilespmem:s23+$0x5F10]  }
0x322: {  	[tilespmem:s23+$0x5EB0] =	vst v6;
	v6 =	vadd.f32 v7, v24;
	v7 =	vld [tilespmem:s23+$0x5F20]  }
0x323: {  	[tilespmem:s23+$0x5EC0] =	vst v8;
	v8 =	vadd.f32 v11, v25;
	v11 =	vld [tilespmem:s23+$0x5F30]  }
0x324: {  	[tilespmem:s23+$0x5ED0] =	vst v6;
	v6 =	vadd.f32 v13, v12;
	v12 =	vld [tilespmem:s23+$0x5F40]  }
0x325: {  	[tilespmem:s23+$0x5EE0] =	vst v8;
	v8 =	vadd.f32 v14, v9;
	v9 =	vld [tilespmem:s23+$0x5F50]  }
0x326: {  	[tilespmem:s23+$0x5EF0] =	vst v6;
	v6 =	vadd.f32 v15, v10;
	v10 =	vld [tilespmem:s23+$0x5F60]  }
0x327: {  	[tilespmem:s23+$0x5F00] =	vst v8;
	v7 =	vadd.f32 v16, v7;
	v8 =	vld [tilespmem:s23+$0x5F70]  }
0x328: {  	[tilespmem:s23+$0x5F10] =	vst v6;
	v6 =	vadd.f32 v17, v11;
	v11 =	vld [tilespmem:s23+$0x5F80]  }
0x329: {  	[tilespmem:s23+$0x5F20] =	vst v7;
	v12 =	vadd.f32 v18, v12;
	v13 =	vld [tilespmem:s23+$0x5F90]  }
.Ltmp6:
0x32a: {  	[tilespmem:s23+$0x5F30] =	vst v6;
	v9 =	vadd.f32 v19, v9;
	v7 =	vld [tilespmem:s23+$0x5FA0];
	(pc) =	sbr.rel @p1 .LBB2_15-.Ltmp6, $4  }
0x32b: {  	[tilespmem:s23+$0x5F40] =	vst v12;
	v10 =	vadd.f32 v20, v10;
	v6 =	vld [tilespmem:s23+$0x5FB0]  }
0x32c: {  	[tilespmem:s23+$0x5F50] =	vst v9;
	v14 =	vadd.f32 v21, v8;
	v8 =	vld [tilespmem:s23+$0x5FC0]  }
0x32d: {  	[tilespmem:s23+$0x5F60] =	vst v10;
	v12 =	vadd.f32 v22, v11;
	v9 =	vld [tilespmem:s23+$0x5FD0]  }
0x32e: {  	s24 =	sadd.s32 $0x600, s24;
	[tilespmem:s23+$0x5F70] =	vst v14;
	v11 =	vadd.f32 v23, v13;
	v10 =	vld [tilespmem:s23+$0x5FE0]  }
0x32f: {  	[tilespmem:s23+$0x5F80] =	vst v12;
	v5 =	vadd.f32 v5, v7;
	v7 =	vld [tilespmem:s23+$0x5FF0]  }
0x330: {  	[tilespmem:s23+$0x5F90] =	vst v11;
	v4 =	vadd.f32 v4, v6  }
0x331: {  	[tilespmem:s23+$0x5FA0] =	vst v5;
	v3 =	vadd.f32 v3, v8  }
0x332: {  	[tilespmem:s23+$0x5FB0] =	vst v4;
	v2 =	vadd.f32 v2, v9  }
0x333: {  	[tilespmem:s23+$0x5FC0] =	vst v3;
	v1 =	vadd.f32 v1, v10  }
0x334: {  	[tilespmem:s23+$0x5FD0] =	vst v2;
	v0 =	vadd.f32 v0, v7  }
0x335: {  	[tilespmem:s23+$0x5FE0] =	vst v1  }
0x336: {  	s12 =	sadd.s32 $0x14400, s12;
	[tilespmem:s23+$0x5FF0] =	vst v0  }
0x337: {  	[hbm4b:s12+s4] =	stream.linear.scatter [tilespmem:s30], [sflag:$0xF], $0xD80, $0x38;
	[tilespmem:$0x7980] =	vst v63  }
0x338: {  	s22 =	sadd.s32 @!p0 s20, s22;
	s12 =	simm.s32 @!p0 $0xF  }
0x339: {  	s22 =	smul.u32 @!p0 $0x1B0, s22;
	_ =	swait.ge @!p0 [sflag:s12], $0xD80  }
0x33a: {  	s23 =	simm.s32 @!p0 $0x5E80;
	[sflag:s12] =	ssyncset.done @!p0 $0x0  }
0x33b: {  	[sflag:s12] =	ssyncadd.s32 @!p0 $0xFFFFF280;
	s12 =	sadd.s32 @!p0 s2, s22;
	s22 =	simm.s32 @!p0 $0x0  }
0x33c: {  	[tilespmem:s23], [sflag:$0x7] =	stream.linear.gather @!p0 [hbm4b:s12+s22], $0xD80, $0x38;
	[tilespmem:$0x7980] =	vst v63  }
0x33d: {  	_ =	swait.ge [sflag:s11], $0xD80  }
0x33e: {  	[sflag:s11] =	ssyncset.done $0x0  }
0x33f: {  	s12 =	simm.s32 $0x0;
	[sflag:s11] =	ssyncadd.s32 $0xFFFFF280  }
0x340: {  	v6 =	vld [tilespmem:s12+$0x0]  }
0x341: {  	v7 =	vld [tilespmem:s12+$0x10]  }
0x342: {  	v8 =	vld [tilespmem:s12+$0x20]  }
0x343: {  	v9 =	vld [tilespmem:s12+$0x30]  }
0x344: {  	v10 =	vld [tilespmem:s12+$0x40]  }
0x345: {  	v11 =	vld [tilespmem:s12+$0x50]  }
0x346: {  	v12 =	vld [tilespmem:s12+$0x60]  }
0x347: {  	v13 =	vld [tilespmem:s12+$0x70]  }
0x348: {  	v14 =	vld [tilespmem:s12+$0x80]  }
0x349: {  	v15 =	vld [tilespmem:s12+$0x90]  }
0x34a: {  	v16 =	vld [tilespmem:s12+$0xA0]  }
0x34b: {  	v17 =	vld [tilespmem:s12+$0xB0]  }
0x34c: {  	v18 =	vld [tilespmem:s12+$0xC0]  }
0x34d: {  	v19 =	vld [tilespmem:s12+$0xD0]  }
0x34e: {  	v20 =	vld [tilespmem:s12+$0xE0]  }
0x34f: {  	v21 =	vld [tilespmem:s12+$0xF0]  }
0x350: {  	v22 =	vld [tilespmem:s12+$0x100]  }
0x351: {  	v23 =	vld [tilespmem:s12+$0x110]  }
0x352: {  	v5 =	vld [tilespmem:s12+$0x120]  }
0x353: {  	v4 =	vld [tilespmem:s12+$0x130]  }
0x354: {  	v3 =	vld [tilespmem:s12+$0x140]  }
0x355: {  	v2 =	vld [tilespmem:s12+$0x150]  }
0x356: {  	v1 =	vld [tilespmem:s12+$0x160]  }
0x357: {  	v0 =	vld [tilespmem:s12+$0x170]  }
0x358: {  	v24 =	vld [tilespmem:s12+$0x6C00]  }
0x359: {  	v25 =	vld [tilespmem:s12+$0x6C10]  }
0x35a: {  	v26 =	vld [tilespmem:s12+$0x6C20]  }
0x35b: {  	v27 =	vld [tilespmem:s12+$0x6C30]  }
0x35c: {  	v63 =	vld [tilespmem:s12+$0x6C50]  }
0x35d: {  	v28 =	vld [tilespmem:s12+$0x6C40];
	v6 =	vadd.f32 v6, v24  }
0x35e: {  	v29 =	vld [tilespmem:s12+$0x6C60];
	v7 =	vadd.f32 v7, v25  }
0x35f: {  	v8 =	vadd.f32 v8, v26;
	[tilespmem:s12+$0x6C00] =	vst v6;
	v6 =	vld [tilespmem:s12+$0x6C70]  }
0x360: {  	v9 =	vadd.f32 v9, v27;
	[tilespmem:s12+$0x6C10] =	vst v7;
	v7 =	vld [tilespmem:s12+$0x6C80]  }
0x361: {  	v11 =	vadd.f32 v11, v63;
	[tilespmem:s12+$0x6C20] =	vst v8;
	v8 =	vld [tilespmem:s12+$0x6C90]  }
0x362: {  	v10 =	vadd.f32 v10, v28;
	[tilespmem:s12+$0x6C30] =	vst v9;
	v9 =	vld [tilespmem:s12+$0x6CA0]  }
0x363: {  	v12 =	vadd.f32 v12, v29;
	[tilespmem:s12+$0x6C50] =	vst v11;
	v11 =	vld [tilespmem:s12+$0x6CC0]  }
0x364: {  	[tilespmem:s12+$0x6C40] =	vst v10;
	v10 =	vld [tilespmem:s12+$0x6CB0];
	v6 =	vadd.f32 v13, v6  }
0x365: {  	[tilespmem:s12+$0x6C60] =	vst v12;
	v12 =	vld [tilespmem:s12+$0x6CD0];
	v7 =	vadd.f32 v14, v7  }
0x366: {  	v14 =	vld [tilespmem:s12+$0x6CF0];
	[tilespmem:s12+$0x6C70] =	vst v6;
	v6 =	vadd.f32 v15, v8  }
0x367: {  	v13 =	vld [tilespmem:s12+$0x6CE0];
	[tilespmem:s12+$0x6C80] =	vst v7;
	v7 =	vadd.f32 v16, v9  }
0x368: {  	v15 =	vld [tilespmem:s12+$0x6D00];
	v8 =	vadd.f32 v18, v11;
	[tilespmem:s12+$0x6C90] =	vst v6  }
0x369: {  	v6 =	vadd.f32 v17, v10;
	[tilespmem:s12+$0x6CA0] =	vst v7;
	v10 =	vld [tilespmem:s12+$0x6D10]  }
0x36a: {  	v9 =	vadd.f32 v19, v12;
	v7 =	vld [tilespmem:s12+$0x6D20];
	[tilespmem:s12+$0x6CC0] =	vst v8  }
0x36b: {  	v12 =	vadd.f32 v21, v14;
	[tilespmem:s12+$0x6CB0] =	vst v6;
	v6 =	vld [tilespmem:s12+$0x6D30]  }
0x36c: {  	[tilespmem:s12+$0x6CD0] =	vst v9;
	v8 =	vld [tilespmem:s12+$0x6D40];
	v11 =	vadd.f32 v20, v13  }
0x36d: {  	v9 =	vld [tilespmem:s12+$0x6D50];
	[tilespmem:s12+$0x6CF0] =	vst v12;
	v12 =	vadd.f32 v22, v15  }
0x36e: {  	s22 =	simm.s32 $0x600;
	[tilespmem:s12+$0x6CE0] =	vst v11;
	v11 =	vadd.f32 v23, v10;
	v10 =	vld [tilespmem:s12+$0x6D60]  }
.LBB2_17:
0x36f: {  	s23 =	sshra.s32 s22, $0x2;
	p0 =	sne.s32 s22, $0x3000;
	[tilespmem:s12+$0x6D00] =	vst v12;
	v5 =	vadd.f32 v5, v7;
	v7 =	vld [tilespmem:s12+$0x6D70]  }
0x370: {  	v12 =	vld [tilespmem:s23+$0x0];
	[tilespmem:s12+$0x6D10] =	vst v11;
	v4 =	vadd.f32 v4, v6  }
0x371: {  	v6 =	vld [tilespmem:s23+$0x10];
	[tilespmem:s12+$0x6D20] =	vst v5;
	v3 =	vadd.f32 v3, v8  }
0x372: {  	v8 =	vld [tilespmem:s23+$0x20];
	[tilespmem:s12+$0x6D30] =	vst v4;
	v2 =	vadd.f32 v2, v9  }
0x373: {  	v9 =	vld [tilespmem:s23+$0x30];
	[tilespmem:s12+$0x6D40] =	vst v3;
	v1 =	vadd.f32 v1, v10  }
0x374: {  	v10 =	vld [tilespmem:s23+$0x40];
	[tilespmem:s12+$0x6D50] =	vst v2;
	v0 =	vadd.f32 v0, v7  }
0x375: {  	v7 =	vld [tilespmem:s23+$0x50];
	[tilespmem:s12+$0x6D60] =	vst v1  }
0x376: {  	v11 =	vld [tilespmem:s23+$0x60];
	[tilespmem:s12+$0x6D70] =	vst v0;
	s12 =	smov.u32 s23  }
0x377: {  	v13 =	vld [tilespmem:s12+$0x70]  }
0x378: {  	v14 =	vld [tilespmem:s12+$0x80]  }
0x379: {  	v15 =	vld [tilespmem:s12+$0x90]  }
0x37a: {  	v16 =	vld [tilespmem:s12+$0xA0]  }
0x37b: {  	v17 =	vld [tilespmem:s12+$0xB0]  }
0x37c: {  	v18 =	vld [tilespmem:s12+$0xC0]  }
0x37d: {  	v19 =	vld [tilespmem:s12+$0xD0]  }
0x37e: {  	v20 =	vld [tilespmem:s12+$0xE0]  }
0x37f: {  	v21 =	vld [tilespmem:s12+$0xF0]  }
0x380: {  	v22 =	vld [tilespmem:s12+$0x100]  }
0x381: {  	v23 =	vld [tilespmem:s12+$0x110]  }
0x382: {  	v5 =	vld [tilespmem:s12+$0x120]  }
0x383: {  	v4 =	vld [tilespmem:s12+$0x130]  }
0x384: {  	v3 =	vld [tilespmem:s12+$0x140]  }
0x385: {  	v2 =	vld [tilespmem:s12+$0x150]  }
0x386: {  	v1 =	vld [tilespmem:s12+$0x160]  }
0x387: {  	v0 =	vld [tilespmem:s12+$0x170]  }
0x388: {  	v24 =	vld [tilespmem:s12+$0x6C00]  }
0x389: {  	v25 =	vld [tilespmem:s12+$0x6C10]  }
0x38a: {  	v26 =	vld [tilespmem:s12+$0x6C20]  }
0x38b: {  	v27 =	vld [tilespmem:s12+$0x6C30]  }
0x38c: {  	v28 =	vld [tilespmem:s12+$0x6C40]  }
0x38d: {  	v12 =	vadd.f32 v12, v24;
	v24 =	vld [tilespmem:s12+$0x6C50]  }
0x38e: {  	v6 =	vadd.f32 v6, v25;
	v25 =	vld [tilespmem:s12+$0x6C60]  }
0x38f: {  	[tilespmem:s12+$0x6C00] =	vst v12;
	v8 =	vadd.f32 v8, v26;
	v12 =	vld [tilespmem:s12+$0x6C70]  }
0x390: {  	[tilespmem:s12+$0x6C10] =	vst v6;
	v6 =	vadd.f32 v9, v27;
	v9 =	vld [tilespmem:s12+$0x6C80]  }
0x391: {  	[tilespmem:s12+$0x6C20] =	vst v8;
	v8 =	vadd.f32 v10, v28;
	v10 =	vld [tilespmem:s12+$0x6C90]  }
0x392: {  	[tilespmem:s12+$0x6C30] =	vst v6;
	v6 =	vadd.f32 v7, v24;
	v7 =	vld [tilespmem:s12+$0x6CA0]  }
0x393: {  	[tilespmem:s12+$0x6C40] =	vst v8;
	v8 =	vadd.f32 v11, v25;
	v11 =	vld [tilespmem:s12+$0x6CB0]  }
0x394: {  	[tilespmem:s12+$0x6C50] =	vst v6;
	v6 =	vadd.f32 v13, v12;
	v12 =	vld [tilespmem:s12+$0x6CC0]  }
0x395: {  	[tilespmem:s12+$0x6C60] =	vst v8;
	v8 =	vadd.f32 v14, v9;
	v9 =	vld [tilespmem:s12+$0x6CD0]  }
0x396: {  	[tilespmem:s12+$0x6C70] =	vst v6;
	v6 =	vadd.f32 v15, v10;
	v10 =	vld [tilespmem:s12+$0x6CE0]  }
0x397: {  	[tilespmem:s12+$0x6C80] =	vst v8;
	v7 =	vadd.f32 v16, v7;
	v8 =	vld [tilespmem:s12+$0x6CF0]  }
0x398: {  	[tilespmem:s12+$0x6C90] =	vst v6;
	v6 =	vadd.f32 v17, v11;
	v11 =	vld [tilespmem:s12+$0x6D00]  }
0x399: {  	[tilespmem:s12+$0x6CA0] =	vst v7;
	v12 =	vadd.f32 v18, v12;
	v13 =	vld [tilespmem:s12+$0x6D10]  }
.Ltmp7:
0x39a: {  	[tilespmem:s12+$0x6CB0] =	vst v6;
	v9 =	vadd.f32 v19, v9;
	v7 =	vld [tilespmem:s12+$0x6D20];
	(pc) =	sbr.rel @p0 .LBB2_17-.Ltmp7, $4  }
0x39b: {  	[tilespmem:s12+$0x6CC0] =	vst v12;
	v10 =	vadd.f32 v20, v10;
	v6 =	vld [tilespmem:s12+$0x6D30]  }
0x39c: {  	[tilespmem:s12+$0x6CD0] =	vst v9;
	v14 =	vadd.f32 v21, v8;
	v8 =	vld [tilespmem:s12+$0x6D40]  }
0x39d: {  	[tilespmem:s12+$0x6CE0] =	vst v10;
	v12 =	vadd.f32 v22, v11;
	v9 =	vld [tilespmem:s12+$0x6D50]  }
0x39e: {  	s22 =	sadd.s32 $0x600, s22;
	[tilespmem:s12+$0x6CF0] =	vst v14;
	v11 =	vadd.f32 v23, v13;
	v10 =	vld [tilespmem:s12+$0x6D60]  }
0x39f: {  	[tilespmem:s12+$0x6D00] =	vst v12;
	v5 =	vadd.f32 v5, v7;
	v63 =	vld [tilespmem:s12+$0x6D70]  }
0x3a0: {  	[tilespmem:s12+$0x6D10] =	vst v11;
	v4 =	vadd.f32 v4, v6  }
0x3a1: {  	s13 =	sadd.s32 $0x1, s13;
	[tilespmem:s12+$0x6D20] =	vst v5;
	v3 =	vadd.f32 v3, v8  }
0x3a2: {  	p0 =	sne.s32 s13, $0x10;
	[tilespmem:s12+$0x6D30] =	vst v4;
	v2 =	vadd.f32 v2, v9  }
.Ltmp8:
0x3a3: {  	[tilespmem:s12+$0x6D40] =	vst v3;
	v1 =	vadd.f32 v1, v10;
	(pc) =	sbr.rel @p0 .LBB2_2-.Ltmp8, $4  }
0x3a4: {  	[tilespmem:s12+$0x6D50] =	vst v2;
	v0 =	vadd.f32 v0, v63  }
0x3a5: {  	[tilespmem:s12+$0x6D60] =	vst v1  }
0x3a6: {  	s26 =	sadd.s32 s5, s21;
	[tilespmem:s12+$0x6D70] =	vst v0  }
0x3a7: {  	[hbm4b:s26+s4] =	stream.linear.scatter [tilespmem:s31], [sflag:$0x10], $0xD80, $0x38;
	[tilespmem:$0x7980] =	vst v63  }
0x3a8: {  	s12 =	simm.s32 $0x9  }
0x3a9: {  	_ =	swait.ge [sflag:s12], $0xD80  }
0x3aa: {  	[sflag:s12] =	ssyncset.done $0x0  }
0x3ab: {  	s13 =	simm.s32 $0xA;
	[sflag:s12] =	ssyncadd.s32 $0xFFFFF280  }
0x3ac: {  	_ =	swait.ge [sflag:s13], $0xD80  }
0x3ad: {  	[sflag:s13] =	ssyncset.done $0x0  }
0x3ae: {  	s21 =	simm.s32 $0xB;
	[sflag:s13] =	ssyncadd.s32 $0xFFFFF280  }
0x3af: {  	_ =	swait.ge [sflag:s21], $0xD80  }
0x3b0: {  	[sflag:s21] =	ssyncset.done $0x0  }
0x3b1: {  	s22 =	simm.s32 $0xC;
	[sflag:s21] =	ssyncadd.s32 $0xFFFFF280  }
0x3b2: {  	_ =	swait.ge [sflag:s22], $0xD80  }
0x3b3: {  	[sflag:s22] =	ssyncset.done $0x0  }
0x3b4: {  	s23 =	simm.s32 $0xD;
	[sflag:s22] =	ssyncadd.s32 $0xFFFFF280  }
0x3b5: {  	_ =	swait.ge [sflag:s23], $0xD80  }
0x3b6: {  	[sflag:s23] =	ssyncset.done $0x0  }
0x3b7: {  	s24 =	simm.s32 $0xE;
	[sflag:s23] =	ssyncadd.s32 $0xFFFFF280  }
0x3b8: {  	_ =	swait.ge [sflag:s24], $0xD80  }
0x3b9: {  	[sflag:s24] =	ssyncset.done $0x0  }
0x3ba: {  	s25 =	simm.s32 $0xF;
	[sflag:s24] =	ssyncadd.s32 $0xFFFFF280  }
0x3bb: {  	_ =	swait.ge [sflag:s25], $0xD80  }
0x3bc: {  	[sflag:s25] =	ssyncset.done $0x0  }
0x3bd: {  	s13 =	simm.s32 $0x10;
	[sflag:s25] =	ssyncadd.s32 $0xFFFFF280  }
0x3be: {  	_ =	swait.ge [sflag:s13], $0xD80  }
0x3bf: {  	s21 =	rddreg [dreg:$0xc]  }
0x3c0: {  	s26 =	rddreg [dreg:$0xb];
	s21 =	sadd.s32 $0x1, s21  }
0x3c1: {  	p0 =	sne.s32 s21, s26  }
.Ltmp9:
0x3c2: {  	_ = 	snop;
	(pc) =	sbr.rel @p0 .LBB2_1-.Ltmp9, $3  }
0x3c3: {  	_ =	sdelay $0x1  }
0x3c4: {  	[sflag:s13] =	ssyncset.done $0x0  }
0x3c5: {  	[sflag:s13] =	ssyncadd.s32 $0xFFFFF280  }
0x3c6: {  	_ =	sfence.sel $0x180000  }
0x3c7: {  	[bflag:$0x0] =	sbarrier.arrive $0xFFFF  }
0x3c8: {  	_ =	strace $0x90000047  }
0x3c9: {  	s0 =	stileid.u32;
	[bflag:$0x2] =	sbarrier.arrive $0xFFFF  }
0x3ca: {  	p0 =	sne.s32 s0, $0x0;
	s0 =	rddreg [dreg:$0x2]  }
0x3cb: {  	s0 =	sadd.s32 @!p0 $0x100000, s0  }
0x3cc: {  	[sflag:s0] =	ssyncadd.tile.s32 @!p0 $0x1;
	_ =	shalt  }
.Lfunc_end2:
_tile_overlayer_lowered:
.L_overlay_start_2:
0x3cd: {  	(tag) =	ssettag $0x2  }
0x3ce: {  	s0 =	rddreg [dreg:$0x0];
	s2 =	stileid.u32  }
0x3cf: {  	s1 =	rddreg [dreg:$0x1];
	p0 =	sne.s32 s2, $0x0  }
0x3d0: {  	s3 =	rddreg [dreg:$0x2];
	[bflag:$0x3] =	sbarrier.arrive $0xFFFF;
	s2 =	simm.s32 @!p0 $0x1C11  }
0x3d1: {  	[timem:s3], [sflag:s2] =	dma.local @!p0 [hbm:s0], s1  }
0x3d2: {  	s0 =	simm.s32 @!p0 $0x11  }
0x3d3: {  	_ =	swait.ge @!p0 [sflag:s0], s1  }
0x3d4: {  	s1 =	ssub.s32 @!p0 $0x0, s1;
	[sflag:s0] =	ssyncset.done @!p0 $0x0  }
0x3d5: {  	[sflag:s0] =	ssyncadd.s32 @!p0 s1  }
0x3d6: {  	[bflag:$0x3] =	sbarrier.arrive $0xFFFF  }
0x3d7: {  	_ =	shalt  }

// kernel: sparse-core-data-format-call.cloned.1.call-start
scs
called_computation_lowered:
.L_overlay_start_0:
0x0: {  	s2 =	sld [smem:$0x3FD9]  }
0x1: {  	s3 =	sld [smem:$0x3FFE];
	_ =	sdelay $0x1  }
0x2: {  	s1 =	srdreg.scid  }
0x3: {  	s0 =	sand.u32 $0x1, s1  }
0x4: {  	s18 =	sshll.u32 s0, $0xA;
	s2 =	sadd.s32 s3, s2  }
0x5: {  	s2 =	sadd.s32 s2, s18  }
0x6: {  	[smem:$0x3FC6] =	sst s2  }
0x7: {  	_ = 	snop  }
0x8: {  	s2 =	sld [smem:$0x3FD0];
	(tm) =	ssettm $0x1  }
0x9: {  	s19 =	sld [smem:$0x3FFB];
	_ =	sdelay $0x3  }
0xa: {  	_ =	strace s19  }
0xb: {  	s3 =	sld [smem:$0x3FFC];
	_ =	sdelay $0x3  }
0xc: {  	_ =	strace s3  }
0xd: {  	s3 =	sld [smem:$0x3FFD];
	_ =	sdelay $0x3  }
0xe: {  	_ =	strace s3  }
0xf: {  	_ =	strace $0x8FFFFFFF  }
0x10: {  	s20 =	sld [smem:$0x3FDB];
	_ =	sdelay $0x1  }
0x11: {  	s4 =	simm.s32 $_scs_section_size  }
0x12: {  	s5 =	simm.s32 $_size__tile_overlayer_lowered;
	s6 =	simm.s32 $_tile_overlayer_lowered  }
0x13: {  	s23 =	simm.s32 $0x1BFF;
	s22 =	sshll.u32 s6, $0x1;
	s3 =	sadd.s32 s4, s20  }
0x14: {  	s7 =	simm.s32 $0x0;
	s21 =	sshll.u32 s5, $0x1;
	s5 =	sadd.s32 s22, s3  }
0x15: {  	[timem:s7], [sflag:s23] =	dma.local [hbm:s5], s21  }
0x16: {  	_ =	swait.ge [sflag:s23], s21  }
0x17: {  	s4 =	ssub.s32 $0x0, s21;
	[sflag:s23] =	ssyncset.done $0x0  }
0x18: {  	[sflag:s23] =	ssyncadd.s32 s4;
	_ =	sdelay $0x1  }
0x19: {  	s24 =	simm.s32 $0x1B8B  }
0x1a: {  	_ =	swait.ge [sflag:s24], $0x1  }
0x1b: {  	[sflag:s24] =	ssyncset.done $0x0  }
0x1c: {  	s26 =	simm.s32 $0x1B8E;
	s25 =	sld [smem:$0x3FFE];
	[sflag:s24] =	ssyncadd.s32 $0xFFFFFFFF  }
0x1d: {  	s27 =	simm.s32 $execute0_lowered;
	[smem:$0x3FD2] =	sst s26  }
0x1e: {  	s5 =	sshll.u32 s27, $0x1;
	_ =	strace $0x80000049;
	[dreg:$0x1] =	wrdreg $0xFFFFFFFF  }
0x1f: {  	s28 =	simm.s32 $_size_execute0_lowered;
	s3 =	sadd.s32 s3, s5;
	[dreg:$0x0] =	wrdreg $0x0  }
0x20: {  	s5 =	sshll.u32 s28, $0x1;
	[dreg:$0x2] =	wrdreg s3  }
0x21: {  	[dreg:$0x3] =	wrdreg s5  }
0x22: {  	[dreg:$0x4] =	wrdreg $0xC0  }
0x23: {  	_ =	task [dreg:s7], $0x5FFFF  }
0x24: {  	[dreg:$0x1] =	wrdreg $0xFFFFFFFF  }
0x25: {  	[dreg:$0x0] =	wrdreg $0x60  }
0x26: {  	[dreg:$0x2] =	wrdreg s25  }
0x27: {  	[dreg:$0x3] =	wrdreg s2  }
0x28: {  	[dreg:$0x4] =	wrdreg $0x9  }
0x29: {  	_ =	task.clear_ibuf [dreg:s7], $0x5FFFF;
	_ =	strace $0x90000049  }
0x2a: {  	s29 =	simm.s32 $0x9;
	_ =	strace $0x8000004B  }
0x2b: {  	_ =	swait.ge [sflag:s29], $0x1  }
0x2c: {  	[sflag:s29] =	ssyncadd.s32 $0xFFFFFFFF  }
0x2d: {  	_ =	strace $0x9000004B  }
0x2e: {  	_ =	sfence  }
0x2f: {  	s30 =	sld [smem:$0x0];
	_ =	sdelay $0x2  }
0x30: {  	s31 =	sshll.u32 s1, $0xD;
	s1 =	sshrl.u32 s1, $0x2  }
0x31: {  	s3 =	sand.u32 $0x4000, s31;
	s1 =	sadd.s32 s1, s30  }
0x32: {  	s0 =	sor.u32 s3, s0;
	s1 =	sshll.u32 s1, $0x11  }
0x33: {  	s0 =	sor.u32 s1, s0  }
0x34: {  	s0 =	sadd.s32 $0x8F2B, s0  }
0x35: {  	[sflag:s0] =	ssyncadd.remote.s32 $0x1  }
0x36: {  	_ =	sfence.sel $0xFFFF  }
0x37: {  	[dreg:$0x0] =	wrdreg $0xFFFFFFFF;
	(pc) =	sbr.abs _section_cstart, $3  }
0x38: {  	[dreg:$0x1] =	wrdreg $0xFFFFFFFF  }
0x39: {  	_ =	task.clear_ibuf [dreg:s7], $0x2FFFF;
	_ =	strace $0x9FFFFFFF  }
0x3a: {  	(tm) =	ssettm $0x7FFFFFFF  }
0x3b: {  	_ =	shalt  }
tec
execute0_lowered:
.L_overlay_start_1:
0x0: {  	(tag) =	ssettag $0x1  }
0x1: {  	s1 =	rddreg [dreg:$0x0]  }
0x2: {  	s2 =	rddreg [dreg:$0x1]  }
0x3: {  	s0 =	rddreg [dreg:$0x2];
	_ =	strace $0x8000004A;
	s4 =	srdreg.scid  }
0x4: {  	s6 =	simm.s32 $0x2;
	s13 =	simm.s32 $0x0;
	p0 =	por $0x0, $0x0  }
0x5: {  	s15 =	simm.s32 $0x0;
	s14 =	simm.s32 $0x0;
	s8 =	simm.s32 $0x0  }
.Ltmp0:
0x6: {  	s9 =	simm.s32 $0x0;
	s10 =	simm.s32 $0x0;
	(pc) =	sbr.rel .LBB1_1-.Ltmp0, $4  }
0x7: {  	s12 =	simm.s32 $0x0;
	s3 =	sadd.s32 $0x1B4000, s1;
	s5 =	sshll.u32 s4, $0x4  }
0x8: {  	s1 =	stileid.u32;
	s4 =	simm.s32 $0x1;
	s5 =	sand.u32 $0x10, s5  }
0x9: {  	s7 =	simm.s32 $0x0;
	[sflag:s4] =	ssyncpa.u1 $0x0;
	s5 =	sor.u32 s1, s5  }
0xa: {  	[sflag:s6] =	ssyncpa.u1 $0x0;
	s6 =	simm.s32 $0x0;
	s11 =	smov.u32 s5  }
.LBB1_5:
0xb: {  	p1 =	slt.u32 s7, $0x2  }
0xc: {  	p2 =	sgt.s32 @!p1 s15, $0x23F  }
0xd: {  	s16 =	smov.u32 s15;
	s17 =	sshra.s32 @!p1 s15, $0x1F;
	p2 =	por !p2, p1  }
0xe: {  	s15 =	sand.u32 @!p1 s17, s15;
	s16 =	simm.s32 @p2 $0x23F  }
0xf: {  	p3 =	sgt.s32 @!p1 s13, $0x40;
	s15 =	ssub.s32 @!p1 s16, s15  }
0x10: {  	p3 =	por !p3, p1;
	s17 =	smov.u32 s13;
	s16 =	sadd.s32 @!p1 $0xFFFFFDC1, s15  }
0x11: {  	s15 =	ssub.s32 @!p1 $0x240, s15;
	p2 =	sgt.s32 @!p1 s16, $0x0;
	s16 =	sshra.s32 @!p1 s13, $0x1F  }
0x12: {  	s13 =	sand.u32 @!p1 s16, s13;
	s16 =	ssub.s32 @!p1 $0x0, s14;
	p2 =	por !p2, p1  }
0x13: {  	s17 =	simm.s32 @p3 $0x40;
	s14 =	smin.u32 @!p1 s14, s16;
	s15 =	simm.s32 @!p2 $0x0  }
0x14: {  	s13 =	ssub.s32 @!p1 s17, s13;
	s17 =	smov.u32 s11;
	p2 =	sgt.s32 @!p1 s14, $0x7F  }
0x15: {  	s16 =	sadd.s32 @!p1 $0xFFFFFFC0, s13;
	s14 =	ssub.s32 @!p1 $0x80, s14;
	p2 =	por !p2, p1  }
0x16: {  	s13 =	ssub.s32 @!p1 $0xC0, s13;
	p3 =	sgt.s32 @!p1 s16, $0x7F;
	s14 =	simm.s32 @!p2 $0x0  }
0x17: {  	s16 =	sadd.s32 $0x80, s10;
	p2 =	por !p3, p1;
	s14 =	smul.u32 @!p1 s14, s15  }
0x18: {  	s13 =	simm.s32 @!p2 $0x0;
	p2 =	sgt.s32 s16, $0xBF;
	s15 =	sadd.s32 $0x20, s11  }
0x19: {  	s18 =	smov.u32 s12;
	s17 =	smov.u32 @p2 s15  }
0x1a: {  	s13 =	smul.u32 @!p1 s13, s14;
	p3 =	sgt.s32 s17, $0x23F;
	s14 =	sadd.s32 $0x80, s12  }
0x1b: {  	s7 =	sadd.s32 $0x1, s7;
	p0 =	por !p0, !p0;
	s18 =	smov.u32 @p3 s14  }
0x1c: {  	s19 =	simm.s32 @!p1 $0x2;
	s16 =	simm.s32 @p2 $0x0;
	p2 =	sgt.s32 s18, $0x7F  }
0x1d: {  	s15 =	smov.u32 s8;
	s18 =	simm.s32 @p2 $0x0;
	p2 =	sne.s32 s7, $0x26  }
.Ltmp1:
0x1e: {  	s8 =	smov.u32 s11;
	s17 =	smov.u32 @p3 s5;
	(pc) =	sbr.rel @!p2 .LBB1_6-.Ltmp1, $4  }
0x1f: {  	s14 =	smov.u32 s9;
	s9 =	smov.u32 s12;
	s13 =	sand.u32 @!p1 $0x3FFFFFFF, s13  }
0x20: {  	s11 =	smov.u32 s17;
	_ =	swait.ge @!p1 [sflag:s19], s13;
	s20 =	ssub.s32 @!p1 $0x0, s13  }
0x21: {  	s13 =	smov.u32 s6;
	s6 =	smov.u32 s10;
	[sflag:s19] =	ssyncset.done @!p1 $0x0  }
0x22: {  	s10 =	smov.u32 s16;
	s12 =	smov.u32 s18;
	[sflag:s19] =	ssyncadd.s32 @!p1 s20  }
.LBB1_1:
0x23: {  	p1 =	sgt.u32 s7, $0x23  }
0x24: {  	s16 =	sshll.u32 @!p1 s11, $0x8;
	s17 =	sshll.u32 @!p1 s10, $0x3  }
0x25: {  	s18 =	sshll.u32 @!p1 s11, $0x7;
	s16 =	sand.u32 @!p1 $0xFFFFF800, s16;
	s17 =	sand.u32 @!p1 $0xFFFFFC00, s17  }
0x26: {  	s16 =	sadd.s32 @!p1 s16, s17;
	s17 =	sand.u32 @!p1 $0x300, s18  }
0x27: {  	s16 =	sor.u32 @!p1 s17, s16  }
0x28: {  	s16 =	sshrl.u32 @!p1 s16, $0x8  }
0x29: {  	s17 =	smulhi.u32 @!p1 $0xE38E39, s16  }
0x2a: {  	s19 =	sxor.u32 @!p1 $0xFFFFFFFF, s7  }
0x2b: {  	s20 =	sand.u32 @!p1 $0x78, s10;
	s21 =	smul.u32 @!p1 $0x4800, s12;
	s17 =	sshrl.u32 @!p1 s17, $0x1  }
0x2c: {  	s19 =	sshll.u32 @!p1 s19, $0xE;
	s18 =	sand.u32 @!p1 $0x80, s18;
	s17 =	smul.u32 @!p1 $0x240, s17  }
0x2d: {  	s19 =	sand.u32 @!p1 $0x4000, s19;
	s18 =	sor.u32 @!p1 s20, s18;
	s20 =	sand.u32 @!p1 $0x7, s10  }
0x2e: {  	s16 =	ssub.s32 @!p1 s16, s17;
	s17 =	sshrl.u32 @!p1 s18, $0x3;
	s18 =	sadd.s32 @!p1 s3, s21  }
0x2f: {  	s16 =	sshll.u32 @!p1 s16, $0x5;
	s17 =	sadd.s32 @!p1 s17, s18;
	s18 =	sshll.u32 @!p1 s20, $0x12  }
0x30: {  	s16 =	sadd.s32 @!p1 s16, s17;
	s17 =	sor.u32 @!p1 $0x80, s18;
	s18 =	simm.s32 @!p1 $0x24000  }
0x31: {  	[tilespmem:s19], [sflag:$0x1] =	stream.strided.gather @!p1 [hbm4b:s16+s17], $0x4000, s18, s17, $0x38;
	[tilespmem:$0x10100] =	vst v63  }
0x32: {  	p1 =	seq.s32 s7, $0x0  }
0x33: {  	p2 =	seq.s32 @!p1 s7, $0x25  }
0x34: {  	p1 =	por p1, p2  }
.Ltmp2:
0x35: {  	_ = 	snop;
	(pc) =	sbr.rel @p1 .LBB1_5-.Ltmp2, $1  }
0x36: {  	_ =	sdelay $0x3  }
0x37: {  	s16 =	simm.s32 $0x1  }
0x38: {  	_ =	swait.ge [sflag:s4], $0x4000;
	s16 =	simm.s32 @!p0 $0x0  }
0x39: {  	[sflag:s4] =	ssyncset.done $0x0;
	s17 =	sshll.u32 s16, $0xE  }
0x3a: {  	[sflag:s4] =	ssyncadd.s32 $0xFFFFC000;
	s17 =	sor.u32 $0x40, s17  }
0x3b: {  	s16 =	smul.u32 $0x10200, s16;
	v0 =	vld [tilespmem:s17+$0x30]  }
0x3c: {  	v1 =	vld [tilespmem:s17+$0xFFFFFFD0]  }
0x3d: {  	s16 =	sshrl.u32 s16, $0x2;
	v5 =	vld [tilespmem:s17+$0xFFFFFFE0]  }
0x3e: {  	v6 =	vld [tilespmem:s17+$0xFFFFFFF0];
	s19 =	sor.u32 $0x8000, s16  }
0x3f: {  	s31 =	sand.u32 $0x1, s7;
	v4 =	vld [tilespmem:s17+$0x0];
	s18 =	sadd.s32 $0x0, s19  }
0x40: {  	v3 =	vld [tilespmem:s17+$0x10];
	s16 =	smul.u32 $0x10200, s31;
	[tilespmem:s18+$0x3870 ss:$0x81] =	vst.msk $0xffff, v0  }
0x41: {  	v2 =	vld [tilespmem:s17+$0x20];
	[tilespmem:s18+$0x810 ss:$0x81] =	vst.msk $0xffff, v1  }
0x42: {  	s16 =	sshrl.u32 s16, $0x2;
	v0 =	vld [tilespmem:s17+$0xFFFFFFC0];
	[tilespmem:s18+$0x1020 ss:$0x81] =	vst.msk $0xffff, v5;
	s17 =	sadd.s32 $0x80, s17  }
0x43: {  	s20 =	simm.s32 $0x4;
	s21 =	simm.s32 $0x8;
	s16 =	sor.u32 $0x8000, s16;
	[tilespmem:s18+$0x1830 ss:$0x81] =	vst.msk $0xffff, v6;
	v1 =	vld [tilespmem:s17+$0x30]  }
.LBB1_3:
0x44: {  	p1 =	sne.s32 s21, $0x1FC;
	v5 =	vld [tilespmem:s17+$0xFFFFFFD0];
	[tilespmem:s18+$0x2040 ss:$0x81] =	vst.msk $0xffff, v4  }
0x45: {  	v6 =	vld [tilespmem:s17+$0xFFFFFFE0];
	[tilespmem:s18+$0x2850 ss:$0x81] =	vst.msk $0xffff, v3  }
0x46: {  	s22 =	sshra.s32 s20, $0x2;
	s20 =	smov.u32 s21;
	v7 =	vld [tilespmem:s17+$0xFFFFFFF0];
	[tilespmem:s18+$0x3060 ss:$0x81] =	vst.msk $0xffff, v2  }
.Ltmp3:
0x47: {  	v4 =	vld [tilespmem:s17+$0x0];
	[tilespmem:s18+$0x0 ss:$0x81] =	vst.msk $0xffff, v0;
	s18 =	sadd.s32 s22, s19;
	(pc) =	sbr.rel @p1 .LBB1_3-.Ltmp3, $4  }
0x48: {  	v3 =	vld [tilespmem:s17+$0x10];
	[tilespmem:s18+$0x3870 ss:$0x81] =	vst.msk $0xffff, v1  }
0x49: {  	[tilespmem:s18+$0x810 ss:$0x81] =	vst.msk $0xffff, v5;
	v2 =	vld [tilespmem:s17+$0x20]  }
0x4a: {  	v0 =	vld [tilespmem:s17+$0xFFFFFFC0];
	[tilespmem:s18+$0x1020 ss:$0x81] =	vst.msk $0xffff, v6;
	s17 =	sadd.s32 $0x80, s17  }
0x4b: {  	s21 =	sadd.s32 $0x4, s21;
	v1 =	vld [tilespmem:s17+$0x30];
	[tilespmem:s18+$0x1830 ss:$0x81] =	vst.msk $0xffff, v7  }
0x4c: {  	s21 =	sshll.u32 s6, $0x7;
	s22 =	sshll.u32 s9, $0x3;
	p1 =	sgt.s32 s8, $0x23F  }
0x4d: {  	s24 =	sshra.s32 s8, $0x1F;
	s20 =	sshra.s32 s20, $0x2;
	s30 =	ssub.s32 $0x0, s9  }
0x4e: {  	s31 =	sshra.s32 s6, $0x1F;
	s23 =	sand.u32 $0xFFFFFC00, s21;
	s22 =	sand.u32 $0xFFFFFC00, s22  }
0x4f: {  	[tilespmem:s18+$0x2040 ss:$0x81] =	vst.msk $0xffff, v4;
	s21 =	sand.u32 $0x380, s21;
	s22 =	sadd.s32 s22, s23;
	s23 =	smov.u32 s8  }
0x50: {  	s24 =	sand.u32 s24, s8;
	s19 =	sadd.s32 s20, s19;
	[tilespmem:s18+$0x2850 ss:$0x81] =	vst.msk $0xffff, v3;
	s23 =	simm.s32 @!p1 $0x23F  }
0x51: {  	v5 =	vld [tilespmem:s17+$0xFFFFFFD0];
	[tilespmem:s18+$0x3060 ss:$0x81] =	vst.msk $0xffff, v2;
	s21 =	sor.u32 s21, s22;
	s22 =	smov.u32 s6;
	s27 =	ssub.s32 s23, s24  }
0x52: {  	v58 =	vld [tilespmem:s17+$0xFFFFFFE0];
	[tilespmem:s18+$0x0 ss:$0x81] =	vst.msk $0xffff, v0;
	s18 =	sand.u32 s31, s6;
	s20 =	sshrl.u32 s21, $0x7;
	s28 =	sadd.s32 $0xFFFFFDC1, s27  }
0x53: {  	v59 =	vld [tilespmem:s17+$0xFFFFFFF0];
	s29 =	smulhi.u32 $0x1555556, s20;
	s21 =	ssub.s32 $0x240, s27;
	p1 =	sgt.s32 s28, $0x0  }
0x54: {  	v60 =	vld [tilespmem:s17+$0x0];
	s28 =	smul.u32 $0xC00, s8;
	s21 =	simm.s32 @p1 $0x0;
	p1 =	sgt.s32 s6, $0x40  }
0x55: {  	v61 =	vld [tilespmem:s17+$0x10];
	s24 =	smin.u32 s9, s30;
	[tilespmem:s19+$0x3870 ss:$0x81] =	vst.msk $0xffff, v1;
	s25 =	smul.u32 $0xC0, s29;
	s22 =	simm.s32 @!p1 $0x40  }
0x56: {  	v62 =	vld [tilespmem:s17+$0x20];
	[tilespmem:s19+$0x810 ss:$0x81] =	vst.msk $0xffff, v5;
	p1 =	sgt.s32 s24, $0x7F;
	s24 =	ssub.s32 $0x80, s24;
	s18 =	ssub.s32 s22, s18  }
0x57: {  	v63 =	vld [tilespmem:s17+$0xFFFFFFC0];
	[tilespmem:s19+$0x1020 ss:$0x81] =	vst.msk $0xffff, v58;
	s29 =	sshrl.u32 s9, $0x3;
	s24 =	simm.s32 @p1 $0x0;
	s27 =	sadd.s32 $0xFFFFFFC0, s18  }
0x58: {  	[tilespmem:s19+$0x1830 ss:$0x81] =	vst.msk $0xffff, v59;
	s26 =	smul.u32 s24, s21;
	s18 =	ssub.s32 $0xC0, s18;
	p1 =	sgt.s32 s27, $0x7F  }
.Ltmp4:
0x59: {  	[tilespmem:s19+$0x2040 ss:$0x81] =	vst.msk $0xffff, v60;
	s30 =	sand.u32 $0xF, s29;
	s18 =	simm.s32 @p1 $0x0;
	(pc) =	sbr.rel .LBB1_5-.Ltmp4, $4  }
0x5a: {  	[tilespmem:s19+$0x2850 ss:$0x81] =	vst.msk $0xffff, v61;
	s20 =	ssub.s32 s20, s25;
	s21 =	sadd.s32 s2, s28;
	s17 =	smul.u32 s18, s26  }
0x5b: {  	[tilespmem:s19+$0x3060 ss:$0x81] =	vst.msk $0xffff, v62;
	s20 =	sshll.u32 s20, $0x4;
	s18 =	sadd.s32 s30, s21  }
0x5c: {  	s31 =	sand.u32 $0x7, s9;
	[tilespmem:s19+$0x0 ss:$0x81] =	vst.msk $0xffff, v63;
	s18 =	sadd.s32 s20, s18;
	s17 =	sand.u32 $0x3FFFFFFF, s17  }
0x5d: {  	[hbm4b:s18+s31] =	stream.linear.scatter [tilespmem:s16], [sflag:$0x2], s17, $0x20;
	[tilespmem:$0x10100] =	vst v63  }
.LBB1_6:
0x5e: {  	_ =	sfence.sel $0x180000  }
0x5f: {  	s2 =	simm.s32 $0x1;
	[bflag:$0x0] =	sbarrier.arrive $0xFFFF  }
0x60: {  	s31 =	simm.s32 $0x2;
	[sflag:s2] =	ssyncpa.u1 $0x1  }
0x61: {  	[sflag:s31] =	ssyncpa.u1 $0x1  }
0x62: {  	p0 =	sne.s32 s1, $0x0;
	_ =	strace $0x9000004A  }
0x63: {  	s0 =	sadd.s32 @!p0 $0x100000, s0;
	[bflag:$0x2] =	sbarrier.arrive $0xFFFF  }
0x64: {  	[sflag:s0] =	ssyncadd.tile.s32 @!p0 $0x1;
	_ =	shalt  }
.Lfunc_end1:
_tile_overlayer_lowered:
.L_overlay_start_2:
0x65: {  	(tag) =	ssettag $0x2  }
0x66: {  	s0 =	rddreg [dreg:$0x0];
	s2 =	stileid.u32  }
0x67: {  	s1 =	rddreg [dreg:$0x1];
	p0 =	sne.s32 s2, $0x0  }
0x68: {  	s3 =	rddreg [dreg:$0x2];
	[bflag:$0x3] =	sbarrier.arrive $0xFFFF;
	s2 =	simm.s32 @!p0 $0x1C01  }
0x69: {  	[timem:s3], [sflag:s2] =	dma.local @!p0 [hbm:s0], s1  }
0x6a: {  	s0 =	simm.s32 @!p0 $0x1  }
0x6b: {  	_ =	swait.ge @!p0 [sflag:s0], s1  }
0x6c: {  	s1 =	ssub.s32 @!p0 $0x0, s1;
	[sflag:s0] =	ssyncset.done @!p0 $0x0  }
0x6d: {  	[sflag:s0] =	ssyncadd.s32 @!p0 s1  }
0x6e: {  	[bflag:$0x3] =	sbarrier.arrive $0xFFFF  }
0x6f: {  	_ =	shalt  }

</sc_bundles>
